<compile_context>
chip_gen: v7x
topology: tpu7x:2x2x1
jax: 0.10.2.dev20260603
libtpu: 0.0.44.dev20260713+nightly
codegen_flags: <defaults>
</compile_context>

<pallas_src>
import functools

import jax
import jax.numpy as jnp
from jax import lax
from jax.experimental import pallas as pl
from jax.experimental.pallas import tpu as pltpu
from jax.experimental.pallas import tpu_sc as plsc

N_NODES = 100000
N_EDGES = 3200000
FEAT = 19
HID = 9
GATHER = 64

NC = 2
NS = 16
COLS = 16
PER_T = N_EDGES // NS
CHUNK = 128
N_FULL = PER_T // CHUNK
TAIL = PER_T - N_FULL * CHUNK
N_PAD = 100352
STRIPE = N_PAD // NS
LANES = 16


def _softsign(x):
    return x / (1.0 + jnp.abs(x))


def _sc_body(data_hbm, ei_hbm, th_hbm, zin_hbm, out_hbm,
             agg, sidx, didx, thv, rows, sidx_t, didx_t, thv_t, rows_t,
             ls0, ls1, ls2, gs0, gs1, gs2, ss0, ss1, ss2, gsem):
    c = lax.axis_index("c")
    s = lax.axis_index("s")
    ebase = s * PER_T
    iota = lax.broadcasted_iota(jnp.int32, (LANES,), 0)
    k_vec = jnp.minimum(c * COLS + iota, FEAT - 1)
    ls = [ls0, ls1, ls2]
    gs = [gs0, gs1, gs2]
    ss = [ss0, ss1, ss2]

    zbase = s * STRIPE
    pltpu.sync_copy(zin_hbm, agg.at[pl.ds(zbase, STRIPE)])

    plsc.subcore_barrier()

    def issue_loads(j, e0):
        pltpu.async_copy(ei_hbm.at[0, pl.ds(e0, CHUNK)], sidx.at[j], ls[j])
        pltpu.async_copy(th_hbm.at[pl.ds(e0, CHUNK)], thv.at[j], ls[j])
        pltpu.async_copy(ei_hbm.at[1, pl.ds(e0, CHUNK)], didx.at[j], ls[j])

    def wait_loads(j):
        pltpu.make_async_copy(ei_hbm.at[0, pl.ds(0, CHUNK)], sidx.at[j],
                              ls[j]).wait()
        pltpu.make_async_copy(th_hbm.at[pl.ds(0, CHUNK)], thv.at[j],
                              ls[j]).wait()
        pltpu.make_async_copy(ei_hbm.at[1, pl.ds(0, CHUNK)], didx.at[j],
                              ls[j]).wait()

    def issue_gather(j):
        pltpu.async_copy(data_hbm.at[c].at[sidx.at[j]], rows.at[j], gs[j])

    def wait_gather(j):
        pltpu.make_async_copy(data_hbm.at[c].at[sidx.at[j]], rows.at[j],
                              gs[j]).wait()

    def issue_scatter(j):
        pltpu.async_copy(rows.at[j], agg.at[didx.at[j]], ss[j], add=True)

    def wait_scatter(j):
        pltpu.make_async_copy(rows.at[j], agg.at[didx.at[j]], ss[j]).wait()

    def multiply(j):
        @pl.loop(0, CHUNK, step=16)
        def _m(i0):
            for u in range(16):
                i_s = jnp.full((LANES,), i0 + u, jnp.int32)
                th = plsc.load_gather(thv.at[j], [i_s, k_vec])
                r = plsc.load_gather(rows.at[j], [i_s, iota])
                plsc.store_scatter(rows.at[j], [i_s, iota], r * th)

    MAIN = (N_FULL // 3) * 3

    issue_loads(0, ebase)
    issue_loads(1, ebase + CHUNK)
    wait_loads(0)
    issue_gather(0)

    @pl.loop(0, MAIN, step=3)
    def _edges(base):
        for j in range(3):
            i = base + j
            b = (j + 1) % 3
            cc = (j + 2) % 3
            wait_loads(b)

            @pl.when(i > 0)
            def _w():
                wait_scatter(cc)

            issue_gather(b)
            issue_loads(cc, ebase + (i + 2) * CHUNK)
            wait_gather(j)
            multiply(j)
            issue_scatter(j)

    wait_loads(1)
    wait_scatter(2)
    issue_gather(1)
    wait_gather(0)
    multiply(0)
    issue_scatter(0)
    wait_gather(1)
    multiply(1)
    issue_scatter(1)

    e0 = ebase + N_FULL * CHUNK
    pltpu.sync_copy(ei_hbm.at[0, pl.ds(e0, TAIL)], sidx_t)
    pltpu.async_copy(data_hbm.at[c].at[sidx_t], rows_t, gsem).wait()
    pltpu.sync_copy(th_hbm.at[pl.ds(e0, TAIL)], thv_t)
    pltpu.sync_copy(ei_hbm.at[1, pl.ds(e0, TAIL)], didx_t.at[0])

    @pl.loop(0, TAIL, step=8)
    def _mt(i0):
        for u in range(8):
            i_s = jnp.full((LANES,), i0 + u, jnp.int32)
            th = plsc.load_gather(thv_t, [i_s, k_vec])
            r = plsc.load_gather(rows_t, [i_s, iota])
            plsc.store_scatter(rows_t, [i_s, iota], r * th)

    pltpu.sync_copy(rows_t, agg.at[didx_t.at[0]], add=True)

    wait_scatter(0)
    wait_scatter(1)

    plsc.subcore_barrier()
    pltpu.sync_copy(agg.at[pl.ds(zbase, STRIPE)],
                    out_hbm.at[c, pl.ds(zbase, STRIPE)])


_sc_edge_pass = functools.partial(
    pl.kernel,
    out_type=jax.ShapeDtypeStruct((NC, N_PAD, COLS), jnp.float32),
    mesh=plsc.VectorSubcoreMesh(core_axis_name="c", subcore_axis_name="s",
                                num_cores=NC, num_subcores=NS),
    compiler_params=pltpu.CompilerParams(needs_layout_passes=False,
                                         use_tc_tiling_on_sc=False),
    scratch_types=[
        pltpu.VMEM_SHARED((N_PAD, COLS), jnp.float32),
        pltpu.VMEM((3, CHUNK), jnp.int32),
        pltpu.VMEM((3, CHUNK), jnp.int32),
        pltpu.VMEM((3, CHUNK, FEAT), jnp.float32),
        pltpu.VMEM((3, CHUNK, COLS), jnp.float32),
        pltpu.VMEM((TAIL,), jnp.int32),
        pltpu.VMEM((1, TAIL), jnp.int32),
        pltpu.VMEM((TAIL, FEAT), jnp.float32),
        pltpu.VMEM((TAIL, COLS), jnp.float32),
    ] + [pltpu.SemaphoreType.DMA] * 10,
)(_sc_body)


def _tc_split_body(x_ref, o_ref):
    x = x_ref[...]
    o_ref[0] = x[:, :COLS]
    o_ref[1] = jnp.concatenate(
        [x[:, COLS:], jnp.zeros((x.shape[0], 2 * COLS - FEAT), jnp.float32)],
        axis=1)


def _tc_split_pass(data):
    R = 1000
    return pl.pallas_call(
        _tc_split_body,
        grid=(N_NODES // R,),
        in_specs=[pl.BlockSpec((R, FEAT), lambda i: (i, 0))],
        out_specs=pl.BlockSpec((NC, R, COLS), lambda i: (0, i, 0)),
        out_shape=jax.ShapeDtypeStruct((NC, N_NODES, COLS), jnp.float32),
    )(data)


def _tc_theta_body(ea_ref, w1_ref, b1_ref, w2_ref, b2_ref, o_ref):
    ea = ea_ref[...]
    h = _softsign(ea * w1_ref[...] + b1_ref[...])
    o_ref[...] = _softsign(
        jnp.dot(h, w2_ref[...], preferred_element_type=jnp.float32)
        + b2_ref[...])


def _tc_theta_pass(edge_attr, en_w1, en_b1, en_w2, en_b2):
    BE = 3200
    full = lambda shape: pl.BlockSpec(shape, lambda i: tuple(0 for _ in shape))
    return pl.pallas_call(
        _tc_theta_body,
        grid=(N_EDGES // BE,),
        in_specs=[
            pl.BlockSpec((BE, 1), lambda i: (i, 0)),
            full((1, HID)),
            full((1, HID)),
            full((HID, FEAT)),
            full((1, FEAT)),
        ],
        out_specs=pl.BlockSpec((BE, FEAT), lambda i: (i, 0)),
        out_shape=jax.ShapeDtypeStruct((N_EDGES, FEAT), jnp.float32),
    )(edge_attr, en_w1, en_b1.reshape(1, -1), en_w2, en_b2.reshape(1, -1))


def _tc_body(p_ref, x_ref, rw_ref, rb_ref, niw1a_ref, niw1b_ref, nib1_ref,
             niw2_ref, nib2_ref, njw_ref, njb_ref, o_ref):
    x = x_ref[...]
    agg = jnp.concatenate([p_ref[0], p_ref[1, :, :FEAT - COLS]], axis=1)
    h1 = agg + jnp.dot(x, rw_ref[...], preferred_element_type=jnp.float32)
    h1 = h1 + rb_ref[...]
    ni = jnp.dot(h1, niw1a_ref[...], preferred_element_type=jnp.float32)
    ni = ni + jnp.dot(x, niw1b_ref[...], preferred_element_type=jnp.float32)
    ni = _softsign(ni + nib1_ref[...])
    ni = _softsign(
        jnp.dot(ni, niw2_ref[...], preferred_element_type=jnp.float32)
        + nib2_ref[...])
    nj = _softsign(
        jnp.dot(x, njw_ref[...], preferred_element_type=jnp.float32)
        + njb_ref[...])
    o_ref[...] = jax.nn.softmax(ni, axis=1) * nj


def _tc_node_pass(partials, data, root_w, root_b, ni_w1a, ni_w1b, ni_b1,
                  ni_w2, ni_b2, nj_w, nj_b):
    R = 1000
    full = lambda shape: pl.BlockSpec(shape, lambda i: tuple(0 for _ in shape))
    return pl.pallas_call(
        _tc_body,
        grid=(N_NODES // R,),
        in_specs=[
            pl.BlockSpec((NC, R, COLS), lambda i: (0, i, 0)),
            pl.BlockSpec((R, FEAT), lambda i: (i, 0)),
            full((FEAT, FEAT)),
            full((1, FEAT)),
            full((FEAT, FEAT)),
            full((FEAT, FEAT)),
            full((1, FEAT)),
            full((FEAT, GATHER)),
            full((1, GATHER)),
            full((FEAT, GATHER)),
            full((1, GATHER)),
        ],
        out_specs=pl.BlockSpec((R, GATHER), lambda i: (i, 0)),
        out_shape=jax.ShapeDtypeStruct((N_NODES, GATHER), jnp.float32),
    )(partials, data, root_w, root_b, ni_w1a, ni_w1b, ni_b1, ni_w2, ni_b2,
      nj_w, nj_b)


def kernel(data, edge_attr, en_w1, en_b1, en_w2, en_b2, root_w, root_b,
           ni_w1, ni_b1, ni_w2, ni_b2, nj_w, nj_b, edge_index):
    ei = edge_index.astype(jnp.int32)
    theta = _tc_theta_pass(edge_attr, en_w1, en_b1, en_w2, en_b2)
    data2 = _tc_split_pass(data)
    zin = jnp.zeros((STRIPE, COLS), jnp.float32)
    partials = _sc_edge_pass(data2, ei, theta, zin)
    return _tc_node_pass(
        partials, data, root_w, root_b.reshape(1, -1),
        ni_w1[:FEAT], ni_w1[FEAT:], ni_b1.reshape(1, -1),
        ni_w2, ni_b2.reshape(1, -1), nj_w, nj_b.reshape(1, -1))

# --- scband reference (transcript-rebuilt; emitter-appended) ---
"""Pipeline reference for scband-potential-net-propagation-16174846837225 (READ-ONLY COPY).

The authoritative reference and input builder live on the scoring server;
editing this copy changes nothing except your own understanding.
"""

import jax, jax.numpy as jnp
import numpy as np

N_NODES = 100000
N_EDGES = 3200000
FEAT = 19
HID = FEAT // 2  # 9
GATHER = 64


def softsign(x):
    return x / (1.0 + jnp.abs(x))


def _lin_init(key, fan_in, fan_out):
    k1, k2 = jax.random.split(key)
    bound = 1.0 / np.sqrt(fan_in)
    w = jax.random.uniform(k1, (fan_in, fan_out), minval=-bound, maxval=bound, dtype=jnp.float32)
    b = jax.random.uniform(k2, (fan_out,), minval=-bound, maxval=bound, dtype=jnp.float32)
    return w, b


def setup_inputs(seed: int = 0) -> dict:
    key = jax.random.key(seed)
    ks = jax.random.split(key, 10)
    data = jax.random.normal(ks[0], (N_NODES, FEAT), dtype=jnp.float32)
    edge_index = jax.random.randint(ks[1], (2, N_EDGES), 0, N_NODES, dtype=jnp.int64)
    edge_attr = jax.random.uniform(ks[2], (N_EDGES, 1), dtype=jnp.float32)
    # edge network: Linear(1, 9) -> Softsign -> Linear(9, 19) -> Softsign
    en_w1, en_b1 = _lin_init(ks[3], 1, HID)
    en_w2, en_b2 = _lin_init(ks[4], HID, FEAT)
    # NNConv root weight (root_weight=True): Linear(19, 19)
    root_w, root_b = _lin_init(ks[5], FEAT, FEAT)
    # gate net_i: Linear(38, 19) -> Softsign -> Linear(19, 64) -> Softsign
    ni_w1, ni_b1 = _lin_init(ks[6], FEAT * 2, FEAT)
    ni_w2, ni_b2 = _lin_init(ks[7], FEAT, GATHER)
    # gate net_j: Linear(19, 64) -> Softsign
    nj_w, nj_b = _lin_init(ks[8], FEAT, GATHER)
    return {
        "data": data,
        "edge_attr": edge_attr,
        "en_w1": en_w1, "en_b1": en_b1, "en_w2": en_w2, "en_b2": en_b2,
        "root_w": root_w, "root_b": root_b,
        "ni_w1": ni_w1, "ni_b1": ni_b1, "ni_w2": ni_w2, "ni_b2": ni_b2,
        "nj_w": nj_w, "nj_b": nj_b,
        "edge_index": edge_index,
    }


def reference(data, edge_attr, en_w1, en_b1, en_w2, en_b2, root_w, root_b,
              ni_w1, ni_b1, ni_w2, ni_b2, nj_w, nj_b, edge_index):
    n_nodes = data.shape[0]
    src = edge_index[0]
    dst = edge_index[1]
    # edge network: edge_attr [E,1] -> per-edge feature modulation [E, FEAT]
    theta = softsign(edge_attr @ en_w1 + en_b1)
    theta = softsign(theta @ en_w2 + en_b2)
    # NNConv message: gather src node features, modulate by edge net output, scatter-add to dst
    msg = jnp.take(data, src, axis=0) * theta
    agg = jax.ops.segment_sum(msg, dst, num_segments=n_nodes)
    # root weight contribution
    h1 = agg + data @ root_w + root_b
    # PotentialNetAttention gate: softmax(net_i(cat[h1, h0])) * net_j(h0)
    cat = jnp.concatenate([h1, data], axis=1)
    ni = softsign(cat @ ni_w1 + ni_b1)
    ni = softsign(ni @ ni_w2 + ni_b2)
    nj = softsign(data @ nj_w + nj_b)
    out = jax.nn.softmax(ni, axis=1) * nj
    return out

if __name__ == "__main__":
    import jax
    _d = setup_inputs()
    print(jax.jit(kernel)(*tuple(_d.values())))

</pallas_src>

<mosaic_0001>
#map = affine_map<(d0, d1) -> (0, 0, 0)>
#map1 = affine_map<(d0, d1) -> (0, 0)>
module attributes {stable_mosaic.version = 14 : i64} {
  func.func @_sc_body(%arg0: i32, %arg1: i32, %arg2: memref<2x100000x16xf32, #tpu.memory_space<hbm>>, %arg3: memref<2x3200000xi32, #tpu.memory_space<hbm>>, %arg4: memref<3200000x19xf32, #tpu.memory_space<hbm>>, %arg5: memref<6272x16xf32, #tpu.memory_space<hbm>>, %arg6: memref<2x100352x16xf32, #tpu.memory_space<hbm>>, %arg7: memref<100352x16xf32, #tpu.memory_space<vmem_shared>>, %arg8: memref<3x128xi32, #tpu.memory_space<vmem>>, %arg9: memref<3x128xi32, #tpu.memory_space<vmem>>, %arg10: memref<3x128x19xf32, #tpu.memory_space<vmem>>, %arg11: memref<3x128x16xf32, #tpu.memory_space<vmem>>, %arg12: memref<64xi32, #tpu.memory_space<vmem>>, %arg13: memref<1x64xi32, #tpu.memory_space<vmem>>, %arg14: memref<64x19xf32, #tpu.memory_space<vmem>>, %arg15: memref<64x16xf32, #tpu.memory_space<vmem>>, %arg16: memref<!tpu.dma_semaphore, #tpu.memory_space<semaphore_mem>>, %arg17: memref<!tpu.dma_semaphore, #tpu.memory_space<semaphore_mem>>, %arg18: memref<!tpu.dma_semaphore, #tpu.memory_space<semaphore_mem>>, %arg19: memref<!tpu.dma_semaphore, #tpu.memory_space<semaphore_mem>>, %arg20: memref<!tpu.dma_semaphore, #tpu.memory_space<semaphore_mem>>, %arg21: memref<!tpu.dma_semaphore, #tpu.memory_space<semaphore_mem>>, %arg22: memref<!tpu.dma_semaphore, #tpu.memory_space<semaphore_mem>>, %arg23: memref<!tpu.dma_semaphore, #tpu.memory_space<semaphore_mem>>, %arg24: memref<!tpu.dma_semaphore, #tpu.memory_space<semaphore_mem>>, %arg25: memref<!tpu.dma_semaphore, #tpu.memory_space<semaphore_mem>>) attributes {dimension_semantics = [#tpu.dimension_semantics<core_parallel>, #tpu.dimension_semantics<subcore_parallel>], iteration_bounds = array<i64: 2, 16>, scalar_prefetch = 0 : i64, scratch_operands = 19 : i64, tpu.core_type = #tpu.core_type<sc_vector_subcore>, window_params = [{transform_indices = #map}, {transform_indices = #map1}, {transform_indices = #map1}, {transform_indices = #map1}, {transform_indices = #map}]} {
    %mul3A = arith.constant 200000 : i32
    %mul3A_0 = arith.muli %arg1, %mul3A : i32
    %iota3A = tpu.iota {dimensions = array<i32: 0>} : vector<16xi32>
    %mul3A_1 = arith.constant 16 : i32
    %mul3A_2 = arith.muli %arg0, %mul3A_1 : i32
    %add3A = vector.broadcast %mul3A_2 : i32 to vector<16xi32>
    %add3A_3 = arith.addi %add3A, %iota3A : vector<16xi32>
    %min3A = arith.constant 18 : i32
    %min3A_4 = vector.broadcast %min3A : i32 to vector<16xi32>
    %min3A_5 = arith.minsi %add3A_3, %min3A_4 : vector<16xi32>
    %mul3A_6 = arith.constant 6272 : i32
    %mul3A_7 = arith.muli %arg1, %mul3A_6 : i32
    "tpu.region"() ({
      %run_scoped3A_331 = tpu.sem_alloc : memref<!tpu.dma_semaphore, #tpu.memory_space<semaphore_mem>>
      %dma_start3A_332 = arith.constant 0 : i32
      %dma_start3A_333 = tpu.memref_slice %arg7[%mul3A_7, %dma_start3A_332] : memref<100352x16xf32, #tpu.memory_space<vmem_shared>> -> memref<6272x16xf32, #tpu.memory_space<vmem_shared>>
      tpu.enqueue_dma source(%arg5 : memref<6272x16xf32, #tpu.memory_space<hbm>>) target(%dma_start3A_333 : memref<6272x16xf32, #tpu.memory_space<vmem_shared>>) target_semaphore(%run_scoped3A_331 : memref<!tpu.dma_semaphore, #tpu.memory_space<semaphore_mem>>)
      %dma_wait3A_334 = arith.constant 0 : i32
      %dma_wait3A_335 = tpu.memref_slice %arg7[%mul3A_7, %dma_wait3A_334] : memref<100352x16xf32, #tpu.memory_space<vmem_shared>> -> memref<6272x16xf32, #tpu.memory_space<vmem_shared>>
      tpu.wait_dma2 semaphore(%run_scoped3A_331 : memref<!tpu.dma_semaphore, #tpu.memory_space<semaphore_mem>>) src(%arg5 : memref<6272x16xf32, #tpu.memory_space<hbm>>) dst(%dma_wait3A_335 : memref<6272x16xf32, #tpu.memory_space<vmem_shared>>)
      tpu.yield
    }) : () -> ()
    %barrier3A = arith.constant 0 : index
    tpu.barrier barrier_id(%barrier3A)
    %dma_start3A = arith.constant 0 : i32
    %dma_start3A_8 = arith.constant 0 : i32
    %dma_start3A_9 = arith.constant 0 : i32
    %dma_start3A_10 = tpu.memref_slice %arg8[%dma_start3A_8, %dma_start3A_9] : memref<3x128xi32, #tpu.memory_space<vmem>> -> memref<1x128xi32, #tpu.memory_space<vmem>>
    %dma_start3A_11 = tpu.memref_squeeze %dma_start3A_10 : memref<1x128xi32, #tpu.memory_space<vmem>> -> memref<128xi32, #tpu.memory_space<vmem>>
    %dma_start3A_12 = tpu.memref_slice %arg3[%dma_start3A, %mul3A_0] : memref<2x3200000xi32, #tpu.memory_space<hbm>> -> memref<1x128xi32, #tpu.memory_space<hbm>>
    %dma_start3A_13 = tpu.memref_squeeze %dma_start3A_12 : memref<1x128xi32, #tpu.memory_space<hbm>> -> memref<128xi32, #tpu.memory_space<hbm>>
    %dma_start3A_14 = arith.constant 0 : i32
    %dma_start3A_15 = tpu.memref_slice %arg8[%dma_start3A_8, %dma_start3A_14] : memref<3x128xi32, #tpu.memory_space<vmem>> -> memref<1x128xi32, #tpu.memory_space<vmem>>
    %dma_start3A_16 = tpu.memref_squeeze %dma_start3A_15 : memref<1x128xi32, #tpu.memory_space<vmem>> -> memref<128xi32, #tpu.memory_space<vmem>>
    %dma_start3A_17 = tpu.memref_slice %arg3[%dma_start3A, %mul3A_0] : memref<2x3200000xi32, #tpu.memory_space<hbm>> -> memref<1x128xi32, #tpu.memory_space<hbm>>
    %dma_start3A_18 = tpu.memref_squeeze %dma_start3A_17 : memref<1x128xi32, #tpu.memory_space<hbm>> -> memref<128xi32, #tpu.memory_space<hbm>>
    tpu.enqueue_dma source(%dma_start3A_18 : memref<128xi32, #tpu.memory_space<hbm>>) target(%dma_start3A_16 : memref<128xi32, #tpu.memory_space<vmem>>) target_semaphore(%arg16 : memref<!tpu.dma_semaphore, #tpu.memory_space<semaphore_mem>>)
    %dma_start3A_19 = arith.constant 0 : i32
    %dma_start3A_20 = arith.constant 0 : i32
    %dma_start3A_21 = arith.constant 0 : i32
    %dma_start3A_22 = tpu.memref_slice %arg10[%dma_start3A_19, %dma_start3A_20, %dma_start3A_21] : memref<3x128x19xf32, #tpu.memory_space<vmem>> -> memref<1x128x19xf32, #tpu.memory_space<vmem>>
    %dma_start3A_23 = tpu.memref_squeeze %dma_start3A_22 : memref<1x128x19xf32, #tpu.memory_space<vmem>> -> memref<128x19xf32, #tpu.memory_space<vmem>>
    %dma_start3A_24 = arith.constant 0 : i32
    %dma_start3A_25 = tpu.memref_slice %arg4[%mul3A_0, %dma_start3A_24] : memref<3200000x19xf32, #tpu.memory_space<hbm>> -> memref<128x19xf32, #tpu.memory_space<hbm>>
    %dma_start3A_26 = arith.constant 0 : i32
    %dma_start3A_27 = arith.constant 0 : i32
    %dma_start3A_28 = tpu.memref_slice %arg10[%dma_start3A_19, %dma_start3A_26, %dma_start3A_27] : memref<3x128x19xf32, #tpu.memory_space<vmem>> -> memref<1x128x19xf32, #tpu.memory_space<vmem>>
    %dma_start3A_29 = tpu.memref_squeeze %dma_start3A_28 : memref<1x128x19xf32, #tpu.memory_space<vmem>> -> memref<128x19xf32, #tpu.memory_space<vmem>>
    %dma_start3A_30 = arith.constant 0 : i32
    %dma_start3A_31 = tpu.memref_slice %arg4[%mul3A_0, %dma_start3A_30] : memref<3200000x19xf32, #tpu.memory_space<hbm>> -> memref<128x19xf32, #tpu.memory_space<hbm>>
    tpu.enqueue_dma source(%dma_start3A_31 : memref<128x19xf32, #tpu.memory_space<hbm>>) target(%dma_start3A_29 : memref<128x19xf32, #tpu.memory_space<vmem>>) target_semaphore(%arg16 : memref<!tpu.dma_semaphore, #tpu.memory_space<semaphore_mem>>)
    %dma_start3A_32 = arith.constant 1 : i32
    %dma_start3A_33 = arith.constant 0 : i32
    %dma_start3A_34 = arith.constant 0 : i32
    %dma_start3A_35 = tpu.memref_slice %arg9[%dma_start3A_33, %dma_start3A_34] : memref<3x128xi32, #tpu.memory_space<vmem>> -> memref<1x128xi32, #tpu.memory_space<vmem>>
    %dma_start3A_36 = tpu.memref_squeeze %dma_start3A_35 : memref<1x128xi32, #tpu.memory_space<vmem>> -> memref<128xi32, #tpu.memory_space<vmem>>
    %dma_start3A_37 = tpu.memref_slice %arg3[%dma_start3A_32, %mul3A_0] : memref<2x3200000xi32, #tpu.memory_space<hbm>> -> memref<1x128xi32, #tpu.memory_space<hbm>>
    %dma_start3A_38 = tpu.memref_squeeze %dma_start3A_37 : memref<1x128xi32, #tpu.memory_space<hbm>> -> memref<128xi32, #tpu.memory_space<hbm>>
    %dma_start3A_39 = arith.constant 0 : i32
    %dma_start3A_40 = tpu.memref_slice %arg9[%dma_start3A_33, %dma_start3A_39] : memref<3x128xi32, #tpu.memory_space<vmem>> -> memref<1x128xi32, #tpu.memory_space<vmem>>
    %dma_start3A_41 = tpu.memref_squeeze %dma_start3A_40 : memref<1x128xi32, #tpu.memory_space<vmem>> -> memref<128xi32, #tpu.memory_space<vmem>>
    %dma_start3A_42 = tpu.memref_slice %arg3[%dma_start3A_32, %mul3A_0] : memref<2x3200000xi32, #tpu.memory_space<hbm>> -> memref<1x128xi32, #tpu.memory_space<hbm>>
    %dma_start3A_43 = tpu.memref_squeeze %dma_start3A_42 : memref<1x128xi32, #tpu.memory_space<hbm>> -> memref<128xi32, #tpu.memory_space<hbm>>
    tpu.enqueue_dma source(%dma_start3A_43 : memref<128xi32, #tpu.memory_space<hbm>>) target(%dma_start3A_41 : memref<128xi32, #tpu.memory_space<vmem>>) target_semaphore(%arg16 : memref<!tpu.dma_semaphore, #tpu.memory_space<semaphore_mem>>)
    %add3A_44 = arith.constant 128 : i32
    %add3A_45 = arith.addi %mul3A_0, %add3A_44 : i32
    %dma_start3A_46 = arith.constant 0 : i32
    %dma_start3A_47 = arith.constant 1 : i32
    %dma_start3A_48 = arith.constant 0 : i32
    %dma_start3A_49 = tpu.memref_slice %arg8[%dma_start3A_47, %dma_start3A_48] : memref<3x128xi32, #tpu.memory_space<vmem>> -> memref<1x128xi32, #tpu.memory_space<vmem>>
    %dma_start3A_50 = tpu.memref_squeeze %dma_start3A_49 : memref<1x128xi32, #tpu.memory_space<vmem>> -> memref<128xi32, #tpu.memory_space<vmem>>
    %dma_start3A_51 = tpu.memref_slice %arg3[%dma_start3A_46, %add3A_45] : memref<2x3200000xi32, #tpu.memory_space<hbm>> -> memref<1x128xi32, #tpu.memory_space<hbm>>
    %dma_start3A_52 = tpu.memref_squeeze %dma_start3A_51 : memref<1x128xi32, #tpu.memory_space<hbm>> -> memref<128xi32, #tpu.memory_space<hbm>>
    %dma_start3A_53 = arith.constant 0 : i32
    %dma_start3A_54 = tpu.memref_slice %arg8[%dma_start3A_47, %dma_start3A_53] : memref<3x128xi32, #tpu.memory_space<vmem>> -> memref<1x128xi32, #tpu.memory_space<vmem>>
    %dma_start3A_55 = tpu.memref_squeeze %dma_start3A_54 : memref<1x128xi32, #tpu.memory_space<vmem>> -> memref<128xi32, #tpu.memory_space<vmem>>
    %dma_start3A_56 = tpu.memref_slice %arg3[%dma_start3A_46, %add3A_45] : memref<2x3200000xi32, #tpu.memory_space<hbm>> -> memref<1x128xi32, #tpu.memory_space<hbm>>
    %dma_start3A_57 = tpu.memref_squeeze %dma_start3A_56 : memref<1x128xi32, #tpu.memory_space<hbm>> -> memref<128xi32, #tpu.memory_space<hbm>>
    tpu.enqueue_dma source(%dma_start3A_57 : memref<128xi32, #tpu.memory_space<hbm>>) target(%dma_start3A_55 : memref<128xi32, #tpu.memory_space<vmem>>) target_semaphore(%arg17 : memref<!tpu.dma_semaphore, #tpu.memory_space<semaphore_mem>>)
    %dma_start3A_58 = arith.constant 1 : i32
    %dma_start3A_59 = arith.constant 0 : i32
    %dma_start3A_60 = arith.constant 0 : i32
    %dma_start3A_61 = tpu.memref_slice %arg10[%dma_start3A_58, %dma_start3A_59, %dma_start3A_60] : memref<3x128x19xf32, #tpu.memory_space<vmem>> -> memref<1x128x19xf32, #tpu.memory_space<vmem>>
    %dma_start3A_62 = tpu.memref_squeeze %dma_start3A_61 : memref<1x128x19xf32, #tpu.memory_space<vmem>> -> memref<128x19xf32, #tpu.memory_space<vmem>>
    %dma_start3A_63 = arith.constant 0 : i32
    %dma_start3A_64 = tpu.memref_slice %arg4[%add3A_45, %dma_start3A_63] : memref<3200000x19xf32, #tpu.memory_space<hbm>> -> memref<128x19xf32, #tpu.memory_space<hbm>>
    %dma_start3A_65 = arith.constant 0 : i32
    %dma_start3A_66 = arith.constant 0 : i32
    %dma_start3A_67 = tpu.memref_slice %arg10[%dma_start3A_58, %dma_start3A_65, %dma_start3A_66] : memref<3x128x19xf32, #tpu.memory_space<vmem>> -> memref<1x128x19xf32, #tpu.memory_space<vmem>>
    %dma_start3A_68 = tpu.memref_squeeze %dma_start3A_67 : memref<1x128x19xf32, #tpu.memory_space<vmem>> -> memref<128x19xf32, #tpu.memory_space<vmem>>
    %dma_start3A_69 = arith.constant 0 : i32
    %dma_start3A_70 = tpu.memref_slice %arg4[%add3A_45, %dma_start3A_69] : memref<3200000x19xf32, #tpu.memory_space<hbm>> -> memref<128x19xf32, #tpu.memory_space<hbm>>
    tpu.enqueue_dma source(%dma_start3A_70 : memref<128x19xf32, #tpu.memory_space<hbm>>) target(%dma_start3A_68 : memref<128x19xf32, #tpu.memory_space<vmem>>) target_semaphore(%arg17 : memref<!tpu.dma_semaphore, #tpu.memory_space<semaphore_mem>>)
    %dma_start3A_71 = arith.constant 1 : i32
    %dma_start3A_72 = arith.constant 1 : i32
    %dma_start3A_73 = arith.constant 0 : i32
    %dma_start3A_74 = tpu.memref_slice %arg9[%dma_start3A_72, %dma_start3A_73] : memref<3x128xi32, #tpu.memory_space<vmem>> -> memref<1x128xi32, #tpu.memory_space<vmem>>
    %dma_start3A_75 = tpu.memref_squeeze %dma_start3A_74 : memref<1x128xi32, #tpu.memory_space<vmem>> -> memref<128xi32, #tpu.memory_space<vmem>>
    %dma_start3A_76 = tpu.memref_slice %arg3[%dma_start3A_71, %add3A_45] : memref<2x3200000xi32, #tpu.memory_space<hbm>> -> memref<1x128xi32, #tpu.memory_space<hbm>>
    %dma_start3A_77 = tpu.memref_squeeze %dma_start3A_76 : memref<1x128xi32, #tpu.memory_space<hbm>> -> memref<128xi32, #tpu.memory_space<hbm>>
    %dma_start3A_78 = arith.constant 0 : i32
    %dma_start3A_79 = tpu.memref_slice %arg9[%dma_start3A_72, %dma_start3A_78] : memref<3x128xi32, #tpu.memory_space<vmem>> -> memref<1x128xi32, #tpu.memory_space<vmem>>
    %dma_start3A_80 = tpu.memref_squeeze %dma_start3A_79 : memref<1x128xi32, #tpu.memory_space<vmem>> -> memref<128xi32, #tpu.memory_space<vmem>>
    %dma_start3A_81 = tpu.memref_slice %arg3[%dma_start3A_71, %add3A_45] : memref<2x3200000xi32, #tpu.memory_space<hbm>> -> memref<1x128xi32, #tpu.memory_space<hbm>>
    %dma_start3A_82 = tpu.memref_squeeze %dma_start3A_81 : memref<1x128xi32, #tpu.memory_space<hbm>> -> memref<128xi32, #tpu.memory_space<hbm>>
    tpu.enqueue_dma source(%dma_start3A_82 : memref<128xi32, #tpu.memory_space<hbm>>) target(%dma_start3A_80 : memref<128xi32, #tpu.memory_space<vmem>>) target_semaphore(%arg17 : memref<!tpu.dma_semaphore, #tpu.memory_space<semaphore_mem>>)
    %dma_wait3A = arith.constant 0 : i32
    %dma_wait3A_83 = arith.constant 0 : i32
    %dma_wait3A_84 = arith.constant 0 : i32
    %dma_wait3A_85 = tpu.memref_slice %arg8[%dma_wait3A_83, %dma_wait3A_84] : memref<3x128xi32, #tpu.memory_space<vmem>> -> memref<1x128xi32, #tpu.memory_space<vmem>>
    %dma_wait3A_86 = tpu.memref_squeeze %dma_wait3A_85 : memref<1x128xi32, #tpu.memory_space<vmem>> -> memref<128xi32, #tpu.memory_space<vmem>>
    %dma_wait3A_87 = arith.constant 0 : i32
    %dma_wait3A_88 = tpu.memref_slice %arg3[%dma_wait3A, %dma_wait3A_87] : memref<2x3200000xi32, #tpu.memory_space<hbm>> -> memref<1x128xi32, #tpu.memory_space<hbm>>
    %dma_wait3A_89 = tpu.memref_squeeze %dma_wait3A_88 : memref<1x128xi32, #tpu.memory_space<hbm>> -> memref<128xi32, #tpu.memory_space<hbm>>
    %dma_wait3A_90 = arith.constant 0 : i32
    %dma_wait3A_91 = tpu.memref_slice %arg8[%dma_wait3A_83, %dma_wait3A_90] : memref<3x128xi32, #tpu.memory_space<vmem>> -> memref<1x128xi32, #tpu.memory_space<vmem>>
    %dma_wait3A_92 = tpu.memref_squeeze %dma_wait3A_91 : memref<1x128xi32, #tpu.memory_space<vmem>> -> memref<128xi32, #tpu.memory_space<vmem>>
    %dma_wait3A_93 = arith.constant 0 : i32
    %dma_wait3A_94 = tpu.memref_slice %arg3[%dma_wait3A, %dma_wait3A_93] : memref<2x3200000xi32, #tpu.memory_space<hbm>> -> memref<1x128xi32, #tpu.memory_space<hbm>>
    %dma_wait3A_95 = tpu.memref_squeeze %dma_wait3A_94 : memref<1x128xi32, #tpu.memory_space<hbm>> -> memref<128xi32, #tpu.memory_space<hbm>>
    tpu.wait_dma2 semaphore(%arg16 : memref<!tpu.dma_semaphore, #tpu.memory_space<semaphore_mem>>) src(%dma_wait3A_95 : memref<128xi32, #tpu.memory_space<hbm>>) dst(%dma_wait3A_92 : memref<128xi32, #tpu.memory_space<vmem>>)
    %dma_wait3A_96 = arith.constant 0 : i32
    %dma_wait3A_97 = arith.constant 0 : i32
    %dma_wait3A_98 = arith.constant 0 : i32
    %dma_wait3A_99 = tpu.memref_slice %arg10[%dma_wait3A_96, %dma_wait3A_97, %dma_wait3A_98] : memref<3x128x19xf32, #tpu.memory_space<vmem>> -> memref<1x128x19xf32, #tpu.memory_space<vmem>>
    %dma_wait3A_100 = tpu.memref_squeeze %dma_wait3A_99 : memref<1x128x19xf32, #tpu.memory_space<vmem>> -> memref<128x19xf32, #tpu.memory_space<vmem>>
    %dma_wait3A_101 = arith.constant 0 : i32
    %dma_wait3A_102 = arith.constant 0 : i32
    %dma_wait3A_103 = tpu.memref_slice %arg4[%dma_wait3A_101, %dma_wait3A_102] : memref<3200000x19xf32, #tpu.memory_space<hbm>> -> memref<128x19xf32, #tpu.memory_space<hbm>>
    %dma_wait3A_104 = arith.constant 0 : i32
    %dma_wait3A_105 = arith.constant 0 : i32
    %dma_wait3A_106 = tpu.memref_slice %arg10[%dma_wait3A_96, %dma_wait3A_104, %dma_wait3A_105] : memref<3x128x19xf32, #tpu.memory_space<vmem>> -> memref<1x128x19xf32, #tpu.memory_space<vmem>>
    %dma_wait3A_107 = tpu.memref_squeeze %dma_wait3A_106 : memref<1x128x19xf32, #tpu.memory_space<vmem>> -> memref<128x19xf32, #tpu.memory_space<vmem>>
    %dma_wait3A_108 = arith.constant 0 : i32
    %dma_wait3A_109 = arith.constant 0 : i32
    %dma_wait3A_110 = tpu.memref_slice %arg4[%dma_wait3A_108, %dma_wait3A_109] : memref<3200000x19xf32, #tpu.memory_space<hbm>> -> memref<128x19xf32, #tpu.memory_space<hbm>>
    tpu.wait_dma2 semaphore(%arg16 : memref<!tpu.dma_semaphore, #tpu.memory_space<semaphore_mem>>) src(%dma_wait3A_110 : memref<128x19xf32, #tpu.memory_space<hbm>>) dst(%dma_wait3A_107 : memref<128x19xf32, #tpu.memory_space<vmem>>)
    %dma_wait3A_111 = arith.constant 1 : i32
    %dma_wait3A_112 = arith.constant 0 : i32
    %dma_wait3A_113 = arith.constant 0 : i32
    %dma_wait3A_114 = tpu.memref_slice %arg9[%dma_wait3A_112, %dma_wait3A_113] : memref<3x128xi32, #tpu.memory_space<vmem>> -> memref<1x128xi32, #tpu.memory_space<vmem>>
    %dma_wait3A_115 = tpu.memref_squeeze %dma_wait3A_114 : memref<1x128xi32, #tpu.memory_space<vmem>> -> memref<128xi32, #tpu.memory_space<vmem>>
    %dma_wait3A_116 = arith.constant 0 : i32
    %dma_wait3A_117 = tpu.memref_slice %arg3[%dma_wait3A_111, %dma_wait3A_116] : memref<2x3200000xi32, #tpu.memory_space<hbm>> -> memref<1x128xi32, #tpu.memory_space<hbm>>
    %dma_wait3A_118 = tpu.memref_squeeze %dma_wait3A_117 : memref<1x128xi32, #tpu.memory_space<hbm>> -> memref<128xi32, #tpu.memory_space<hbm>>
    %dma_wait3A_119 = arith.constant 0 : i32
    %dma_wait3A_120 = tpu.memref_slice %arg9[%dma_wait3A_112, %dma_wait3A_119] : memref<3x128xi32, #tpu.memory_space<vmem>> -> memref<1x128xi32, #tpu.memory_space<vmem>>
    %dma_wait3A_121 = tpu.memref_squeeze %dma_wait3A_120 : memref<1x128xi32, #tpu.memory_space<vmem>> -> memref<128xi32, #tpu.memory_space<vmem>>
    %dma_wait3A_122 = arith.constant 0 : i32
    %dma_wait3A_123 = tpu.memref_slice %arg3[%dma_wait3A_111, %dma_wait3A_122] : memref<2x3200000xi32, #tpu.memory_space<hbm>> -> memref<1x128xi32, #tpu.memory_space<hbm>>
    %dma_wait3A_124 = tpu.memref_squeeze %dma_wait3A_123 : memref<1x128xi32, #tpu.memory_space<hbm>> -> memref<128xi32, #tpu.memory_space<hbm>>
    tpu.wait_dma2 semaphore(%arg16 : memref<!tpu.dma_semaphore, #tpu.memory_space<semaphore_mem>>) src(%dma_wait3A_124 : memref<128xi32, #tpu.memory_space<hbm>>) dst(%dma_wait3A_121 : memref<128xi32, #tpu.memory_space<vmem>>)
    %dma_start3A_125 = arith.constant 0 : i32
    %dma_start3A_126 = arith.constant 0 : i32
    %dma_start3A_127 = arith.constant 0 : i32
    %dma_start3A_128 = arith.constant 0 : i32
    %dma_start3A_129 = tpu.memref_slice %arg11[%dma_start3A_126, %dma_start3A_127, %dma_start3A_128] : memref<3x128x16xf32, #tpu.memory_space<vmem>> -> memref<1x128x16xf32, #tpu.memory_space<vmem>>
    %dma_start3A_130 = tpu.memref_squeeze %dma_start3A_129 : memref<1x128x16xf32, #tpu.memory_space<vmem>> -> memref<128x16xf32, #tpu.memory_space<vmem>>
    %dma_start3A_131 = arith.constant 0 : i32
    %dma_start3A_132 = tpu.memref_slice %arg8[%dma_start3A_125, %dma_start3A_131] : memref<3x128xi32, #tpu.memory_space<vmem>> -> memref<1x128xi32, #tpu.memory_space<vmem>>
    %dma_start3A_133 = tpu.memref_squeeze %dma_start3A_132 : memref<1x128xi32, #tpu.memory_space<vmem>> -> memref<128xi32, #tpu.memory_space<vmem>>
    %dma_start3A_134 = arith.constant 0 : i32
    %dma_start3A_135 = arith.constant 0 : i32
    %dma_start3A_136 = tpu.memref_slice %arg2[%arg0, %dma_start3A_134, %dma_start3A_135] : memref<2x100000x16xf32, #tpu.memory_space<hbm>> -> memref<1x100000x16xf32, #tpu.memory_space<hbm>>
    %dma_start3A_137 = tpu.memref_squeeze %dma_start3A_136 : memref<1x100000x16xf32, #tpu.memory_space<hbm>> -> memref<100000x16xf32, #tpu.memory_space<hbm>>
    %dma_start3A_138 = arith.constant 0 : i32
    %dma_start3A_139 = arith.constant 0 : i32
    %dma_start3A_140 = tpu.memref_slice %dma_start3A_137[%dma_start3A_138, %dma_start3A_139] : memref<100000x16xf32, #tpu.memory_space<hbm>> -> memref<100000x16xf32, #tpu.memory_space<hbm>>
    tpu.enqueue_indirect_dma source(%dma_start3A_140 : memref<100000x16xf32, #tpu.memory_space<hbm>>) target(%dma_start3A_130 : memref<128x16xf32, #tpu.memory_space<vmem>>) offsets(%dma_start3A_133 : memref<128xi32, #tpu.memory_space<vmem>>) semaphore(%arg19 : memref<!tpu.dma_semaphore, #tpu.memory_space<semaphore_mem>>)
    %scan3A = arith.constant 0 : i32
    %scan3A_141 = arith.constant 520 : i32
    %scan3A_142 = arith.addi %scan3A, %scan3A_141 : i32
    %scan3A_143 = arith.constant 1 : i32
    scf.for %scan3A_331 = %scan3A to %scan3A_142 step %scan3A_143  : i32 {
      %mul3A_332 = arith.constant 3 : i32
      %mul3A_333 = arith.muli %scan3A_331, %mul3A_332 : i32
      %add3A_334 = arith.constant 0 : i32
      %add3A_335 = arith.addi %add3A_334, %mul3A_333 : i32
      %add3A_336 = arith.constant 0 : i32
      %add3A_337 = arith.addi %add3A_335, %add3A_336 : i32
      %dma_wait3A_338 = arith.constant 0 : i32
      %dma_wait3A_339 = arith.constant 1 : i32
      %dma_wait3A_340 = arith.constant 0 : i32
      %dma_wait3A_341 = tpu.memref_slice %arg8[%dma_wait3A_339, %dma_wait3A_340] : memref<3x128xi32, #tpu.memory_space<vmem>> -> memref<1x128xi32, #tpu.memory_space<vmem>>
      %dma_wait3A_342 = tpu.memref_squeeze %dma_wait3A_341 : memref<1x128xi32, #tpu.memory_space<vmem>> -> memref<128xi32, #tpu.memory_space<vmem>>
      %dma_wait3A_343 = arith.constant 0 : i32
      %dma_wait3A_344 = tpu.memref_slice %arg3[%dma_wait3A_338, %dma_wait3A_343] : memref<2x3200000xi32, #tpu.memory_space<hbm>> -> memref<1x128xi32, #tpu.memory_space<hbm>>
      %dma_wait3A_345 = tpu.memref_squeeze %dma_wait3A_344 : memref<1x128xi32, #tpu.memory_space<hbm>> -> memref<128xi32, #tpu.memory_space<hbm>>
      %dma_wait3A_346 = arith.constant 0 : i32
      %dma_wait3A_347 = tpu.memref_slice %arg8[%dma_wait3A_339, %dma_wait3A_346] : memref<3x128xi32, #tpu.memory_space<vmem>> -> memref<1x128xi32, #tpu.memory_space<vmem>>
      %dma_wait3A_348 = tpu.memref_squeeze %dma_wait3A_347 : memref<1x128xi32, #tpu.memory_space<vmem>> -> memref<128xi32, #tpu.memory_space<vmem>>
      %dma_wait3A_349 = arith.constant 0 : i32
      %dma_wait3A_350 = tpu.memref_slice %arg3[%dma_wait3A_338, %dma_wait3A_349] : memref<2x3200000xi32, #tpu.memory_space<hbm>> -> memref<1x128xi32, #tpu.memory_space<hbm>>
      %dma_wait3A_351 = tpu.memref_squeeze %dma_wait3A_350 : memref<1x128xi32, #tpu.memory_space<hbm>> -> memref<128xi32, #tpu.memory_space<hbm>>
      tpu.wait_dma2 semaphore(%arg17 : memref<!tpu.dma_semaphore, #tpu.memory_space<semaphore_mem>>) src(%dma_wait3A_351 : memref<128xi32, #tpu.memory_space<hbm>>) dst(%dma_wait3A_348 : memref<128xi32, #tpu.memory_space<vmem>>)
      %dma_wait3A_352 = arith.constant 1 : i32
      %dma_wait3A_353 = arith.constant 0 : i32
      %dma_wait3A_354 = arith.constant 0 : i32
      %dma_wait3A_355 = tpu.memref_slice %arg10[%dma_wait3A_352, %dma_wait3A_353, %dma_wait3A_354] : memref<3x128x19xf32, #tpu.memory_space<vmem>> -> memref<1x128x19xf32, #tpu.memory_space<vmem>>
      %dma_wait3A_356 = tpu.memref_squeeze %dma_wait3A_355 : memref<1x128x19xf32, #tpu.memory_space<vmem>> -> memref<128x19xf32, #tpu.memory_space<vmem>>
      %dma_wait3A_357 = arith.constant 0 : i32
      %dma_wait3A_358 = arith.constant 0 : i32
      %dma_wait3A_359 = tpu.memref_slice %arg4[%dma_wait3A_357, %dma_wait3A_358] : memref<3200000x19xf32, #tpu.memory_space<hbm>> -> memref<128x19xf32, #tpu.memory_space<hbm>>
      %dma_wait3A_360 = arith.constant 0 : i32
      %dma_wait3A_361 = arith.constant 0 : i32
      %dma_wait3A_362 = tpu.memref_slice %arg10[%dma_wait3A_352, %dma_wait3A_360, %dma_wait3A_361] : memref<3x128x19xf32, #tpu.memory_space<vmem>> -> memref<1x128x19xf32, #tpu.memory_space<vmem>>
      %dma_wait3A_363 = tpu.memref_squeeze %dma_wait3A_362 : memref<1x128x19xf32, #tpu.memory_space<vmem>> -> memref<128x19xf32, #tpu.memory_space<vmem>>
      %dma_wait3A_364 = arith.constant 0 : i32
      %dma_wait3A_365 = arith.constant 0 : i32
      %dma_wait3A_366 = tpu.memref_slice %arg4[%dma_wait3A_364, %dma_wait3A_365] : memref<3200000x19xf32, #tpu.memory_space<hbm>> -> memref<128x19xf32, #tpu.memory_space<hbm>>
      tpu.wait_dma2 semaphore(%arg17 : memref<!tpu.dma_semaphore, #tpu.memory_space<semaphore_mem>>) src(%dma_wait3A_366 : memref<128x19xf32, #tpu.memory_space<hbm>>) dst(%dma_wait3A_363 : memref<128x19xf32, #tpu.memory_space<vmem>>)
      %dma_wait3A_367 = arith.constant 1 : i32
      %dma_wait3A_368 = arith.constant 1 : i32
      %dma_wait3A_369 = arith.constant 0 : i32
      %dma_wait3A_370 = tpu.memref_slice %arg9[%dma_wait3A_368, %dma_wait3A_369] : memref<3x128xi32, #tpu.memory_space<vmem>> -> memref<1x128xi32, #tpu.memory_space<vmem>>
      %dma_wait3A_371 = tpu.memref_squeeze %dma_wait3A_370 : memref<1x128xi32, #tpu.memory_space<vmem>> -> memref<128xi32, #tpu.memory_space<vmem>>
      %dma_wait3A_372 = arith.constant 0 : i32
      %dma_wait3A_373 = tpu.memref_slice %arg3[%dma_wait3A_367, %dma_wait3A_372] : memref<2x3200000xi32, #tpu.memory_space<hbm>> -> memref<1x128xi32, #tpu.memory_space<hbm>>
      %dma_wait3A_374 = tpu.memref_squeeze %dma_wait3A_373 : memref<1x128xi32, #tpu.memory_space<hbm>> -> memref<128xi32, #tpu.memory_space<hbm>>
      %dma_wait3A_375 = arith.constant 0 : i32
      %dma_wait3A_376 = tpu.memref_slice %arg9[%dma_wait3A_368, %dma_wait3A_375] : memref<3x128xi32, #tpu.memory_space<vmem>> -> memref<1x128xi32, #tpu.memory_space<vmem>>
      %dma_wait3A_377 = tpu.memref_squeeze %dma_wait3A_376 : memref<1x128xi32, #tpu.memory_space<vmem>> -> memref<128xi32, #tpu.memory_space<vmem>>
      %dma_wait3A_378 = arith.constant 0 : i32
      %dma_wait3A_379 = tpu.memref_slice %arg3[%dma_wait3A_367, %dma_wait3A_378] : memref<2x3200000xi32, #tpu.memory_space<hbm>> -> memref<1x128xi32, #tpu.memory_space<hbm>>
      %dma_wait3A_380 = tpu.memref_squeeze %dma_wait3A_379 : memref<1x128xi32, #tpu.memory_space<hbm>> -> memref<128xi32, #tpu.memory_space<hbm>>
      tpu.wait_dma2 semaphore(%arg17 : memref<!tpu.dma_semaphore, #tpu.memory_space<semaphore_mem>>) src(%dma_wait3A_380 : memref<128xi32, #tpu.memory_space<hbm>>) dst(%dma_wait3A_377 : memref<128xi32, #tpu.memory_space<vmem>>)
      %gt3A = arith.constant 0 : i32
      %gt3A_381 = arith.cmpi sgt, %add3A_337, %gt3A : i32
      %convert_element_type3A = arith.extui %gt3A_381 : i1 to i32
      %cond3A = arith.constant 0 : i32
      %cond3A_382 = arith.cmpi ne, %convert_element_type3A, %cond3A : i32
      scf.if %cond3A_382 {
        %dma_wait3A_756 = arith.constant 2 : i32
        %dma_wait3A_757 = arith.constant 2 : i32
        %dma_wait3A_758 = arith.constant 0 : i32
        %dma_wait3A_759 = arith.constant 0 : i32
        %dma_wait3A_760 = tpu.memref_slice %arg11[%dma_wait3A_756, %dma_wait3A_758, %dma_wait3A_759] : memref<3x128x16xf32, #tpu.memory_space<vmem>> -> memref<1x128x16xf32, #tpu.memory_space<vmem>>
        %dma_wait3A_761 = tpu.memref_squeeze %dma_wait3A_760 : memref<1x128x16xf32, #tpu.memory_space<vmem>> -> memref<128x16xf32, #tpu.memory_space<vmem>>
        %dma_wait3A_762 = arith.constant 0 : i32
        %dma_wait3A_763 = tpu.memref_slice %arg9[%dma_wait3A_757, %dma_wait3A_762] : memref<3x128xi32, #tpu.memory_space<vmem>> -> memref<1x128xi32, #tpu.memory_space<vmem>>
        %dma_wait3A_764 = tpu.memref_squeeze %dma_wait3A_763 : memref<1x128xi32, #tpu.memory_space<vmem>> -> memref<128xi32, #tpu.memory_space<vmem>>
        %dma_wait3A_765 = arith.constant 0 : i32
        %dma_wait3A_766 = arith.constant 0 : i32
        %dma_wait3A_767 = tpu.memref_slice %arg7[%dma_wait3A_765, %dma_wait3A_766] : memref<100352x16xf32, #tpu.memory_space<vmem_shared>> -> memref<100352x16xf32, #tpu.memory_space<vmem_shared>>
        tpu.wait_indirect_dma semaphore(%arg24 : memref<!tpu.dma_semaphore, #tpu.memory_space<semaphore_mem>>) src(%dma_wait3A_761 : memref<128x16xf32, #tpu.memory_space<vmem>>) dst(%dma_wait3A_767 : memref<100352x16xf32, #tpu.memory_space<vmem_shared>>)
      } else {
      }
      %dma_start3A_383 = arith.constant 1 : i32
      %dma_start3A_384 = arith.constant 1 : i32
      %dma_start3A_385 = arith.constant 0 : i32
      %dma_start3A_386 = arith.constant 0 : i32
      %dma_start3A_387 = tpu.memref_slice %arg11[%dma_start3A_384, %dma_start3A_385, %dma_start3A_386] : memref<3x128x16xf32, #tpu.memory_space<vmem>> -> memref<1x128x16xf32, #tpu.memory_space<vmem>>
      %dma_start3A_388 = tpu.memref_squeeze %dma_start3A_387 : memref<1x128x16xf32, #tpu.memory_space<vmem>> -> memref<128x16xf32, #tpu.memory_space<vmem>>
      %dma_start3A_389 = arith.constant 0 : i32
      %dma_start3A_390 = tpu.memref_slice %arg8[%dma_start3A_383, %dma_start3A_389] : memref<3x128xi32, #tpu.memory_space<vmem>> -> memref<1x128xi32, #tpu.memory_space<vmem>>
      %dma_start3A_391 = tpu.memref_squeeze %dma_start3A_390 : memref<1x128xi32, #tpu.memory_space<vmem>> -> memref<128xi32, #tpu.memory_space<vmem>>
      %dma_start3A_392 = arith.constant 0 : i32
      %dma_start3A_393 = arith.constant 0 : i32
      %dma_start3A_394 = tpu.memref_slice %arg2[%arg0, %dma_start3A_392, %dma_start3A_393] : memref<2x100000x16xf32, #tpu.memory_space<hbm>> -> memref<1x100000x16xf32, #tpu.memory_space<hbm>>
      %dma_start3A_395 = tpu.memref_squeeze %dma_start3A_394 : memref<1x100000x16xf32, #tpu.memory_space<hbm>> -> memref<100000x16xf32, #tpu.memory_space<hbm>>
      %dma_start3A_396 = arith.constant 0 : i32
      %dma_start3A_397 = arith.constant 0 : i32
      %dma_start3A_398 = tpu.memref_slice %dma_start3A_395[%dma_start3A_396, %dma_start3A_397] : memref<100000x16xf32, #tpu.memory_space<hbm>> -> memref<100000x16xf32, #tpu.memory_space<hbm>>
      tpu.enqueue_indirect_dma source(%dma_start3A_398 : memref<100000x16xf32, #tpu.memory_space<hbm>>) target(%dma_start3A_388 : memref<128x16xf32, #tpu.memory_space<vmem>>) offsets(%dma_start3A_391 : memref<128xi32, #tpu.memory_space<vmem>>) semaphore(%arg20 : memref<!tpu.dma_semaphore, #tpu.memory_space<semaphore_mem>>)
      %add3A_399 = arith.constant 2 : i32
      %add3A_400 = arith.addi %add3A_337, %add3A_399 : i32
      %mul3A_401 = arith.constant 128 : i32
      %mul3A_402 = arith.muli %add3A_400, %mul3A_401 : i32
      %add3A_403 = arith.addi %mul3A_0, %mul3A_402 : i32
      %dma_start3A_404 = arith.constant 0 : i32
      %dma_start3A_405 = arith.constant 2 : i32
      %dma_start3A_406 = arith.constant 0 : i32
      %dma_start3A_407 = tpu.memref_slice %arg8[%dma_start3A_405, %dma_start3A_406] : memref<3x128xi32, #tpu.memory_space<vmem>> -> memref<1x128xi32, #tpu.memory_space<vmem>>
      %dma_start3A_408 = tpu.memref_squeeze %dma_start3A_407 : memref<1x128xi32, #tpu.memory_space<vmem>> -> memref<128xi32, #tpu.memory_space<vmem>>
      %dma_start3A_409 = tpu.memref_slice %arg3[%dma_start3A_404, %add3A_403] : memref<2x3200000xi32, #tpu.memory_space<hbm>> -> memref<1x128xi32, #tpu.memory_space<hbm>>
      %dma_start3A_410 = tpu.memref_squeeze %dma_start3A_409 : memref<1x128xi32, #tpu.memory_space<hbm>> -> memref<128xi32, #tpu.memory_space<hbm>>
      %dma_start3A_411 = arith.constant 0 : i32
      %dma_start3A_412 = tpu.memref_slice %arg8[%dma_start3A_405, %dma_start3A_411] : memref<3x128xi32, #tpu.memory_space<vmem>> -> memref<1x128xi32, #tpu.memory_space<vmem>>
      %dma_start3A_413 = tpu.memref_squeeze %dma_start3A_412 : memref<1x128xi32, #tpu.memory_space<vmem>> -> memref<128xi32, #tpu.memory_space<vmem>>
      %dma_start3A_414 = tpu.memref_slice %arg3[%dma_start3A_404, %add3A_403] : memref<2x3200000xi32, #tpu.memory_space<hbm>> -> memref<1x128xi32, #tpu.memory_space<hbm>>
      %dma_start3A_415 = tpu.memref_squeeze %dma_start3A_414 : memref<1x128xi32, #tpu.memory_space<hbm>> -> memref<128xi32, #tpu.memory_space<hbm>>
      tpu.enqueue_dma source(%dma_start3A_415 : memref<128xi32, #tpu.memory_space<hbm>>) target(%dma_start3A_413 : memref<128xi32, #tpu.memory_space<vmem>>) target_semaphore(%arg18 : memref<!tpu.dma_semaphore, #tpu.memory_space<semaphore_mem>>)
      %dma_start3A_416 = arith.constant 2 : i32
      %dma_start3A_417 = arith.constant 0 : i32
      %dma_start3A_418 = arith.constant 0 : i32
      %dma_start3A_419 = tpu.memref_slice %arg10[%dma_start3A_416, %dma_start3A_417, %dma_start3A_418] : memref<3x128x19xf32, #tpu.memory_space<vmem>> -> memref<1x128x19xf32, #tpu.memory_space<vmem>>
      %dma_start3A_420 = tpu.memref_squeeze %dma_start3A_419 : memref<1x128x19xf32, #tpu.memory_space<vmem>> -> memref<128x19xf32, #tpu.memory_space<vmem>>
      %dma_start3A_421 = arith.constant 0 : i32
      %dma_start3A_422 = tpu.memref_slice %arg4[%add3A_403, %dma_start3A_421] : memref<3200000x19xf32, #tpu.memory_space<hbm>> -> memref<128x19xf32, #tpu.memory_space<hbm>>
      %dma_start3A_423 = arith.constant 0 : i32
      %dma_start3A_424 = arith.constant 0 : i32
      %dma_start3A_425 = tpu.memref_slice %arg10[%dma_start3A_416, %dma_start3A_423, %dma_start3A_424] : memref<3x128x19xf32, #tpu.memory_space<vmem>> -> memref<1x128x19xf32, #tpu.memory_space<vmem>>
      %dma_start3A_426 = tpu.memref_squeeze %dma_start3A_425 : memref<1x128x19xf32, #tpu.memory_space<vmem>> -> memref<128x19xf32, #tpu.memory_space<vmem>>
      %dma_start3A_427 = arith.constant 0 : i32
      %dma_start3A_428 = tpu.memref_slice %arg4[%add3A_403, %dma_start3A_427] : memref<3200000x19xf32, #tpu.memory_space<hbm>> -> memref<128x19xf32, #tpu.memory_space<hbm>>
      tpu.enqueue_dma source(%dma_start3A_428 : memref<128x19xf32, #tpu.memory_space<hbm>>) target(%dma_start3A_426 : memref<128x19xf32, #tpu.memory_space<vmem>>) target_semaphore(%arg18 : memref<!tpu.dma_semaphore, #tpu.memory_space<semaphore_mem>>)
      %dma_start3A_429 = arith.constant 1 : i32
      %dma_start3A_430 = arith.constant 2 : i32
      %dma_start3A_431 = arith.constant 0 : i32
      %dma_start3A_432 = tpu.memref_slice %arg9[%dma_start3A_430, %dma_start3A_431] : memref<3x128xi32, #tpu.memory_space<vmem>> -> memref<1x128xi32, #tpu.memory_space<vmem>>
      %dma_start3A_433 = tpu.memref_squeeze %dma_start3A_432 : memref<1x128xi32, #tpu.memory_space<vmem>> -> memref<128xi32, #tpu.memory_space<vmem>>
      %dma_start3A_434 = tpu.memref_slice %arg3[%dma_start3A_429, %add3A_403] : memref<2x3200000xi32, #tpu.memory_space<hbm>> -> memref<1x128xi32, #tpu.memory_space<hbm>>
      %dma_start3A_435 = tpu.memref_squeeze %dma_start3A_434 : memref<1x128xi32, #tpu.memory_space<hbm>> -> memref<128xi32, #tpu.memory_space<hbm>>
      %dma_start3A_436 = arith.constant 0 : i32
      %dma_start3A_437 = tpu.memref_slice %arg9[%dma_start3A_430, %dma_start3A_436] : memref<3x128xi32, #tpu.memory_space<vmem>> -> memref<1x128xi32, #tpu.memory_space<vmem>>
      %dma_start3A_438 = tpu.memref_squeeze %dma_start3A_437 : memref<1x128xi32, #tpu.memory_space<vmem>> -> memref<128xi32, #tpu.memory_space<vmem>>
      %dma_start3A_439 = tpu.memref_slice %arg3[%dma_start3A_429, %add3A_403] : memref<2x3200000xi32, #tpu.memory_space<hbm>> -> memref<1x128xi32, #tpu.memory_space<hbm>>
      %dma_start3A_440 = tpu.memref_squeeze %dma_start3A_439 : memref<1x128xi32, #tpu.memory_space<hbm>> -> memref<128xi32, #tpu.memory_space<hbm>>
      tpu.enqueue_dma source(%dma_start3A_440 : memref<128xi32, #tpu.memory_space<hbm>>) target(%dma_start3A_438 : memref<128xi32, #tpu.memory_space<vmem>>) target_semaphore(%arg18 : memref<!tpu.dma_semaphore, #tpu.memory_space<semaphore_mem>>)
      %dma_wait3A_441 = arith.constant 0 : i32
      %dma_wait3A_442 = arith.constant 0 : i32
      %dma_wait3A_443 = arith.constant 0 : i32
      %dma_wait3A_444 = arith.constant 0 : i32
      %dma_wait3A_445 = tpu.memref_slice %arg11[%dma_wait3A_442, %dma_wait3A_443, %dma_wait3A_444] : memref<3x128x16xf32, #tpu.memory_space<vmem>> -> memref<1x128x16xf32, #tpu.memory_space<vmem>>
      %dma_wait3A_446 = tpu.memref_squeeze %dma_wait3A_445 : memref<1x128x16xf32, #tpu.memory_space<vmem>> -> memref<128x16xf32, #tpu.memory_space<vmem>>
      %dma_wait3A_447 = arith.constant 0 : i32
      %dma_wait3A_448 = tpu.memref_slice %arg8[%dma_wait3A_441, %dma_wait3A_447] : memref<3x128xi32, #tpu.memory_space<vmem>> -> memref<1x128xi32, #tpu.memory_space<vmem>>
      %dma_wait3A_449 = tpu.memref_squeeze %dma_wait3A_448 : memref<1x128xi32, #tpu.memory_space<vmem>> -> memref<128xi32, #tpu.memory_space<vmem>>
      %dma_wait3A_450 = arith.constant 0 : i32
      %dma_wait3A_451 = arith.constant 0 : i32
      %dma_wait3A_452 = tpu.memref_slice %arg2[%arg0, %dma_wait3A_450, %dma_wait3A_451] : memref<2x100000x16xf32, #tpu.memory_space<hbm>> -> memref<1x100000x16xf32, #tpu.memory_space<hbm>>
      %dma_wait3A_453 = tpu.memref_squeeze %dma_wait3A_452 : memref<1x100000x16xf32, #tpu.memory_space<hbm>> -> memref<100000x16xf32, #tpu.memory_space<hbm>>
      %dma_wait3A_454 = arith.constant 0 : i32
      %dma_wait3A_455 = arith.constant 0 : i32
      %dma_wait3A_456 = tpu.memref_slice %dma_wait3A_453[%dma_wait3A_454, %dma_wait3A_455] : memref<100000x16xf32, #tpu.memory_space<hbm>> -> memref<100000x16xf32, #tpu.memory_space<hbm>>
      tpu.wait_indirect_dma semaphore(%arg19 : memref<!tpu.dma_semaphore, #tpu.memory_space<semaphore_mem>>) src(%dma_wait3A_456 : memref<100000x16xf32, #tpu.memory_space<hbm>>) dst(%dma_wait3A_446 : memref<128x16xf32, #tpu.memory_space<vmem>>)
      %scan3A_457 = arith.constant 0 : i32
      %scan3A_458 = arith.constant 8 : i32
      %scan3A_459 = arith.addi %scan3A_457, %scan3A_458 : i32
      %scan3A_460 = arith.constant 1 : i32
      scf.for %scan3A_756 = %scan3A_457 to %scan3A_459 step %scan3A_460  : i32 {
        %mul3A_757 = arith.constant 16 : i32
        %mul3A_758 = arith.muli %scan3A_756, %mul3A_757 : i32
        %add3A_759 = arith.constant 0 : i32
        %add3A_760 = arith.addi %add3A_759, %mul3A_758 : i32
        %add3A_761 = arith.constant 0 : i32
        %add3A_762 = arith.addi %add3A_760, %add3A_761 : i32
        %broadcast_in_dim3A = vector.broadcast %add3A_762 : i32 to vector<16xi32>
        %gather3A = arith.constant 0 : i32
        %gather3A_763 = arith.constant 0 : i32
        %gather3A_764 = arith.constant 0 : i32
        %gather3A_765 = tpu.memref_slice %arg10[%gather3A, %gather3A_763, %gather3A_764] : memref<3x128x19xf32, #tpu.memory_space<vmem>> -> memref<1x128x19xf32, #tpu.memory_space<vmem>>
        %gather3A_766 = tpu.memref_squeeze %gather3A_765 : memref<1x128x19xf32, #tpu.memory_space<vmem>> -> memref<128x19xf32, #tpu.memory_space<vmem>>
        %gather3A_767 = tpu.vector_load_idx %gather3A_766[%broadcast_in_dim3A, %min3A_5] : memref<128x19xf32, #tpu.memory_space<vmem>>[vector<16xi32>, vector<16xi32>], vector<16xf32>,
        %gather3A_768 = arith.constant 0 : i32
        %gather3A_769 = arith.constant 0 : i32
        %gather3A_770 = arith.constant 0 : i32
        %gather3A_771 = tpu.memref_slice %arg11[%gather3A_768, %gather3A_769, %gather3A_770] : memref<3x128x16xf32, #tpu.memory_space<vmem>> -> memref<1x128x16xf32, #tpu.memory_space<vmem>>
        %gather3A_772 = tpu.memref_squeeze %gather3A_771 : memref<1x128x16xf32, #tpu.memory_space<vmem>> -> memref<128x16xf32, #tpu.memory_space<vmem>>
        %gather3A_773 = tpu.vector_load_idx %gather3A_772[%broadcast_in_dim3A, %iota3A] : memref<128x16xf32, #tpu.memory_space<vmem>>[vector<16xi32>, vector<16xi32>], vector<16xf32>,
        %mul3A_774 = arith.mulf %gather3A_773, %gather3A_767 : vector<16xf32>
        %scatter3A = arith.constant 0 : i32
        %scatter3A_775 = arith.constant 0 : i32
        %scatter3A_776 = arith.constant 0 : i32
        %scatter3A_777 = tpu.memref_slice %arg11[%scatter3A, %scatter3A_775, %scatter3A_776] : memref<3x128x16xf32, #tpu.memory_space<vmem>> -> memref<1x128x16xf32, #tpu.memory_space<vmem>>
        %scatter3A_778 = tpu.memref_squeeze %scatter3A_777 : memref<1x128x16xf32, #tpu.memory_space<vmem>> -> memref<128x16xf32, #tpu.memory_space<vmem>>
        tpu.vector_store_idx %scatter3A_778[%broadcast_in_dim3A, %iota3A], %mul3A_774 : memref<128x16xf32, #tpu.memory_space<vmem>>[vector<16xi32>, vector<16xi32>], vector<16xf32>,
        %add3A_779 = arith.constant 1 : i32
        %add3A_780 = arith.addi %add3A_760, %add3A_779 : i32
        %broadcast_in_dim3A_781 = vector.broadcast %add3A_780 : i32 to vector<16xi32>
        %gather3A_782 = arith.constant 0 : i32
        %gather3A_783 = arith.constant 0 : i32
        %gather3A_784 = arith.constant 0 : i32
        %gather3A_785 = tpu.memref_slice %arg10[%gather3A_782, %gather3A_783, %gather3A_784] : memref<3x128x19xf32, #tpu.memory_space<vmem>> -> memref<1x128x19xf32, #tpu.memory_space<vmem>>
        %gather3A_786 = tpu.memref_squeeze %gather3A_785 : memref<1x128x19xf32, #tpu.memory_space<vmem>> -> memref<128x19xf32, #tpu.memory_space<vmem>>
        %gather3A_787 = tpu.vector_load_idx %gather3A_786[%broadcast_in_dim3A_781, %min3A_5] : memref<128x19xf32, #tpu.memory_space<vmem>>[vector<16xi32>, vector<16xi32>], vector<16xf32>,
        %gather3A_788 = arith.constant 0 : i32
        %gather3A_789 = arith.constant 0 : i32
        %gather3A_790 = arith.constant 0 : i32
        %gather3A_791 = tpu.memref_slice %arg11[%gather3A_788, %gather3A_789, %gather3A_790] : memref<3x128x16xf32, #tpu.memory_space<vmem>> -> memref<1x128x16xf32, #tpu.memory_space<vmem>>
        %gather3A_792 = tpu.memref_squeeze %gather3A_791 : memref<1x128x16xf32, #tpu.memory_space<vmem>> -> memref<128x16xf32, #tpu.memory_space<vmem>>
        %gather3A_793 = tpu.vector_load_idx %gather3A_792[%broadcast_in_dim3A_781, %iota3A] : memref<128x16xf32, #tpu.memory_space<vmem>>[vector<16xi32>, vector<16xi32>], vector<16xf32>,
        %mul3A_794 = arith.mulf %gather3A_793, %gather3A_787 : vector<16xf32>
        %scatter3A_795 = arith.constant 0 : i32
        %scatter3A_796 = arith.constant 0 : i32
        %scatter3A_797 = arith.constant 0 : i32
        %scatter3A_798 = tpu.memref_slice %arg11[%scatter3A_795, %scatter3A_796, %scatter3A_797] : memref<3x128x16xf32, #tpu.memory_space<vmem>> -> memref<1x128x16xf32, #tpu.memory_space<vmem>>
        %scatter3A_799 = tpu.memref_squeeze %scatter3A_798 : memref<1x128x16xf32, #tpu.memory_space<vmem>> -> memref<128x16xf32, #tpu.memory_space<vmem>>
        tpu.vector_store_idx %scatter3A_799[%broadcast_in_dim3A_781, %iota3A], %mul3A_794 : memref<128x16xf32, #tpu.memory_space<vmem>>[vector<16xi32>, vector<16xi32>], vector<16xf32>,
        %add3A_800 = arith.constant 2 : i32
        %add3A_801 = arith.addi %add3A_760, %add3A_800 : i32
        %broadcast_in_dim3A_802 = vector.broadcast %add3A_801 : i32 to vector<16xi32>
        %gather3A_803 = arith.constant 0 : i32
        %gather3A_804 = arith.constant 0 : i32
        %gather3A_805 = arith.constant 0 : i32
        %gather3A_806 = tpu.memref_slice %arg10[%gather3A_803, %gather3A_804, %gather3A_805] : memref<3x128x19xf32, #tpu.memory_space<vmem>> -> memref<1x128x19xf32, #tpu.memory_space<vmem>>
        %gather3A_807 = tpu.memref_squeeze %gather3A_806 : memref<1x128x19xf32, #tpu.memory_space<vmem>> -> memref<128x19xf32, #tpu.memory_space<vmem>>
        %gather3A_808 = tpu.vector_load_idx %gather3A_807[%broadcast_in_dim3A_802, %min3A_5] : memref<128x19xf32, #tpu.memory_space<vmem>>[vector<16xi32>, vector<16xi32>], vector<16xf32>,
        %gather3A_809 = arith.constant 0 : i32
        %gather3A_810 = arith.constant 0 : i32
        %gather3A_811 = arith.constant 0 : i32
        %gather3A_812 = tpu.memref_slice %arg11[%gather3A_809, %gather3A_810, %gather3A_811] : memref<3x128x16xf32, #tpu.memory_space<vmem>> -> memref<1x128x16xf32, #tpu.memory_space<vmem>>
        %gather3A_813 = tpu.memref_squeeze %gather3A_812 : memref<1x128x16xf32, #tpu.memory_space<vmem>> -> memref<128x16xf32, #tpu.memory_space<vmem>>
        %gather3A_814 = tpu.vector_load_idx %gather3A_813[%broadcast_in_dim3A_802, %iota3A] : memref<128x16xf32, #tpu.memory_space<vmem>>[vector<16xi32>, vector<16xi32>], vector<16xf32>,
        %mul3A_815 = arith.mulf %gather3A_814, %gather3A_808 : vector<16xf32>
        %scatter3A_816 = arith.constant 0 : i32
        %scatter3A_817 = arith.constant 0 : i32
        %scatter3A_818 = arith.constant 0 : i32
        %scatter3A_819 = tpu.memref_slice %arg11[%scatter3A_816, %scatter3A_817, %scatter3A_818] : memref<3x128x16xf32, #tpu.memory_space<vmem>> -> memref<1x128x16xf32, #tpu.memory_space<vmem>>
        %scatter3A_820 = tpu.memref_squeeze %scatter3A_819 : memref<1x128x16xf32, #tpu.memory_space<vmem>> -> memref<128x16xf32, #tpu.memory_space<vmem>>
        tpu.vector_store_idx %scatter3A_820[%broadcast_in_dim3A_802, %iota3A], %mul3A_815 : memref<128x16xf32, #tpu.memory_space<vmem>>[vector<16xi32>, vector<16xi32>], vector<16xf32>,
        %add3A_821 = arith.constant 3 : i32
        %add3A_822 = arith.addi %add3A_760, %add3A_821 : i32
        %broadcast_in_dim3A_823 = vector.broadcast %add3A_822 : i32 to vector<16xi32>
        %gather3A_824 = arith.constant 0 : i32
        %gather3A_825 = arith.constant 0 : i32
        %gather3A_826 = arith.constant 0 : i32
        %gather3A_827 = tpu.memref_slice %arg10[%gather3A_824, %gather3A_825, %gather3A_826] : memref<3x128x19xf32, #tpu.memory_space<vmem>> -> memref<1x128x19xf32, #tpu.memory_space<vmem>>
        %gather3A_828 = tpu.memref_squeeze %gather3A_827 : memref<1x128x19xf32, #tpu.memory_space<vmem>> -> memref<128x19xf32, #tpu.memory_space<vmem>>
        %gather3A_829 = tpu.vector_load_idx %gather3A_828[%broadcast_in_dim3A_823, %min3A_5] : memref<128x19xf32, #tpu.memory_space<vmem>>[vector<16xi32>, vector<16xi32>], vector<16xf32>,
        %gather3A_830 = arith.constant 0 : i32
        %gather3A_831 = arith.constant 0 : i32
        %gather3A_832 = arith.constant 0 : i32
        %gather3A_833 = tpu.memref_slice %arg11[%gather3A_830, %gather3A_831, %gather3A_832] : memref<3x128x16xf32, #tpu.memory_space<vmem>> -> memref<1x128x16xf32, #tpu.memory_space<vmem>>
        %gather3A_834 = tpu.memref_squeeze %gather3A_833 : memref<1x128x16xf32, #tpu.memory_space<vmem>> -> memref<128x16xf32, #tpu.memory_space<vmem>>
        %gather3A_835 = tpu.vector_load_idx %gather3A_834[%broadcast_in_dim3A_823, %iota3A] : memref<128x16xf32, #tpu.memory_space<vmem>>[vector<16xi32>, vector<16xi32>], vector<16xf32>,
        %mul3A_836 = arith.mulf %gather3A_835, %gather3A_829 : vector<16xf32>
        %scatter3A_837 = arith.constant 0 : i32
        %scatter3A_838 = arith.constant 0 : i32
        %scatter3A_839 = arith.constant 0 : i32
        %scatter3A_840 = tpu.memref_slice %arg11[%scatter3A_837, %scatter3A_838, %scatter3A_839] : memref<3x128x16xf32, #tpu.memory_space<vmem>> -> memref<1x128x16xf32, #tpu.memory_space<vmem>>
        %scatter3A_841 = tpu.memref_squeeze %scatter3A_840 : memref<1x128x16xf32, #tpu.memory_space<vmem>> -> memref<128x16xf32, #tpu.memory_space<vmem>>
        tpu.vector_store_idx %scatter3A_841[%broadcast_in_dim3A_823, %iota3A], %mul3A_836 : memref<128x16xf32, #tpu.memory_space<vmem>>[vector<16xi32>, vector<16xi32>], vector<16xf32>,
        %add3A_842 = arith.constant 4 : i32
        %add3A_843 = arith.addi %add3A_760, %add3A_842 : i32
        %broadcast_in_dim3A_844 = vector.broadcast %add3A_843 : i32 to vector<16xi32>
        %gather3A_845 = arith.constant 0 : i32
        %gather3A_846 = arith.constant 0 : i32
        %gather3A_847 = arith.constant 0 : i32
        %gather3A_848 = tpu.memref_slice %arg10[%gather3A_845, %gather3A_846, %gather3A_847] : memref<3x128x19xf32, #tpu.memory_space<vmem>> -> memref<1x128x19xf32, #tpu.memory_space<vmem>>
        %gather3A_849 = tpu.memref_squeeze %gather3A_848 : memref<1x128x19xf32, #tpu.memory_space<vmem>> -> memref<128x19xf32, #tpu.memory_space<vmem>>
        %gather3A_850 = tpu.vector_load_idx %gather3A_849[%broadcast_in_dim3A_844, %min3A_5] : memref<128x19xf32, #tpu.memory_space<vmem>>[vector<16xi32>, vector<16xi32>], vector<16xf32>,
        %gather3A_851 = arith.constant 0 : i32
        %gather3A_852 = arith.constant 0 : i32
        %gather3A_853 = arith.constant 0 : i32
        %gather3A_854 = tpu.memref_slice %arg11[%gather3A_851, %gather3A_852, %gather3A_853] : memref<3x128x16xf32, #tpu.memory_space<vmem>> -> memref<1x128x16xf32, #tpu.memory_space<vmem>>
        %gather3A_855 = tpu.memref_squeeze %gather3A_854 : memref<1x128x16xf32, #tpu.memory_space<vmem>> -> memref<128x16xf32, #tpu.memory_space<vmem>>
        %gather3A_856 = tpu.vector_load_idx %gather3A_855[%broadcast_in_dim3A_844, %iota3A] : memref<128x16xf32, #tpu.memory_space<vmem>>[vector<16xi32>, vector<16xi32>], vector<16xf32>,
        %mul3A_857 = arith.mulf %gather3A_856, %gather3A_850 : vector<16xf32>
        %scatter3A_858 = arith.constant 0 : i32
        %scatter3A_859 = arith.constant 0 : i32
        %scatter3A_860 = arith.constant 0 : i32
        %scatter3A_861 = tpu.memref_slice %arg11[%scatter3A_858, %scatter3A_859, %scatter3A_860] : memref<3x128x16xf32, #tpu.memory_space<vmem>> -> memref<1x128x16xf32, #tpu.memory_space<vmem>>
        %scatter3A_862 = tpu.memref_squeeze %scatter3A_861 : memref<1x128x16xf32, #tpu.memory_space<vmem>> -> memref<128x16xf32, #tpu.memory_space<vmem>>
        tpu.vector_store_idx %scatter3A_862[%broadcast_in_dim3A_844, %iota3A], %mul3A_857 : memref<128x16xf32, #tpu.memory_space<vmem>>[vector<16xi32>, vector<16xi32>], vector<16xf32>,
        %add3A_863 = arith.constant 5 : i32
        %add3A_864 = arith.addi %add3A_760, %add3A_863 : i32
        %broadcast_in_dim3A_865 = vector.broadcast %add3A_864 : i32 to vector<16xi32>
        %gather3A_866 = arith.constant 0 : i32
        %gather3A_867 = arith.constant 0 : i32
        %gather3A_868 = arith.constant 0 : i32
        %gather3A_869 = tpu.memref_slice %arg10[%gather3A_866, %gather3A_867, %gather3A_868] : memref<3x128x19xf32, #tpu.memory_space<vmem>> -> memref<1x128x19xf32, #tpu.memory_space<vmem>>
        %gather3A_870 = tpu.memref_squeeze %gather3A_869 : memref<1x128x19xf32, #tpu.memory_space<vmem>> -> memref<128x19xf32, #tpu.memory_space<vmem>>
        %gather3A_871 = tpu.vector_load_idx %gather3A_870[%broadcast_in_dim3A_865, %min3A_5] : memref<128x19xf32, #tpu.memory_space<vmem>>[vector<16xi32>, vector<16xi32>], vector<16xf32>,
        %gather3A_872 = arith.constant 0 : i32
        %gather3A_873 = arith.constant 0 : i32
        %gather3A_874 = arith.constant 0 : i32
        %gather3A_875 = tpu.memref_slice %arg11[%gather3A_872, %gather3A_873, %gather3A_874] : memref<3x128x16xf32, #tpu.memory_space<vmem>> -> memref<1x128x16xf32, #tpu.memory_space<vmem>>
        %gather3A_876 = tpu.memref_squeeze %gather3A_875 : memref<1x128x16xf32, #tpu.memory_space<vmem>> -> memref<128x16xf32, #tpu.memory_space<vmem>>
        %gather3A_877 = tpu.vector_load_idx %gather3A_876[%broadcast_in_dim3A_865, %iota3A] : memref<128x16xf32, #tpu.memory_space<vmem>>[vector<16xi32>, vector<16xi32>], vector<16xf32>,
        %mul3A_878 = arith.mulf %gather3A_877, %gather3A_871 : vector<16xf32>
        %scatter3A_879 = arith.constant 0 : i32
        %scatter3A_880 = arith.constant 0 : i32
        %scatter3A_881 = arith.constant 0 : i32
        %scatter3A_882 = tpu.memref_slice %arg11[%scatter3A_879, %scatter3A_880, %scatter3A_881] : memref<3x128x16xf32, #tpu.memory_space<vmem>> -> memref<1x128x16xf32, #tpu.memory_space<vmem>>
        %scatter3A_883 = tpu.memref_squeeze %scatter3A_882 : memref<1x128x16xf32, #tpu.memory_space<vmem>> -> memref<128x16xf32, #tpu.memory_space<vmem>>
        tpu.vector_store_idx %scatter3A_883[%broadcast_in_dim3A_865, %iota3A], %mul3A_878 : memref<128x16xf32, #tpu.memory_space<vmem>>[vector<16xi32>, vector<16xi32>], vector<16xf32>,
        %add3A_884 = arith.constant 6 : i32
        %add3A_885 = arith.addi %add3A_760, %add3A_884 : i32
        %broadcast_in_dim3A_886 = vector.broadcast %add3A_885 : i32 to vector<16xi32>
        %gather3A_887 = arith.constant 0 : i32
        %gather3A_888 = arith.constant 0 : i32
        %gather3A_889 = arith.constant 0 : i32
        %gather3A_890 = tpu.memref_slice %arg10[%gather3A_887, %gather3A_888, %gather3A_889] : memref<3x128x19xf32, #tpu.memory_space<vmem>> -> memref<1x128x19xf32, #tpu.memory_space<vmem>>
        %gather3A_891 = tpu.memref_squeeze %gather3A_890 : memref<1x128x19xf32, #tpu.memory_space<vmem>> -> memref<128x19xf32, #tpu.memory_space<vmem>>
        %gather3A_892 = tpu.vector_load_idx %gather3A_891[%broadcast_in_dim3A_886, %min3A_5] : memref<128x19xf32, #tpu.memory_space<vmem>>[vector<16xi32>, vector<16xi32>], vector<16xf32>,
        %gather3A_893 = arith.constant 0 : i32
        %gather3A_894 = arith.constant 0 : i32
        %gather3A_895 = arith.constant 0 : i32
        %gather3A_896 = tpu.memref_slice %arg11[%gather3A_893, %gather3A_894, %gather3A_895] : memref<3x128x16xf32, #tpu.memory_space<vmem>> -> memref<1x128x16xf32, #tpu.memory_space<vmem>>
        %gather3A_897 = tpu.memref_squeeze %gather3A_896 : memref<1x128x16xf32, #tpu.memory_space<vmem>> -> memref<128x16xf32, #tpu.memory_space<vmem>>
        %gather3A_898 = tpu.vector_load_idx %gather3A_897[%broadcast_in_dim3A_886, %iota3A] : memref<128x16xf32, #tpu.memory_space<vmem>>[vector<16xi32>, vector<16xi32>], vector<16xf32>,
        %mul3A_899 = arith.mulf %gather3A_898, %gather3A_892 : vector<16xf32>
        %scatter3A_900 = arith.constant 0 : i32
        %scatter3A_901 = arith.constant 0 : i32
        %scatter3A_902 = arith.constant 0 : i32
        %scatter3A_903 = tpu.memref_slice %arg11[%scatter3A_900, %scatter3A_901, %scatter3A_902] : memref<3x128x16xf32, #tpu.memory_space<vmem>> -> memref<1x128x16xf32, #tpu.memory_space<vmem>>
        %scatter3A_904 = tpu.memref_squeeze %scatter3A_903 : memref<1x128x16xf32, #tpu.memory_space<vmem>> -> memref<128x16xf32, #tpu.memory_space<vmem>>
        tpu.vector_store_idx %scatter3A_904[%broadcast_in_dim3A_886, %iota3A], %mul3A_899 : memref<128x16xf32, #tpu.memory_space<vmem>>[vector<16xi32>, vector<16xi32>], vector<16xf32>,
        %add3A_905 = arith.constant 7 : i32
        %add3A_906 = arith.addi %add3A_760, %add3A_905 : i32
        %broadcast_in_dim3A_907 = vector.broadcast %add3A_906 : i32 to vector<16xi32>
        %gather3A_908 = arith.constant 0 : i32
        %gather3A_909 = arith.constant 0 : i32
        %gather3A_910 = arith.constant 0 : i32
        %gather3A_911 = tpu.memref_slice %arg10[%gather3A_908, %gather3A_909, %gather3A_910] : memref<3x128x19xf32, #tpu.memory_space<vmem>> -> memref<1x128x19xf32, #tpu.memory_space<vmem>>
        %gather3A_912 = tpu.memref_squeeze %gather3A_911 : memref<1x128x19xf32, #tpu.memory_space<vmem>> -> memref<128x19xf32, #tpu.memory_space<vmem>>
        %gather3A_913 = tpu.vector_load_idx %gather3A_912[%broadcast_in_dim3A_907, %min3A_5] : memref<128x19xf32, #tpu.memory_space<vmem>>[vector<16xi32>, vector<16xi32>], vector<16xf32>,
        %gather3A_914 = arith.constant 0 : i32
        %gather3A_915 = arith.constant 0 : i32
        %gather3A_916 = arith.constant 0 : i32
        %gather3A_917 = tpu.memref_slice %arg11[%gather3A_914, %gather3A_915, %gather3A_916] : memref<3x128x16xf32, #tpu.memory_space<vmem>> -> memref<1x128x16xf32, #tpu.memory_space<vmem>>
        %gather3A_918 = tpu.memref_squeeze %gather3A_917 : memref<1x128x16xf32, #tpu.memory_space<vmem>> -> memref<128x16xf32, #tpu.memory_space<vmem>>
        %gather3A_919 = tpu.vector_load_idx %gather3A_918[%broadcast_in_dim3A_907, %iota3A] : memref<128x16xf32, #tpu.memory_space<vmem>>[vector<16xi32>, vector<16xi32>], vector<16xf32>,
        %mul3A_920 = arith.mulf %gather3A_919, %gather3A_913 : vector<16xf32>
        %scatter3A_921 = arith.constant 0 : i32
        %scatter3A_922 = arith.constant 0 : i32
        %scatter3A_923 = arith.constant 0 : i32
        %scatter3A_924 = tpu.memref_slice %arg11[%scatter3A_921, %scatter3A_922, %scatter3A_923] : memref<3x128x16xf32, #tpu.memory_space<vmem>> -> memref<1x128x16xf32, #tpu.memory_space<vmem>>
        %scatter3A_925 = tpu.memref_squeeze %scatter3A_924 : memref<1x128x16xf32, #tpu.memory_space<vmem>> -> memref<128x16xf32, #tpu.memory_space<vmem>>
        tpu.vector_store_idx %scatter3A_925[%broadcast_in_dim3A_907, %iota3A], %mul3A_920 : memref<128x16xf32, #tpu.memory_space<vmem>>[vector<16xi32>, vector<16xi32>], vector<16xf32>,
        %add3A_926 = arith.constant 8 : i32
        %add3A_927 = arith.addi %add3A_760, %add3A_926 : i32
        %broadcast_in_dim3A_928 = vector.broadcast %add3A_927 : i32 to vector<16xi32>
        %gather3A_929 = arith.constant 0 : i32
        %gather3A_930 = arith.constant 0 : i32
        %gather3A_931 = arith.constant 0 : i32
        %gather3A_932 = tpu.memref_slice %arg10[%gather3A_929, %gather3A_930, %gather3A_931] : memref<3x128x19xf32, #tpu.memory_space<vmem>> -> memref<1x128x19xf32, #tpu.memory_space<vmem>>
        %gather3A_933 = tpu.memref_squeeze %gather3A_932 : memref<1x128x19xf32, #tpu.memory_space<vmem>> -> memref<128x19xf32, #tpu.memory_space<vmem>>
        %gather3A_934 = tpu.vector_load_idx %gather3A_933[%broadcast_in_dim3A_928, %min3A_5] : memref<128x19xf32, #tpu.memory_space<vmem>>[vector<16xi32>, vector<16xi32>], vector<16xf32>,
        %gather3A_935 = arith.constant 0 : i32
        %gather3A_936 = arith.constant 0 : i32
        %gather3A_937 = arith.constant 0 : i32
        %gather3A_938 = tpu.memref_slice %arg11[%gather3A_935, %gather3A_936, %gather3A_937] : memref<3x128x16xf32, #tpu.memory_space<vmem>> -> memref<1x128x16xf32, #tpu.memory_space<vmem>>
        %gather3A_939 = tpu.memref_squeeze %gather3A_938 : memref<1x128x16xf32, #tpu.memory_space<vmem>> -> memref<128x16xf32, #tpu.memory_space<vmem>>
        %gather3A_940 = tpu.vector_load_idx %gather3A_939[%broadcast_in_dim3A_928, %iota3A] : memref<128x16xf32, #tpu.memory_space<vmem>>[vector<16xi32>, vector<16xi32>], vector<16xf32>,
        %mul3A_941 = arith.mulf %gather3A_940, %gather3A_934 : vector<16xf32>
        %scatter3A_942 = arith.constant 0 : i32
        %scatter3A_943 = arith.constant 0 : i32
        %scatter3A_944 = arith.constant 0 : i32
        %scatter3A_945 = tpu.memref_slice %arg11[%scatter3A_942, %scatter3A_943, %scatter3A_944] : memref<3x128x16xf32, #tpu.memory_space<vmem>> -> memref<1x128x16xf32, #tpu.memory_space<vmem>>
        %scatter3A_946 = tpu.memref_squeeze %scatter3A_945 : memref<1x128x16xf32, #tpu.memory_space<vmem>> -> memref<128x16xf32, #tpu.memory_space<vmem>>
        tpu.vector_store_idx %scatter3A_946[%broadcast_in_dim3A_928, %iota3A], %mul3A_941 : memref<128x16xf32, #tpu.memory_space<vmem>>[vector<16xi32>, vector<16xi32>], vector<16xf32>,
        %add3A_947 = arith.constant 9 : i32
        %add3A_948 = arith.addi %add3A_760, %add3A_947 : i32
        %broadcast_in_dim3A_949 = vector.broadcast %add3A_948 : i32 to vector<16xi32>
        %gather3A_950 = arith.constant 0 : i32
        %gather3A_951 = arith.constant 0 : i32
        %gather3A_952 = arith.constant 0 : i32
        %gather3A_953 = tpu.memref_slice %arg10[%gather3A_950, %gather3A_951, %gather3A_952] : memref<3x128x19xf32, #tpu.memory_space<vmem>> -> memref<1x128x19xf32, #tpu.memory_space<vmem>>
        %gather3A_954 = tpu.memref_squeeze %gather3A_953 : memref<1x128x19xf32, #tpu.memory_space<vmem>> -> memref<128x19xf32, #tpu.memory_space<vmem>>
        %gather3A_955 = tpu.vector_load_idx %gather3A_954[%broadcast_in_dim3A_949, %min3A_5] : memref<128x19xf32, #tpu.memory_space<vmem>>[vector<16xi32>, vector<16xi32>], vector<16xf32>,
        %gather3A_956 = arith.constant 0 : i32
        %gather3A_957 = arith.constant 0 : i32
        %gather3A_958 = arith.constant 0 : i32
        %gather3A_959 = tpu.memref_slice %arg11[%gather3A_956, %gather3A_957, %gather3A_958] : memref<3x128x16xf32, #tpu.memory_space<vmem>> -> memref<1x128x16xf32, #tpu.memory_space<vmem>>
        %gather3A_960 = tpu.memref_squeeze %gather3A_959 : memref<1x128x16xf32, #tpu.memory_space<vmem>> -> memref<128x16xf32, #tpu.memory_space<vmem>>
        %gather3A_961 = tpu.vector_load_idx %gather3A_960[%broadcast_in_dim3A_949, %iota3A] : memref<128x16xf32, #tpu.memory_space<vmem>>[vector<16xi32>, vector<16xi32>], vector<16xf32>,
        %mul3A_962 = arith.mulf %gather3A_961, %gather3A_955 : vector<16xf32>
        %scatter3A_963 = arith.constant 0 : i32
        %scatter3A_964 = arith.constant 0 : i32
        %scatter3A_965 = arith.constant 0 : i32
        %scatter3A_966 = tpu.memref_slice %arg11[%scatter3A_963, %scatter3A_964, %scatter3A_965] : memref<3x128x16xf32, #tpu.memory_space<vmem>> -> memref<1x128x16xf32, #tpu.memory_space<vmem>>
        %scatter3A_967 = tpu.memref_squeeze %scatter3A_966 : memref<1x128x16xf32, #tpu.memory_space<vmem>> -> memref<128x16xf32, #tpu.memory_space<vmem>>
        tpu.vector_store_idx %scatter3A_967[%broadcast_in_dim3A_949, %iota3A], %mul3A_962 : memref<128x16xf32, #tpu.memory_space<vmem>>[vector<16xi32>, vector<16xi32>], vector<16xf32>,
        %add3A_968 = arith.constant 10 : i32
        %add3A_969 = arith.addi %add3A_760, %add3A_968 : i32
        %broadcast_in_dim3A_970 = vector.broadcast %add3A_969 : i32 to vector<16xi32>
        %gather3A_971 = arith.constant 0 : i32
        %gather3A_972 = arith.constant 0 : i32
        %gather3A_973 = arith.constant 0 : i32
        %gather3A_974 = tpu.memref_slice %arg10[%gather3A_971, %gather3A_972, %gather3A_973] : memref<3x128x19xf32, #tpu.memory_space<vmem>> -> memref<1x128x19xf32, #tpu.memory_space<vmem>>
        %gather3A_975 = tpu.memref_squeeze %gather3A_974 : memref<1x128x19xf32, #tpu.memory_space<vmem>> -> memref<128x19xf32, #tpu.memory_space<vmem>>
        %gather3A_976 = tpu.vector_load_idx %gather3A_975[%broadcast_in_dim3A_970, %min3A_5] : memref<128x19xf32, #tpu.memory_space<vmem>>[vector<16xi32>, vector<16xi32>], vector<16xf32>,
        %gather3A_977 = arith.constant 0 : i32
        %gather3A_978 = arith.constant 0 : i32
        %gather3A_979 = arith.constant 0 : i32
        %gather3A_980 = tpu.memref_slice %arg11[%gather3A_977, %gather3A_978, %gather3A_979] : memref<3x128x16xf32, #tpu.memory_space<vmem>> -> memref<1x128x16xf32, #tpu.memory_space<vmem>>
        %gather3A_981 = tpu.memref_squeeze %gather3A_980 : memref<1x128x16xf32, #tpu.memory_space<vmem>> -> memref<128x16xf32, #tpu.memory_space<vmem>>
        %gather3A_982 = tpu.vector_load_idx %gather3A_981[%broadcast_in_dim3A_970, %iota3A] : memref<128x16xf32, #tpu.memory_space<vmem>>[vector<16xi32>, vector<16xi32>], vector<16xf32>,
        %mul3A_983 = arith.mulf %gather3A_982, %gather3A_976 : vector<16xf32>
        %scatter3A_984 = arith.constant 0 : i32
        %scatter3A_985 = arith.constant 0 : i32
        %scatter3A_986 = arith.constant 0 : i32
        %scatter3A_987 = tpu.memref_slice %arg11[%scatter3A_984, %scatter3A_985, %scatter3A_986] : memref<3x128x16xf32, #tpu.memory_space<vmem>> -> memref<1x128x16xf32, #tpu.memory_space<vmem>>
        %scatter3A_988 = tpu.memref_squeeze %scatter3A_987 : memref<1x128x16xf32, #tpu.memory_space<vmem>> -> memref<128x16xf32, #tpu.memory_space<vmem>>
        tpu.vector_store_idx %scatter3A_988[%broadcast_in_dim3A_970, %iota3A], %mul3A_983 : memref<128x16xf32, #tpu.memory_space<vmem>>[vector<16xi32>, vector<16xi32>], vector<16xf32>,
        %add3A_989 = arith.constant 11 : i32
        %add3A_990 = arith.addi %add3A_760, %add3A_989 : i32
        %broadcast_in_dim3A_991 = vector.broadcast %add3A_990 : i32 to vector<16xi32>
        %gather3A_992 = arith.constant 0 : i32
        %gather3A_993 = arith.constant 0 : i32
        %gather3A_994 = arith.constant 0 : i32
        %gather3A_995 = tpu.memref_slice %arg10[%gather3A_992, %gather3A_993, %gather3A_994] : memref<3x128x19xf32, #tpu.memory_space<vmem>> -> memref<1x128x19xf32, #tpu.memory_space<vmem>>
        %gather3A_996 = tpu.memref_squeeze %gather3A_995 : memref<1x128x19xf32, #tpu.memory_space<vmem>> -> memref<128x19xf32, #tpu.memory_space<vmem>>
        %gather3A_997 = tpu.vector_load_idx %gather3A_996[%broadcast_in_dim3A_991, %min3A_5] : memref<128x19xf32, #tpu.memory_space<vmem>>[vector<16xi32>, vector<16xi32>], vector<16xf32>,
        %gather3A_998 = arith.constant 0 : i32
        %gather3A_999 = arith.constant 0 : i32
        %gather3A_1000 = arith.constant 0 : i32
        %gather3A_1001 = tpu.memref_slice %arg11[%gather3A_998, %gather3A_999, %gather3A_1000] : memref<3x128x16xf32, #tpu.memory_space<vmem>> -> memref<1x128x16xf32, #tpu.memory_space<vmem>>
        %gather3A_1002 = tpu.memref_squeeze %gather3A_1001 : memref<1x128x16xf32, #tpu.memory_space<vmem>> -> memref<128x16xf32, #tpu.memory_space<vmem>>
        %gather3A_1003 = tpu.vector_load_idx %gather3A_1002[%broadcast_in_dim3A_991, %iota3A] : memref<128x16xf32, #tpu.memory_space<vmem>>[vector<16xi32>, vector<16xi32>], vector<16xf32>,
        %mul3A_1004 = arith.mulf %gather3A_1003, %gather3A_997 : vector<16xf32>
        %scatter3A_1005 = arith.constant 0 : i32
        %scatter3A_1006 = arith.constant 0 : i32
        %scatter3A_1007 = arith.constant 0 : i32
        %scatter3A_1008 = tpu.memref_slice %arg11[%scatter3A_1005, %scatter3A_1006, %scatter3A_1007] : memref<3x128x16xf32, #tpu.memory_space<vmem>> -> memref<1x128x16xf32, #tpu.memory_space<vmem>>
        %scatter3A_1009 = tpu.memref_squeeze %scatter3A_1008 : memref<1x128x16xf32, #tpu.memory_space<vmem>> -> memref<128x16xf32, #tpu.memory_space<vmem>>
        tpu.vector_store_idx %scatter3A_1009[%broadcast_in_dim3A_991, %iota3A], %mul3A_1004 : memref<128x16xf32, #tpu.memory_space<vmem>>[vector<16xi32>, vector<16xi32>], vector<16xf32>,
        %add3A_1010 = arith.constant 12 : i32
        %add3A_1011 = arith.addi %add3A_760, %add3A_1010 : i32
        %broadcast_in_dim3A_1012 = vector.broadcast %add3A_1011 : i32 to vector<16xi32>
        %gather3A_1013 = arith.constant 0 : i32
        %gather3A_1014 = arith.constant 0 : i32
        %gather3A_1015 = arith.constant 0 : i32
        %gather3A_1016 = tpu.memref_slice %arg10[%gather3A_1013, %gather3A_1014, %gather3A_1015] : memref<3x128x19xf32, #tpu.memory_space<vmem>> -> memref<1x128x19xf32, #tpu.memory_space<vmem>>
        %gather3A_1017 = tpu.memref_squeeze %gather3A_1016 : memref<1x128x19xf32, #tpu.memory_space<vmem>> -> memref<128x19xf32, #tpu.memory_space<vmem>>
        %gather3A_1018 = tpu.vector_load_idx %gather3A_1017[%broadcast_in_dim3A_1012, %min3A_5] : memref<128x19xf32, #tpu.memory_space<vmem>>[vector<16xi32>, vector<16xi32>], vector<16xf32>,
        %gather3A_1019 = arith.constant 0 : i32
        %gather3A_1020 = arith.constant 0 : i32
        %gather3A_1021 = arith.constant 0 : i32
        %gather3A_1022 = tpu.memref_slice %arg11[%gather3A_1019, %gather3A_1020, %gather3A_1021] : memref<3x128x16xf32, #tpu.memory_space<vmem>> -> memref<1x128x16xf32, #tpu.memory_space<vmem>>
        %gather3A_1023 = tpu.memref_squeeze %gather3A_1022 : memref<1x128x16xf32, #tpu.memory_space<vmem>> -> memref<128x16xf32, #tpu.memory_space<vmem>>
        %gather3A_1024 = tpu.vector_load_idx %gather3A_1023[%broadcast_in_dim3A_1012, %iota3A] : memref<128x16xf32, #tpu.memory_space<vmem>>[vector<16xi32>, vector<16xi32>], vector<16xf32>,
        %mul3A_1025 = arith.mulf %gather3A_1024, %gather3A_1018 : vector<16xf32>
        %scatter3A_1026 = arith.constant 0 : i32
        %scatter3A_1027 = arith.constant 0 : i32
        %scatter3A_1028 = arith.constant 0 : i32
        %scatter3A_1029 = tpu.memref_slice %arg11[%scatter3A_1026, %scatter3A_1027, %scatter3A_1028] : memref<3x128x16xf32, #tpu.memory_space<vmem>> -> memref<1x128x16xf32, #tpu.memory_space<vmem>>
        %scatter3A_1030 = tpu.memref_squeeze %scatter3A_1029 : memref<1x128x16xf32, #tpu.memory_space<vmem>> -> memref<128x16xf32, #tpu.memory_space<vmem>>
        tpu.vector_store_idx %scatter3A_1030[%broadcast_in_dim3A_1012, %iota3A], %mul3A_1025 : memref<128x16xf32, #tpu.memory_space<vmem>>[vector<16xi32>, vector<16xi32>], vector<16xf32>,
        %add3A_1031 = arith.constant 13 : i32
        %add3A_1032 = arith.addi %add3A_760, %add3A_1031 : i32
        %broadcast_in_dim3A_1033 = vector.broadcast %add3A_1032 : i32 to vector<16xi32>
        %gather3A_1034 = arith.constant 0 : i32
        %gather3A_1035 = arith.constant 0 : i32
        %gather3A_1036 = arith.constant 0 : i32
        %gather3A_1037 = tpu.memref_slice %arg10[%gather3A_1034, %gather3A_1035, %gather3A_1036] : memref<3x128x19xf32, #tpu.memory_space<vmem>> -> memref<1x128x19xf32, #tpu.memory_space<vmem>>
        %gather3A_1038 = tpu.memref_squeeze %gather3A_1037 : memref<1x128x19xf32, #tpu.memory_space<vmem>> -> memref<128x19xf32, #tpu.memory_space<vmem>>
        %gather3A_1039 = tpu.vector_load_idx %gather3A_1038[%broadcast_in_dim3A_1033, %min3A_5] : memref<128x19xf32, #tpu.memory_space<vmem>>[vector<16xi32>, vector<16xi32>], vector<16xf32>,
        %gather3A_1040 = arith.constant 0 : i32
        %gather3A_1041 = arith.constant 0 : i32
        %gather3A_1042 = arith.constant 0 : i32
        %gather3A_1043 = tpu.memref_slice %arg11[%gather3A_1040, %gather3A_1041, %gather3A_1042] : memref<3x128x16xf32, #tpu.memory_space<vmem>> -> memref<1x128x16xf32, #tpu.memory_space<vmem>>
        %gather3A_1044 = tpu.memref_squeeze %gather3A_1043 : memref<1x128x16xf32, #tpu.memory_space<vmem>> -> memref<128x16xf32, #tpu.memory_space<vmem>>
        %gather3A_1045 = tpu.vector_load_idx %gather3A_1044[%broadcast_in_dim3A_1033, %iota3A] : memref<128x16xf32, #tpu.memory_space<vmem>>[vector<16xi32>, vector<16xi32>], vector<16xf32>,
        %mul3A_1046 = arith.mulf %gather3A_1045, %gather3A_1039 : vector<16xf32>
        %scatter3A_1047 = arith.constant 0 : i32
        %scatter3A_1048 = arith.constant 0 : i32
        %scatter3A_1049 = arith.constant 0 : i32
        %scatter3A_1050 = tpu.memref_slice %arg11[%scatter3A_1047, %scatter3A_1048, %scatter3A_1049] : memref<3x128x16xf32, #tpu.memory_space<vmem>> -> memref<1x128x16xf32, #tpu.memory_space<vmem>>
        %scatter3A_1051 = tpu.memref_squeeze %scatter3A_1050 : memref<1x128x16xf32, #tpu.memory_space<vmem>> -> memref<128x16xf32, #tpu.memory_space<vmem>>
        tpu.vector_store_idx %scatter3A_1051[%broadcast_in_dim3A_1033, %iota3A], %mul3A_1046 : memref<128x16xf32, #tpu.memory_space<vmem>>[vector<16xi32>, vector<16xi32>], vector<16xf32>,
        %add3A_1052 = arith.constant 14 : i32
        %add3A_1053 = arith.addi %add3A_760, %add3A_1052 : i32
        %broadcast_in_dim3A_1054 = vector.broadcast %add3A_1053 : i32 to vector<16xi32>
        %gather3A_1055 = arith.constant 0 : i32
        %gather3A_1056 = arith.constant 0 : i32
        %gather3A_1057 = arith.constant 0 : i32
        %gather3A_1058 = tpu.memref_slice %arg10[%gather3A_1055, %gather3A_1056, %gather3A_1057] : memref<3x128x19xf32, #tpu.memory_space<vmem>> -> memref<1x128x19xf32, #tpu.memory_space<vmem>>
        %gather3A_1059 = tpu.memref_squeeze %gather3A_1058 : memref<1x128x19xf32, #tpu.memory_space<vmem>> -> memref<128x19xf32, #tpu.memory_space<vmem>>
        %gather3A_1060 = tpu.vector_load_idx %gather3A_1059[%broadcast_in_dim3A_1054, %min3A_5] : memref<128x19xf32, #tpu.memory_space<vmem>>[vector<16xi32>, vector<16xi32>], vector<16xf32>,
        %gather3A_1061 = arith.constant 0 : i32
        %gather3A_1062 = arith.constant 0 : i32
        %gather3A_1063 = arith.constant 0 : i32
        %gather3A_1064 = tpu.memref_slice %arg11[%gather3A_1061, %gather3A_1062, %gather3A_1063] : memref<3x128x16xf32, #tpu.memory_space<vmem>> -> memref<1x128x16xf32, #tpu.memory_space<vmem>>
        %gather3A_1065 = tpu.memref_squeeze %gather3A_1064 : memref<1x128x16xf32, #tpu.memory_space<vmem>> -> memref<128x16xf32, #tpu.memory_space<vmem>>
        %gather3A_1066 = tpu.vector_load_idx %gather3A_1065[%broadcast_in_dim3A_1054, %iota3A] : memref<128x16xf32, #tpu.memory_space<vmem>>[vector<16xi32>, vector<16xi32>], vector<16xf32>,
        %mul3A_1067 = arith.mulf %gather3A_1066, %gather3A_1060 : vector<16xf32>
        %scatter3A_1068 = arith.constant 0 : i32
        %scatter3A_1069 = arith.constant 0 : i32
        %scatter3A_1070 = arith.constant 0 : i32
        %scatter3A_1071 = tpu.memref_slice %arg11[%scatter3A_1068, %scatter3A_1069, %scatter3A_1070] : memref<3x128x16xf32, #tpu.memory_space<vmem>> -> memref<1x128x16xf32, #tpu.memory_space<vmem>>
        %scatter3A_1072 = tpu.memref_squeeze %scatter3A_1071 : memref<1x128x16xf32, #tpu.memory_space<vmem>> -> memref<128x16xf32, #tpu.memory_space<vmem>>
        tpu.vector_store_idx %scatter3A_1072[%broadcast_in_dim3A_1054, %iota3A], %mul3A_1067 : memref<128x16xf32, #tpu.memory_space<vmem>>[vector<16xi32>, vector<16xi32>], vector<16xf32>,
        %add3A_1073 = arith.constant 15 : i32
        %add3A_1074 = arith.addi %add3A_760, %add3A_1073 : i32
        %broadcast_in_dim3A_1075 = vector.broadcast %add3A_1074 : i32 to vector<16xi32>
        %gather3A_1076 = arith.constant 0 : i32
        %gather3A_1077 = arith.constant 0 : i32
        %gather3A_1078 = arith.constant 0 : i32
        %gather3A_1079 = tpu.memref_slice %arg10[%gather3A_1076, %gather3A_1077, %gather3A_1078] : memref<3x128x19xf32, #tpu.memory_space<vmem>> -> memref<1x128x19xf32, #tpu.memory_space<vmem>>
        %gather3A_1080 = tpu.memref_squeeze %gather3A_1079 : memref<1x128x19xf32, #tpu.memory_space<vmem>> -> memref<128x19xf32, #tpu.memory_space<vmem>>
        %gather3A_1081 = tpu.vector_load_idx %gather3A_1080[%broadcast_in_dim3A_1075, %min3A_5] : memref<128x19xf32, #tpu.memory_space<vmem>>[vector<16xi32>, vector<16xi32>], vector<16xf32>,
        %gather3A_1082 = arith.constant 0 : i32
        %gather3A_1083 = arith.constant 0 : i32
        %gather3A_1084 = arith.constant 0 : i32
        %gather3A_1085 = tpu.memref_slice %arg11[%gather3A_1082, %gather3A_1083, %gather3A_1084] : memref<3x128x16xf32, #tpu.memory_space<vmem>> -> memref<1x128x16xf32, #tpu.memory_space<vmem>>
        %gather3A_1086 = tpu.memref_squeeze %gather3A_1085 : memref<1x128x16xf32, #tpu.memory_space<vmem>> -> memref<128x16xf32, #tpu.memory_space<vmem>>
        %gather3A_1087 = tpu.vector_load_idx %gather3A_1086[%broadcast_in_dim3A_1075, %iota3A] : memref<128x16xf32, #tpu.memory_space<vmem>>[vector<16xi32>, vector<16xi32>], vector<16xf32>,
        %mul3A_1088 = arith.mulf %gather3A_1087, %gather3A_1081 : vector<16xf32>
        %scatter3A_1089 = arith.constant 0 : i32
        %scatter3A_1090 = arith.constant 0 : i32
        %scatter3A_1091 = arith.constant 0 : i32
        %scatter3A_1092 = tpu.memref_slice %arg11[%scatter3A_1089, %scatter3A_1090, %scatter3A_1091] : memref<3x128x16xf32, #tpu.memory_space<vmem>> -> memref<1x128x16xf32, #tpu.memory_space<vmem>>
        %scatter3A_1093 = tpu.memref_squeeze %scatter3A_1092 : memref<1x128x16xf32, #tpu.memory_space<vmem>> -> memref<128x16xf32, #tpu.memory_space<vmem>>
        tpu.vector_store_idx %scatter3A_1093[%broadcast_in_dim3A_1075, %iota3A], %mul3A_1088 : memref<128x16xf32, #tpu.memory_space<vmem>>[vector<16xi32>, vector<16xi32>], vector<16xf32>,
      }
      %scan3A_461 = arith.constant 8 : i32
      %dma_start3A_462 = arith.constant 0 : i32
      %dma_start3A_463 = arith.constant 0 : i32
      %dma_start3A_464 = arith.constant 0 : i32
      %dma_start3A_465 = arith.constant 0 : i32
      %dma_start3A_466 = tpu.memref_slice %arg11[%dma_start3A_462, %dma_start3A_464, %dma_start3A_465] : memref<3x128x16xf32, #tpu.memory_space<vmem>> -> memref<1x128x16xf32, #tpu.memory_space<vmem>>
      %dma_start3A_467 = tpu.memref_squeeze %dma_start3A_466 : memref<1x128x16xf32, #tpu.memory_space<vmem>> -> memref<128x16xf32, #tpu.memory_space<vmem>>
      %dma_start3A_468 = arith.constant 0 : i32
      %dma_start3A_469 = tpu.memref_slice %arg9[%dma_start3A_463, %dma_start3A_468] : memref<3x128xi32, #tpu.memory_space<vmem>> -> memref<1x128xi32, #tpu.memory_space<vmem>>
      %dma_start3A_470 = tpu.memref_squeeze %dma_start3A_469 : memref<1x128xi32, #tpu.memory_space<vmem>> -> memref<128xi32, #tpu.memory_space<vmem>>
      %dma_start3A_471 = arith.constant 0 : i32
      %dma_start3A_472 = arith.constant 0 : i32
      %dma_start3A_473 = tpu.memref_slice %arg7[%dma_start3A_471, %dma_start3A_472] : memref<100352x16xf32, #tpu.memory_space<vmem_shared>> -> memref<100352x16xf32, #tpu.memory_space<vmem_shared>>
      tpu.enqueue_indirect_dma source(%dma_start3A_467 : memref<128x16xf32, #tpu.memory_space<vmem>>) target(%dma_start3A_473 : memref<100352x16xf32, #tpu.memory_space<vmem_shared>>) offsets(%dma_start3A_470 : memref<128xi32, #tpu.memory_space<vmem>>) semaphore(%arg22 : memref<!tpu.dma_semaphore, #tpu.memory_space<semaphore_mem>>) {add = true}
      %add3A_474 = arith.constant 1 : i32
      %add3A_475 = arith.addi %add3A_335, %add3A_474 : i32
      %dma_wait3A_476 = arith.constant 0 : i32
      %dma_wait3A_477 = arith.constant 2 : i32
      %dma_wait3A_478 = arith.constant 0 : i32
      %dma_wait3A_479 = tpu.memref_slice %arg8[%dma_wait3A_477, %dma_wait3A_478] : memref<3x128xi32, #tpu.memory_space<vmem>> -> memref<1x128xi32, #tpu.memory_space<vmem>>
      %dma_wait3A_480 = tpu.memref_squeeze %dma_wait3A_479 : memref<1x128xi32, #tpu.memory_space<vmem>> -> memref<128xi32, #tpu.memory_space<vmem>>
      %dma_wait3A_481 = arith.constant 0 : i32
      %dma_wait3A_482 = tpu.memref_slice %arg3[%dma_wait3A_476, %dma_wait3A_481] : memref<2x3200000xi32, #tpu.memory_space<hbm>> -> memref<1x128xi32, #tpu.memory_space<hbm>>
      %dma_wait3A_483 = tpu.memref_squeeze %dma_wait3A_482 : memref<1x128xi32, #tpu.memory_space<hbm>> -> memref<128xi32, #tpu.memory_space<hbm>>
      %dma_wait3A_484 = arith.constant 0 : i32
      %dma_wait3A_485 = tpu.memref_slice %arg8[%dma_wait3A_477, %dma_wait3A_484] : memref<3x128xi32, #tpu.memory_space<vmem>> -> memref<1x128xi32, #tpu.memory_space<vmem>>
      %dma_wait3A_486 = tpu.memref_squeeze %dma_wait3A_485 : memref<1x128xi32, #tpu.memory_space<vmem>> -> memref<128xi32, #tpu.memory_space<vmem>>
      %dma_wait3A_487 = arith.constant 0 : i32
      %dma_wait3A_488 = tpu.memref_slice %arg3[%dma_wait3A_476, %dma_wait3A_487] : memref<2x3200000xi32, #tpu.memory_space<hbm>> -> memref<1x128xi32, #tpu.memory_space<hbm>>
      %dma_wait3A_489 = tpu.memref_squeeze %dma_wait3A_488 : memref<1x128xi32, #tpu.memory_space<hbm>> -> memref<128xi32, #tpu.memory_space<hbm>>
      tpu.wait_dma2 semaphore(%arg18 : memref<!tpu.dma_semaphore, #tpu.memory_space<semaphore_mem>>) src(%dma_wait3A_489 : memref<128xi32, #tpu.memory_space<hbm>>) dst(%dma_wait3A_486 : memref<128xi32, #tpu.memory_space<vmem>>)
      %dma_wait3A_490 = arith.constant 2 : i32
      %dma_wait3A_491 = arith.constant 0 : i32
      %dma_wait3A_492 = arith.constant 0 : i32
      %dma_wait3A_493 = tpu.memref_slice %arg10[%dma_wait3A_490, %dma_wait3A_491, %dma_wait3A_492] : memref<3x128x19xf32, #tpu.memory_space<vmem>> -> memref<1x128x19xf32, #tpu.memory_space<vmem>>
      %dma_wait3A_494 = tpu.memref_squeeze %dma_wait3A_493 : memref<1x128x19xf32, #tpu.memory_space<vmem>> -> memref<128x19xf32, #tpu.memory_space<vmem>>
      %dma_wait3A_495 = arith.constant 0 : i32
      %dma_wait3A_496 = arith.constant 0 : i32
      %dma_wait3A_497 = tpu.memref_slice %arg4[%dma_wait3A_495, %dma_wait3A_496] : memref<3200000x19xf32, #tpu.memory_space<hbm>> -> memref<128x19xf32, #tpu.memory_space<hbm>>
      %dma_wait3A_498 = arith.constant 0 : i32
      %dma_wait3A_499 = arith.constant 0 : i32
      %dma_wait3A_500 = tpu.memref_slice %arg10[%dma_wait3A_490, %dma_wait3A_498, %dma_wait3A_499] : memref<3x128x19xf32, #tpu.memory_space<vmem>> -> memref<1x128x19xf32, #tpu.memory_space<vmem>>
      %dma_wait3A_501 = tpu.memref_squeeze %dma_wait3A_500 : memref<1x128x19xf32, #tpu.memory_space<vmem>> -> memref<128x19xf32, #tpu.memory_space<vmem>>
      %dma_wait3A_502 = arith.constant 0 : i32
      %dma_wait3A_503 = arith.constant 0 : i32
      %dma_wait3A_504 = tpu.memref_slice %arg4[%dma_wait3A_502, %dma_wait3A_503] : memref<3200000x19xf32, #tpu.memory_space<hbm>> -> memref<128x19xf32, #tpu.memory_space<hbm>>
      tpu.wait_dma2 semaphore(%arg18 : memref<!tpu.dma_semaphore, #tpu.memory_space<semaphore_mem>>) src(%dma_wait3A_504 : memref<128x19xf32, #tpu.memory_space<hbm>>) dst(%dma_wait3A_501 : memref<128x19xf32, #tpu.memory_space<vmem>>)
      %dma_wait3A_505 = arith.constant 1 : i32
      %dma_wait3A_506 = arith.constant 2 : i32
      %dma_wait3A_507 = arith.constant 0 : i32
      %dma_wait3A_508 = tpu.memref_slice %arg9[%dma_wait3A_506, %dma_wait3A_507] : memref<3x128xi32, #tpu.memory_space<vmem>> -> memref<1x128xi32, #tpu.memory_space<vmem>>
      %dma_wait3A_509 = tpu.memref_squeeze %dma_wait3A_508 : memref<1x128xi32, #tpu.memory_space<vmem>> -> memref<128xi32, #tpu.memory_space<vmem>>
      %dma_wait3A_510 = arith.constant 0 : i32
      %dma_wait3A_511 = tpu.memref_slice %arg3[%dma_wait3A_505, %dma_wait3A_510] : memref<2x3200000xi32, #tpu.memory_space<hbm>> -> memref<1x128xi32, #tpu.memory_space<hbm>>
      %dma_wait3A_512 = tpu.memref_squeeze %dma_wait3A_511 : memref<1x128xi32, #tpu.memory_space<hbm>> -> memref<128xi32, #tpu.memory_space<hbm>>
      %dma_wait3A_513 = arith.constant 0 : i32
      %dma_wait3A_514 = tpu.memref_slice %arg9[%dma_wait3A_506, %dma_wait3A_513] : memref<3x128xi32, #tpu.memory_space<vmem>> -> memref<1x128xi32, #tpu.memory_space<vmem>>
      %dma_wait3A_515 = tpu.memref_squeeze %dma_wait3A_514 : memref<1x128xi32, #tpu.memory_space<vmem>> -> memref<128xi32, #tpu.memory_space<vmem>>
      %dma_wait3A_516 = arith.constant 0 : i32
      %dma_wait3A_517 = tpu.memref_slice %arg3[%dma_wait3A_505, %dma_wait3A_516] : memref<2x3200000xi32, #tpu.memory_space<hbm>> -> memref<1x128xi32, #tpu.memory_space<hbm>>
      %dma_wait3A_518 = tpu.memref_squeeze %dma_wait3A_517 : memref<1x128xi32, #tpu.memory_space<hbm>> -> memref<128xi32, #tpu.memory_space<hbm>>
      tpu.wait_dma2 semaphore(%arg18 : memref<!tpu.dma_semaphore, #tpu.memory_space<semaphore_mem>>) src(%dma_wait3A_518 : memref<128xi32, #tpu.memory_space<hbm>>) dst(%dma_wait3A_515 : memref<128xi32, #tpu.memory_space<vmem>>)
      %gt3A_519 = arith.constant 0 : i32
      %gt3A_520 = arith.cmpi sgt, %add3A_475, %gt3A_519 : i32
      %convert_element_type3A_521 = arith.extui %gt3A_520 : i1 to i32
      %cond3A_522 = arith.constant 0 : i32
      %cond3A_523 = arith.cmpi ne, %convert_element_type3A_521, %cond3A_522 : i32
      scf.if %cond3A_523 {
        %dma_wait3A_756 = arith.constant 0 : i32
        %dma_wait3A_757 = arith.constant 0 : i32
        %dma_wait3A_758 = arith.constant 0 : i32
        %dma_wait3A_759 = arith.constant 0 : i32
        %dma_wait3A_760 = tpu.memref_slice %arg11[%dma_wait3A_756, %dma_wait3A_758, %dma_wait3A_759] : memref<3x128x16xf32, #tpu.memory_space<vmem>> -> memref<1x128x16xf32, #tpu.memory_space<vmem>>
        %dma_wait3A_761 = tpu.memref_squeeze %dma_wait3A_760 : memref<1x128x16xf32, #tpu.memory_space<vmem>> -> memref<128x16xf32, #tpu.memory_space<vmem>>
        %dma_wait3A_762 = arith.constant 0 : i32
        %dma_wait3A_763 = tpu.memref_slice %arg9[%dma_wait3A_757, %dma_wait3A_762] : memref<3x128xi32, #tpu.memory_space<vmem>> -> memref<1x128xi32, #tpu.memory_space<vmem>>
        %dma_wait3A_764 = tpu.memref_squeeze %dma_wait3A_763 : memref<1x128xi32, #tpu.memory_space<vmem>> -> memref<128xi32, #tpu.memory_space<vmem>>
        %dma_wait3A_765 = arith.constant 0 : i32
        %dma_wait3A_766 = arith.constant 0 : i32
        %dma_wait3A_767 = tpu.memref_slice %arg7[%dma_wait3A_765, %dma_wait3A_766] : memref<100352x16xf32, #tpu.memory_space<vmem_shared>> -> memref<100352x16xf32, #tpu.memory_space<vmem_shared>>
        tpu.wait_indirect_dma semaphore(%arg22 : memref<!tpu.dma_semaphore, #tpu.memory_space<semaphore_mem>>) src(%dma_wait3A_761 : memref<128x16xf32, #tpu.memory_space<vmem>>) dst(%dma_wait3A_767 : memref<100352x16xf32, #tpu.memory_space<vmem_shared>>)
      } else {
      }
      %dma_start3A_524 = arith.constant 2 : i32
      %dma_start3A_525 = arith.constant 2 : i32
      %dma_start3A_526 = arith.constant 0 : i32
      %dma_start3A_527 = arith.constant 0 : i32
      %dma_start3A_528 = tpu.memref_slice %arg11[%dma_start3A_525, %dma_start3A_526, %dma_start3A_527] : memref<3x128x16xf32, #tpu.memory_space<vmem>> -> memref<1x128x16xf32, #tpu.memory_space<vmem>>
      %dma_start3A_529 = tpu.memref_squeeze %dma_start3A_528 : memref<1x128x16xf32, #tpu.memory_space<vmem>> -> memref<128x16xf32, #tpu.memory_space<vmem>>
      %dma_start3A_530 = arith.constant 0 : i32
      %dma_start3A_531 = tpu.memref_slice %arg8[%dma_start3A_524, %dma_start3A_530] : memref<3x128xi32, #tpu.memory_space<vmem>> -> memref<1x128xi32, #tpu.memory_space<vmem>>
      %dma_start3A_532 = tpu.memref_squeeze %dma_start3A_531 : memref<1x128xi32, #tpu.memory_space<vmem>> -> memref<128xi32, #tpu.memory_space<vmem>>
      %dma_start3A_533 = arith.constant 0 : i32
      %dma_start3A_534 = arith.constant 0 : i32
      %dma_start3A_535 = tpu.memref_slice %arg2[%arg0, %dma_start3A_533, %dma_start3A_534] : memref<2x100000x16xf32, #tpu.memory_space<hbm>> -> memref<1x100000x16xf32, #tpu.memory_space<hbm>>
      %dma_start3A_536 = tpu.memref_squeeze %dma_start3A_535 : memref<1x100000x16xf32, #tpu.memory_space<hbm>> -> memref<100000x16xf32, #tpu.memory_space<hbm>>
      %dma_start3A_537 = arith.constant 0 : i32
      %dma_start3A_538 = arith.constant 0 : i32
      %dma_start3A_539 = tpu.memref_slice %dma_start3A_536[%dma_start3A_537, %dma_start3A_538] : memref<100000x16xf32, #tpu.memory_space<hbm>> -> memref<100000x16xf32, #tpu.memory_space<hbm>>
      tpu.enqueue_indirect_dma source(%dma_start3A_539 : memref<100000x16xf32, #tpu.memory_space<hbm>>) target(%dma_start3A_529 : memref<128x16xf32, #tpu.memory_space<vmem>>) offsets(%dma_start3A_532 : memref<128xi32, #tpu.memory_space<vmem>>) semaphore(%arg21 : memref<!tpu.dma_semaphore, #tpu.memory_space<semaphore_mem>>)
      %add3A_540 = arith.constant 2 : i32
      %add3A_541 = arith.addi %add3A_475, %add3A_540 : i32
      %mul3A_542 = arith.constant 128 : i32
      %mul3A_543 = arith.muli %add3A_541, %mul3A_542 : i32
      %add3A_544 = arith.addi %mul3A_0, %mul3A_543 : i32
      %dma_start3A_545 = arith.constant 0 : i32
      %dma_start3A_546 = arith.constant 0 : i32
      %dma_start3A_547 = arith.constant 0 : i32
      %dma_start3A_548 = tpu.memref_slice %arg8[%dma_start3A_546, %dma_start3A_547] : memref<3x128xi32, #tpu.memory_space<vmem>> -> memref<1x128xi32, #tpu.memory_space<vmem>>
      %dma_start3A_549 = tpu.memref_squeeze %dma_start3A_548 : memref<1x128xi32, #tpu.memory_space<vmem>> -> memref<128xi32, #tpu.memory_space<vmem>>
      %dma_start3A_550 = tpu.memref_slice %arg3[%dma_start3A_545, %add3A_544] : memref<2x3200000xi32, #tpu.memory_space<hbm>> -> memref<1x128xi32, #tpu.memory_space<hbm>>
      %dma_start3A_551 = tpu.memref_squeeze %dma_start3A_550 : memref<1x128xi32, #tpu.memory_space<hbm>> -> memref<128xi32, #tpu.memory_space<hbm>>
      %dma_start3A_552 = arith.constant 0 : i32
      %dma_start3A_553 = tpu.memref_slice %arg8[%dma_start3A_546, %dma_start3A_552] : memref<3x128xi32, #tpu.memory_space<vmem>> -> memref<1x128xi32, #tpu.memory_space<vmem>>
      %dma_start3A_554 = tpu.memref_squeeze %dma_start3A_553 : memref<1x128xi32, #tpu.memory_space<vmem>> -> memref<128xi32, #tpu.memory_space<vmem>>
      %dma_start3A_555 = tpu.memref_slice %arg3[%dma_start3A_545, %add3A_544] : memref<2x3200000xi32, #tpu.memory_space<hbm>> -> memref<1x128xi32, #tpu.memory_space<hbm>>
      %dma_start3A_556 = tpu.memref_squeeze %dma_start3A_555 : memref<1x128xi32, #tpu.memory_space<hbm>> -> memref<128xi32, #tpu.memory_space<hbm>>
      tpu.enqueue_dma source(%dma_start3A_556 : memref<128xi32, #tpu.memory_space<hbm>>) target(%dma_start3A_554 : memref<128xi32, #tpu.memory_space<vmem>>) target_semaphore(%arg16 : memref<!tpu.dma_semaphore, #tpu.memory_space<semaphore_mem>>)
      %dma_start3A_557 = arith.constant 0 : i32
      %dma_start3A_558 = arith.constant 0 : i32
      %dma_start3A_559 = arith.constant 0 : i32
      %dma_start3A_560 = tpu.memref_slice %arg10[%dma_start3A_557, %dma_start3A_558, %dma_start3A_559] : memref<3x128x19xf32, #tpu.memory_space<vmem>> -> memref<1x128x19xf32, #tpu.memory_space<vmem>>
      %dma_start3A_561 = tpu.memref_squeeze %dma_start3A_560 : memref<1x128x19xf32, #tpu.memory_space<vmem>> -> memref<128x19xf32, #tpu.memory_space<vmem>>
      %dma_start3A_562 = arith.constant 0 : i32
      %dma_start3A_563 = tpu.memref_slice %arg4[%add3A_544, %dma_start3A_562] : memref<3200000x19xf32, #tpu.memory_space<hbm>> -> memref<128x19xf32, #tpu.memory_space<hbm>>
      %dma_start3A_564 = arith.constant 0 : i32
      %dma_start3A_565 = arith.constant 0 : i32
      %dma_start3A_566 = tpu.memref_slice %arg10[%dma_start3A_557, %dma_start3A_564, %dma_start3A_565] : memref<3x128x19xf32, #tpu.memory_space<vmem>> -> memref<1x128x19xf32, #tpu.memory_space<vmem>>
      %dma_start3A_567 = tpu.memref_squeeze %dma_start3A_566 : memref<1x128x19xf32, #tpu.memory_space<vmem>> -> memref<128x19xf32, #tpu.memory_space<vmem>>
      %dma_start3A_568 = arith.constant 0 : i32
      %dma_start3A_569 = tpu.memref_slice %arg4[%add3A_544, %dma_start3A_568] : memref<3200000x19xf32, #tpu.memory_space<hbm>> -> memref<128x19xf32, #tpu.memory_space<hbm>>
      tpu.enqueue_dma source(%dma_start3A_569 : memref<128x19xf32, #tpu.memory_space<hbm>>) target(%dma_start3A_567 : memref<128x19xf32, #tpu.memory_space<vmem>>) target_semaphore(%arg16 : memref<!tpu.dma_semaphore, #tpu.memory_space<semaphore_mem>>)
      %dma_start3A_570 = arith.constant 1 : i32
      %dma_start3A_571 = arith.constant 0 : i32
      %dma_start3A_572 = arith.constant 0 : i32
      %dma_start3A_573 = tpu.memref_slice %arg9[%dma_start3A_571, %dma_start3A_572] : memref<3x128xi32, #tpu.memory_space<vmem>> -> memref<1x128xi32, #tpu.memory_space<vmem>>
      %dma_start3A_574 = tpu.memref_squeeze %dma_start3A_573 : memref<1x128xi32, #tpu.memory_space<vmem>> -> memref<128xi32, #tpu.memory_space<vmem>>
      %dma_start3A_575 = tpu.memref_slice %arg3[%dma_start3A_570, %add3A_544] : memref<2x3200000xi32, #tpu.memory_space<hbm>> -> memref<1x128xi32, #tpu.memory_space<hbm>>
      %dma_start3A_576 = tpu.memref_squeeze %dma_start3A_575 : memref<1x128xi32, #tpu.memory_space<hbm>> -> memref<128xi32, #tpu.memory_space<hbm>>
      %dma_start3A_577 = arith.constant 0 : i32
      %dma_start3A_578 = tpu.memref_slice %arg9[%dma_start3A_571, %dma_start3A_577] : memref<3x128xi32, #tpu.memory_space<vmem>> -> memref<1x128xi32, #tpu.memory_space<vmem>>
      %dma_start3A_579 = tpu.memref_squeeze %dma_start3A_578 : memref<1x128xi32, #tpu.memory_space<vmem>> -> memref<128xi32, #tpu.memory_space<vmem>>
      %dma_start3A_580 = tpu.memref_slice %arg3[%dma_start3A_570, %add3A_544] : memref<2x3200000xi32, #tpu.memory_space<hbm>> -> memref<1x128xi32, #tpu.memory_space<hbm>>
      %dma_start3A_581 = tpu.memref_squeeze %dma_start3A_580 : memref<1x128xi32, #tpu.memory_space<hbm>> -> memref<128xi32, #tpu.memory_space<hbm>>
      tpu.enqueue_dma source(%dma_start3A_581 : memref<128xi32, #tpu.memory_space<hbm>>) target(%dma_start3A_579 : memref<128xi32, #tpu.memory_space<vmem>>) target_semaphore(%arg16 : memref<!tpu.dma_semaphore, #tpu.memory_space<semaphore_mem>>)
      %dma_wait3A_582 = arith.constant 1 : i32
      %dma_wait3A_583 = arith.constant 1 : i32
      %dma_wait3A_584 = arith.constant 0 : i32
      %dma_wait3A_585 = arith.constant 0 : i32
      %dma_wait3A_586 = tpu.memref_slice %arg11[%dma_wait3A_583, %dma_wait3A_584, %dma_wait3A_585] : memref<3x128x16xf32, #tpu.memory_space<vmem>> -> memref<1x128x16xf32, #tpu.memory_space<vmem>>
      %dma_wait3A_587 = tpu.memref_squeeze %dma_wait3A_586 : memref<1x128x16xf32, #tpu.memory_space<vmem>> -> memref<128x16xf32, #tpu.memory_space<vmem>>
      %dma_wait3A_588 = arith.constant 0 : i32
      %dma_wait3A_589 = tpu.memref_slice %arg8[%dma_wait3A_582, %dma_wait3A_588] : memref<3x128xi32, #tpu.memory_space<vmem>> -> memref<1x128xi32, #tpu.memory_space<vmem>>
      %dma_wait3A_590 = tpu.memref_squeeze %dma_wait3A_589 : memref<1x128xi32, #tpu.memory_space<vmem>> -> memref<128xi32, #tpu.memory_space<vmem>>
      %dma_wait3A_591 = arith.constant 0 : i32
      %dma_wait3A_592 = arith.constant 0 : i32
      %dma_wait3A_593 = tpu.memref_slice %arg2[%arg0, %dma_wait3A_591, %dma_wait3A_592] : memref<2x100000x16xf32, #tpu.memory_space<hbm>> -> memref<1x100000x16xf32, #tpu.memory_space<hbm>>
      %dma_wait3A_594 = tpu.memref_squeeze %dma_wait3A_593 : memref<1x100000x16xf32, #tpu.memory_space<hbm>> -> memref<100000x16xf32, #tpu.memory_space<hbm>>
      %dma_wait3A_595 = arith.constant 0 : i32
      %dma_wait3A_596 = arith.constant 0 : i32
      %dma_wait3A_597 = tpu.memref_slice %dma_wait3A_594[%dma_wait3A_595, %dma_wait3A_596] : memref<100000x16xf32, #tpu.memory_space<hbm>> -> memref<100000x16xf32, #tpu.memory_space<hbm>>
      tpu.wait_indirect_dma semaphore(%arg20 : memref<!tpu.dma_semaphore, #tpu.memory_space<semaphore_mem>>) src(%dma_wait3A_597 : memref<100000x16xf32, #tpu.memory_space<hbm>>) dst(%dma_wait3A_587 : memref<128x16xf32, #tpu.memory_space<vmem>>)
      %scan3A_598 = arith.constant 0 : i32
      %scan3A_599 = arith.constant 8 : i32
      %scan3A_600 = arith.addi %scan3A_598, %scan3A_599 : i32
      %scan3A_601 = arith.constant 1 : i32
      scf.for %scan3A_756 = %scan3A_598 to %scan3A_600 step %scan3A_601  : i32 {
        %mul3A_757 = arith.constant 16 : i32
        %mul3A_758 = arith.muli %scan3A_756, %mul3A_757 : i32
        %add3A_759 = arith.constant 0 : i32
        %add3A_760 = arith.addi %add3A_759, %mul3A_758 : i32
        %add3A_761 = arith.constant 0 : i32
        %add3A_762 = arith.addi %add3A_760, %add3A_761 : i32
        %broadcast_in_dim3A = vector.broadcast %add3A_762 : i32 to vector<16xi32>
        %gather3A = arith.constant 1 : i32
        %gather3A_763 = arith.constant 0 : i32
        %gather3A_764 = arith.constant 0 : i32
        %gather3A_765 = tpu.memref_slice %arg10[%gather3A, %gather3A_763, %gather3A_764] : memref<3x128x19xf32, #tpu.memory_space<vmem>> -> memref<1x128x19xf32, #tpu.memory_space<vmem>>
        %gather3A_766 = tpu.memref_squeeze %gather3A_765 : memref<1x128x19xf32, #tpu.memory_space<vmem>> -> memref<128x19xf32, #tpu.memory_space<vmem>>
        %gather3A_767 = tpu.vector_load_idx %gather3A_766[%broadcast_in_dim3A, %min3A_5] : memref<128x19xf32, #tpu.memory_space<vmem>>[vector<16xi32>, vector<16xi32>], vector<16xf32>,
        %gather3A_768 = arith.constant 1 : i32
        %gather3A_769 = arith.constant 0 : i32
        %gather3A_770 = arith.constant 0 : i32
        %gather3A_771 = tpu.memref_slice %arg11[%gather3A_768, %gather3A_769, %gather3A_770] : memref<3x128x16xf32, #tpu.memory_space<vmem>> -> memref<1x128x16xf32, #tpu.memory_space<vmem>>
        %gather3A_772 = tpu.memref_squeeze %gather3A_771 : memref<1x128x16xf32, #tpu.memory_space<vmem>> -> memref<128x16xf32, #tpu.memory_space<vmem>>
        %gather3A_773 = tpu.vector_load_idx %gather3A_772[%broadcast_in_dim3A, %iota3A] : memref<128x16xf32, #tpu.memory_space<vmem>>[vector<16xi32>, vector<16xi32>], vector<16xf32>,
        %mul3A_774 = arith.mulf %gather3A_773, %gather3A_767 : vector<16xf32>
        %scatter3A = arith.constant 1 : i32
        %scatter3A_775 = arith.constant 0 : i32
        %scatter3A_776 = arith.constant 0 : i32
        %scatter3A_777 = tpu.memref_slice %arg11[%scatter3A, %scatter3A_775, %scatter3A_776] : memref<3x128x16xf32, #tpu.memory_space<vmem>> -> memref<1x128x16xf32, #tpu.memory_space<vmem>>
        %scatter3A_778 = tpu.memref_squeeze %scatter3A_777 : memref<1x128x16xf32, #tpu.memory_space<vmem>> -> memref<128x16xf32, #tpu.memory_space<vmem>>
        tpu.vector_store_idx %scatter3A_778[%broadcast_in_dim3A, %iota3A], %mul3A_774 : memref<128x16xf32, #tpu.memory_space<vmem>>[vector<16xi32>, vector<16xi32>], vector<16xf32>,
        %add3A_779 = arith.constant 1 : i32
        %add3A_780 = arith.addi %add3A_760, %add3A_779 : i32
        %broadcast_in_dim3A_781 = vector.broadcast %add3A_780 : i32 to vector<16xi32>
        %gather3A_782 = arith.constant 1 : i32
        %gather3A_783 = arith.constant 0 : i32
        %gather3A_784 = arith.constant 0 : i32
        %gather3A_785 = tpu.memref_slice %arg10[%gather3A_782, %gather3A_783, %gather3A_784] : memref<3x128x19xf32, #tpu.memory_space<vmem>> -> memref<1x128x19xf32, #tpu.memory_space<vmem>>
        %gather3A_786 = tpu.memref_squeeze %gather3A_785 : memref<1x128x19xf32, #tpu.memory_space<vmem>> -> memref<128x19xf32, #tpu.memory_space<vmem>>
        %gather3A_787 = tpu.vector_load_idx %gather3A_786[%broadcast_in_dim3A_781, %min3A_5] : memref<128x19xf32, #tpu.memory_space<vmem>>[vector<16xi32>, vector<16xi32>], vector<16xf32>,
        %gather3A_788 = arith.constant 1 : i32
        %gather3A_789 = arith.constant 0 : i32
        %gather3A_790 = arith.constant 0 : i32
        %gather3A_791 = tpu.memref_slice %arg11[%gather3A_788, %gather3A_789, %gather3A_790] : memref<3x128x16xf32, #tpu.memory_space<vmem>> -> memref<1x128x16xf32, #tpu.memory_space<vmem>>
        %gather3A_792 = tpu.memref_squeeze %gather3A_791 : memref<1x128x16xf32, #tpu.memory_space<vmem>> -> memref<128x16xf32, #tpu.memory_space<vmem>>
        %gather3A_793 = tpu.vector_load_idx %gather3A_792[%broadcast_in_dim3A_781, %iota3A] : memref<128x16xf32, #tpu.memory_space<vmem>>[vector<16xi32>, vector<16xi32>], vector<16xf32>,
        %mul3A_794 = arith.mulf %gather3A_793, %gather3A_787 : vector<16xf32>
        %scatter3A_795 = arith.constant 1 : i32
        %scatter3A_796 = arith.constant 0 : i32
        %scatter3A_797 = arith.constant 0 : i32
        %scatter3A_798 = tpu.memref_slice %arg11[%scatter3A_795, %scatter3A_796, %scatter3A_797] : memref<3x128x16xf32, #tpu.memory_space<vmem>> -> memref<1x128x16xf32, #tpu.memory_space<vmem>>
        %scatter3A_799 = tpu.memref_squeeze %scatter3A_798 : memref<1x128x16xf32, #tpu.memory_space<vmem>> -> memref<128x16xf32, #tpu.memory_space<vmem>>
        tpu.vector_store_idx %scatter3A_799[%broadcast_in_dim3A_781, %iota3A], %mul3A_794 : memref<128x16xf32, #tpu.memory_space<vmem>>[vector<16xi32>, vector<16xi32>], vector<16xf32>,
        %add3A_800 = arith.constant 2 : i32
        %add3A_801 = arith.addi %add3A_760, %add3A_800 : i32
        %broadcast_in_dim3A_802 = vector.broadcast %add3A_801 : i32 to vector<16xi32>
        %gather3A_803 = arith.constant 1 : i32
        %gather3A_804 = arith.constant 0 : i32
        %gather3A_805 = arith.constant 0 : i32
        %gather3A_806 = tpu.memref_slice %arg10[%gather3A_803, %gather3A_804, %gather3A_805] : memref<3x128x19xf32, #tpu.memory_space<vmem>> -> memref<1x128x19xf32, #tpu.memory_space<vmem>>
        %gather3A_807 = tpu.memref_squeeze %gather3A_806 : memref<1x128x19xf32, #tpu.memory_space<vmem>> -> memref<128x19xf32, #tpu.memory_space<vmem>>
        %gather3A_808 = tpu.vector_load_idx %gather3A_807[%broadcast_in_dim3A_802, %min3A_5] : memref<128x19xf32, #tpu.memory_space<vmem>>[vector<16xi32>, vector<16xi32>], vector<16xf32>,
        %gather3A_809 = arith.constant 1 : i32
        %gather3A_810 = arith.constant 0 : i32
        %gather3A_811 = arith.constant 0 : i32
        %gather3A_812 = tpu.memref_slice %arg11[%gather3A_809, %gather3A_810, %gather3A_811] : memref<3x128x16xf32, #tpu.memory_space<vmem>> -> memref<1x128x16xf32, #tpu.memory_space<vmem>>
        %gather3A_813 = tpu.memref_squeeze %gather3A_812 : memref<1x128x16xf32, #tpu.memory_space<vmem>> -> memref<128x16xf32, #tpu.memory_space<vmem>>
        %gather3A_814 = tpu.vector_load_idx %gather3A_813[%broadcast_in_dim3A_802, %iota3A] : memref<128x16xf32, #tpu.memory_space<vmem>>[vector<16xi32>, vector<16xi32>], vector<16xf32>,
        %mul3A_815 = arith.mulf %gather3A_814, %gather3A_808 : vector<16xf32>
        %scatter3A_816 = arith.constant 1 : i32
        %scatter3A_817 = arith.constant 0 : i32
        %scatter3A_818 = arith.constant 0 : i32
        %scatter3A_819 = tpu.memref_slice %arg11[%scatter3A_816, %scatter3A_817, %scatter3A_818] : memref<3x128x16xf32, #tpu.memory_space<vmem>> -> memref<1x128x16xf32, #tpu.memory_space<vmem>>
        %scatter3A_820 = tpu.memref_squeeze %scatter3A_819 : memref<1x128x16xf32, #tpu.memory_space<vmem>> -> memref<128x16xf32, #tpu.memory_space<vmem>>
        tpu.vector_store_idx %scatter3A_820[%broadcast_in_dim3A_802, %iota3A], %mul3A_815 : memref<128x16xf32, #tpu.memory_space<vmem>>[vector<16xi32>, vector<16xi32>], vector<16xf32>,
        %add3A_821 = arith.constant 3 : i32
        %add3A_822 = arith.addi %add3A_760, %add3A_821 : i32
        %broadcast_in_dim3A_823 = vector.broadcast %add3A_822 : i32 to vector<16xi32>
        %gather3A_824 = arith.constant 1 : i32
        %gather3A_825 = arith.constant 0 : i32
        %gather3A_826 = arith.constant 0 : i32
        %gather3A_827 = tpu.memref_slice %arg10[%gather3A_824, %gather3A_825, %gather3A_826] : memref<3x128x19xf32, #tpu.memory_space<vmem>> -> memref<1x128x19xf32, #tpu.memory_space<vmem>>
        %gather3A_828 = tpu.memref_squeeze %gather3A_827 : memref<1x128x19xf32, #tpu.memory_space<vmem>> -> memref<128x19xf32, #tpu.memory_space<vmem>>
        %gather3A_829 = tpu.vector_load_idx %gather3A_828[%broadcast_in_dim3A_823, %min3A_5] : memref<128x19xf32, #tpu.memory_space<vmem>>[vector<16xi32>, vector<16xi32>], vector<16xf32>,
        %gather3A_830 = arith.constant 1 : i32
        %gather3A_831 = arith.constant 0 : i32
        %gather3A_832 = arith.constant 0 : i32
        %gather3A_833 = tpu.memref_slice %arg11[%gather3A_830, %gather3A_831, %gather3A_832] : memref<3x128x16xf32, #tpu.memory_space<vmem>> -> memref<1x128x16xf32, #tpu.memory_space<vmem>>
        %gather3A_834 = tpu.memref_squeeze %gather3A_833 : memref<1x128x16xf32, #tpu.memory_space<vmem>> -> memref<128x16xf32, #tpu.memory_space<vmem>>
        %gather3A_835 = tpu.vector_load_idx %gather3A_834[%broadcast_in_dim3A_823, %iota3A] : memref<128x16xf32, #tpu.memory_space<vmem>>[vector<16xi32>, vector<16xi32>], vector<16xf32>,
        %mul3A_836 = arith.mulf %gather3A_835, %gather3A_829 : vector<16xf32>
        %scatter3A_837 = arith.constant 1 : i32
        %scatter3A_838 = arith.constant 0 : i32
        %scatter3A_839 = arith.constant 0 : i32
        %scatter3A_840 = tpu.memref_slice %arg11[%scatter3A_837, %scatter3A_838, %scatter3A_839] : memref<3x128x16xf32, #tpu.memory_space<vmem>> -> memref<1x128x16xf32, #tpu.memory_space<vmem>>
        %scatter3A_841 = tpu.memref_squeeze %scatter3A_840 : memref<1x128x16xf32, #tpu.memory_space<vmem>> -> memref<128x16xf32, #tpu.memory_space<vmem>>
        tpu.vector_store_idx %scatter3A_841[%broadcast_in_dim3A_823, %iota3A], %mul3A_836 : memref<128x16xf32, #tpu.memory_space<vmem>>[vector<16xi32>, vector<16xi32>], vector<16xf32>,
        %add3A_842 = arith.constant 4 : i32
        %add3A_843 = arith.addi %add3A_760, %add3A_842 : i32
        %broadcast_in_dim3A_844 = vector.broadcast %add3A_843 : i32 to vector<16xi32>
        %gather3A_845 = arith.constant 1 : i32
        %gather3A_846 = arith.constant 0 : i32
        %gather3A_847 = arith.constant 0 : i32
        %gather3A_848 = tpu.memref_slice %arg10[%gather3A_845, %gather3A_846, %gather3A_847] : memref<3x128x19xf32, #tpu.memory_space<vmem>> -> memref<1x128x19xf32, #tpu.memory_space<vmem>>
        %gather3A_849 = tpu.memref_squeeze %gather3A_848 : memref<1x128x19xf32, #tpu.memory_space<vmem>> -> memref<128x19xf32, #tpu.memory_space<vmem>>
        %gather3A_850 = tpu.vector_load_idx %gather3A_849[%broadcast_in_dim3A_844, %min3A_5] : memref<128x19xf32, #tpu.memory_space<vmem>>[vector<16xi32>, vector<16xi32>], vector<16xf32>,
        %gather3A_851 = arith.constant 1 : i32
        %gather3A_852 = arith.constant 0 : i32
        %gather3A_853 = arith.constant 0 : i32
        %gather3A_854 = tpu.memref_slice %arg11[%gather3A_851, %gather3A_852, %gather3A_853] : memref<3x128x16xf32, #tpu.memory_space<vmem>> -> memref<1x128x16xf32, #tpu.memory_space<vmem>>
        %gather3A_855 = tpu.memref_squeeze %gather3A_854 : memref<1x128x16xf32, #tpu.memory_space<vmem>> -> memref<128x16xf32, #tpu.memory_space<vmem>>
        %gather3A_856 = tpu.vector_load_idx %gather3A_855[%broadcast_in_dim3A_844, %iota3A] : memref<128x16xf32, #tpu.memory_space<vmem>>[vector<16xi32>, vector<16xi32>], vector<16xf32>,
        %mul3A_857 = arith.mulf %gather3A_856, %gather3A_850 : vector<16xf32>
        %scatter3A_858 = arith.constant 1 : i32
        %scatter3A_859 = arith.constant 0 : i32
        %scatter3A_860 = arith.constant 0 : i32
        %scatter3A_861 = tpu.memref_slice %arg11[%scatter3A_858, %scatter3A_859, %scatter3A_860] : memref<3x128x16xf32, #tpu.memory_space<vmem>> -> memref<1x128x16xf32, #tpu.memory_space<vmem>>
        %scatter3A_862 = tpu.memref_squeeze %scatter3A_861 : memref<1x128x16xf32, #tpu.memory_space<vmem>> -> memref<128x16xf32, #tpu.memory_space<vmem>>
        tpu.vector_store_idx %scatter3A_862[%broadcast_in_dim3A_844, %iota3A], %mul3A_857 : memref<128x16xf32, #tpu.memory_space<vmem>>[vector<16xi32>, vector<16xi32>], vector<16xf32>,
        %add3A_863 = arith.constant 5 : i32
        %add3A_864 = arith.addi %add3A_760, %add3A_863 : i32
        %broadcast_in_dim3A_865 = vector.broadcast %add3A_864 : i32 to vector<16xi32>
        %gather3A_866 = arith.constant 1 : i32
        %gather3A_867 = arith.constant 0 : i32
        %gather3A_868 = arith.constant 0 : i32
        %gather3A_869 = tpu.memref_slice %arg10[%gather3A_866, %gather3A_867, %gather3A_868] : memref<3x128x19xf32, #tpu.memory_space<vmem>> -> memref<1x128x19xf32, #tpu.memory_space<vmem>>
        %gather3A_870 = tpu.memref_squeeze %gather3A_869 : memref<1x128x19xf32, #tpu.memory_space<vmem>> -> memref<128x19xf32, #tpu.memory_space<vmem>>
        %gather3A_871 = tpu.vector_load_idx %gather3A_870[%broadcast_in_dim3A_865, %min3A_5] : memref<128x19xf32, #tpu.memory_space<vmem>>[vector<16xi32>, vector<16xi32>], vector<16xf32>,
        %gather3A_872 = arith.constant 1 : i32
        %gather3A_873 = arith.constant 0 : i32
        %gather3A_874 = arith.constant 0 : i32
        %gather3A_875 = tpu.memref_slice %arg11[%gather3A_872, %gather3A_873, %gather3A_874] : memref<3x128x16xf32, #tpu.memory_space<vmem>> -> memref<1x128x16xf32, #tpu.memory_space<vmem>>
        %gather3A_876 = tpu.memref_squeeze %gather3A_875 : memref<1x128x16xf32, #tpu.memory_space<vmem>> -> memref<128x16xf32, #tpu.memory_space<vmem>>
        %gather3A_877 = tpu.vector_load_idx %gather3A_876[%broadcast_in_dim3A_865, %iota3A] : memref<128x16xf32, #tpu.memory_space<vmem>>[vector<16xi32>, vector<16xi32>], vector<16xf32>,
        %mul3A_878 = arith.mulf %gather3A_877, %gather3A_871 : vector<16xf32>
        %scatter3A_879 = arith.constant 1 : i32
        %scatter3A_880 = arith.constant 0 : i32
        %scatter3A_881 = arith.constant 0 : i32
        %scatter3A_882 = tpu.memref_slice %arg11[%scatter3A_879, %scatter3A_880, %scatter3A_881] : memref<3x128x16xf32, #tpu.memory_space<vmem>> -> memref<1x128x16xf32, #tpu.memory_space<vmem>>
        %scatter3A_883 = tpu.memref_squeeze %scatter3A_882 : memref<1x128x16xf32, #tpu.memory_space<vmem>> -> memref<128x16xf32, #tpu.memory_space<vmem>>
        tpu.vector_store_idx %scatter3A_883[%broadcast_in_dim3A_865, %iota3A], %mul3A_878 : memref<128x16xf32, #tpu.memory_space<vmem>>[vector<16xi32>, vector<16xi32>], vector<16xf32>,
        %add3A_884 = arith.constant 6 : i32
        %add3A_885 = arith.addi %add3A_760, %add3A_884 : i32
        %broadcast_in_dim3A_886 = vector.broadcast %add3A_885 : i32 to vector<16xi32>
        %gather3A_887 = arith.constant 1 : i32
        %gather3A_888 = arith.constant 0 : i32
        %gather3A_889 = arith.constant 0 : i32
        %gather3A_890 = tpu.memref_slice %arg10[%gather3A_887, %gather3A_888, %gather3A_889] : memref<3x128x19xf32, #tpu.memory_space<vmem>> -> memref<1x128x19xf32, #tpu.memory_space<vmem>>
        %gather3A_891 = tpu.memref_squeeze %gather3A_890 : memref<1x128x19xf32, #tpu.memory_space<vmem>> -> memref<128x19xf32, #tpu.memory_space<vmem>>
        %gather3A_892 = tpu.vector_load_idx %gather3A_891[%broadcast_in_dim3A_886, %min3A_5] : memref<128x19xf32, #tpu.memory_space<vmem>>[vector<16xi32>, vector<16xi32>], vector<16xf32>,
        %gather3A_893 = arith.constant 1 : i32
        %gather3A_894 = arith.constant 0 : i32
        %gather3A_895 = arith.constant 0 : i32
        %gather3A_896 = tpu.memref_slice %arg11[%gather3A_893, %gather3A_894, %gather3A_895] : memref<3x128x16xf32, #tpu.memory_space<vmem>> -> memref<1x128x16xf32, #tpu.memory_space<vmem>>
        %gather3A_897 = tpu.memref_squeeze %gather3A_896 : memref<1x128x16xf32, #tpu.memory_space<vmem>> -> memref<128x16xf32, #tpu.memory_space<vmem>>
        %gather3A_898 = tpu.vector_load_idx %gather3A_897[%broadcast_in_dim3A_886, %iota3A] : memref<128x16xf32, #tpu.memory_space<vmem>>[vector<16xi32>, vector<16xi32>], vector<16xf32>,
        %mul3A_899 = arith.mulf %gather3A_898, %gather3A_892 : vector<16xf32>
        %scatter3A_900 = arith.constant 1 : i32
        %scatter3A_901 = arith.constant 0 : i32
        %scatter3A_902 = arith.constant 0 : i32
        %scatter3A_903 = tpu.memref_slice %arg11[%scatter3A_900, %scatter3A_901, %scatter3A_902] : memref<3x128x16xf32, #tpu.memory_space<vmem>> -> memref<1x128x16xf32, #tpu.memory_space<vmem>>
        %scatter3A_904 = tpu.memref_squeeze %scatter3A_903 : memref<1x128x16xf32, #tpu.memory_space<vmem>> -> memref<128x16xf32, #tpu.memory_space<vmem>>
        tpu.vector_store_idx %scatter3A_904[%broadcast_in_dim3A_886, %iota3A], %mul3A_899 : memref<128x16xf32, #tpu.memory_space<vmem>>[vector<16xi32>, vector<16xi32>], vector<16xf32>,
        %add3A_905 = arith.constant 7 : i32
        %add3A_906 = arith.addi %add3A_760, %add3A_905 : i32
        %broadcast_in_dim3A_907 = vector.broadcast %add3A_906 : i32 to vector<16xi32>
        %gather3A_908 = arith.constant 1 : i32
        %gather3A_909 = arith.constant 0 : i32
        %gather3A_910 = arith.constant 0 : i32
        %gather3A_911 = tpu.memref_slice %arg10[%gather3A_908, %gather3A_909, %gather3A_910] : memref<3x128x19xf32, #tpu.memory_space<vmem>> -> memref<1x128x19xf32, #tpu.memory_space<vmem>>
        %gather3A_912 = tpu.memref_squeeze %gather3A_911 : memref<1x128x19xf32, #tpu.memory_space<vmem>> -> memref<128x19xf32, #tpu.memory_space<vmem>>
        %gather3A_913 = tpu.vector_load_idx %gather3A_912[%broadcast_in_dim3A_907, %min3A_5] : memref<128x19xf32, #tpu.memory_space<vmem>>[vector<16xi32>, vector<16xi32>], vector<16xf32>,
        %gather3A_914 = arith.constant 1 : i32
        %gather3A_915 = arith.constant 0 : i32
        %gather3A_916 = arith.constant 0 : i32
        %gather3A_917 = tpu.memref_slice %arg11[%gather3A_914, %gather3A_915, %gather3A_916] : memref<3x128x16xf32, #tpu.memory_space<vmem>> -> memref<1x128x16xf32, #tpu.memory_space<vmem>>
        %gather3A_918 = tpu.memref_squeeze %gather3A_917 : memref<1x128x16xf32, #tpu.memory_space<vmem>> -> memref<128x16xf32, #tpu.memory_space<vmem>>
        %gather3A_919 = tpu.vector_load_idx %gather3A_918[%broadcast_in_dim3A_907, %iota3A] : memref<128x16xf32, #tpu.memory_space<vmem>>[vector<16xi32>, vector<16xi32>], vector<16xf32>,
        %mul3A_920 = arith.mulf %gather3A_919, %gather3A_913 : vector<16xf32>
        %scatter3A_921 = arith.constant 1 : i32
        %scatter3A_922 = arith.constant 0 : i32
        %scatter3A_923 = arith.constant 0 : i32
        %scatter3A_924 = tpu.memref_slice %arg11[%scatter3A_921, %scatter3A_922, %scatter3A_923] : memref<3x128x16xf32, #tpu.memory_space<vmem>> -> memref<1x128x16xf32, #tpu.memory_space<vmem>>
        %scatter3A_925 = tpu.memref_squeeze %scatter3A_924 : memref<1x128x16xf32, #tpu.memory_space<vmem>> -> memref<128x16xf32, #tpu.memory_space<vmem>>
        tpu.vector_store_idx %scatter3A_925[%broadcast_in_dim3A_907, %iota3A], %mul3A_920 : memref<128x16xf32, #tpu.memory_space<vmem>>[vector<16xi32>, vector<16xi32>], vector<16xf32>,
        %add3A_926 = arith.constant 8 : i32
        %add3A_927 = arith.addi %add3A_760, %add3A_926 : i32
        %broadcast_in_dim3A_928 = vector.broadcast %add3A_927 : i32 to vector<16xi32>
        %gather3A_929 = arith.constant 1 : i32
        %gather3A_930 = arith.constant 0 : i32
        %gather3A_931 = arith.constant 0 : i32
        %gather3A_932 = tpu.memref_slice %arg10[%gather3A_929, %gather3A_930, %gather3A_931] : memref<3x128x19xf32, #tpu.memory_space<vmem>> -> memref<1x128x19xf32, #tpu.memory_space<vmem>>
        %gather3A_933 = tpu.memref_squeeze %gather3A_932 : memref<1x128x19xf32, #tpu.memory_space<vmem>> -> memref<128x19xf32, #tpu.memory_space<vmem>>
        %gather3A_934 = tpu.vector_load_idx %gather3A_933[%broadcast_in_dim3A_928, %min3A_5] : memref<128x19xf32, #tpu.memory_space<vmem>>[vector<16xi32>, vector<16xi32>], vector<16xf32>,
        %gather3A_935 = arith.constant 1 : i32
        %gather3A_936 = arith.constant 0 : i32
        %gather3A_937 = arith.constant 0 : i32
        %gather3A_938 = tpu.memref_slice %arg11[%gather3A_935, %gather3A_936, %gather3A_937] : memref<3x128x16xf32, #tpu.memory_space<vmem>> -> memref<1x128x16xf32, #tpu.memory_space<vmem>>
        %gather3A_939 = tpu.memref_squeeze %gather3A_938 : memref<1x128x16xf32, #tpu.memory_space<vmem>> -> memref<128x16xf32, #tpu.memory_space<vmem>>
        %gather3A_940 = tpu.vector_load_idx %gather3A_939[%broadcast_in_dim3A_928, %iota3A] : memref<128x16xf32, #tpu.memory_space<vmem>>[vector<16xi32>, vector<16xi32>], vector<16xf32>,
        %mul3A_941 = arith.mulf %gather3A_940, %gather3A_934 : vector<16xf32>
        %scatter3A_942 = arith.constant 1 : i32
        %scatter3A_943 = arith.constant 0 : i32
        %scatter3A_944 = arith.constant 0 : i32
        %scatter3A_945 = tpu.memref_slice %arg11[%scatter3A_942, %scatter3A_943, %scatter3A_944] : memref<3x128x16xf32, #tpu.memory_space<vmem>> -> memref<1x128x16xf32, #tpu.memory_space<vmem>>
        %scatter3A_946 = tpu.memref_squeeze %scatter3A_945 : memref<1x128x16xf32, #tpu.memory_space<vmem>> -> memref<128x16xf32, #tpu.memory_space<vmem>>
        tpu.vector_store_idx %scatter3A_946[%broadcast_in_dim3A_928, %iota3A], %mul3A_941 : memref<128x16xf32, #tpu.memory_space<vmem>>[vector<16xi32>, vector<16xi32>], vector<16xf32>,
        %add3A_947 = arith.constant 9 : i32
        %add3A_948 = arith.addi %add3A_760, %add3A_947 : i32
        %broadcast_in_dim3A_949 = vector.broadcast %add3A_948 : i32 to vector<16xi32>
        %gather3A_950 = arith.constant 1 : i32
        %gather3A_951 = arith.constant 0 : i32
        %gather3A_952 = arith.constant 0 : i32
        %gather3A_953 = tpu.memref_slice %arg10[%gather3A_950, %gather3A_951, %gather3A_952] : memref<3x128x19xf32, #tpu.memory_space<vmem>> -> memref<1x128x19xf32, #tpu.memory_space<vmem>>
        %gather3A_954 = tpu.memref_squeeze %gather3A_953 : memref<1x128x19xf32, #tpu.memory_space<vmem>> -> memref<128x19xf32, #tpu.memory_space<vmem>>
        %gather3A_955 = tpu.vector_load_idx %gather3A_954[%broadcast_in_dim3A_949, %min3A_5] : memref<128x19xf32, #tpu.memory_space<vmem>>[vector<16xi32>, vector<16xi32>], vector<16xf32>,
        %gather3A_956 = arith.constant 1 : i32
        %gather3A_957 = arith.constant 0 : i32
        %gather3A_958 = arith.constant 0 : i32
        %gather3A_959 = tpu.memref_slice %arg11[%gather3A_956, %gather3A_957, %gather3A_958] : memref<3x128x16xf32, #tpu.memory_space<vmem>> -> memref<1x128x16xf32, #tpu.memory_space<vmem>>
        %gather3A_960 = tpu.memref_squeeze %gather3A_959 : memref<1x128x16xf32, #tpu.memory_space<vmem>> -> memref<128x16xf32, #tpu.memory_space<vmem>>
        %gather3A_961 = tpu.vector_load_idx %gather3A_960[%broadcast_in_dim3A_949, %iota3A] : memref<128x16xf32, #tpu.memory_space<vmem>>[vector<16xi32>, vector<16xi32>], vector<16xf32>,
        %mul3A_962 = arith.mulf %gather3A_961, %gather3A_955 : vector<16xf32>
        %scatter3A_963 = arith.constant 1 : i32
        %scatter3A_964 = arith.constant 0 : i32
        %scatter3A_965 = arith.constant 0 : i32
        %scatter3A_966 = tpu.memref_slice %arg11[%scatter3A_963, %scatter3A_964, %scatter3A_965] : memref<3x128x16xf32, #tpu.memory_space<vmem>> -> memref<1x128x16xf32, #tpu.memory_space<vmem>>
        %scatter3A_967 = tpu.memref_squeeze %scatter3A_966 : memref<1x128x16xf32, #tpu.memory_space<vmem>> -> memref<128x16xf32, #tpu.memory_space<vmem>>
        tpu.vector_store_idx %scatter3A_967[%broadcast_in_dim3A_949, %iota3A], %mul3A_962 : memref<128x16xf32, #tpu.memory_space<vmem>>[vector<16xi32>, vector<16xi32>], vector<16xf32>,
        %add3A_968 = arith.constant 10 : i32
        %add3A_969 = arith.addi %add3A_760, %add3A_968 : i32
        %broadcast_in_dim3A_970 = vector.broadcast %add3A_969 : i32 to vector<16xi32>
        %gather3A_971 = arith.constant 1 : i32
        %gather3A_972 = arith.constant 0 : i32
        %gather3A_973 = arith.constant 0 : i32
        %gather3A_974 = tpu.memref_slice %arg10[%gather3A_971, %gather3A_972, %gather3A_973] : memref<3x128x19xf32, #tpu.memory_space<vmem>> -> memref<1x128x19xf32, #tpu.memory_space<vmem>>
        %gather3A_975 = tpu.memref_squeeze %gather3A_974 : memref<1x128x19xf32, #tpu.memory_space<vmem>> -> memref<128x19xf32, #tpu.memory_space<vmem>>
        %gather3A_976 = tpu.vector_load_idx %gather3A_975[%broadcast_in_dim3A_970, %min3A_5] : memref<128x19xf32, #tpu.memory_space<vmem>>[vector<16xi32>, vector<16xi32>], vector<16xf32>,
        %gather3A_977 = arith.constant 1 : i32
        %gather3A_978 = arith.constant 0 : i32
        %gather3A_979 = arith.constant 0 : i32
        %gather3A_980 = tpu.memref_slice %arg11[%gather3A_977, %gather3A_978, %gather3A_979] : memref<3x128x16xf32, #tpu.memory_space<vmem>> -> memref<1x128x16xf32, #tpu.memory_space<vmem>>
        %gather3A_981 = tpu.memref_squeeze %gather3A_980 : memref<1x128x16xf32, #tpu.memory_space<vmem>> -> memref<128x16xf32, #tpu.memory_space<vmem>>
        %gather3A_982 = tpu.vector_load_idx %gather3A_981[%broadcast_in_dim3A_970, %iota3A] : memref<128x16xf32, #tpu.memory_space<vmem>>[vector<16xi32>, vector<16xi32>], vector<16xf32>,
        %mul3A_983 = arith.mulf %gather3A_982, %gather3A_976 : vector<16xf32>
        %scatter3A_984 = arith.constant 1 : i32
        %scatter3A_985 = arith.constant 0 : i32
        %scatter3A_986 = arith.constant 0 : i32
        %scatter3A_987 = tpu.memref_slice %arg11[%scatter3A_984, %scatter3A_985, %scatter3A_986] : memref<3x128x16xf32, #tpu.memory_space<vmem>> -> memref<1x128x16xf32, #tpu.memory_space<vmem>>
        %scatter3A_988 = tpu.memref_squeeze %scatter3A_987 : memref<1x128x16xf32, #tpu.memory_space<vmem>> -> memref<128x16xf32, #tpu.memory_space<vmem>>
        tpu.vector_store_idx %scatter3A_988[%broadcast_in_dim3A_970, %iota3A], %mul3A_983 : memref<128x16xf32, #tpu.memory_space<vmem>>[vector<16xi32>, vector<16xi32>], vector<16xf32>,
        %add3A_989 = arith.constant 11 : i32
        %add3A_990 = arith.addi %add3A_760, %add3A_989 : i32
        %broadcast_in_dim3A_991 = vector.broadcast %add3A_990 : i32 to vector<16xi32>
        %gather3A_992 = arith.constant 1 : i32
        %gather3A_993 = arith.constant 0 : i32
        %gather3A_994 = arith.constant 0 : i32
        %gather3A_995 = tpu.memref_slice %arg10[%gather3A_992, %gather3A_993, %gather3A_994] : memref<3x128x19xf32, #tpu.memory_space<vmem>> -> memref<1x128x19xf32, #tpu.memory_space<vmem>>
        %gather3A_996 = tpu.memref_squeeze %gather3A_995 : memref<1x128x19xf32, #tpu.memory_space<vmem>> -> memref<128x19xf32, #tpu.memory_space<vmem>>
        %gather3A_997 = tpu.vector_load_idx %gather3A_996[%broadcast_in_dim3A_991, %min3A_5] : memref<128x19xf32, #tpu.memory_space<vmem>>[vector<16xi32>, vector<16xi32>], vector<16xf32>,
        %gather3A_998 = arith.constant 1 : i32
        %gather3A_999 = arith.constant 0 : i32
        %gather3A_1000 = arith.constant 0 : i32
        %gather3A_1001 = tpu.memref_slice %arg11[%gather3A_998, %gather3A_999, %gather3A_1000] : memref<3x128x16xf32, #tpu.memory_space<vmem>> -> memref<1x128x16xf32, #tpu.memory_space<vmem>>
        %gather3A_1002 = tpu.memref_squeeze %gather3A_1001 : memref<1x128x16xf32, #tpu.memory_space<vmem>> -> memref<128x16xf32, #tpu.memory_space<vmem>>
        %gather3A_1003 = tpu.vector_load_idx %gather3A_1002[%broadcast_in_dim3A_991, %iota3A] : memref<128x16xf32, #tpu.memory_space<vmem>>[vector<16xi32>, vector<16xi32>], vector<16xf32>,
        %mul3A_1004 = arith.mulf %gather3A_1003, %gather3A_997 : vector<16xf32>
        %scatter3A_1005 = arith.constant 1 : i32
        %scatter3A_1006 = arith.constant 0 : i32
        %scatter3A_1007 = arith.constant 0 : i32
        %scatter3A_1008 = tpu.memref_slice %arg11[%scatter3A_1005, %scatter3A_1006, %scatter3A_1007] : memref<3x128x16xf32, #tpu.memory_space<vmem>> -> memref<1x128x16xf32, #tpu.memory_space<vmem>>
        %scatter3A_1009 = tpu.memref_squeeze %scatter3A_1008 : memref<1x128x16xf32, #tpu.memory_space<vmem>> -> memref<128x16xf32, #tpu.memory_space<vmem>>
        tpu.vector_store_idx %scatter3A_1009[%broadcast_in_dim3A_991, %iota3A], %mul3A_1004 : memref<128x16xf32, #tpu.memory_space<vmem>>[vector<16xi32>, vector<16xi32>], vector<16xf32>,
        %add3A_1010 = arith.constant 12 : i32
        %add3A_1011 = arith.addi %add3A_760, %add3A_1010 : i32
        %broadcast_in_dim3A_1012 = vector.broadcast %add3A_1011 : i32 to vector<16xi32>
        %gather3A_1013 = arith.constant 1 : i32
        %gather3A_1014 = arith.constant 0 : i32
        %gather3A_1015 = arith.constant 0 : i32
        %gather3A_1016 = tpu.memref_slice %arg10[%gather3A_1013, %gather3A_1014, %gather3A_1015] : memref<3x128x19xf32, #tpu.memory_space<vmem>> -> memref<1x128x19xf32, #tpu.memory_space<vmem>>
        %gather3A_1017 = tpu.memref_squeeze %gather3A_1016 : memref<1x128x19xf32, #tpu.memory_space<vmem>> -> memref<128x19xf32, #tpu.memory_space<vmem>>
        %gather3A_1018 = tpu.vector_load_idx %gather3A_1017[%broadcast_in_dim3A_1012, %min3A_5] : memref<128x19xf32, #tpu.memory_space<vmem>>[vector<16xi32>, vector<16xi32>], vector<16xf32>,
        %gather3A_1019 = arith.constant 1 : i32
        %gather3A_1020 = arith.constant 0 : i32
        %gather3A_1021 = arith.constant 0 : i32
        %gather3A_1022 = tpu.memref_slice %arg11[%gather3A_1019, %gather3A_1020, %gather3A_1021] : memref<3x128x16xf32, #tpu.memory_space<vmem>> -> memref<1x128x16xf32, #tpu.memory_space<vmem>>
        %gather3A_1023 = tpu.memref_squeeze %gather3A_1022 : memref<1x128x16xf32, #tpu.memory_space<vmem>> -> memref<128x16xf32, #tpu.memory_space<vmem>>
        %gather3A_1024 = tpu.vector_load_idx %gather3A_1023[%broadcast_in_dim3A_1012, %iota3A] : memref<128x16xf32, #tpu.memory_space<vmem>>[vector<16xi32>, vector<16xi32>], vector<16xf32>,
        %mul3A_1025 = arith.mulf %gather3A_1024, %gather3A_1018 : vector<16xf32>
        %scatter3A_1026 = arith.constant 1 : i32
        %scatter3A_1027 = arith.constant 0 : i32
        %scatter3A_1028 = arith.constant 0 : i32
        %scatter3A_1029 = tpu.memref_slice %arg11[%scatter3A_1026, %scatter3A_1027, %scatter3A_1028] : memref<3x128x16xf32, #tpu.memory_space<vmem>> -> memref<1x128x16xf32, #tpu.memory_space<vmem>>
        %scatter3A_1030 = tpu.memref_squeeze %scatter3A_1029 : memref<1x128x16xf32, #tpu.memory_space<vmem>> -> memref<128x16xf32, #tpu.memory_space<vmem>>
        tpu.vector_store_idx %scatter3A_1030[%broadcast_in_dim3A_1012, %iota3A], %mul3A_1025 : memref<128x16xf32, #tpu.memory_space<vmem>>[vector<16xi32>, vector<16xi32>], vector<16xf32>,
        %add3A_1031 = arith.constant 13 : i32
        %add3A_1032 = arith.addi %add3A_760, %add3A_1031 : i32
        %broadcast_in_dim3A_1033 = vector.broadcast %add3A_1032 : i32 to vector<16xi32>
        %gather3A_1034 = arith.constant 1 : i32
        %gather3A_1035 = arith.constant 0 : i32
        %gather3A_1036 = arith.constant 0 : i32
        %gather3A_1037 = tpu.memref_slice %arg10[%gather3A_1034, %gather3A_1035, %gather3A_1036] : memref<3x128x19xf32, #tpu.memory_space<vmem>> -> memref<1x128x19xf32, #tpu.memory_space<vmem>>
        %gather3A_1038 = tpu.memref_squeeze %gather3A_1037 : memref<1x128x19xf32, #tpu.memory_space<vmem>> -> memref<128x19xf32, #tpu.memory_space<vmem>>
        %gather3A_1039 = tpu.vector_load_idx %gather3A_1038[%broadcast_in_dim3A_1033, %min3A_5] : memref<128x19xf32, #tpu.memory_space<vmem>>[vector<16xi32>, vector<16xi32>], vector<16xf32>,
        %gather3A_1040 = arith.constant 1 : i32
        %gather3A_1041 = arith.constant 0 : i32
        %gather3A_1042 = arith.constant 0 : i32
        %gather3A_1043 = tpu.memref_slice %arg11[%gather3A_1040, %gather3A_1041, %gather3A_1042] : memref<3x128x16xf32, #tpu.memory_space<vmem>> -> memref<1x128x16xf32, #tpu.memory_space<vmem>>
        %gather3A_1044 = tpu.memref_squeeze %gather3A_1043 : memref<1x128x16xf32, #tpu.memory_space<vmem>> -> memref<128x16xf32, #tpu.memory_space<vmem>>
        %gather3A_1045 = tpu.vector_load_idx %gather3A_1044[%broadcast_in_dim3A_1033, %iota3A] : memref<128x16xf32, #tpu.memory_space<vmem>>[vector<16xi32>, vector<16xi32>], vector<16xf32>,
        %mul3A_1046 = arith.mulf %gather3A_1045, %gather3A_1039 : vector<16xf32>
        %scatter3A_1047 = arith.constant 1 : i32
        %scatter3A_1048 = arith.constant 0 : i32
        %scatter3A_1049 = arith.constant 0 : i32
        %scatter3A_1050 = tpu.memref_slice %arg11[%scatter3A_1047, %scatter3A_1048, %scatter3A_1049] : memref<3x128x16xf32, #tpu.memory_space<vmem>> -> memref<1x128x16xf32, #tpu.memory_space<vmem>>
        %scatter3A_1051 = tpu.memref_squeeze %scatter3A_1050 : memref<1x128x16xf32, #tpu.memory_space<vmem>> -> memref<128x16xf32, #tpu.memory_space<vmem>>
        tpu.vector_store_idx %scatter3A_1051[%broadcast_in_dim3A_1033, %iota3A], %mul3A_1046 : memref<128x16xf32, #tpu.memory_space<vmem>>[vector<16xi32>, vector<16xi32>], vector<16xf32>,
        %add3A_1052 = arith.constant 14 : i32
        %add3A_1053 = arith.addi %add3A_760, %add3A_1052 : i32
        %broadcast_in_dim3A_1054 = vector.broadcast %add3A_1053 : i32 to vector<16xi32>
        %gather3A_1055 = arith.constant 1 : i32
        %gather3A_1056 = arith.constant 0 : i32
        %gather3A_1057 = arith.constant 0 : i32
        %gather3A_1058 = tpu.memref_slice %arg10[%gather3A_1055, %gather3A_1056, %gather3A_1057] : memref<3x128x19xf32, #tpu.memory_space<vmem>> -> memref<1x128x19xf32, #tpu.memory_space<vmem>>
        %gather3A_1059 = tpu.memref_squeeze %gather3A_1058 : memref<1x128x19xf32, #tpu.memory_space<vmem>> -> memref<128x19xf32, #tpu.memory_space<vmem>>
        %gather3A_1060 = tpu.vector_load_idx %gather3A_1059[%broadcast_in_dim3A_1054, %min3A_5] : memref<128x19xf32, #tpu.memory_space<vmem>>[vector<16xi32>, vector<16xi32>], vector<16xf32>,
        %gather3A_1061 = arith.constant 1 : i32
        %gather3A_1062 = arith.constant 0 : i32
        %gather3A_1063 = arith.constant 0 : i32
        %gather3A_1064 = tpu.memref_slice %arg11[%gather3A_1061, %gather3A_1062, %gather3A_1063] : memref<3x128x16xf32, #tpu.memory_space<vmem>> -> memref<1x128x16xf32, #tpu.memory_space<vmem>>
        %gather3A_1065 = tpu.memref_squeeze %gather3A_1064 : memref<1x128x16xf32, #tpu.memory_space<vmem>> -> memref<128x16xf32, #tpu.memory_space<vmem>>
        %gather3A_1066 = tpu.vector_load_idx %gather3A_1065[%broadcast_in_dim3A_1054, %iota3A] : memref<128x16xf32, #tpu.memory_space<vmem>>[vector<16xi32>, vector<16xi32>], vector<16xf32>,
        %mul3A_1067 = arith.mulf %gather3A_1066, %gather3A_1060 : vector<16xf32>
        %scatter3A_1068 = arith.constant 1 : i32
        %scatter3A_1069 = arith.constant 0 : i32
        %scatter3A_1070 = arith.constant 0 : i32
        %scatter3A_1071 = tpu.memref_slice %arg11[%scatter3A_1068, %scatter3A_1069, %scatter3A_1070] : memref<3x128x16xf32, #tpu.memory_space<vmem>> -> memref<1x128x16xf32, #tpu.memory_space<vmem>>
        %scatter3A_1072 = tpu.memref_squeeze %scatter3A_1071 : memref<1x128x16xf32, #tpu.memory_space<vmem>> -> memref<128x16xf32, #tpu.memory_space<vmem>>
        tpu.vector_store_idx %scatter3A_1072[%broadcast_in_dim3A_1054, %iota3A], %mul3A_1067 : memref<128x16xf32, #tpu.memory_space<vmem>>[vector<16xi32>, vector<16xi32>], vector<16xf32>,
        %add3A_1073 = arith.constant 15 : i32
        %add3A_1074 = arith.addi %add3A_760, %add3A_1073 : i32
        %broadcast_in_dim3A_1075 = vector.broadcast %add3A_1074 : i32 to vector<16xi32>
        %gather3A_1076 = arith.constant 1 : i32
        %gather3A_1077 = arith.constant 0 : i32
        %gather3A_1078 = arith.constant 0 : i32
        %gather3A_1079 = tpu.memref_slice %arg10[%gather3A_1076, %gather3A_1077, %gather3A_1078] : memref<3x128x19xf32, #tpu.memory_space<vmem>> -> memref<1x128x19xf32, #tpu.memory_space<vmem>>
        %gather3A_1080 = tpu.memref_squeeze %gather3A_1079 : memref<1x128x19xf32, #tpu.memory_space<vmem>> -> memref<128x19xf32, #tpu.memory_space<vmem>>
        %gather3A_1081 = tpu.vector_load_idx %gather3A_1080[%broadcast_in_dim3A_1075, %min3A_5] : memref<128x19xf32, #tpu.memory_space<vmem>>[vector<16xi32>, vector<16xi32>], vector<16xf32>,
        %gather3A_1082 = arith.constant 1 : i32
        %gather3A_1083 = arith.constant 0 : i32
        %gather3A_1084 = arith.constant 0 : i32
        %gather3A_1085 = tpu.memref_slice %arg11[%gather3A_1082, %gather3A_1083, %gather3A_1084] : memref<3x128x16xf32, #tpu.memory_space<vmem>> -> memref<1x128x16xf32, #tpu.memory_space<vmem>>
        %gather3A_1086 = tpu.memref_squeeze %gather3A_1085 : memref<1x128x16xf32, #tpu.memory_space<vmem>> -> memref<128x16xf32, #tpu.memory_space<vmem>>
        %gather3A_1087 = tpu.vector_load_idx %gather3A_1086[%broadcast_in_dim3A_1075, %iota3A] : memref<128x16xf32, #tpu.memory_space<vmem>>[vector<16xi32>, vector<16xi32>], vector<16xf32>,
        %mul3A_1088 = arith.mulf %gather3A_1087, %gather3A_1081 : vector<16xf32>
        %scatter3A_1089 = arith.constant 1 : i32
        %scatter3A_1090 = arith.constant 0 : i32
        %scatter3A_1091 = arith.constant 0 : i32
        %scatter3A_1092 = tpu.memref_slice %arg11[%scatter3A_1089, %scatter3A_1090, %scatter3A_1091] : memref<3x128x16xf32, #tpu.memory_space<vmem>> -> memref<1x128x16xf32, #tpu.memory_space<vmem>>
        %scatter3A_1093 = tpu.memref_squeeze %scatter3A_1092 : memref<1x128x16xf32, #tpu.memory_space<vmem>> -> memref<128x16xf32, #tpu.memory_space<vmem>>
        tpu.vector_store_idx %scatter3A_1093[%broadcast_in_dim3A_1075, %iota3A], %mul3A_1088 : memref<128x16xf32, #tpu.memory_space<vmem>>[vector<16xi32>, vector<16xi32>], vector<16xf32>,
      }
      %scan3A_602 = arith.constant 8 : i32
      %dma_start3A_603 = arith.constant 1 : i32
      %dma_start3A_604 = arith.constant 1 : i32
      %dma_start3A_605 = arith.constant 0 : i32
      %dma_start3A_606 = arith.constant 0 : i32
      %dma_start3A_607 = tpu.memref_slice %arg11[%dma_start3A_603, %dma_start3A_605, %dma_start3A_606] : memref<3x128x16xf32, #tpu.memory_space<vmem>> -> memref<1x128x16xf32, #tpu.memory_space<vmem>>
      %dma_start3A_608 = tpu.memref_squeeze %dma_start3A_607 : memref<1x128x16xf32, #tpu.memory_space<vmem>> -> memref<128x16xf32, #tpu.memory_space<vmem>>
      %dma_start3A_609 = arith.constant 0 : i32
      %dma_start3A_610 = tpu.memref_slice %arg9[%dma_start3A_604, %dma_start3A_609] : memref<3x128xi32, #tpu.memory_space<vmem>> -> memref<1x128xi32, #tpu.memory_space<vmem>>
      %dma_start3A_611 = tpu.memref_squeeze %dma_start3A_610 : memref<1x128xi32, #tpu.memory_space<vmem>> -> memref<128xi32, #tpu.memory_space<vmem>>
      %dma_start3A_612 = arith.constant 0 : i32
      %dma_start3A_613 = arith.constant 0 : i32
      %dma_start3A_614 = tpu.memref_slice %arg7[%dma_start3A_612, %dma_start3A_613] : memref<100352x16xf32, #tpu.memory_space<vmem_shared>> -> memref<100352x16xf32, #tpu.memory_space<vmem_shared>>
      tpu.enqueue_indirect_dma source(%dma_start3A_608 : memref<128x16xf32, #tpu.memory_space<vmem>>) target(%dma_start3A_614 : memref<100352x16xf32, #tpu.memory_space<vmem_shared>>) offsets(%dma_start3A_611 : memref<128xi32, #tpu.memory_space<vmem>>) semaphore(%arg23 : memref<!tpu.dma_semaphore, #tpu.memory_space<semaphore_mem>>) {add = true}
      %add3A_615 = arith.constant 2 : i32
      %add3A_616 = arith.addi %add3A_335, %add3A_615 : i32
      %dma_wait3A_617 = arith.constant 0 : i32
      %dma_wait3A_618 = arith.constant 0 : i32
      %dma_wait3A_619 = arith.constant 0 : i32
      %dma_wait3A_620 = tpu.memref_slice %arg8[%dma_wait3A_618, %dma_wait3A_619] : memref<3x128xi32, #tpu.memory_space<vmem>> -> memref<1x128xi32, #tpu.memory_space<vmem>>
      %dma_wait3A_621 = tpu.memref_squeeze %dma_wait3A_620 : memref<1x128xi32, #tpu.memory_space<vmem>> -> memref<128xi32, #tpu.memory_space<vmem>>
      %dma_wait3A_622 = arith.constant 0 : i32
      %dma_wait3A_623 = tpu.memref_slice %arg3[%dma_wait3A_617, %dma_wait3A_622] : memref<2x3200000xi32, #tpu.memory_space<hbm>> -> memref<1x128xi32, #tpu.memory_space<hbm>>
      %dma_wait3A_624 = tpu.memref_squeeze %dma_wait3A_623 : memref<1x128xi32, #tpu.memory_space<hbm>> -> memref<128xi32, #tpu.memory_space<hbm>>
      %dma_wait3A_625 = arith.constant 0 : i32
      %dma_wait3A_626 = tpu.memref_slice %arg8[%dma_wait3A_618, %dma_wait3A_625] : memref<3x128xi32, #tpu.memory_space<vmem>> -> memref<1x128xi32, #tpu.memory_space<vmem>>
      %dma_wait3A_627 = tpu.memref_squeeze %dma_wait3A_626 : memref<1x128xi32, #tpu.memory_space<vmem>> -> memref<128xi32, #tpu.memory_space<vmem>>
      %dma_wait3A_628 = arith.constant 0 : i32
      %dma_wait3A_629 = tpu.memref_slice %arg3[%dma_wait3A_617, %dma_wait3A_628] : memref<2x3200000xi32, #tpu.memory_space<hbm>> -> memref<1x128xi32, #tpu.memory_space<hbm>>
      %dma_wait3A_630 = tpu.memref_squeeze %dma_wait3A_629 : memref<1x128xi32, #tpu.memory_space<hbm>> -> memref<128xi32, #tpu.memory_space<hbm>>
      tpu.wait_dma2 semaphore(%arg16 : memref<!tpu.dma_semaphore, #tpu.memory_space<semaphore_mem>>) src(%dma_wait3A_630 : memref<128xi32, #tpu.memory_space<hbm>>) dst(%dma_wait3A_627 : memref<128xi32, #tpu.memory_space<vmem>>)
      %dma_wait3A_631 = arith.constant 0 : i32
      %dma_wait3A_632 = arith.constant 0 : i32
      %dma_wait3A_633 = arith.constant 0 : i32
      %dma_wait3A_634 = tpu.memref_slice %arg10[%dma_wait3A_631, %dma_wait3A_632, %dma_wait3A_633] : memref<3x128x19xf32, #tpu.memory_space<vmem>> -> memref<1x128x19xf32, #tpu.memory_space<vmem>>
      %dma_wait3A_635 = tpu.memref_squeeze %dma_wait3A_634 : memref<1x128x19xf32, #tpu.memory_space<vmem>> -> memref<128x19xf32, #tpu.memory_space<vmem>>
      %dma_wait3A_636 = arith.constant 0 : i32
      %dma_wait3A_637 = arith.constant 0 : i32
      %dma_wait3A_638 = tpu.memref_slice %arg4[%dma_wait3A_636, %dma_wait3A_637] : memref<3200000x19xf32, #tpu.memory_space<hbm>> -> memref<128x19xf32, #tpu.memory_space<hbm>>
      %dma_wait3A_639 = arith.constant 0 : i32
      %dma_wait3A_640 = arith.constant 0 : i32
      %dma_wait3A_641 = tpu.memref_slice %arg10[%dma_wait3A_631, %dma_wait3A_639, %dma_wait3A_640] : memref<3x128x19xf32, #tpu.memory_space<vmem>> -> memref<1x128x19xf32, #tpu.memory_space<vmem>>
      %dma_wait3A_642 = tpu.memref_squeeze %dma_wait3A_641 : memref<1x128x19xf32, #tpu.memory_space<vmem>> -> memref<128x19xf32, #tpu.memory_space<vmem>>
      %dma_wait3A_643 = arith.constant 0 : i32
      %dma_wait3A_644 = arith.constant 0 : i32
      %dma_wait3A_645 = tpu.memref_slice %arg4[%dma_wait3A_643, %dma_wait3A_644] : memref<3200000x19xf32, #tpu.memory_space<hbm>> -> memref<128x19xf32, #tpu.memory_space<hbm>>
      tpu.wait_dma2 semaphore(%arg16 : memref<!tpu.dma_semaphore, #tpu.memory_space<semaphore_mem>>) src(%dma_wait3A_645 : memref<128x19xf32, #tpu.memory_space<hbm>>) dst(%dma_wait3A_642 : memref<128x19xf32, #tpu.memory_space<vmem>>)
      %dma_wait3A_646 = arith.constant 1 : i32
      %dma_wait3A_647 = arith.constant 0 : i32
      %dma_wait3A_648 = arith.constant 0 : i32
      %dma_wait3A_649 = tpu.memref_slice %arg9[%dma_wait3A_647, %dma_wait3A_648] : memref<3x128xi32, #tpu.memory_space<vmem>> -> memref<1x128xi32, #tpu.memory_space<vmem>>
      %dma_wait3A_650 = tpu.memref_squeeze %dma_wait3A_649 : memref<1x128xi32, #tpu.memory_space<vmem>> -> memref<128xi32, #tpu.memory_space<vmem>>
      %dma_wait3A_651 = arith.constant 0 : i32
      %dma_wait3A_652 = tpu.memref_slice %arg3[%dma_wait3A_646, %dma_wait3A_651] : memref<2x3200000xi32, #tpu.memory_space<hbm>> -> memref<1x128xi32, #tpu.memory_space<hbm>>
      %dma_wait3A_653 = tpu.memref_squeeze %dma_wait3A_652 : memref<1x128xi32, #tpu.memory_space<hbm>> -> memref<128xi32, #tpu.memory_space<hbm>>
      %dma_wait3A_654 = arith.constant 0 : i32
      %dma_wait3A_655 = tpu.memref_slice %arg9[%dma_wait3A_647, %dma_wait3A_654] : memref<3x128xi32, #tpu.memory_space<vmem>> -> memref<1x128xi32, #tpu.memory_space<vmem>>
      %dma_wait3A_656 = tpu.memref_squeeze %dma_wait3A_655 : memref<1x128xi32, #tpu.memory_space<vmem>> -> memref<128xi32, #tpu.memory_space<vmem>>
      %dma_wait3A_657 = arith.constant 0 : i32
      %dma_wait3A_658 = tpu.memref_slice %arg3[%dma_wait3A_646, %dma_wait3A_657] : memref<2x3200000xi32, #tpu.memory_space<hbm>> -> memref<1x128xi32, #tpu.memory_space<hbm>>
      %dma_wait3A_659 = tpu.memref_squeeze %dma_wait3A_658 : memref<1x128xi32, #tpu.memory_space<hbm>> -> memref<128xi32, #tpu.memory_space<hbm>>
      tpu.wait_dma2 semaphore(%arg16 : memref<!tpu.dma_semaphore, #tpu.memory_space<semaphore_mem>>) src(%dma_wait3A_659 : memref<128xi32, #tpu.memory_space<hbm>>) dst(%dma_wait3A_656 : memref<128xi32, #tpu.memory_space<vmem>>)
      %gt3A_660 = arith.constant 0 : i32
      %gt3A_661 = arith.cmpi sgt, %add3A_616, %gt3A_660 : i32
      %convert_element_type3A_662 = arith.extui %gt3A_661 : i1 to i32
      %cond3A_663 = arith.constant 0 : i32
      %cond3A_664 = arith.cmpi ne, %convert_element_type3A_662, %cond3A_663 : i32
      scf.if %cond3A_664 {
        %dma_wait3A_756 = arith.constant 1 : i32
        %dma_wait3A_757 = arith.constant 1 : i32
        %dma_wait3A_758 = arith.constant 0 : i32
        %dma_wait3A_759 = arith.constant 0 : i32
        %dma_wait3A_760 = tpu.memref_slice %arg11[%dma_wait3A_756, %dma_wait3A_758, %dma_wait3A_759] : memref<3x128x16xf32, #tpu.memory_space<vmem>> -> memref<1x128x16xf32, #tpu.memory_space<vmem>>
        %dma_wait3A_761 = tpu.memref_squeeze %dma_wait3A_760 : memref<1x128x16xf32, #tpu.memory_space<vmem>> -> memref<128x16xf32, #tpu.memory_space<vmem>>
        %dma_wait3A_762 = arith.constant 0 : i32
        %dma_wait3A_763 = tpu.memref_slice %arg9[%dma_wait3A_757, %dma_wait3A_762] : memref<3x128xi32, #tpu.memory_space<vmem>> -> memref<1x128xi32, #tpu.memory_space<vmem>>
        %dma_wait3A_764 = tpu.memref_squeeze %dma_wait3A_763 : memref<1x128xi32, #tpu.memory_space<vmem>> -> memref<128xi32, #tpu.memory_space<vmem>>
        %dma_wait3A_765 = arith.constant 0 : i32
        %dma_wait3A_766 = arith.constant 0 : i32
        %dma_wait3A_767 = tpu.memref_slice %arg7[%dma_wait3A_765, %dma_wait3A_766] : memref<100352x16xf32, #tpu.memory_space<vmem_shared>> -> memref<100352x16xf32, #tpu.memory_space<vmem_shared>>
        tpu.wait_indirect_dma semaphore(%arg23 : memref<!tpu.dma_semaphore, #tpu.memory_space<semaphore_mem>>) src(%dma_wait3A_761 : memref<128x16xf32, #tpu.memory_space<vmem>>) dst(%dma_wait3A_767 : memref<100352x16xf32, #tpu.memory_space<vmem_shared>>)
      } else {
      }
      %dma_start3A_665 = arith.constant 0 : i32
      %dma_start3A_666 = arith.constant 0 : i32
      %dma_start3A_667 = arith.constant 0 : i32
      %dma_start3A_668 = arith.constant 0 : i32
      %dma_start3A_669 = tpu.memref_slice %arg11[%dma_start3A_666, %dma_start3A_667, %dma_start3A_668] : memref<3x128x16xf32, #tpu.memory_space<vmem>> -> memref<1x128x16xf32, #tpu.memory_space<vmem>>
      %dma_start3A_670 = tpu.memref_squeeze %dma_start3A_669 : memref<1x128x16xf32, #tpu.memory_space<vmem>> -> memref<128x16xf32, #tpu.memory_space<vmem>>
      %dma_start3A_671 = arith.constant 0 : i32
      %dma_start3A_672 = tpu.memref_slice %arg8[%dma_start3A_665, %dma_start3A_671] : memref<3x128xi32, #tpu.memory_space<vmem>> -> memref<1x128xi32, #tpu.memory_space<vmem>>
      %dma_start3A_673 = tpu.memref_squeeze %dma_start3A_672 : memref<1x128xi32, #tpu.memory_space<vmem>> -> memref<128xi32, #tpu.memory_space<vmem>>
      %dma_start3A_674 = arith.constant 0 : i32
      %dma_start3A_675 = arith.constant 0 : i32
      %dma_start3A_676 = tpu.memref_slice %arg2[%arg0, %dma_start3A_674, %dma_start3A_675] : memref<2x100000x16xf32, #tpu.memory_space<hbm>> -> memref<1x100000x16xf32, #tpu.memory_space<hbm>>
      %dma_start3A_677 = tpu.memref_squeeze %dma_start3A_676 : memref<1x100000x16xf32, #tpu.memory_space<hbm>> -> memref<100000x16xf32, #tpu.memory_space<hbm>>
      %dma_start3A_678 = arith.constant 0 : i32
      %dma_start3A_679 = arith.constant 0 : i32
      %dma_start3A_680 = tpu.memref_slice %dma_start3A_677[%dma_start3A_678, %dma_start3A_679] : memref<100000x16xf32, #tpu.memory_space<hbm>> -> memref<100000x16xf32, #tpu.memory_space<hbm>>
      tpu.enqueue_indirect_dma source(%dma_start3A_680 : memref<100000x16xf32, #tpu.memory_space<hbm>>) target(%dma_start3A_670 : memref<128x16xf32, #tpu.memory_space<vmem>>) offsets(%dma_start3A_673 : memref<128xi32, #tpu.memory_space<vmem>>) semaphore(%arg19 : memref<!tpu.dma_semaphore, #tpu.memory_space<semaphore_mem>>)
      %add3A_681 = arith.constant 2 : i32
      %add3A_682 = arith.addi %add3A_616, %add3A_681 : i32
      %mul3A_683 = arith.constant 128 : i32
      %mul3A_684 = arith.muli %add3A_682, %mul3A_683 : i32
      %add3A_685 = arith.addi %mul3A_0, %mul3A_684 : i32
      %dma_start3A_686 = arith.constant 0 : i32
      %dma_start3A_687 = arith.constant 1 : i32
      %dma_start3A_688 = arith.constant 0 : i32
      %dma_start3A_689 = tpu.memref_slice %arg8[%dma_start3A_687, %dma_start3A_688] : memref<3x128xi32, #tpu.memory_space<vmem>> -> memref<1x128xi32, #tpu.memory_space<vmem>>
      %dma_start3A_690 = tpu.memref_squeeze %dma_start3A_689 : memref<1x128xi32, #tpu.memory_space<vmem>> -> memref<128xi32, #tpu.memory_space<vmem>>
      %dma_start3A_691 = tpu.memref_slice %arg3[%dma_start3A_686, %add3A_685] : memref<2x3200000xi32, #tpu.memory_space<hbm>> -> memref<1x128xi32, #tpu.memory_space<hbm>>
      %dma_start3A_692 = tpu.memref_squeeze %dma_start3A_691 : memref<1x128xi32, #tpu.memory_space<hbm>> -> memref<128xi32, #tpu.memory_space<hbm>>
      %dma_start3A_693 = arith.constant 0 : i32
      %dma_start3A_694 = tpu.memref_slice %arg8[%dma_start3A_687, %dma_start3A_693] : memref<3x128xi32, #tpu.memory_space<vmem>> -> memref<1x128xi32, #tpu.memory_space<vmem>>
      %dma_start3A_695 = tpu.memref_squeeze %dma_start3A_694 : memref<1x128xi32, #tpu.memory_space<vmem>> -> memref<128xi32, #tpu.memory_space<vmem>>
      %dma_start3A_696 = tpu.memref_slice %arg3[%dma_start3A_686, %add3A_685] : memref<2x3200000xi32, #tpu.memory_space<hbm>> -> memref<1x128xi32, #tpu.memory_space<hbm>>
      %dma_start3A_697 = tpu.memref_squeeze %dma_start3A_696 : memref<1x128xi32, #tpu.memory_space<hbm>> -> memref<128xi32, #tpu.memory_space<hbm>>
      tpu.enqueue_dma source(%dma_start3A_697 : memref<128xi32, #tpu.memory_space<hbm>>) target(%dma_start3A_695 : memref<128xi32, #tpu.memory_space<vmem>>) target_semaphore(%arg17 : memref<!tpu.dma_semaphore, #tpu.memory_space<semaphore_mem>>)
      %dma_start3A_698 = arith.constant 1 : i32
      %dma_start3A_699 = arith.constant 0 : i32
      %dma_start3A_700 = arith.constant 0 : i32
      %dma_start3A_701 = tpu.memref_slice %arg10[%dma_start3A_698, %dma_start3A_699, %dma_start3A_700] : memref<3x128x19xf32, #tpu.memory_space<vmem>> -> memref<1x128x19xf32, #tpu.memory_space<vmem>>
      %dma_start3A_702 = tpu.memref_squeeze %dma_start3A_701 : memref<1x128x19xf32, #tpu.memory_space<vmem>> -> memref<128x19xf32, #tpu.memory_space<vmem>>
      %dma_start3A_703 = arith.constant 0 : i32
      %dma_start3A_704 = tpu.memref_slice %arg4[%add3A_685, %dma_start3A_703] : memref<3200000x19xf32, #tpu.memory_space<hbm>> -> memref<128x19xf32, #tpu.memory_space<hbm>>
      %dma_start3A_705 = arith.constant 0 : i32
      %dma_start3A_706 = arith.constant 0 : i32
      %dma_start3A_707 = tpu.memref_slice %arg10[%dma_start3A_698, %dma_start3A_705, %dma_start3A_706] : memref<3x128x19xf32, #tpu.memory_space<vmem>> -> memref<1x128x19xf32, #tpu.memory_space<vmem>>
      %dma_start3A_708 = tpu.memref_squeeze %dma_start3A_707 : memref<1x128x19xf32, #tpu.memory_space<vmem>> -> memref<128x19xf32, #tpu.memory_space<vmem>>
      %dma_start3A_709 = arith.constant 0 : i32
      %dma_start3A_710 = tpu.memref_slice %arg4[%add3A_685, %dma_start3A_709] : memref<3200000x19xf32, #tpu.memory_space<hbm>> -> memref<128x19xf32, #tpu.memory_space<hbm>>
      tpu.enqueue_dma source(%dma_start3A_710 : memref<128x19xf32, #tpu.memory_space<hbm>>) target(%dma_start3A_708 : memref<128x19xf32, #tpu.memory_space<vmem>>) target_semaphore(%arg17 : memref<!tpu.dma_semaphore, #tpu.memory_space<semaphore_mem>>)
      %dma_start3A_711 = arith.constant 1 : i32
      %dma_start3A_712 = arith.constant 1 : i32
      %dma_start3A_713 = arith.constant 0 : i32
      %dma_start3A_714 = tpu.memref_slice %arg9[%dma_start3A_712, %dma_start3A_713] : memref<3x128xi32, #tpu.memory_space<vmem>> -> memref<1x128xi32, #tpu.memory_space<vmem>>
      %dma_start3A_715 = tpu.memref_squeeze %dma_start3A_714 : memref<1x128xi32, #tpu.memory_space<vmem>> -> memref<128xi32, #tpu.memory_space<vmem>>
      %dma_start3A_716 = tpu.memref_slice %arg3[%dma_start3A_711, %add3A_685] : memref<2x3200000xi32, #tpu.memory_space<hbm>> -> memref<1x128xi32, #tpu.memory_space<hbm>>
      %dma_start3A_717 = tpu.memref_squeeze %dma_start3A_716 : memref<1x128xi32, #tpu.memory_space<hbm>> -> memref<128xi32, #tpu.memory_space<hbm>>
      %dma_start3A_718 = arith.constant 0 : i32
      %dma_start3A_719 = tpu.memref_slice %arg9[%dma_start3A_712, %dma_start3A_718] : memref<3x128xi32, #tpu.memory_space<vmem>> -> memref<1x128xi32, #tpu.memory_space<vmem>>
      %dma_start3A_720 = tpu.memref_squeeze %dma_start3A_719 : memref<1x128xi32, #tpu.memory_space<vmem>> -> memref<128xi32, #tpu.memory_space<vmem>>
      %dma_start3A_721 = tpu.memref_slice %arg3[%dma_start3A_711, %add3A_685] : memref<2x3200000xi32, #tpu.memory_space<hbm>> -> memref<1x128xi32, #tpu.memory_space<hbm>>
      %dma_start3A_722 = tpu.memref_squeeze %dma_start3A_721 : memref<1x128xi32, #tpu.memory_space<hbm>> -> memref<128xi32, #tpu.memory_space<hbm>>
      tpu.enqueue_dma source(%dma_start3A_722 : memref<128xi32, #tpu.memory_space<hbm>>) target(%dma_start3A_720 : memref<128xi32, #tpu.memory_space<vmem>>) target_semaphore(%arg17 : memref<!tpu.dma_semaphore, #tpu.memory_space<semaphore_mem>>)
      %dma_wait3A_723 = arith.constant 2 : i32
      %dma_wait3A_724 = arith.constant 2 : i32
      %dma_wait3A_725 = arith.constant 0 : i32
      %dma_wait3A_726 = arith.constant 0 : i32
      %dma_wait3A_727 = tpu.memref_slice %arg11[%dma_wait3A_724, %dma_wait3A_725, %dma_wait3A_726] : memref<3x128x16xf32, #tpu.memory_space<vmem>> -> memref<1x128x16xf32, #tpu.memory_space<vmem>>
      %dma_wait3A_728 = tpu.memref_squeeze %dma_wait3A_727 : memref<1x128x16xf32, #tpu.memory_space<vmem>> -> memref<128x16xf32, #tpu.memory_space<vmem>>
      %dma_wait3A_729 = arith.constant 0 : i32
      %dma_wait3A_730 = tpu.memref_slice %arg8[%dma_wait3A_723, %dma_wait3A_729] : memref<3x128xi32, #tpu.memory_space<vmem>> -> memref<1x128xi32, #tpu.memory_space<vmem>>
      %dma_wait3A_731 = tpu.memref_squeeze %dma_wait3A_730 : memref<1x128xi32, #tpu.memory_space<vmem>> -> memref<128xi32, #tpu.memory_space<vmem>>
      %dma_wait3A_732 = arith.constant 0 : i32
      %dma_wait3A_733 = arith.constant 0 : i32
      %dma_wait3A_734 = tpu.memref_slice %arg2[%arg0, %dma_wait3A_732, %dma_wait3A_733] : memref<2x100000x16xf32, #tpu.memory_space<hbm>> -> memref<1x100000x16xf32, #tpu.memory_space<hbm>>
      %dma_wait3A_735 = tpu.memref_squeeze %dma_wait3A_734 : memref<1x100000x16xf32, #tpu.memory_space<hbm>> -> memref<100000x16xf32, #tpu.memory_space<hbm>>
      %dma_wait3A_736 = arith.constant 0 : i32
      %dma_wait3A_737 = arith.constant 0 : i32
      %dma_wait3A_738 = tpu.memref_slice %dma_wait3A_735[%dma_wait3A_736, %dma_wait3A_737] : memref<100000x16xf32, #tpu.memory_space<hbm>> -> memref<100000x16xf32, #tpu.memory_space<hbm>>
      tpu.wait_indirect_dma semaphore(%arg21 : memref<!tpu.dma_semaphore, #tpu.memory_space<semaphore_mem>>) src(%dma_wait3A_738 : memref<100000x16xf32, #tpu.memory_space<hbm>>) dst(%dma_wait3A_728 : memref<128x16xf32, #tpu.memory_space<vmem>>)
      %scan3A_739 = arith.constant 0 : i32
      %scan3A_740 = arith.constant 8 : i32
      %scan3A_741 = arith.addi %scan3A_739, %scan3A_740 : i32
      %scan3A_742 = arith.constant 1 : i32
      scf.for %scan3A_756 = %scan3A_739 to %scan3A_741 step %scan3A_742  : i32 {
        %mul3A_757 = arith.constant 16 : i32
        %mul3A_758 = arith.muli %scan3A_756, %mul3A_757 : i32
        %add3A_759 = arith.constant 0 : i32
        %add3A_760 = arith.addi %add3A_759, %mul3A_758 : i32
        %add3A_761 = arith.constant 0 : i32
        %add3A_762 = arith.addi %add3A_760, %add3A_761 : i32
        %broadcast_in_dim3A = vector.broadcast %add3A_762 : i32 to vector<16xi32>
        %gather3A = arith.constant 2 : i32
        %gather3A_763 = arith.constant 0 : i32
        %gather3A_764 = arith.constant 0 : i32
        %gather3A_765 = tpu.memref_slice %arg10[%gather3A, %gather3A_763, %gather3A_764] : memref<3x128x19xf32, #tpu.memory_space<vmem>> -> memref<1x128x19xf32, #tpu.memory_space<vmem>>
        %gather3A_766 = tpu.memref_squeeze %gather3A_765 : memref<1x128x19xf32, #tpu.memory_space<vmem>> -> memref<128x19xf32, #tpu.memory_space<vmem>>
        %gather3A_767 = tpu.vector_load_idx %gather3A_766[%broadcast_in_dim3A, %min3A_5] : memref<128x19xf32, #tpu.memory_space<vmem>>[vector<16xi32>, vector<16xi32>], vector<16xf32>,
        %gather3A_768 = arith.constant 2 : i32
        %gather3A_769 = arith.constant 0 : i32
        %gather3A_770 = arith.constant 0 : i32
        %gather3A_771 = tpu.memref_slice %arg11[%gather3A_768, %gather3A_769, %gather3A_770] : memref<3x128x16xf32, #tpu.memory_space<vmem>> -> memref<1x128x16xf32, #tpu.memory_space<vmem>>
        %gather3A_772 = tpu.memref_squeeze %gather3A_771 : memref<1x128x16xf32, #tpu.memory_space<vmem>> -> memref<128x16xf32, #tpu.memory_space<vmem>>
        %gather3A_773 = tpu.vector_load_idx %gather3A_772[%broadcast_in_dim3A, %iota3A] : memref<128x16xf32, #tpu.memory_space<vmem>>[vector<16xi32>, vector<16xi32>], vector<16xf32>,
        %mul3A_774 = arith.mulf %gather3A_773, %gather3A_767 : vector<16xf32>
        %scatter3A = arith.constant 2 : i32
        %scatter3A_775 = arith.constant 0 : i32
        %scatter3A_776 = arith.constant 0 : i32
        %scatter3A_777 = tpu.memref_slice %arg11[%scatter3A, %scatter3A_775, %scatter3A_776] : memref<3x128x16xf32, #tpu.memory_space<vmem>> -> memref<1x128x16xf32, #tpu.memory_space<vmem>>
        %scatter3A_778 = tpu.memref_squeeze %scatter3A_777 : memref<1x128x16xf32, #tpu.memory_space<vmem>> -> memref<128x16xf32, #tpu.memory_space<vmem>>
        tpu.vector_store_idx %scatter3A_778[%broadcast_in_dim3A, %iota3A], %mul3A_774 : memref<128x16xf32, #tpu.memory_space<vmem>>[vector<16xi32>, vector<16xi32>], vector<16xf32>,
        %add3A_779 = arith.constant 1 : i32
        %add3A_780 = arith.addi %add3A_760, %add3A_779 : i32
        %broadcast_in_dim3A_781 = vector.broadcast %add3A_780 : i32 to vector<16xi32>
        %gather3A_782 = arith.constant 2 : i32
        %gather3A_783 = arith.constant 0 : i32
        %gather3A_784 = arith.constant 0 : i32
        %gather3A_785 = tpu.memref_slice %arg10[%gather3A_782, %gather3A_783, %gather3A_784] : memref<3x128x19xf32, #tpu.memory_space<vmem>> -> memref<1x128x19xf32, #tpu.memory_space<vmem>>
        %gather3A_786 = tpu.memref_squeeze %gather3A_785 : memref<1x128x19xf32, #tpu.memory_space<vmem>> -> memref<128x19xf32, #tpu.memory_space<vmem>>
        %gather3A_787 = tpu.vector_load_idx %gather3A_786[%broadcast_in_dim3A_781, %min3A_5] : memref<128x19xf32, #tpu.memory_space<vmem>>[vector<16xi32>, vector<16xi32>], vector<16xf32>,
        %gather3A_788 = arith.constant 2 : i32
        %gather3A_789 = arith.constant 0 : i32
        %gather3A_790 = arith.constant 0 : i32
        %gather3A_791 = tpu.memref_slice %arg11[%gather3A_788, %gather3A_789, %gather3A_790] : memref<3x128x16xf32, #tpu.memory_space<vmem>> -> memref<1x128x16xf32, #tpu.memory_space<vmem>>
        %gather3A_792 = tpu.memref_squeeze %gather3A_791 : memref<1x128x16xf32, #tpu.memory_space<vmem>> -> memref<128x16xf32, #tpu.memory_space<vmem>>
        %gather3A_793 = tpu.vector_load_idx %gather3A_792[%broadcast_in_dim3A_781, %iota3A] : memref<128x16xf32, #tpu.memory_space<vmem>>[vector<16xi32>, vector<16xi32>], vector<16xf32>,
        %mul3A_794 = arith.mulf %gather3A_793, %gather3A_787 : vector<16xf32>
        %scatter3A_795 = arith.constant 2 : i32
        %scatter3A_796 = arith.constant 0 : i32
        %scatter3A_797 = arith.constant 0 : i32
        %scatter3A_798 = tpu.memref_slice %arg11[%scatter3A_795, %scatter3A_796, %scatter3A_797] : memref<3x128x16xf32, #tpu.memory_space<vmem>> -> memref<1x128x16xf32, #tpu.memory_space<vmem>>
        %scatter3A_799 = tpu.memref_squeeze %scatter3A_798 : memref<1x128x16xf32, #tpu.memory_space<vmem>> -> memref<128x16xf32, #tpu.memory_space<vmem>>
        tpu.vector_store_idx %scatter3A_799[%broadcast_in_dim3A_781, %iota3A], %mul3A_794 : memref<128x16xf32, #tpu.memory_space<vmem>>[vector<16xi32>, vector<16xi32>], vector<16xf32>,
        %add3A_800 = arith.constant 2 : i32
        %add3A_801 = arith.addi %add3A_760, %add3A_800 : i32
        %broadcast_in_dim3A_802 = vector.broadcast %add3A_801 : i32 to vector<16xi32>
        %gather3A_803 = arith.constant 2 : i32
        %gather3A_804 = arith.constant 0 : i32
        %gather3A_805 = arith.constant 0 : i32
        %gather3A_806 = tpu.memref_slice %arg10[%gather3A_803, %gather3A_804, %gather3A_805] : memref<3x128x19xf32, #tpu.memory_space<vmem>> -> memref<1x128x19xf32, #tpu.memory_space<vmem>>
        %gather3A_807 = tpu.memref_squeeze %gather3A_806 : memref<1x128x19xf32, #tpu.memory_space<vmem>> -> memref<128x19xf32, #tpu.memory_space<vmem>>
        %gather3A_808 = tpu.vector_load_idx %gather3A_807[%broadcast_in_dim3A_802, %min3A_5] : memref<128x19xf32, #tpu.memory_space<vmem>>[vector<16xi32>, vector<16xi32>], vector<16xf32>,
        %gather3A_809 = arith.constant 2 : i32
        %gather3A_810 = arith.constant 0 : i32
        %gather3A_811 = arith.constant 0 : i32
        %gather3A_812 = tpu.memref_slice %arg11[%gather3A_809, %gather3A_810, %gather3A_811] : memref<3x128x16xf32, #tpu.memory_space<vmem>> -> memref<1x128x16xf32, #tpu.memory_space<vmem>>
        %gather3A_813 = tpu.memref_squeeze %gather3A_812 : memref<1x128x16xf32, #tpu.memory_space<vmem>> -> memref<128x16xf32, #tpu.memory_space<vmem>>
        %gather3A_814 = tpu.vector_load_idx %gather3A_813[%broadcast_in_dim3A_802, %iota3A] : memref<128x16xf32, #tpu.memory_space<vmem>>[vector<16xi32>, vector<16xi32>], vector<16xf32>,
        %mul3A_815 = arith.mulf %gather3A_814, %gather3A_808 : vector<16xf32>
        %scatter3A_816 = arith.constant 2 : i32
        %scatter3A_817 = arith.constant 0 : i32
        %scatter3A_818 = arith.constant 0 : i32
        %scatter3A_819 = tpu.memref_slice %arg11[%scatter3A_816, %scatter3A_817, %scatter3A_818] : memref<3x128x16xf32, #tpu.memory_space<vmem>> -> memref<1x128x16xf32, #tpu.memory_space<vmem>>
        %scatter3A_820 = tpu.memref_squeeze %scatter3A_819 : memref<1x128x16xf32, #tpu.memory_space<vmem>> -> memref<128x16xf32, #tpu.memory_space<vmem>>
        tpu.vector_store_idx %scatter3A_820[%broadcast_in_dim3A_802, %iota3A], %mul3A_815 : memref<128x16xf32, #tpu.memory_space<vmem>>[vector<16xi32>, vector<16xi32>], vector<16xf32>,
        %add3A_821 = arith.constant 3 : i32
        %add3A_822 = arith.addi %add3A_760, %add3A_821 : i32
        %broadcast_in_dim3A_823 = vector.broadcast %add3A_822 : i32 to vector<16xi32>
        %gather3A_824 = arith.constant 2 : i32
        %gather3A_825 = arith.constant 0 : i32
        %gather3A_826 = arith.constant 0 : i32
        %gather3A_827 = tpu.memref_slice %arg10[%gather3A_824, %gather3A_825, %gather3A_826] : memref<3x128x19xf32, #tpu.memory_space<vmem>> -> memref<1x128x19xf32, #tpu.memory_space<vmem>>
        %gather3A_828 = tpu.memref_squeeze %gather3A_827 : memref<1x128x19xf32, #tpu.memory_space<vmem>> -> memref<128x19xf32, #tpu.memory_space<vmem>>
        %gather3A_829 = tpu.vector_load_idx %gather3A_828[%broadcast_in_dim3A_823, %min3A_5] : memref<128x19xf32, #tpu.memory_space<vmem>>[vector<16xi32>, vector<16xi32>], vector<16xf32>,
        %gather3A_830 = arith.constant 2 : i32
        %gather3A_831 = arith.constant 0 : i32
        %gather3A_832 = arith.constant 0 : i32
        %gather3A_833 = tpu.memref_slice %arg11[%gather3A_830, %gather3A_831, %gather3A_832] : memref<3x128x16xf32, #tpu.memory_space<vmem>> -> memref<1x128x16xf32, #tpu.memory_space<vmem>>
        %gather3A_834 = tpu.memref_squeeze %gather3A_833 : memref<1x128x16xf32, #tpu.memory_space<vmem>> -> memref<128x16xf32, #tpu.memory_space<vmem>>
        %gather3A_835 = tpu.vector_load_idx %gather3A_834[%broadcast_in_dim3A_823, %iota3A] : memref<128x16xf32, #tpu.memory_space<vmem>>[vector<16xi32>, vector<16xi32>], vector<16xf32>,
        %mul3A_836 = arith.mulf %gather3A_835, %gather3A_829 : vector<16xf32>
        %scatter3A_837 = arith.constant 2 : i32
        %scatter3A_838 = arith.constant 0 : i32
        %scatter3A_839 = arith.constant 0 : i32
        %scatter3A_840 = tpu.memref_slice %arg11[%scatter3A_837, %scatter3A_838, %scatter3A_839] : memref<3x128x16xf32, #tpu.memory_space<vmem>> -> memref<1x128x16xf32, #tpu.memory_space<vmem>>
        %scatter3A_841 = tpu.memref_squeeze %scatter3A_840 : memref<1x128x16xf32, #tpu.memory_space<vmem>> -> memref<128x16xf32, #tpu.memory_space<vmem>>
        tpu.vector_store_idx %scatter3A_841[%broadcast_in_dim3A_823, %iota3A], %mul3A_836 : memref<128x16xf32, #tpu.memory_space<vmem>>[vector<16xi32>, vector<16xi32>], vector<16xf32>,
        %add3A_842 = arith.constant 4 : i32
        %add3A_843 = arith.addi %add3A_760, %add3A_842 : i32
        %broadcast_in_dim3A_844 = vector.broadcast %add3A_843 : i32 to vector<16xi32>
        %gather3A_845 = arith.constant 2 : i32
        %gather3A_846 = arith.constant 0 : i32
        %gather3A_847 = arith.constant 0 : i32
        %gather3A_848 = tpu.memref_slice %arg10[%gather3A_845, %gather3A_846, %gather3A_847] : memref<3x128x19xf32, #tpu.memory_space<vmem>> -> memref<1x128x19xf32, #tpu.memory_space<vmem>>
        %gather3A_849 = tpu.memref_squeeze %gather3A_848 : memref<1x128x19xf32, #tpu.memory_space<vmem>> -> memref<128x19xf32, #tpu.memory_space<vmem>>
        %gather3A_850 = tpu.vector_load_idx %gather3A_849[%broadcast_in_dim3A_844, %min3A_5] : memref<128x19xf32, #tpu.memory_space<vmem>>[vector<16xi32>, vector<16xi32>], vector<16xf32>,
        %gather3A_851 = arith.constant 2 : i32
        %gather3A_852 = arith.constant 0 : i32
        %gather3A_853 = arith.constant 0 : i32
        %gather3A_854 = tpu.memref_slice %arg11[%gather3A_851, %gather3A_852, %gather3A_853] : memref<3x128x16xf32, #tpu.memory_space<vmem>> -> memref<1x128x16xf32, #tpu.memory_space<vmem>>
        %gather3A_855 = tpu.memref_squeeze %gather3A_854 : memref<1x128x16xf32, #tpu.memory_space<vmem>> -> memref<128x16xf32, #tpu.memory_space<vmem>>
        %gather3A_856 = tpu.vector_load_idx %gather3A_855[%broadcast_in_dim3A_844, %iota3A] : memref<128x16xf32, #tpu.memory_space<vmem>>[vector<16xi32>, vector<16xi32>], vector<16xf32>,
        %mul3A_857 = arith.mulf %gather3A_856, %gather3A_850 : vector<16xf32>
        %scatter3A_858 = arith.constant 2 : i32
        %scatter3A_859 = arith.constant 0 : i32
        %scatter3A_860 = arith.constant 0 : i32
        %scatter3A_861 = tpu.memref_slice %arg11[%scatter3A_858, %scatter3A_859, %scatter3A_860] : memref<3x128x16xf32, #tpu.memory_space<vmem>> -> memref<1x128x16xf32, #tpu.memory_space<vmem>>
        %scatter3A_862 = tpu.memref_squeeze %scatter3A_861 : memref<1x128x16xf32, #tpu.memory_space<vmem>> -> memref<128x16xf32, #tpu.memory_space<vmem>>
        tpu.vector_store_idx %scatter3A_862[%broadcast_in_dim3A_844, %iota3A], %mul3A_857 : memref<128x16xf32, #tpu.memory_space<vmem>>[vector<16xi32>, vector<16xi32>], vector<16xf32>,
        %add3A_863 = arith.constant 5 : i32
        %add3A_864 = arith.addi %add3A_760, %add3A_863 : i32
        %broadcast_in_dim3A_865 = vector.broadcast %add3A_864 : i32 to vector<16xi32>
        %gather3A_866 = arith.constant 2 : i32
        %gather3A_867 = arith.constant 0 : i32
        %gather3A_868 = arith.constant 0 : i32
        %gather3A_869 = tpu.memref_slice %arg10[%gather3A_866, %gather3A_867, %gather3A_868] : memref<3x128x19xf32, #tpu.memory_space<vmem>> -> memref<1x128x19xf32, #tpu.memory_space<vmem>>
        %gather3A_870 = tpu.memref_squeeze %gather3A_869 : memref<1x128x19xf32, #tpu.memory_space<vmem>> -> memref<128x19xf32, #tpu.memory_space<vmem>>
        %gather3A_871 = tpu.vector_load_idx %gather3A_870[%broadcast_in_dim3A_865, %min3A_5] : memref<128x19xf32, #tpu.memory_space<vmem>>[vector<16xi32>, vector<16xi32>], vector<16xf32>,
        %gather3A_872 = arith.constant 2 : i32
        %gather3A_873 = arith.constant 0 : i32
        %gather3A_874 = arith.constant 0 : i32
        %gather3A_875 = tpu.memref_slice %arg11[%gather3A_872, %gather3A_873, %gather3A_874] : memref<3x128x16xf32, #tpu.memory_space<vmem>> -> memref<1x128x16xf32, #tpu.memory_space<vmem>>
        %gather3A_876 = tpu.memref_squeeze %gather3A_875 : memref<1x128x16xf32, #tpu.memory_space<vmem>> -> memref<128x16xf32, #tpu.memory_space<vmem>>
        %gather3A_877 = tpu.vector_load_idx %gather3A_876[%broadcast_in_dim3A_865, %iota3A] : memref<128x16xf32, #tpu.memory_space<vmem>>[vector<16xi32>, vector<16xi32>], vector<16xf32>,
        %mul3A_878 = arith.mulf %gather3A_877, %gather3A_871 : vector<16xf32>
        %scatter3A_879 = arith.constant 2 : i32
        %scatter3A_880 = arith.constant 0 : i32
        %scatter3A_881 = arith.constant 0 : i32
        %scatter3A_882 = tpu.memref_slice %arg11[%scatter3A_879, %scatter3A_880, %scatter3A_881] : memref<3x128x16xf32, #tpu.memory_space<vmem>> -> memref<1x128x16xf32, #tpu.memory_space<vmem>>
        %scatter3A_883 = tpu.memref_squeeze %scatter3A_882 : memref<1x128x16xf32, #tpu.memory_space<vmem>> -> memref<128x16xf32, #tpu.memory_space<vmem>>
        tpu.vector_store_idx %scatter3A_883[%broadcast_in_dim3A_865, %iota3A], %mul3A_878 : memref<128x16xf32, #tpu.memory_space<vmem>>[vector<16xi32>, vector<16xi32>], vector<16xf32>,
        %add3A_884 = arith.constant 6 : i32
        %add3A_885 = arith.addi %add3A_760, %add3A_884 : i32
        %broadcast_in_dim3A_886 = vector.broadcast %add3A_885 : i32 to vector<16xi32>
        %gather3A_887 = arith.constant 2 : i32
        %gather3A_888 = arith.constant 0 : i32
        %gather3A_889 = arith.constant 0 : i32
        %gather3A_890 = tpu.memref_slice %arg10[%gather3A_887, %gather3A_888, %gather3A_889] : memref<3x128x19xf32, #tpu.memory_space<vmem>> -> memref<1x128x19xf32, #tpu.memory_space<vmem>>
        %gather3A_891 = tpu.memref_squeeze %gather3A_890 : memref<1x128x19xf32, #tpu.memory_space<vmem>> -> memref<128x19xf32, #tpu.memory_space<vmem>>
        %gather3A_892 = tpu.vector_load_idx %gather3A_891[%broadcast_in_dim3A_886, %min3A_5] : memref<128x19xf32, #tpu.memory_space<vmem>>[vector<16xi32>, vector<16xi32>], vector<16xf32>,
        %gather3A_893 = arith.constant 2 : i32
        %gather3A_894 = arith.constant 0 : i32
        %gather3A_895 = arith.constant 0 : i32
        %gather3A_896 = tpu.memref_slice %arg11[%gather3A_893, %gather3A_894, %gather3A_895] : memref<3x128x16xf32, #tpu.memory_space<vmem>> -> memref<1x128x16xf32, #tpu.memory_space<vmem>>
        %gather3A_897 = tpu.memref_squeeze %gather3A_896 : memref<1x128x16xf32, #tpu.memory_space<vmem>> -> memref<128x16xf32, #tpu.memory_space<vmem>>
        %gather3A_898 = tpu.vector_load_idx %gather3A_897[%broadcast_in_dim3A_886, %iota3A] : memref<128x16xf32, #tpu.memory_space<vmem>>[vector<16xi32>, vector<16xi32>], vector<16xf32>,
        %mul3A_899 = arith.mulf %gather3A_898, %gather3A_892 : vector<16xf32>
        %scatter3A_900 = arith.constant 2 : i32
        %scatter3A_901 = arith.constant 0 : i32
        %scatter3A_902 = arith.constant 0 : i32
        %scatter3A_903 = tpu.memref_slice %arg11[%scatter3A_900, %scatter3A_901, %scatter3A_902] : memref<3x128x16xf32, #tpu.memory_space<vmem>> -> memref<1x128x16xf32, #tpu.memory_space<vmem>>
        %scatter3A_904 = tpu.memref_squeeze %scatter3A_903 : memref<1x128x16xf32, #tpu.memory_space<vmem>> -> memref<128x16xf32, #tpu.memory_space<vmem>>
        tpu.vector_store_idx %scatter3A_904[%broadcast_in_dim3A_886, %iota3A], %mul3A_899 : memref<128x16xf32, #tpu.memory_space<vmem>>[vector<16xi32>, vector<16xi32>], vector<16xf32>,
        %add3A_905 = arith.constant 7 : i32
        %add3A_906 = arith.addi %add3A_760, %add3A_905 : i32
        %broadcast_in_dim3A_907 = vector.broadcast %add3A_906 : i32 to vector<16xi32>
        %gather3A_908 = arith.constant 2 : i32
        %gather3A_909 = arith.constant 0 : i32
        %gather3A_910 = arith.constant 0 : i32
        %gather3A_911 = tpu.memref_slice %arg10[%gather3A_908, %gather3A_909, %gather3A_910] : memref<3x128x19xf32, #tpu.memory_space<vmem>> -> memref<1x128x19xf32, #tpu.memory_space<vmem>>
        %gather3A_912 = tpu.memref_squeeze %gather3A_911 : memref<1x128x19xf32, #tpu.memory_space<vmem>> -> memref<128x19xf32, #tpu.memory_space<vmem>>
        %gather3A_913 = tpu.vector_load_idx %gather3A_912[%broadcast_in_dim3A_907, %min3A_5] : memref<128x19xf32, #tpu.memory_space<vmem>>[vector<16xi32>, vector<16xi32>], vector<16xf32>,
        %gather3A_914 = arith.constant 2 : i32
        %gather3A_915 = arith.constant 0 : i32
        %gather3A_916 = arith.constant 0 : i32
        %gather3A_917 = tpu.memref_slice %arg11[%gather3A_914, %gather3A_915, %gather3A_916] : memref<3x128x16xf32, #tpu.memory_space<vmem>> -> memref<1x128x16xf32, #tpu.memory_space<vmem>>
        %gather3A_918 = tpu.memref_squeeze %gather3A_917 : memref<1x128x16xf32, #tpu.memory_space<vmem>> -> memref<128x16xf32, #tpu.memory_space<vmem>>
        %gather3A_919 = tpu.vector_load_idx %gather3A_918[%broadcast_in_dim3A_907, %iota3A] : memref<128x16xf32, #tpu.memory_space<vmem>>[vector<16xi32>, vector<16xi32>], vector<16xf32>,
        %mul3A_920 = arith.mulf %gather3A_919, %gather3A_913 : vector<16xf32>
        %scatter3A_921 = arith.constant 2 : i32
        %scatter3A_922 = arith.constant 0 : i32
        %scatter3A_923 = arith.constant 0 : i32
        %scatter3A_924 = tpu.memref_slice %arg11[%scatter3A_921, %scatter3A_922, %scatter3A_923] : memref<3x128x16xf32, #tpu.memory_space<vmem>> -> memref<1x128x16xf32, #tpu.memory_space<vmem>>
        %scatter3A_925 = tpu.memref_squeeze %scatter3A_924 : memref<1x128x16xf32, #tpu.memory_space<vmem>> -> memref<128x16xf32, #tpu.memory_space<vmem>>
        tpu.vector_store_idx %scatter3A_925[%broadcast_in_dim3A_907, %iota3A], %mul3A_920 : memref<128x16xf32, #tpu.memory_space<vmem>>[vector<16xi32>, vector<16xi32>], vector<16xf32>,
        %add3A_926 = arith.constant 8 : i32
        %add3A_927 = arith.addi %add3A_760, %add3A_926 : i32
        %broadcast_in_dim3A_928 = vector.broadcast %add3A_927 : i32 to vector<16xi32>
        %gather3A_929 = arith.constant 2 : i32
        %gather3A_930 = arith.constant 0 : i32
        %gather3A_931 = arith.constant 0 : i32
        %gather3A_932 = tpu.memref_slice %arg10[%gather3A_929, %gather3A_930, %gather3A_931] : memref<3x128x19xf32, #tpu.memory_space<vmem>> -> memref<1x128x19xf32, #tpu.memory_space<vmem>>
        %gather3A_933 = tpu.memref_squeeze %gather3A_932 : memref<1x128x19xf32, #tpu.memory_space<vmem>> -> memref<128x19xf32, #tpu.memory_space<vmem>>
        %gather3A_934 = tpu.vector_load_idx %gather3A_933[%broadcast_in_dim3A_928, %min3A_5] : memref<128x19xf32, #tpu.memory_space<vmem>>[vector<16xi32>, vector<16xi32>], vector<16xf32>,
        %gather3A_935 = arith.constant 2 : i32
        %gather3A_936 = arith.constant 0 : i32
        %gather3A_937 = arith.constant 0 : i32
        %gather3A_938 = tpu.memref_slice %arg11[%gather3A_935, %gather3A_936, %gather3A_937] : memref<3x128x16xf32, #tpu.memory_space<vmem>> -> memref<1x128x16xf32, #tpu.memory_space<vmem>>
        %gather3A_939 = tpu.memref_squeeze %gather3A_938 : memref<1x128x16xf32, #tpu.memory_space<vmem>> -> memref<128x16xf32, #tpu.memory_space<vmem>>
        %gather3A_940 = tpu.vector_load_idx %gather3A_939[%broadcast_in_dim3A_928, %iota3A] : memref<128x16xf32, #tpu.memory_space<vmem>>[vector<16xi32>, vector<16xi32>], vector<16xf32>,
        %mul3A_941 = arith.mulf %gather3A_940, %gather3A_934 : vector<16xf32>
        %scatter3A_942 = arith.constant 2 : i32
        %scatter3A_943 = arith.constant 0 : i32
        %scatter3A_944 = arith.constant 0 : i32
        %scatter3A_945 = tpu.memref_slice %arg11[%scatter3A_942, %scatter3A_943, %scatter3A_944] : memref<3x128x16xf32, #tpu.memory_space<vmem>> -> memref<1x128x16xf32, #tpu.memory_space<vmem>>
        %scatter3A_946 = tpu.memref_squeeze %scatter3A_945 : memref<1x128x16xf32, #tpu.memory_space<vmem>> -> memref<128x16xf32, #tpu.memory_space<vmem>>
        tpu.vector_store_idx %scatter3A_946[%broadcast_in_dim3A_928, %iota3A], %mul3A_941 : memref<128x16xf32, #tpu.memory_space<vmem>>[vector<16xi32>, vector<16xi32>], vector<16xf32>,
        %add3A_947 = arith.constant 9 : i32
        %add3A_948 = arith.addi %add3A_760, %add3A_947 : i32
        %broadcast_in_dim3A_949 = vector.broadcast %add3A_948 : i32 to vector<16xi32>
        %gather3A_950 = arith.constant 2 : i32
        %gather3A_951 = arith.constant 0 : i32
        %gather3A_952 = arith.constant 0 : i32
        %gather3A_953 = tpu.memref_slice %arg10[%gather3A_950, %gather3A_951, %gather3A_952] : memref<3x128x19xf32, #tpu.memory_space<vmem>> -> memref<1x128x19xf32, #tpu.memory_space<vmem>>
        %gather3A_954 = tpu.memref_squeeze %gather3A_953 : memref<1x128x19xf32, #tpu.memory_space<vmem>> -> memref<128x19xf32, #tpu.memory_space<vmem>>
        %gather3A_955 = tpu.vector_load_idx %gather3A_954[%broadcast_in_dim3A_949, %min3A_5] : memref<128x19xf32, #tpu.memory_space<vmem>>[vector<16xi32>, vector<16xi32>], vector<16xf32>,
        %gather3A_956 = arith.constant 2 : i32
        %gather3A_957 = arith.constant 0 : i32
        %gather3A_958 = arith.constant 0 : i32
        %gather3A_959 = tpu.memref_slice %arg11[%gather3A_956, %gather3A_957, %gather3A_958] : memref<3x128x16xf32, #tpu.memory_space<vmem>> -> memref<1x128x16xf32, #tpu.memory_space<vmem>>
        %gather3A_960 = tpu.memref_squeeze %gather3A_959 : memref<1x128x16xf32, #tpu.memory_space<vmem>> -> memref<128x16xf32, #tpu.memory_space<vmem>>
        %gather3A_961 = tpu.vector_load_idx %gather3A_960[%broadcast_in_dim3A_949, %iota3A] : memref<128x16xf32, #tpu.memory_space<vmem>>[vector<16xi32>, vector<16xi32>], vector<16xf32>,
        %mul3A_962 = arith.mulf %gather3A_961, %gather3A_955 : vector<16xf32>
        %scatter3A_963 = arith.constant 2 : i32
        %scatter3A_964 = arith.constant 0 : i32
        %scatter3A_965 = arith.constant 0 : i32
        %scatter3A_966 = tpu.memref_slice %arg11[%scatter3A_963, %scatter3A_964, %scatter3A_965] : memref<3x128x16xf32, #tpu.memory_space<vmem>> -> memref<1x128x16xf32, #tpu.memory_space<vmem>>
        %scatter3A_967 = tpu.memref_squeeze %scatter3A_966 : memref<1x128x16xf32, #tpu.memory_space<vmem>> -> memref<128x16xf32, #tpu.memory_space<vmem>>
        tpu.vector_store_idx %scatter3A_967[%broadcast_in_dim3A_949, %iota3A], %mul3A_962 : memref<128x16xf32, #tpu.memory_space<vmem>>[vector<16xi32>, vector<16xi32>], vector<16xf32>,
        %add3A_968 = arith.constant 10 : i32
        %add3A_969 = arith.addi %add3A_760, %add3A_968 : i32
        %broadcast_in_dim3A_970 = vector.broadcast %add3A_969 : i32 to vector<16xi32>
        %gather3A_971 = arith.constant 2 : i32
        %gather3A_972 = arith.constant 0 : i32
        %gather3A_973 = arith.constant 0 : i32
        %gather3A_974 = tpu.memref_slice %arg10[%gather3A_971, %gather3A_972, %gather3A_973] : memref<3x128x19xf32, #tpu.memory_space<vmem>> -> memref<1x128x19xf32, #tpu.memory_space<vmem>>
        %gather3A_975 = tpu.memref_squeeze %gather3A_974 : memref<1x128x19xf32, #tpu.memory_space<vmem>> -> memref<128x19xf32, #tpu.memory_space<vmem>>
        %gather3A_976 = tpu.vector_load_idx %gather3A_975[%broadcast_in_dim3A_970, %min3A_5] : memref<128x19xf32, #tpu.memory_space<vmem>>[vector<16xi32>, vector<16xi32>], vector<16xf32>,
        %gather3A_977 = arith.constant 2 : i32
        %gather3A_978 = arith.constant 0 : i32
        %gather3A_979 = arith.constant 0 : i32
        %gather3A_980 = tpu.memref_slice %arg11[%gather3A_977, %gather3A_978, %gather3A_979] : memref<3x128x16xf32, #tpu.memory_space<vmem>> -> memref<1x128x16xf32, #tpu.memory_space<vmem>>
        %gather3A_981 = tpu.memref_squeeze %gather3A_980 : memref<1x128x16xf32, #tpu.memory_space<vmem>> -> memref<128x16xf32, #tpu.memory_space<vmem>>
        %gather3A_982 = tpu.vector_load_idx %gather3A_981[%broadcast_in_dim3A_970, %iota3A] : memref<128x16xf32, #tpu.memory_space<vmem>>[vector<16xi32>, vector<16xi32>], vector<16xf32>,
        %mul3A_983 = arith.mulf %gather3A_982, %gather3A_976 : vector<16xf32>
        %scatter3A_984 = arith.constant 2 : i32
        %scatter3A_985 = arith.constant 0 : i32
        %scatter3A_986 = arith.constant 0 : i32
        %scatter3A_987 = tpu.memref_slice %arg11[%scatter3A_984, %scatter3A_985, %scatter3A_986] : memref<3x128x16xf32, #tpu.memory_space<vmem>> -> memref<1x128x16xf32, #tpu.memory_space<vmem>>
        %scatter3A_988 = tpu.memref_squeeze %scatter3A_987 : memref<1x128x16xf32, #tpu.memory_space<vmem>> -> memref<128x16xf32, #tpu.memory_space<vmem>>
        tpu.vector_store_idx %scatter3A_988[%broadcast_in_dim3A_970, %iota3A], %mul3A_983 : memref<128x16xf32, #tpu.memory_space<vmem>>[vector<16xi32>, vector<16xi32>], vector<16xf32>,
        %add3A_989 = arith.constant 11 : i32
        %add3A_990 = arith.addi %add3A_760, %add3A_989 : i32
        %broadcast_in_dim3A_991 = vector.broadcast %add3A_990 : i32 to vector<16xi32>
        %gather3A_992 = arith.constant 2 : i32
        %gather3A_993 = arith.constant 0 : i32
        %gather3A_994 = arith.constant 0 : i32
        %gather3A_995 = tpu.memref_slice %arg10[%gather3A_992, %gather3A_993, %gather3A_994] : memref<3x128x19xf32, #tpu.memory_space<vmem>> -> memref<1x128x19xf32, #tpu.memory_space<vmem>>
        %gather3A_996 = tpu.memref_squeeze %gather3A_995 : memref<1x128x19xf32, #tpu.memory_space<vmem>> -> memref<128x19xf32, #tpu.memory_space<vmem>>
        %gather3A_997 = tpu.vector_load_idx %gather3A_996[%broadcast_in_dim3A_991, %min3A_5] : memref<128x19xf32, #tpu.memory_space<vmem>>[vector<16xi32>, vector<16xi32>], vector<16xf32>,
        %gather3A_998 = arith.constant 2 : i32
        %gather3A_999 = arith.constant 0 : i32
        %gather3A_1000 = arith.constant 0 : i32
        %gather3A_1001 = tpu.memref_slice %arg11[%gather3A_998, %gather3A_999, %gather3A_1000] : memref<3x128x16xf32, #tpu.memory_space<vmem>> -> memref<1x128x16xf32, #tpu.memory_space<vmem>>
        %gather3A_1002 = tpu.memref_squeeze %gather3A_1001 : memref<1x128x16xf32, #tpu.memory_space<vmem>> -> memref<128x16xf32, #tpu.memory_space<vmem>>
        %gather3A_1003 = tpu.vector_load_idx %gather3A_1002[%broadcast_in_dim3A_991, %iota3A] : memref<128x16xf32, #tpu.memory_space<vmem>>[vector<16xi32>, vector<16xi32>], vector<16xf32>,
        %mul3A_1004 = arith.mulf %gather3A_1003, %gather3A_997 : vector<16xf32>
        %scatter3A_1005 = arith.constant 2 : i32
        %scatter3A_1006 = arith.constant 0 : i32
        %scatter3A_1007 = arith.constant 0 : i32
        %scatter3A_1008 = tpu.memref_slice %arg11[%scatter3A_1005, %scatter3A_1006, %scatter3A_1007] : memref<3x128x16xf32, #tpu.memory_space<vmem>> -> memref<1x128x16xf32, #tpu.memory_space<vmem>>
        %scatter3A_1009 = tpu.memref_squeeze %scatter3A_1008 : memref<1x128x16xf32, #tpu.memory_space<vmem>> -> memref<128x16xf32, #tpu.memory_space<vmem>>
        tpu.vector_store_idx %scatter3A_1009[%broadcast_in_dim3A_991, %iota3A], %mul3A_1004 : memref<128x16xf32, #tpu.memory_space<vmem>>[vector<16xi32>, vector<16xi32>], vector<16xf32>,
        %add3A_1010 = arith.constant 12 : i32
        %add3A_1011 = arith.addi %add3A_760, %add3A_1010 : i32
        %broadcast_in_dim3A_1012 = vector.broadcast %add3A_1011 : i32 to vector<16xi32>
        %gather3A_1013 = arith.constant 2 : i32
        %gather3A_1014 = arith.constant 0 : i32
        %gather3A_1015 = arith.constant 0 : i32
        %gather3A_1016 = tpu.memref_slice %arg10[%gather3A_1013, %gather3A_1014, %gather3A_1015] : memref<3x128x19xf32, #tpu.memory_space<vmem>> -> memref<1x128x19xf32, #tpu.memory_space<vmem>>
        %gather3A_1017 = tpu.memref_squeeze %gather3A_1016 : memref<1x128x19xf32, #tpu.memory_space<vmem>> -> memref<128x19xf32, #tpu.memory_space<vmem>>
        %gather3A_1018 = tpu.vector_load_idx %gather3A_1017[%broadcast_in_dim3A_1012, %min3A_5] : memref<128x19xf32, #tpu.memory_space<vmem>>[vector<16xi32>, vector<16xi32>], vector<16xf32>,
        %gather3A_1019 = arith.constant 2 : i32
        %gather3A_1020 = arith.constant 0 : i32
        %gather3A_1021 = arith.constant 0 : i32
        %gather3A_1022 = tpu.memref_slice %arg11[%gather3A_1019, %gather3A_1020, %gather3A_1021] : memref<3x128x16xf32, #tpu.memory_space<vmem>> -> memref<1x128x16xf32, #tpu.memory_space<vmem>>
        %gather3A_1023 = tpu.memref_squeeze %gather3A_1022 : memref<1x128x16xf32, #tpu.memory_space<vmem>> -> memref<128x16xf32, #tpu.memory_space<vmem>>
        %gather3A_1024 = tpu.vector_load_idx %gather3A_1023[%broadcast_in_dim3A_1012, %iota3A] : memref<128x16xf32, #tpu.memory_space<vmem>>[vector<16xi32>, vector<16xi32>], vector<16xf32>,
        %mul3A_1025 = arith.mulf %gather3A_1024, %gather3A_1018 : vector<16xf32>
        %scatter3A_1026 = arith.constant 2 : i32
        %scatter3A_1027 = arith.constant 0 : i32
        %scatter3A_1028 = arith.constant 0 : i32
        %scatter3A_1029 = tpu.memref_slice %arg11[%scatter3A_1026, %scatter3A_1027, %scatter3A_1028] : memref<3x128x16xf32, #tpu.memory_space<vmem>> -> memref<1x128x16xf32, #tpu.memory_space<vmem>>
        %scatter3A_1030 = tpu.memref_squeeze %scatter3A_1029 : memref<1x128x16xf32, #tpu.memory_space<vmem>> -> memref<128x16xf32, #tpu.memory_space<vmem>>
        tpu.vector_store_idx %scatter3A_1030[%broadcast_in_dim3A_1012, %iota3A], %mul3A_1025 : memref<128x16xf32, #tpu.memory_space<vmem>>[vector<16xi32>, vector<16xi32>], vector<16xf32>,
        %add3A_1031 = arith.constant 13 : i32
        %add3A_1032 = arith.addi %add3A_760, %add3A_1031 : i32
        %broadcast_in_dim3A_1033 = vector.broadcast %add3A_1032 : i32 to vector<16xi32>
        %gather3A_1034 = arith.constant 2 : i32
        %gather3A_1035 = arith.constant 0 : i32
        %gather3A_1036 = arith.constant 0 : i32
        %gather3A_1037 = tpu.memref_slice %arg10[%gather3A_1034, %gather3A_1035, %gather3A_1036] : memref<3x128x19xf32, #tpu.memory_space<vmem>> -> memref<1x128x19xf32, #tpu.memory_space<vmem>>
        %gather3A_1038 = tpu.memref_squeeze %gather3A_1037 : memref<1x128x19xf32, #tpu.memory_space<vmem>> -> memref<128x19xf32, #tpu.memory_space<vmem>>
        %gather3A_1039 = tpu.vector_load_idx %gather3A_1038[%broadcast_in_dim3A_1033, %min3A_5] : memref<128x19xf32, #tpu.memory_space<vmem>>[vector<16xi32>, vector<16xi32>], vector<16xf32>,
        %gather3A_1040 = arith.constant 2 : i32
        %gather3A_1041 = arith.constant 0 : i32
        %gather3A_1042 = arith.constant 0 : i32
        %gather3A_1043 = tpu.memref_slice %arg11[%gather3A_1040, %gather3A_1041, %gather3A_1042] : memref<3x128x16xf32, #tpu.memory_space<vmem>> -> memref<1x128x16xf32, #tpu.memory_space<vmem>>
        %gather3A_1044 = tpu.memref_squeeze %gather3A_1043 : memref<1x128x16xf32, #tpu.memory_space<vmem>> -> memref<128x16xf32, #tpu.memory_space<vmem>>
        %gather3A_1045 = tpu.vector_load_idx %gather3A_1044[%broadcast_in_dim3A_1033, %iota3A] : memref<128x16xf32, #tpu.memory_space<vmem>>[vector<16xi32>, vector<16xi32>], vector<16xf32>,
        %mul3A_1046 = arith.mulf %gather3A_1045, %gather3A_1039 : vector<16xf32>
        %scatter3A_1047 = arith.constant 2 : i32
        %scatter3A_1048 = arith.constant 0 : i32
        %scatter3A_1049 = arith.constant 0 : i32
        %scatter3A_1050 = tpu.memref_slice %arg11[%scatter3A_1047, %scatter3A_1048, %scatter3A_1049] : memref<3x128x16xf32, #tpu.memory_space<vmem>> -> memref<1x128x16xf32, #tpu.memory_space<vmem>>
        %scatter3A_1051 = tpu.memref_squeeze %scatter3A_1050 : memref<1x128x16xf32, #tpu.memory_space<vmem>> -> memref<128x16xf32, #tpu.memory_space<vmem>>
        tpu.vector_store_idx %scatter3A_1051[%broadcast_in_dim3A_1033, %iota3A], %mul3A_1046 : memref<128x16xf32, #tpu.memory_space<vmem>>[vector<16xi32>, vector<16xi32>], vector<16xf32>,
        %add3A_1052 = arith.constant 14 : i32
        %add3A_1053 = arith.addi %add3A_760, %add3A_1052 : i32
        %broadcast_in_dim3A_1054 = vector.broadcast %add3A_1053 : i32 to vector<16xi32>
        %gather3A_1055 = arith.constant 2 : i32
        %gather3A_1056 = arith.constant 0 : i32
        %gather3A_1057 = arith.constant 0 : i32
        %gather3A_1058 = tpu.memref_slice %arg10[%gather3A_1055, %gather3A_1056, %gather3A_1057] : memref<3x128x19xf32, #tpu.memory_space<vmem>> -> memref<1x128x19xf32, #tpu.memory_space<vmem>>
        %gather3A_1059 = tpu.memref_squeeze %gather3A_1058 : memref<1x128x19xf32, #tpu.memory_space<vmem>> -> memref<128x19xf32, #tpu.memory_space<vmem>>
        %gather3A_1060 = tpu.vector_load_idx %gather3A_1059[%broadcast_in_dim3A_1054, %min3A_5] : memref<128x19xf32, #tpu.memory_space<vmem>>[vector<16xi32>, vector<16xi32>], vector<16xf32>,
        %gather3A_1061 = arith.constant 2 : i32
        %gather3A_1062 = arith.constant 0 : i32
        %gather3A_1063 = arith.constant 0 : i32
        %gather3A_1064 = tpu.memref_slice %arg11[%gather3A_1061, %gather3A_1062, %gather3A_1063] : memref<3x128x16xf32, #tpu.memory_space<vmem>> -> memref<1x128x16xf32, #tpu.memory_space<vmem>>
        %gather3A_1065 = tpu.memref_squeeze %gather3A_1064 : memref<1x128x16xf32, #tpu.memory_space<vmem>> -> memref<128x16xf32, #tpu.memory_space<vmem>>
        %gather3A_1066 = tpu.vector_load_idx %gather3A_1065[%broadcast_in_dim3A_1054, %iota3A] : memref<128x16xf32, #tpu.memory_space<vmem>>[vector<16xi32>, vector<16xi32>], vector<16xf32>,
        %mul3A_1067 = arith.mulf %gather3A_1066, %gather3A_1060 : vector<16xf32>
        %scatter3A_1068 = arith.constant 2 : i32
        %scatter3A_1069 = arith.constant 0 : i32
        %scatter3A_1070 = arith.constant 0 : i32
        %scatter3A_1071 = tpu.memref_slice %arg11[%scatter3A_1068, %scatter3A_1069, %scatter3A_1070] : memref<3x128x16xf32, #tpu.memory_space<vmem>> -> memref<1x128x16xf32, #tpu.memory_space<vmem>>
        %scatter3A_1072 = tpu.memref_squeeze %scatter3A_1071 : memref<1x128x16xf32, #tpu.memory_space<vmem>> -> memref<128x16xf32, #tpu.memory_space<vmem>>
        tpu.vector_store_idx %scatter3A_1072[%broadcast_in_dim3A_1054, %iota3A], %mul3A_1067 : memref<128x16xf32, #tpu.memory_space<vmem>>[vector<16xi32>, vector<16xi32>], vector<16xf32>,
        %add3A_1073 = arith.constant 15 : i32
        %add3A_1074 = arith.addi %add3A_760, %add3A_1073 : i32
        %broadcast_in_dim3A_1075 = vector.broadcast %add3A_1074 : i32 to vector<16xi32>
        %gather3A_1076 = arith.constant 2 : i32
        %gather3A_1077 = arith.constant 0 : i32
        %gather3A_1078 = arith.constant 0 : i32
        %gather3A_1079 = tpu.memref_slice %arg10[%gather3A_1076, %gather3A_1077, %gather3A_1078] : memref<3x128x19xf32, #tpu.memory_space<vmem>> -> memref<1x128x19xf32, #tpu.memory_space<vmem>>
        %gather3A_1080 = tpu.memref_squeeze %gather3A_1079 : memref<1x128x19xf32, #tpu.memory_space<vmem>> -> memref<128x19xf32, #tpu.memory_space<vmem>>
        %gather3A_1081 = tpu.vector_load_idx %gather3A_1080[%broadcast_in_dim3A_1075, %min3A_5] : memref<128x19xf32, #tpu.memory_space<vmem>>[vector<16xi32>, vector<16xi32>], vector<16xf32>,
        %gather3A_1082 = arith.constant 2 : i32
        %gather3A_1083 = arith.constant 0 : i32
        %gather3A_1084 = arith.constant 0 : i32
        %gather3A_1085 = tpu.memref_slice %arg11[%gather3A_1082, %gather3A_1083, %gather3A_1084] : memref<3x128x16xf32, #tpu.memory_space<vmem>> -> memref<1x128x16xf32, #tpu.memory_space<vmem>>
        %gather3A_1086 = tpu.memref_squeeze %gather3A_1085 : memref<1x128x16xf32, #tpu.memory_space<vmem>> -> memref<128x16xf32, #tpu.memory_space<vmem>>
        %gather3A_1087 = tpu.vector_load_idx %gather3A_1086[%broadcast_in_dim3A_1075, %iota3A] : memref<128x16xf32, #tpu.memory_space<vmem>>[vector<16xi32>, vector<16xi32>], vector<16xf32>,
        %mul3A_1088 = arith.mulf %gather3A_1087, %gather3A_1081 : vector<16xf32>
        %scatter3A_1089 = arith.constant 2 : i32
        %scatter3A_1090 = arith.constant 0 : i32
        %scatter3A_1091 = arith.constant 0 : i32
        %scatter3A_1092 = tpu.memref_slice %arg11[%scatter3A_1089, %scatter3A_1090, %scatter3A_1091] : memref<3x128x16xf32, #tpu.memory_space<vmem>> -> memref<1x128x16xf32, #tpu.memory_space<vmem>>
        %scatter3A_1093 = tpu.memref_squeeze %scatter3A_1092 : memref<1x128x16xf32, #tpu.memory_space<vmem>> -> memref<128x16xf32, #tpu.memory_space<vmem>>
        tpu.vector_store_idx %scatter3A_1093[%broadcast_in_dim3A_1075, %iota3A], %mul3A_1088 : memref<128x16xf32, #tpu.memory_space<vmem>>[vector<16xi32>, vector<16xi32>], vector<16xf32>,
      }
      %scan3A_743 = arith.constant 8 : i32
      %dma_start3A_744 = arith.constant 2 : i32
      %dma_start3A_745 = arith.constant 2 : i32
      %dma_start3A_746 = arith.constant 0 : i32
      %dma_start3A_747 = arith.constant 0 : i32
      %dma_start3A_748 = tpu.memref_slice %arg11[%dma_start3A_744, %dma_start3A_746, %dma_start3A_747] : memref<3x128x16xf32, #tpu.memory_space<vmem>> -> memref<1x128x16xf32, #tpu.memory_space<vmem>>
      %dma_start3A_749 = tpu.memref_squeeze %dma_start3A_748 : memref<1x128x16xf32, #tpu.memory_space<vmem>> -> memref<128x16xf32, #tpu.memory_space<vmem>>
      %dma_start3A_750 = arith.constant 0 : i32
      %dma_start3A_751 = tpu.memref_slice %arg9[%dma_start3A_745, %dma_start3A_750] : memref<3x128xi32, #tpu.memory_space<vmem>> -> memref<1x128xi32, #tpu.memory_space<vmem>>
      %dma_start3A_752 = tpu.memref_squeeze %dma_start3A_751 : memref<1x128xi32, #tpu.memory_space<vmem>> -> memref<128xi32, #tpu.memory_space<vmem>>
      %dma_start3A_753 = arith.constant 0 : i32
      %dma_start3A_754 = arith.constant 0 : i32
      %dma_start3A_755 = tpu.memref_slice %arg7[%dma_start3A_753, %dma_start3A_754] : memref<100352x16xf32, #tpu.memory_space<vmem_shared>> -> memref<100352x16xf32, #tpu.memory_space<vmem_shared>>
      tpu.enqueue_indirect_dma source(%dma_start3A_749 : memref<128x16xf32, #tpu.memory_space<vmem>>) target(%dma_start3A_755 : memref<100352x16xf32, #tpu.memory_space<vmem_shared>>) offsets(%dma_start3A_752 : memref<128xi32, #tpu.memory_space<vmem>>) semaphore(%arg24 : memref<!tpu.dma_semaphore, #tpu.memory_space<semaphore_mem>>) {add = true}
    }
    %scan3A_144 = arith.constant 520 : i32
    %dma_wait3A_145 = arith.constant 0 : i32
    %dma_wait3A_146 = arith.constant 1 : i32
    %dma_wait3A_147 = arith.constant 0 : i32
    %dma_wait3A_148 = tpu.memref_slice %arg8[%dma_wait3A_146, %dma_wait3A_147] : memref<3x128xi32, #tpu.memory_space<vmem>> -> memref<1x128xi32, #tpu.memory_space<vmem>>
    %dma_wait3A_149 = tpu.memref_squeeze %dma_wait3A_148 : memref<1x128xi32, #tpu.memory_space<vmem>> -> memref<128xi32, #tpu.memory_space<vmem>>
    %dma_wait3A_150 = arith.constant 0 : i32
    %dma_wait3A_151 = tpu.memref_slice %arg3[%dma_wait3A_145, %dma_wait3A_150] : memref<2x3200000xi32, #tpu.memory_space<hbm>> -> memref<1x128xi32, #tpu.memory_space<hbm>>
    %dma_wait3A_152 = tpu.memref_squeeze %dma_wait3A_151 : memref<1x128xi32, #tpu.memory_space<hbm>> -> memref<128xi32, #tpu.memory_space<hbm>>
    %dma_wait3A_153 = arith.constant 0 : i32
    %dma_wait3A_154 = tpu.memref_slice %arg8[%dma_wait3A_146, %dma_wait3A_153] : memref<3x128xi32, #tpu.memory_space<vmem>> -> memref<1x128xi32, #tpu.memory_space<vmem>>
    %dma_wait3A_155 = tpu.memref_squeeze %dma_wait3A_154 : memref<1x128xi32, #tpu.memory_space<vmem>> -> memref<128xi32, #tpu.memory_space<vmem>>
    %dma_wait3A_156 = arith.constant 0 : i32
    %dma_wait3A_157 = tpu.memref_slice %arg3[%dma_wait3A_145, %dma_wait3A_156] : memref<2x3200000xi32, #tpu.memory_space<hbm>> -> memref<1x128xi32, #tpu.memory_space<hbm>>
    %dma_wait3A_158 = tpu.memref_squeeze %dma_wait3A_157 : memref<1x128xi32, #tpu.memory_space<hbm>> -> memref<128xi32, #tpu.memory_space<hbm>>
    tpu.wait_dma2 semaphore(%arg17 : memref<!tpu.dma_semaphore, #tpu.memory_space<semaphore_mem>>) src(%dma_wait3A_158 : memref<128xi32, #tpu.memory_space<hbm>>) dst(%dma_wait3A_155 : memref<128xi32, #tpu.memory_space<vmem>>)
    %dma_wait3A_159 = arith.constant 1 : i32
    %dma_wait3A_160 = arith.constant 0 : i32
    %dma_wait3A_161 = arith.constant 0 : i32
    %dma_wait3A_162 = tpu.memref_slice %arg10[%dma_wait3A_159, %dma_wait3A_160, %dma_wait3A_161] : memref<3x128x19xf32, #tpu.memory_space<vmem>> -> memref<1x128x19xf32, #tpu.memory_space<vmem>>
    %dma_wait3A_163 = tpu.memref_squeeze %dma_wait3A_162 : memref<1x128x19xf32, #tpu.memory_space<vmem>> -> memref<128x19xf32, #tpu.memory_space<vmem>>
    %dma_wait3A_164 = arith.constant 0 : i32
    %dma_wait3A_165 = arith.constant 0 : i32
    %dma_wait3A_166 = tpu.memref_slice %arg4[%dma_wait3A_164, %dma_wait3A_165] : memref<3200000x19xf32, #tpu.memory_space<hbm>> -> memref<128x19xf32, #tpu.memory_space<hbm>>
    %dma_wait3A_167 = arith.constant 0 : i32
    %dma_wait3A_168 = arith.constant 0 : i32
    %dma_wait3A_169 = tpu.memref_slice %arg10[%dma_wait3A_159, %dma_wait3A_167, %dma_wait3A_168] : memref<3x128x19xf32, #tpu.memory_space<vmem>> -> memref<1x128x19xf32, #tpu.memory_space<vmem>>
    %dma_wait3A_170 = tpu.memref_squeeze %dma_wait3A_169 : memref<1x128x19xf32, #tpu.memory_space<vmem>> -> memref<128x19xf32, #tpu.memory_space<vmem>>
    %dma_wait3A_171 = arith.constant 0 : i32
    %dma_wait3A_172 = arith.constant 0 : i32
    %dma_wait3A_173 = tpu.memref_slice %arg4[%dma_wait3A_171, %dma_wait3A_172] : memref<3200000x19xf32, #tpu.memory_space<hbm>> -> memref<128x19xf32, #tpu.memory_space<hbm>>
    tpu.wait_dma2 semaphore(%arg17 : memref<!tpu.dma_semaphore, #tpu.memory_space<semaphore_mem>>) src(%dma_wait3A_173 : memref<128x19xf32, #tpu.memory_space<hbm>>) dst(%dma_wait3A_170 : memref<128x19xf32, #tpu.memory_space<vmem>>)
    %dma_wait3A_174 = arith.constant 1 : i32
    %dma_wait3A_175 = arith.constant 1 : i32
    %dma_wait3A_176 = arith.constant 0 : i32
    %dma_wait3A_177 = tpu.memref_slice %arg9[%dma_wait3A_175, %dma_wait3A_176] : memref<3x128xi32, #tpu.memory_space<vmem>> -> memref<1x128xi32, #tpu.memory_space<vmem>>
    %dma_wait3A_178 = tpu.memref_squeeze %dma_wait3A_177 : memref<1x128xi32, #tpu.memory_space<vmem>> -> memref<128xi32, #tpu.memory_space<vmem>>
    %dma_wait3A_179 = arith.constant 0 : i32
    %dma_wait3A_180 = tpu.memref_slice %arg3[%dma_wait3A_174, %dma_wait3A_179] : memref<2x3200000xi32, #tpu.memory_space<hbm>> -> memref<1x128xi32, #tpu.memory_space<hbm>>
    %dma_wait3A_181 = tpu.memref_squeeze %dma_wait3A_180 : memref<1x128xi32, #tpu.memory_space<hbm>> -> memref<128xi32, #tpu.memory_space<hbm>>
    %dma_wait3A_182 = arith.constant 0 : i32
    %dma_wait3A_183 = tpu.memref_slice %arg9[%dma_wait3A_175, %dma_wait3A_182] : memref<3x128xi32, #tpu.memory_space<vmem>> -> memref<1x128xi32, #tpu.memory_space<vmem>>
    %dma_wait3A_184 = tpu.memref_squeeze %dma_wait3A_183 : memref<1x128xi32, #tpu.memory_space<vmem>> -> memref<128xi32, #tpu.memory_space<vmem>>
    %dma_wait3A_185 = arith.constant 0 : i32
    %dma_wait3A_186 = tpu.memref_slice %arg3[%dma_wait3A_174, %dma_wait3A_185] : memref<2x3200000xi32, #tpu.memory_space<hbm>> -> memref<1x128xi32, #tpu.memory_space<hbm>>
    %dma_wait3A_187 = tpu.memref_squeeze %dma_wait3A_186 : memref<1x128xi32, #tpu.memory_space<hbm>> -> memref<128xi32, #tpu.memory_space<hbm>>
    tpu.wait_dma2 semaphore(%arg17 : memref<!tpu.dma_semaphore, #tpu.memory_space<semaphore_mem>>) src(%dma_wait3A_187 : memref<128xi32, #tpu.memory_space<hbm>>) dst(%dma_wait3A_184 : memref<128xi32, #tpu.memory_space<vmem>>)
    %dma_wait3A_188 = arith.constant 2 : i32
    %dma_wait3A_189 = arith.constant 2 : i32
    %dma_wait3A_190 = arith.constant 0 : i32
    %dma_wait3A_191 = arith.constant 0 : i32
    %dma_wait3A_192 = tpu.memref_slice %arg11[%dma_wait3A_188, %dma_wait3A_190, %dma_wait3A_191] : memref<3x128x16xf32, #tpu.memory_space<vmem>> -> memref<1x128x16xf32, #tpu.memory_space<vmem>>
    %dma_wait3A_193 = tpu.memref_squeeze %dma_wait3A_192 : memref<1x128x16xf32, #tpu.memory_space<vmem>> -> memref<128x16xf32, #tpu.memory_space<vmem>>
    %dma_wait3A_194 = arith.constant 0 : i32
    %dma_wait3A_195 = tpu.memref_slice %arg9[%dma_wait3A_189, %dma_wait3A_194] : memref<3x128xi32, #tpu.memory_space<vmem>> -> memref<1x128xi32, #tpu.memory_space<vmem>>
    %dma_wait3A_196 = tpu.memref_squeeze %dma_wait3A_195 : memref<1x128xi32, #tpu.memory_space<vmem>> -> memref<128xi32, #tpu.memory_space<vmem>>
    %dma_wait3A_197 = arith.constant 0 : i32
    %dma_wait3A_198 = arith.constant 0 : i32
    %dma_wait3A_199 = tpu.memref_slice %arg7[%dma_wait3A_197, %dma_wait3A_198] : memref<100352x16xf32, #tpu.memory_space<vmem_shared>> -> memref<100352x16xf32, #tpu.memory_space<vmem_shared>>
    tpu.wait_indirect_dma semaphore(%arg24 : memref<!tpu.dma_semaphore, #tpu.memory_space<semaphore_mem>>) src(%dma_wait3A_193 : memref<128x16xf32, #tpu.memory_space<vmem>>) dst(%dma_wait3A_199 : memref<100352x16xf32, #tpu.memory_space<vmem_shared>>)
    %dma_start3A_200 = arith.constant 1 : i32
    %dma_start3A_201 = arith.constant 1 : i32
    %dma_start3A_202 = arith.constant 0 : i32
    %dma_start3A_203 = arith.constant 0 : i32
    %dma_start3A_204 = tpu.memref_slice %arg11[%dma_start3A_201, %dma_start3A_202, %dma_start3A_203] : memref<3x128x16xf32, #tpu.memory_space<vmem>> -> memref<1x128x16xf32, #tpu.memory_space<vmem>>
    %dma_start3A_205 = tpu.memref_squeeze %dma_start3A_204 : memref<1x128x16xf32, #tpu.memory_space<vmem>> -> memref<128x16xf32, #tpu.memory_space<vmem>>
    %dma_start3A_206 = arith.constant 0 : i32
    %dma_start3A_207 = tpu.memref_slice %arg8[%dma_start3A_200, %dma_start3A_206] : memref<3x128xi32, #tpu.memory_space<vmem>> -> memref<1x128xi32, #tpu.memory_space<vmem>>
    %dma_start3A_208 = tpu.memref_squeeze %dma_start3A_207 : memref<1x128xi32, #tpu.memory_space<vmem>> -> memref<128xi32, #tpu.memory_space<vmem>>
    %dma_start3A_209 = arith.constant 0 : i32
    %dma_start3A_210 = arith.constant 0 : i32
    %dma_start3A_211 = tpu.memref_slice %arg2[%arg0, %dma_start3A_209, %dma_start3A_210] : memref<2x100000x16xf32, #tpu.memory_space<hbm>> -> memref<1x100000x16xf32, #tpu.memory_space<hbm>>
    %dma_start3A_212 = tpu.memref_squeeze %dma_start3A_211 : memref<1x100000x16xf32, #tpu.memory_space<hbm>> -> memref<100000x16xf32, #tpu.memory_space<hbm>>
    %dma_start3A_213 = arith.constant 0 : i32
    %dma_start3A_214 = arith.constant 0 : i32
    %dma_start3A_215 = tpu.memref_slice %dma_start3A_212[%dma_start3A_213, %dma_start3A_214] : memref<100000x16xf32, #tpu.memory_space<hbm>> -> memref<100000x16xf32, #tpu.memory_space<hbm>>
    tpu.enqueue_indirect_dma source(%dma_start3A_215 : memref<100000x16xf32, #tpu.memory_space<hbm>>) target(%dma_start3A_205 : memref<128x16xf32, #tpu.memory_space<vmem>>) offsets(%dma_start3A_208 : memref<128xi32, #tpu.memory_space<vmem>>) semaphore(%arg20 : memref<!tpu.dma_semaphore, #tpu.memory_space<semaphore_mem>>)
    %dma_wait3A_216 = arith.constant 0 : i32
    %dma_wait3A_217 = arith.constant 0 : i32
    %dma_wait3A_218 = arith.constant 0 : i32
    %dma_wait3A_219 = arith.constant 0 : i32
    %dma_wait3A_220 = tpu.memref_slice %arg11[%dma_wait3A_217, %dma_wait3A_218, %dma_wait3A_219] : memref<3x128x16xf32, #tpu.memory_space<vmem>> -> memref<1x128x16xf32, #tpu.memory_space<vmem>>
    %dma_wait3A_221 = tpu.memref_squeeze %dma_wait3A_220 : memref<1x128x16xf32, #tpu.memory_space<vmem>> -> memref<128x16xf32, #tpu.memory_space<vmem>>
    %dma_wait3A_222 = arith.constant 0 : i32
    %dma_wait3A_223 = tpu.memref_slice %arg8[%dma_wait3A_216, %dma_wait3A_222] : memref<3x128xi32, #tpu.memory_space<vmem>> -> memref<1x128xi32, #tpu.memory_space<vmem>>
    %dma_wait3A_224 = tpu.memref_squeeze %dma_wait3A_223 : memref<1x128xi32, #tpu.memory_space<vmem>> -> memref<128xi32, #tpu.memory_space<vmem>>
    %dma_wait3A_225 = arith.constant 0 : i32
    %dma_wait3A_226 = arith.constant 0 : i32
    %dma_wait3A_227 = tpu.memref_slice %arg2[%arg0, %dma_wait3A_225, %dma_wait3A_226] : memref<2x100000x16xf32, #tpu.memory_space<hbm>> -> memref<1x100000x16xf32, #tpu.memory_space<hbm>>
    %dma_wait3A_228 = tpu.memref_squeeze %dma_wait3A_227 : memref<1x100000x16xf32, #tpu.memory_space<hbm>> -> memref<100000x16xf32, #tpu.memory_space<hbm>>
    %dma_wait3A_229 = arith.constant 0 : i32
    %dma_wait3A_230 = arith.constant 0 : i32
    %dma_wait3A_231 = tpu.memref_slice %dma_wait3A_228[%dma_wait3A_229, %dma_wait3A_230] : memref<100000x16xf32, #tpu.memory_space<hbm>> -> memref<100000x16xf32, #tpu.memory_space<hbm>>
    tpu.wait_indirect_dma semaphore(%arg19 : memref<!tpu.dma_semaphore, #tpu.memory_space<semaphore_mem>>) src(%dma_wait3A_231 : memref<100000x16xf32, #tpu.memory_space<hbm>>) dst(%dma_wait3A_221 : memref<128x16xf32, #tpu.memory_space<vmem>>)
    %scan3A_232 = arith.constant 0 : i32
    %scan3A_233 = arith.constant 8 : i32
    %scan3A_234 = arith.addi %scan3A_232, %scan3A_233 : i32
    %scan3A_235 = arith.constant 1 : i32
    scf.for %scan3A_331 = %scan3A_232 to %scan3A_234 step %scan3A_235  : i32 {
      %mul3A_332 = arith.constant 16 : i32
      %mul3A_333 = arith.muli %scan3A_331, %mul3A_332 : i32
      %add3A_334 = arith.constant 0 : i32
      %add3A_335 = arith.addi %add3A_334, %mul3A_333 : i32
      %add3A_336 = arith.constant 0 : i32
      %add3A_337 = arith.addi %add3A_335, %add3A_336 : i32
      %broadcast_in_dim3A = vector.broadcast %add3A_337 : i32 to vector<16xi32>
      %gather3A = arith.constant 0 : i32
      %gather3A_338 = arith.constant 0 : i32
      %gather3A_339 = arith.constant 0 : i32
      %gather3A_340 = tpu.memref_slice %arg10[%gather3A, %gather3A_338, %gather3A_339] : memref<3x128x19xf32, #tpu.memory_space<vmem>> -> memref<1x128x19xf32, #tpu.memory_space<vmem>>
      %gather3A_341 = tpu.memref_squeeze %gather3A_340 : memref<1x128x19xf32, #tpu.memory_space<vmem>> -> memref<128x19xf32, #tpu.memory_space<vmem>>
      %gather3A_342 = tpu.vector_load_idx %gather3A_341[%broadcast_in_dim3A, %min3A_5] : memref<128x19xf32, #tpu.memory_space<vmem>>[vector<16xi32>, vector<16xi32>], vector<16xf32>,
      %gather3A_343 = arith.constant 0 : i32
      %gather3A_344 = arith.constant 0 : i32
      %gather3A_345 = arith.constant 0 : i32
      %gather3A_346 = tpu.memref_slice %arg11[%gather3A_343, %gather3A_344, %gather3A_345] : memref<3x128x16xf32, #tpu.memory_space<vmem>> -> memref<1x128x16xf32, #tpu.memory_space<vmem>>
      %gather3A_347 = tpu.memref_squeeze %gather3A_346 : memref<1x128x16xf32, #tpu.memory_space<vmem>> -> memref<128x16xf32, #tpu.memory_space<vmem>>
      %gather3A_348 = tpu.vector_load_idx %gather3A_347[%broadcast_in_dim3A, %iota3A] : memref<128x16xf32, #tpu.memory_space<vmem>>[vector<16xi32>, vector<16xi32>], vector<16xf32>,
      %mul3A_349 = arith.mulf %gather3A_348, %gather3A_342 : vector<16xf32>
      %scatter3A = arith.constant 0 : i32
      %scatter3A_350 = arith.constant 0 : i32
      %scatter3A_351 = arith.constant 0 : i32
      %scatter3A_352 = tpu.memref_slice %arg11[%scatter3A, %scatter3A_350, %scatter3A_351] : memref<3x128x16xf32, #tpu.memory_space<vmem>> -> memref<1x128x16xf32, #tpu.memory_space<vmem>>
      %scatter3A_353 = tpu.memref_squeeze %scatter3A_352 : memref<1x128x16xf32, #tpu.memory_space<vmem>> -> memref<128x16xf32, #tpu.memory_space<vmem>>
      tpu.vector_store_idx %scatter3A_353[%broadcast_in_dim3A, %iota3A], %mul3A_349 : memref<128x16xf32, #tpu.memory_space<vmem>>[vector<16xi32>, vector<16xi32>], vector<16xf32>,
      %add3A_354 = arith.constant 1 : i32
      %add3A_355 = arith.addi %add3A_335, %add3A_354 : i32
      %broadcast_in_dim3A_356 = vector.broadcast %add3A_355 : i32 to vector<16xi32>
      %gather3A_357 = arith.constant 0 : i32
      %gather3A_358 = arith.constant 0 : i32
      %gather3A_359 = arith.constant 0 : i32
      %gather3A_360 = tpu.memref_slice %arg10[%gather3A_357, %gather3A_358, %gather3A_359] : memref<3x128x19xf32, #tpu.memory_space<vmem>> -> memref<1x128x19xf32, #tpu.memory_space<vmem>>
      %gather3A_361 = tpu.memref_squeeze %gather3A_360 : memref<1x128x19xf32, #tpu.memory_space<vmem>> -> memref<128x19xf32, #tpu.memory_space<vmem>>
      %gather3A_362 = tpu.vector_load_idx %gather3A_361[%broadcast_in_dim3A_356, %min3A_5] : memref<128x19xf32, #tpu.memory_space<vmem>>[vector<16xi32>, vector<16xi32>], vector<16xf32>,
      %gather3A_363 = arith.constant 0 : i32
      %gather3A_364 = arith.constant 0 : i32
      %gather3A_365 = arith.constant 0 : i32
      %gather3A_366 = tpu.memref_slice %arg11[%gather3A_363, %gather3A_364, %gather3A_365] : memref<3x128x16xf32, #tpu.memory_space<vmem>> -> memref<1x128x16xf32, #tpu.memory_space<vmem>>
      %gather3A_367 = tpu.memref_squeeze %gather3A_366 : memref<1x128x16xf32, #tpu.memory_space<vmem>> -> memref<128x16xf32, #tpu.memory_space<vmem>>
      %gather3A_368 = tpu.vector_load_idx %gather3A_367[%broadcast_in_dim3A_356, %iota3A] : memref<128x16xf32, #tpu.memory_space<vmem>>[vector<16xi32>, vector<16xi32>], vector<16xf32>,
      %mul3A_369 = arith.mulf %gather3A_368, %gather3A_362 : vector<16xf32>
      %scatter3A_370 = arith.constant 0 : i32
      %scatter3A_371 = arith.constant 0 : i32
      %scatter3A_372 = arith.constant 0 : i32
      %scatter3A_373 = tpu.memref_slice %arg11[%scatter3A_370, %scatter3A_371, %scatter3A_372] : memref<3x128x16xf32, #tpu.memory_space<vmem>> -> memref<1x128x16xf32, #tpu.memory_space<vmem>>
      %scatter3A_374 = tpu.memref_squeeze %scatter3A_373 : memref<1x128x16xf32, #tpu.memory_space<vmem>> -> memref<128x16xf32, #tpu.memory_space<vmem>>
      tpu.vector_store_idx %scatter3A_374[%broadcast_in_dim3A_356, %iota3A], %mul3A_369 : memref<128x16xf32, #tpu.memory_space<vmem>>[vector<16xi32>, vector<16xi32>], vector<16xf32>,
      %add3A_375 = arith.constant 2 : i32
      %add3A_376 = arith.addi %add3A_335, %add3A_375 : i32
      %broadcast_in_dim3A_377 = vector.broadcast %add3A_376 : i32 to vector<16xi32>
      %gather3A_378 = arith.constant 0 : i32
      %gather3A_379 = arith.constant 0 : i32
      %gather3A_380 = arith.constant 0 : i32
      %gather3A_381 = tpu.memref_slice %arg10[%gather3A_378, %gather3A_379, %gather3A_380] : memref<3x128x19xf32, #tpu.memory_space<vmem>> -> memref<1x128x19xf32, #tpu.memory_space<vmem>>
      %gather3A_382 = tpu.memref_squeeze %gather3A_381 : memref<1x128x19xf32, #tpu.memory_space<vmem>> -> memref<128x19xf32, #tpu.memory_space<vmem>>
      %gather3A_383 = tpu.vector_load_idx %gather3A_382[%broadcast_in_dim3A_377, %min3A_5] : memref<128x19xf32, #tpu.memory_space<vmem>>[vector<16xi32>, vector<16xi32>], vector<16xf32>,
      %gather3A_384 = arith.constant 0 : i32
      %gather3A_385 = arith.constant 0 : i32
      %gather3A_386 = arith.constant 0 : i32
      %gather3A_387 = tpu.memref_slice %arg11[%gather3A_384, %gather3A_385, %gather3A_386] : memref<3x128x16xf32, #tpu.memory_space<vmem>> -> memref<1x128x16xf32, #tpu.memory_space<vmem>>
      %gather3A_388 = tpu.memref_squeeze %gather3A_387 : memref<1x128x16xf32, #tpu.memory_space<vmem>> -> memref<128x16xf32, #tpu.memory_space<vmem>>
      %gather3A_389 = tpu.vector_load_idx %gather3A_388[%broadcast_in_dim3A_377, %iota3A] : memref<128x16xf32, #tpu.memory_space<vmem>>[vector<16xi32>, vector<16xi32>], vector<16xf32>,
      %mul3A_390 = arith.mulf %gather3A_389, %gather3A_383 : vector<16xf32>
      %scatter3A_391 = arith.constant 0 : i32
      %scatter3A_392 = arith.constant 0 : i32
      %scatter3A_393 = arith.constant 0 : i32
      %scatter3A_394 = tpu.memref_slice %arg11[%scatter3A_391, %scatter3A_392, %scatter3A_393] : memref<3x128x16xf32, #tpu.memory_space<vmem>> -> memref<1x128x16xf32, #tpu.memory_space<vmem>>
      %scatter3A_395 = tpu.memref_squeeze %scatter3A_394 : memref<1x128x16xf32, #tpu.memory_space<vmem>> -> memref<128x16xf32, #tpu.memory_space<vmem>>
      tpu.vector_store_idx %scatter3A_395[%broadcast_in_dim3A_377, %iota3A], %mul3A_390 : memref<128x16xf32, #tpu.memory_space<vmem>>[vector<16xi32>, vector<16xi32>], vector<16xf32>,
      %add3A_396 = arith.constant 3 : i32
      %add3A_397 = arith.addi %add3A_335, %add3A_396 : i32
      %broadcast_in_dim3A_398 = vector.broadcast %add3A_397 : i32 to vector<16xi32>
      %gather3A_399 = arith.constant 0 : i32
      %gather3A_400 = arith.constant 0 : i32
      %gather3A_401 = arith.constant 0 : i32
      %gather3A_402 = tpu.memref_slice %arg10[%gather3A_399, %gather3A_400, %gather3A_401] : memref<3x128x19xf32, #tpu.memory_space<vmem>> -> memref<1x128x19xf32, #tpu.memory_space<vmem>>
      %gather3A_403 = tpu.memref_squeeze %gather3A_402 : memref<1x128x19xf32, #tpu.memory_space<vmem>> -> memref<128x19xf32, #tpu.memory_space<vmem>>
      %gather3A_404 = tpu.vector_load_idx %gather3A_403[%broadcast_in_dim3A_398, %min3A_5] : memref<128x19xf32, #tpu.memory_space<vmem>>[vector<16xi32>, vector<16xi32>], vector<16xf32>,
      %gather3A_405 = arith.constant 0 : i32
      %gather3A_406 = arith.constant 0 : i32
      %gather3A_407 = arith.constant 0 : i32
      %gather3A_408 = tpu.memref_slice %arg11[%gather3A_405, %gather3A_406, %gather3A_407] : memref<3x128x16xf32, #tpu.memory_space<vmem>> -> memref<1x128x16xf32, #tpu.memory_space<vmem>>
      %gather3A_409 = tpu.memref_squeeze %gather3A_408 : memref<1x128x16xf32, #tpu.memory_space<vmem>> -> memref<128x16xf32, #tpu.memory_space<vmem>>
      %gather3A_410 = tpu.vector_load_idx %gather3A_409[%broadcast_in_dim3A_398, %iota3A] : memref<128x16xf32, #tpu.memory_space<vmem>>[vector<16xi32>, vector<16xi32>], vector<16xf32>,
      %mul3A_411 = arith.mulf %gather3A_410, %gather3A_404 : vector<16xf32>
      %scatter3A_412 = arith.constant 0 : i32
      %scatter3A_413 = arith.constant 0 : i32
      %scatter3A_414 = arith.constant 0 : i32
      %scatter3A_415 = tpu.memref_slice %arg11[%scatter3A_412, %scatter3A_413, %scatter3A_414] : memref<3x128x16xf32, #tpu.memory_space<vmem>> -> memref<1x128x16xf32, #tpu.memory_space<vmem>>
      %scatter3A_416 = tpu.memref_squeeze %scatter3A_415 : memref<1x128x16xf32, #tpu.memory_space<vmem>> -> memref<128x16xf32, #tpu.memory_space<vmem>>
      tpu.vector_store_idx %scatter3A_416[%broadcast_in_dim3A_398, %iota3A], %mul3A_411 : memref<128x16xf32, #tpu.memory_space<vmem>>[vector<16xi32>, vector<16xi32>], vector<16xf32>,
      %add3A_417 = arith.constant 4 : i32
      %add3A_418 = arith.addi %add3A_335, %add3A_417 : i32
      %broadcast_in_dim3A_419 = vector.broadcast %add3A_418 : i32 to vector<16xi32>
      %gather3A_420 = arith.constant 0 : i32
      %gather3A_421 = arith.constant 0 : i32
      %gather3A_422 = arith.constant 0 : i32
      %gather3A_423 = tpu.memref_slice %arg10[%gather3A_420, %gather3A_421, %gather3A_422] : memref<3x128x19xf32, #tpu.memory_space<vmem>> -> memref<1x128x19xf32, #tpu.memory_space<vmem>>
      %gather3A_424 = tpu.memref_squeeze %gather3A_423 : memref<1x128x19xf32, #tpu.memory_space<vmem>> -> memref<128x19xf32, #tpu.memory_space<vmem>>
      %gather3A_425 = tpu.vector_load_idx %gather3A_424[%broadcast_in_dim3A_419, %min3A_5] : memref<128x19xf32, #tpu.memory_space<vmem>>[vector<16xi32>, vector<16xi32>], vector<16xf32>,
      %gather3A_426 = arith.constant 0 : i32
      %gather3A_427 = arith.constant 0 : i32
      %gather3A_428 = arith.constant 0 : i32
      %gather3A_429 = tpu.memref_slice %arg11[%gather3A_426, %gather3A_427, %gather3A_428] : memref<3x128x16xf32, #tpu.memory_space<vmem>> -> memref<1x128x16xf32, #tpu.memory_space<vmem>>
      %gather3A_430 = tpu.memref_squeeze %gather3A_429 : memref<1x128x16xf32, #tpu.memory_space<vmem>> -> memref<128x16xf32, #tpu.memory_space<vmem>>
      %gather3A_431 = tpu.vector_load_idx %gather3A_430[%broadcast_in_dim3A_419, %iota3A] : memref<128x16xf32, #tpu.memory_space<vmem>>[vector<16xi32>, vector<16xi32>], vector<16xf32>,
      %mul3A_432 = arith.mulf %gather3A_431, %gather3A_425 : vector<16xf32>
      %scatter3A_433 = arith.constant 0 : i32
      %scatter3A_434 = arith.constant 0 : i32
      %scatter3A_435 = arith.constant 0 : i32
      %scatter3A_436 = tpu.memref_slice %arg11[%scatter3A_433, %scatter3A_434, %scatter3A_435] : memref<3x128x16xf32, #tpu.memory_space<vmem>> -> memref<1x128x16xf32, #tpu.memory_space<vmem>>
      %scatter3A_437 = tpu.memref_squeeze %scatter3A_436 : memref<1x128x16xf32, #tpu.memory_space<vmem>> -> memref<128x16xf32, #tpu.memory_space<vmem>>
      tpu.vector_store_idx %scatter3A_437[%broadcast_in_dim3A_419, %iota3A], %mul3A_432 : memref<128x16xf32, #tpu.memory_space<vmem>>[vector<16xi32>, vector<16xi32>], vector<16xf32>,
      %add3A_438 = arith.constant 5 : i32
      %add3A_439 = arith.addi %add3A_335, %add3A_438 : i32
      %broadcast_in_dim3A_440 = vector.broadcast %add3A_439 : i32 to vector<16xi32>
      %gather3A_441 = arith.constant 0 : i32
      %gather3A_442 = arith.constant 0 : i32
      %gather3A_443 = arith.constant 0 : i32
      %gather3A_444 = tpu.memref_slice %arg10[%gather3A_441, %gather3A_442, %gather3A_443] : memref<3x128x19xf32, #tpu.memory_space<vmem>> -> memref<1x128x19xf32, #tpu.memory_space<vmem>>
      %gather3A_445 = tpu.memref_squeeze %gather3A_444 : memref<1x128x19xf32, #tpu.memory_space<vmem>> -> memref<128x19xf32, #tpu.memory_space<vmem>>
      %gather3A_446 = tpu.vector_load_idx %gather3A_445[%broadcast_in_dim3A_440, %min3A_5] : memref<128x19xf32, #tpu.memory_space<vmem>>[vector<16xi32>, vector<16xi32>], vector<16xf32>,
      %gather3A_447 = arith.constant 0 : i32
      %gather3A_448 = arith.constant 0 : i32
      %gather3A_449 = arith.constant 0 : i32
      %gather3A_450 = tpu.memref_slice %arg11[%gather3A_447, %gather3A_448, %gather3A_449] : memref<3x128x16xf32, #tpu.memory_space<vmem>> -> memref<1x128x16xf32, #tpu.memory_space<vmem>>
      %gather3A_451 = tpu.memref_squeeze %gather3A_450 : memref<1x128x16xf32, #tpu.memory_space<vmem>> -> memref<128x16xf32, #tpu.memory_space<vmem>>
      %gather3A_452 = tpu.vector_load_idx %gather3A_451[%broadcast_in_dim3A_440, %iota3A] : memref<128x16xf32, #tpu.memory_space<vmem>>[vector<16xi32>, vector<16xi32>], vector<16xf32>,
      %mul3A_453 = arith.mulf %gather3A_452, %gather3A_446 : vector<16xf32>
      %scatter3A_454 = arith.constant 0 : i32
      %scatter3A_455 = arith.constant 0 : i32
      %scatter3A_456 = arith.constant 0 : i32
      %scatter3A_457 = tpu.memref_slice %arg11[%scatter3A_454, %scatter3A_455, %scatter3A_456] : memref<3x128x16xf32, #tpu.memory_space<vmem>> -> memref<1x128x16xf32, #tpu.memory_space<vmem>>
      %scatter3A_458 = tpu.memref_squeeze %scatter3A_457 : memref<1x128x16xf32, #tpu.memory_space<vmem>> -> memref<128x16xf32, #tpu.memory_space<vmem>>
      tpu.vector_store_idx %scatter3A_458[%broadcast_in_dim3A_440, %iota3A], %mul3A_453 : memref<128x16xf32, #tpu.memory_space<vmem>>[vector<16xi32>, vector<16xi32>], vector<16xf32>,
      %add3A_459 = arith.constant 6 : i32
      %add3A_460 = arith.addi %add3A_335, %add3A_459 : i32
      %broadcast_in_dim3A_461 = vector.broadcast %add3A_460 : i32 to vector<16xi32>
      %gather3A_462 = arith.constant 0 : i32
      %gather3A_463 = arith.constant 0 : i32
      %gather3A_464 = arith.constant 0 : i32
      %gather3A_465 = tpu.memref_slice %arg10[%gather3A_462, %gather3A_463, %gather3A_464] : memref<3x128x19xf32, #tpu.memory_space<vmem>> -> memref<1x128x19xf32, #tpu.memory_space<vmem>>
      %gather3A_466 = tpu.memref_squeeze %gather3A_465 : memref<1x128x19xf32, #tpu.memory_space<vmem>> -> memref<128x19xf32, #tpu.memory_space<vmem>>
      %gather3A_467 = tpu.vector_load_idx %gather3A_466[%broadcast_in_dim3A_461, %min3A_5] : memref<128x19xf32, #tpu.memory_space<vmem>>[vector<16xi32>, vector<16xi32>], vector<16xf32>,
      %gather3A_468 = arith.constant 0 : i32
      %gather3A_469 = arith.constant 0 : i32
      %gather3A_470 = arith.constant 0 : i32
      %gather3A_471 = tpu.memref_slice %arg11[%gather3A_468, %gather3A_469, %gather3A_470] : memref<3x128x16xf32, #tpu.memory_space<vmem>> -> memref<1x128x16xf32, #tpu.memory_space<vmem>>
      %gather3A_472 = tpu.memref_squeeze %gather3A_471 : memref<1x128x16xf32, #tpu.memory_space<vmem>> -> memref<128x16xf32, #tpu.memory_space<vmem>>
      %gather3A_473 = tpu.vector_load_idx %gather3A_472[%broadcast_in_dim3A_461, %iota3A] : memref<128x16xf32, #tpu.memory_space<vmem>>[vector<16xi32>, vector<16xi32>], vector<16xf32>,
      %mul3A_474 = arith.mulf %gather3A_473, %gather3A_467 : vector<16xf32>
      %scatter3A_475 = arith.constant 0 : i32
      %scatter3A_476 = arith.constant 0 : i32
      %scatter3A_477 = arith.constant 0 : i32
      %scatter3A_478 = tpu.memref_slice %arg11[%scatter3A_475, %scatter3A_476, %scatter3A_477] : memref<3x128x16xf32, #tpu.memory_space<vmem>> -> memref<1x128x16xf32, #tpu.memory_space<vmem>>
      %scatter3A_479 = tpu.memref_squeeze %scatter3A_478 : memref<1x128x16xf32, #tpu.memory_space<vmem>> -> memref<128x16xf32, #tpu.memory_space<vmem>>
      tpu.vector_store_idx %scatter3A_479[%broadcast_in_dim3A_461, %iota3A], %mul3A_474 : memref<128x16xf32, #tpu.memory_space<vmem>>[vector<16xi32>, vector<16xi32>], vector<16xf32>,
      %add3A_480 = arith.constant 7 : i32
      %add3A_481 = arith.addi %add3A_335, %add3A_480 : i32
      %broadcast_in_dim3A_482 = vector.broadcast %add3A_481 : i32 to vector<16xi32>
      %gather3A_483 = arith.constant 0 : i32
      %gather3A_484 = arith.constant 0 : i32
      %gather3A_485 = arith.constant 0 : i32
      %gather3A_486 = tpu.memref_slice %arg10[%gather3A_483, %gather3A_484, %gather3A_485] : memref<3x128x19xf32, #tpu.memory_space<vmem>> -> memref<1x128x19xf32, #tpu.memory_space<vmem>>
      %gather3A_487 = tpu.memref_squeeze %gather3A_486 : memref<1x128x19xf32, #tpu.memory_space<vmem>> -> memref<128x19xf32, #tpu.memory_space<vmem>>
      %gather3A_488 = tpu.vector_load_idx %gather3A_487[%broadcast_in_dim3A_482, %min3A_5] : memref<128x19xf32, #tpu.memory_space<vmem>>[vector<16xi32>, vector<16xi32>], vector<16xf32>,
      %gather3A_489 = arith.constant 0 : i32
      %gather3A_490 = arith.constant 0 : i32
      %gather3A_491 = arith.constant 0 : i32
      %gather3A_492 = tpu.memref_slice %arg11[%gather3A_489, %gather3A_490, %gather3A_491] : memref<3x128x16xf32, #tpu.memory_space<vmem>> -> memref<1x128x16xf32, #tpu.memory_space<vmem>>
      %gather3A_493 = tpu.memref_squeeze %gather3A_492 : memref<1x128x16xf32, #tpu.memory_space<vmem>> -> memref<128x16xf32, #tpu.memory_space<vmem>>
      %gather3A_494 = tpu.vector_load_idx %gather3A_493[%broadcast_in_dim3A_482, %iota3A] : memref<128x16xf32, #tpu.memory_space<vmem>>[vector<16xi32>, vector<16xi32>], vector<16xf32>,
      %mul3A_495 = arith.mulf %gather3A_494, %gather3A_488 : vector<16xf32>
      %scatter3A_496 = arith.constant 0 : i32
      %scatter3A_497 = arith.constant 0 : i32
      %scatter3A_498 = arith.constant 0 : i32
      %scatter3A_499 = tpu.memref_slice %arg11[%scatter3A_496, %scatter3A_497, %scatter3A_498] : memref<3x128x16xf32, #tpu.memory_space<vmem>> -> memref<1x128x16xf32, #tpu.memory_space<vmem>>
      %scatter3A_500 = tpu.memref_squeeze %scatter3A_499 : memref<1x128x16xf32, #tpu.memory_space<vmem>> -> memref<128x16xf32, #tpu.memory_space<vmem>>
      tpu.vector_store_idx %scatter3A_500[%broadcast_in_dim3A_482, %iota3A], %mul3A_495 : memref<128x16xf32, #tpu.memory_space<vmem>>[vector<16xi32>, vector<16xi32>], vector<16xf32>,
      %add3A_501 = arith.constant 8 : i32
      %add3A_502 = arith.addi %add3A_335, %add3A_501 : i32
      %broadcast_in_dim3A_503 = vector.broadcast %add3A_502 : i32 to vector<16xi32>
      %gather3A_504 = arith.constant 0 : i32
      %gather3A_505 = arith.constant 0 : i32
      %gather3A_506 = arith.constant 0 : i32
      %gather3A_507 = tpu.memref_slice %arg10[%gather3A_504, %gather3A_505, %gather3A_506] : memref<3x128x19xf32, #tpu.memory_space<vmem>> -> memref<1x128x19xf32, #tpu.memory_space<vmem>>
      %gather3A_508 = tpu.memref_squeeze %gather3A_507 : memref<1x128x19xf32, #tpu.memory_space<vmem>> -> memref<128x19xf32, #tpu.memory_space<vmem>>
      %gather3A_509 = tpu.vector_load_idx %gather3A_508[%broadcast_in_dim3A_503, %min3A_5] : memref<128x19xf32, #tpu.memory_space<vmem>>[vector<16xi32>, vector<16xi32>], vector<16xf32>,
      %gather3A_510 = arith.constant 0 : i32
      %gather3A_511 = arith.constant 0 : i32
      %gather3A_512 = arith.constant 0 : i32
      %gather3A_513 = tpu.memref_slice %arg11[%gather3A_510, %gather3A_511, %gather3A_512] : memref<3x128x16xf32, #tpu.memory_space<vmem>> -> memref<1x128x16xf32, #tpu.memory_space<vmem>>
      %gather3A_514 = tpu.memref_squeeze %gather3A_513 : memref<1x128x16xf32, #tpu.memory_space<vmem>> -> memref<128x16xf32, #tpu.memory_space<vmem>>
      %gather3A_515 = tpu.vector_load_idx %gather3A_514[%broadcast_in_dim3A_503, %iota3A] : memref<128x16xf32, #tpu.memory_space<vmem>>[vector<16xi32>, vector<16xi32>], vector<16xf32>,
      %mul3A_516 = arith.mulf %gather3A_515, %gather3A_509 : vector<16xf32>
      %scatter3A_517 = arith.constant 0 : i32
      %scatter3A_518 = arith.constant 0 : i32
      %scatter3A_519 = arith.constant 0 : i32
      %scatter3A_520 = tpu.memref_slice %arg11[%scatter3A_517, %scatter3A_518, %scatter3A_519] : memref<3x128x16xf32, #tpu.memory_space<vmem>> -> memref<1x128x16xf32, #tpu.memory_space<vmem>>
      %scatter3A_521 = tpu.memref_squeeze %scatter3A_520 : memref<1x128x16xf32, #tpu.memory_space<vmem>> -> memref<128x16xf32, #tpu.memory_space<vmem>>
      tpu.vector_store_idx %scatter3A_521[%broadcast_in_dim3A_503, %iota3A], %mul3A_516 : memref<128x16xf32, #tpu.memory_space<vmem>>[vector<16xi32>, vector<16xi32>], vector<16xf32>,
      %add3A_522 = arith.constant 9 : i32
      %add3A_523 = arith.addi %add3A_335, %add3A_522 : i32
      %broadcast_in_dim3A_524 = vector.broadcast %add3A_523 : i32 to vector<16xi32>
      %gather3A_525 = arith.constant 0 : i32
      %gather3A_526 = arith.constant 0 : i32
      %gather3A_527 = arith.constant 0 : i32
      %gather3A_528 = tpu.memref_slice %arg10[%gather3A_525, %gather3A_526, %gather3A_527] : memref<3x128x19xf32, #tpu.memory_space<vmem>> -> memref<1x128x19xf32, #tpu.memory_space<vmem>>
      %gather3A_529 = tpu.memref_squeeze %gather3A_528 : memref<1x128x19xf32, #tpu.memory_space<vmem>> -> memref<128x19xf32, #tpu.memory_space<vmem>>
      %gather3A_530 = tpu.vector_load_idx %gather3A_529[%broadcast_in_dim3A_524, %min3A_5] : memref<128x19xf32, #tpu.memory_space<vmem>>[vector<16xi32>, vector<16xi32>], vector<16xf32>,
      %gather3A_531 = arith.constant 0 : i32
      %gather3A_532 = arith.constant 0 : i32
      %gather3A_533 = arith.constant 0 : i32
      %gather3A_534 = tpu.memref_slice %arg11[%gather3A_531, %gather3A_532, %gather3A_533] : memref<3x128x16xf32, #tpu.memory_space<vmem>> -> memref<1x128x16xf32, #tpu.memory_space<vmem>>
      %gather3A_535 = tpu.memref_squeeze %gather3A_534 : memref<1x128x16xf32, #tpu.memory_space<vmem>> -> memref<128x16xf32, #tpu.memory_space<vmem>>
      %gather3A_536 = tpu.vector_load_idx %gather3A_535[%broadcast_in_dim3A_524, %iota3A] : memref<128x16xf32, #tpu.memory_space<vmem>>[vector<16xi32>, vector<16xi32>], vector<16xf32>,
      %mul3A_537 = arith.mulf %gather3A_536, %gather3A_530 : vector<16xf32>
      %scatter3A_538 = arith.constant 0 : i32
      %scatter3A_539 = arith.constant 0 : i32
      %scatter3A_540 = arith.constant 0 : i32
      %scatter3A_541 = tpu.memref_slice %arg11[%scatter3A_538, %scatter3A_539, %scatter3A_540] : memref<3x128x16xf32, #tpu.memory_space<vmem>> -> memref<1x128x16xf32, #tpu.memory_space<vmem>>
      %scatter3A_542 = tpu.memref_squeeze %scatter3A_541 : memref<1x128x16xf32, #tpu.memory_space<vmem>> -> memref<128x16xf32, #tpu.memory_space<vmem>>
      tpu.vector_store_idx %scatter3A_542[%broadcast_in_dim3A_524, %iota3A], %mul3A_537 : memref<128x16xf32, #tpu.memory_space<vmem>>[vector<16xi32>, vector<16xi32>], vector<16xf32>,
      %add3A_543 = arith.constant 10 : i32
      %add3A_544 = arith.addi %add3A_335, %add3A_543 : i32
      %broadcast_in_dim3A_545 = vector.broadcast %add3A_544 : i32 to vector<16xi32>
      %gather3A_546 = arith.constant 0 : i32
      %gather3A_547 = arith.constant 0 : i32
      %gather3A_548 = arith.constant 0 : i32
      %gather3A_549 = tpu.memref_slice %arg10[%gather3A_546, %gather3A_547, %gather3A_548] : memref<3x128x19xf32, #tpu.memory_space<vmem>> -> memref<1x128x19xf32, #tpu.memory_space<vmem>>
      %gather3A_550 = tpu.memref_squeeze %gather3A_549 : memref<1x128x19xf32, #tpu.memory_space<vmem>> -> memref<128x19xf32, #tpu.memory_space<vmem>>
      %gather3A_551 = tpu.vector_load_idx %gather3A_550[%broadcast_in_dim3A_545, %min3A_5] : memref<128x19xf32, #tpu.memory_space<vmem>>[vector<16xi32>, vector<16xi32>], vector<16xf32>,
      %gather3A_552 = arith.constant 0 : i32
      %gather3A_553 = arith.constant 0 : i32
      %gather3A_554 = arith.constant 0 : i32
      %gather3A_555 = tpu.memref_slice %arg11[%gather3A_552, %gather3A_553, %gather3A_554] : memref<3x128x16xf32, #tpu.memory_space<vmem>> -> memref<1x128x16xf32, #tpu.memory_space<vmem>>
      %gather3A_556 = tpu.memref_squeeze %gather3A_555 : memref<1x128x16xf32, #tpu.memory_space<vmem>> -> memref<128x16xf32, #tpu.memory_space<vmem>>
      %gather3A_557 = tpu.vector_load_idx %gather3A_556[%broadcast_in_dim3A_545, %iota3A] : memref<128x16xf32, #tpu.memory_space<vmem>>[vector<16xi32>, vector<16xi32>], vector<16xf32>,
      %mul3A_558 = arith.mulf %gather3A_557, %gather3A_551 : vector<16xf32>
      %scatter3A_559 = arith.constant 0 : i32
      %scatter3A_560 = arith.constant 0 : i32
      %scatter3A_561 = arith.constant 0 : i32
      %scatter3A_562 = tpu.memref_slice %arg11[%scatter3A_559, %scatter3A_560, %scatter3A_561] : memref<3x128x16xf32, #tpu.memory_space<vmem>> -> memref<1x128x16xf32, #tpu.memory_space<vmem>>
      %scatter3A_563 = tpu.memref_squeeze %scatter3A_562 : memref<1x128x16xf32, #tpu.memory_space<vmem>> -> memref<128x16xf32, #tpu.memory_space<vmem>>
      tpu.vector_store_idx %scatter3A_563[%broadcast_in_dim3A_545, %iota3A], %mul3A_558 : memref<128x16xf32, #tpu.memory_space<vmem>>[vector<16xi32>, vector<16xi32>], vector<16xf32>,
      %add3A_564 = arith.constant 11 : i32
      %add3A_565 = arith.addi %add3A_335, %add3A_564 : i32
      %broadcast_in_dim3A_566 = vector.broadcast %add3A_565 : i32 to vector<16xi32>
      %gather3A_567 = arith.constant 0 : i32
      %gather3A_568 = arith.constant 0 : i32
      %gather3A_569 = arith.constant 0 : i32
      %gather3A_570 = tpu.memref_slice %arg10[%gather3A_567, %gather3A_568, %gather3A_569] : memref<3x128x19xf32, #tpu.memory_space<vmem>> -> memref<1x128x19xf32, #tpu.memory_space<vmem>>
      %gather3A_571 = tpu.memref_squeeze %gather3A_570 : memref<1x128x19xf32, #tpu.memory_space<vmem>> -> memref<128x19xf32, #tpu.memory_space<vmem>>
      %gather3A_572 = tpu.vector_load_idx %gather3A_571[%broadcast_in_dim3A_566, %min3A_5] : memref<128x19xf32, #tpu.memory_space<vmem>>[vector<16xi32>, vector<16xi32>], vector<16xf32>,
      %gather3A_573 = arith.constant 0 : i32
      %gather3A_574 = arith.constant 0 : i32
      %gather3A_575 = arith.constant 0 : i32
      %gather3A_576 = tpu.memref_slice %arg11[%gather3A_573, %gather3A_574, %gather3A_575] : memref<3x128x16xf32, #tpu.memory_space<vmem>> -> memref<1x128x16xf32, #tpu.memory_space<vmem>>
      %gather3A_577 = tpu.memref_squeeze %gather3A_576 : memref<1x128x16xf32, #tpu.memory_space<vmem>> -> memref<128x16xf32, #tpu.memory_space<vmem>>
      %gather3A_578 = tpu.vector_load_idx %gather3A_577[%broadcast_in_dim3A_566, %iota3A] : memref<128x16xf32, #tpu.memory_space<vmem>>[vector<16xi32>, vector<16xi32>], vector<16xf32>,
      %mul3A_579 = arith.mulf %gather3A_578, %gather3A_572 : vector<16xf32>
      %scatter3A_580 = arith.constant 0 : i32
      %scatter3A_581 = arith.constant 0 : i32
      %scatter3A_582 = arith.constant 0 : i32
      %scatter3A_583 = tpu.memref_slice %arg11[%scatter3A_580, %scatter3A_581, %scatter3A_582] : memref<3x128x16xf32, #tpu.memory_space<vmem>> -> memref<1x128x16xf32, #tpu.memory_space<vmem>>
      %scatter3A_584 = tpu.memref_squeeze %scatter3A_583 : memref<1x128x16xf32, #tpu.memory_space<vmem>> -> memref<128x16xf32, #tpu.memory_space<vmem>>
      tpu.vector_store_idx %scatter3A_584[%broadcast_in_dim3A_566, %iota3A], %mul3A_579 : memref<128x16xf32, #tpu.memory_space<vmem>>[vector<16xi32>, vector<16xi32>], vector<16xf32>,
      %add3A_585 = arith.constant 12 : i32
      %add3A_586 = arith.addi %add3A_335, %add3A_585 : i32
      %broadcast_in_dim3A_587 = vector.broadcast %add3A_586 : i32 to vector<16xi32>
      %gather3A_588 = arith.constant 0 : i32
      %gather3A_589 = arith.constant 0 : i32
      %gather3A_590 = arith.constant 0 : i32
      %gather3A_591 = tpu.memref_slice %arg10[%gather3A_588, %gather3A_589, %gather3A_590] : memref<3x128x19xf32, #tpu.memory_space<vmem>> -> memref<1x128x19xf32, #tpu.memory_space<vmem>>
      %gather3A_592 = tpu.memref_squeeze %gather3A_591 : memref<1x128x19xf32, #tpu.memory_space<vmem>> -> memref<128x19xf32, #tpu.memory_space<vmem>>
      %gather3A_593 = tpu.vector_load_idx %gather3A_592[%broadcast_in_dim3A_587, %min3A_5] : memref<128x19xf32, #tpu.memory_space<vmem>>[vector<16xi32>, vector<16xi32>], vector<16xf32>,
      %gather3A_594 = arith.constant 0 : i32
      %gather3A_595 = arith.constant 0 : i32
      %gather3A_596 = arith.constant 0 : i32
      %gather3A_597 = tpu.memref_slice %arg11[%gather3A_594, %gather3A_595, %gather3A_596] : memref<3x128x16xf32, #tpu.memory_space<vmem>> -> memref<1x128x16xf32, #tpu.memory_space<vmem>>
      %gather3A_598 = tpu.memref_squeeze %gather3A_597 : memref<1x128x16xf32, #tpu.memory_space<vmem>> -> memref<128x16xf32, #tpu.memory_space<vmem>>
      %gather3A_599 = tpu.vector_load_idx %gather3A_598[%broadcast_in_dim3A_587, %iota3A] : memref<128x16xf32, #tpu.memory_space<vmem>>[vector<16xi32>, vector<16xi32>], vector<16xf32>,
      %mul3A_600 = arith.mulf %gather3A_599, %gather3A_593 : vector<16xf32>
      %scatter3A_601 = arith.constant 0 : i32
      %scatter3A_602 = arith.constant 0 : i32
      %scatter3A_603 = arith.constant 0 : i32
      %scatter3A_604 = tpu.memref_slice %arg11[%scatter3A_601, %scatter3A_602, %scatter3A_603] : memref<3x128x16xf32, #tpu.memory_space<vmem>> -> memref<1x128x16xf32, #tpu.memory_space<vmem>>
      %scatter3A_605 = tpu.memref_squeeze %scatter3A_604 : memref<1x128x16xf32, #tpu.memory_space<vmem>> -> memref<128x16xf32, #tpu.memory_space<vmem>>
      tpu.vector_store_idx %scatter3A_605[%broadcast_in_dim3A_587, %iota3A], %mul3A_600 : memref<128x16xf32, #tpu.memory_space<vmem>>[vector<16xi32>, vector<16xi32>], vector<16xf32>,
      %add3A_606 = arith.constant 13 : i32
      %add3A_607 = arith.addi %add3A_335, %add3A_606 : i32
      %broadcast_in_dim3A_608 = vector.broadcast %add3A_607 : i32 to vector<16xi32>
      %gather3A_609 = arith.constant 0 : i32
      %gather3A_610 = arith.constant 0 : i32
      %gather3A_611 = arith.constant 0 : i32
      %gather3A_612 = tpu.memref_slice %arg10[%gather3A_609, %gather3A_610, %gather3A_611] : memref<3x128x19xf32, #tpu.memory_space<vmem>> -> memref<1x128x19xf32, #tpu.memory_space<vmem>>
      %gather3A_613 = tpu.memref_squeeze %gather3A_612 : memref<1x128x19xf32, #tpu.memory_space<vmem>> -> memref<128x19xf32, #tpu.memory_space<vmem>>
      %gather3A_614 = tpu.vector_load_idx %gather3A_613[%broadcast_in_dim3A_608, %min3A_5] : memref<128x19xf32, #tpu.memory_space<vmem>>[vector<16xi32>, vector<16xi32>], vector<16xf32>,
      %gather3A_615 = arith.constant 0 : i32
      %gather3A_616 = arith.constant 0 : i32
      %gather3A_617 = arith.constant 0 : i32
      %gather3A_618 = tpu.memref_slice %arg11[%gather3A_615, %gather3A_616, %gather3A_617] : memref<3x128x16xf32, #tpu.memory_space<vmem>> -> memref<1x128x16xf32, #tpu.memory_space<vmem>>
      %gather3A_619 = tpu.memref_squeeze %gather3A_618 : memref<1x128x16xf32, #tpu.memory_space<vmem>> -> memref<128x16xf32, #tpu.memory_space<vmem>>
      %gather3A_620 = tpu.vector_load_idx %gather3A_619[%broadcast_in_dim3A_608, %iota3A] : memref<128x16xf32, #tpu.memory_space<vmem>>[vector<16xi32>, vector<16xi32>], vector<16xf32>,
      %mul3A_621 = arith.mulf %gather3A_620, %gather3A_614 : vector<16xf32>
      %scatter3A_622 = arith.constant 0 : i32
      %scatter3A_623 = arith.constant 0 : i32
      %scatter3A_624 = arith.constant 0 : i32
      %scatter3A_625 = tpu.memref_slice %arg11[%scatter3A_622, %scatter3A_623, %scatter3A_624] : memref<3x128x16xf32, #tpu.memory_space<vmem>> -> memref<1x128x16xf32, #tpu.memory_space<vmem>>
      %scatter3A_626 = tpu.memref_squeeze %scatter3A_625 : memref<1x128x16xf32, #tpu.memory_space<vmem>> -> memref<128x16xf32, #tpu.memory_space<vmem>>
      tpu.vector_store_idx %scatter3A_626[%broadcast_in_dim3A_608, %iota3A], %mul3A_621 : memref<128x16xf32, #tpu.memory_space<vmem>>[vector<16xi32>, vector<16xi32>], vector<16xf32>,
      %add3A_627 = arith.constant 14 : i32
      %add3A_628 = arith.addi %add3A_335, %add3A_627 : i32
      %broadcast_in_dim3A_629 = vector.broadcast %add3A_628 : i32 to vector<16xi32>
      %gather3A_630 = arith.constant 0 : i32
      %gather3A_631 = arith.constant 0 : i32
      %gather3A_632 = arith.constant 0 : i32
      %gather3A_633 = tpu.memref_slice %arg10[%gather3A_630, %gather3A_631, %gather3A_632] : memref<3x128x19xf32, #tpu.memory_space<vmem>> -> memref<1x128x19xf32, #tpu.memory_space<vmem>>
      %gather3A_634 = tpu.memref_squeeze %gather3A_633 : memref<1x128x19xf32, #tpu.memory_space<vmem>> -> memref<128x19xf32, #tpu.memory_space<vmem>>
      %gather3A_635 = tpu.vector_load_idx %gather3A_634[%broadcast_in_dim3A_629, %min3A_5] : memref<128x19xf32, #tpu.memory_space<vmem>>[vector<16xi32>, vector<16xi32>], vector<16xf32>,
      %gather3A_636 = arith.constant 0 : i32
      %gather3A_637 = arith.constant 0 : i32
      %gather3A_638 = arith.constant 0 : i32
      %gather3A_639 = tpu.memref_slice %arg11[%gather3A_636, %gather3A_637, %gather3A_638] : memref<3x128x16xf32, #tpu.memory_space<vmem>> -> memref<1x128x16xf32, #tpu.memory_space<vmem>>
      %gather3A_640 = tpu.memref_squeeze %gather3A_639 : memref<1x128x16xf32, #tpu.memory_space<vmem>> -> memref<128x16xf32, #tpu.memory_space<vmem>>
      %gather3A_641 = tpu.vector_load_idx %gather3A_640[%broadcast_in_dim3A_629, %iota3A] : memref<128x16xf32, #tpu.memory_space<vmem>>[vector<16xi32>, vector<16xi32>], vector<16xf32>,
      %mul3A_642 = arith.mulf %gather3A_641, %gather3A_635 : vector<16xf32>
      %scatter3A_643 = arith.constant 0 : i32
      %scatter3A_644 = arith.constant 0 : i32
      %scatter3A_645 = arith.constant 0 : i32
      %scatter3A_646 = tpu.memref_slice %arg11[%scatter3A_643, %scatter3A_644, %scatter3A_645] : memref<3x128x16xf32, #tpu.memory_space<vmem>> -> memref<1x128x16xf32, #tpu.memory_space<vmem>>
      %scatter3A_647 = tpu.memref_squeeze %scatter3A_646 : memref<1x128x16xf32, #tpu.memory_space<vmem>> -> memref<128x16xf32, #tpu.memory_space<vmem>>
      tpu.vector_store_idx %scatter3A_647[%broadcast_in_dim3A_629, %iota3A], %mul3A_642 : memref<128x16xf32, #tpu.memory_space<vmem>>[vector<16xi32>, vector<16xi32>], vector<16xf32>,
      %add3A_648 = arith.constant 15 : i32
      %add3A_649 = arith.addi %add3A_335, %add3A_648 : i32
      %broadcast_in_dim3A_650 = vector.broadcast %add3A_649 : i32 to vector<16xi32>
      %gather3A_651 = arith.constant 0 : i32
      %gather3A_652 = arith.constant 0 : i32
      %gather3A_653 = arith.constant 0 : i32
      %gather3A_654 = tpu.memref_slice %arg10[%gather3A_651, %gather3A_652, %gather3A_653] : memref<3x128x19xf32, #tpu.memory_space<vmem>> -> memref<1x128x19xf32, #tpu.memory_space<vmem>>
      %gather3A_655 = tpu.memref_squeeze %gather3A_654 : memref<1x128x19xf32, #tpu.memory_space<vmem>> -> memref<128x19xf32, #tpu.memory_space<vmem>>
      %gather3A_656 = tpu.vector_load_idx %gather3A_655[%broadcast_in_dim3A_650, %min3A_5] : memref<128x19xf32, #tpu.memory_space<vmem>>[vector<16xi32>, vector<16xi32>], vector<16xf32>,
      %gather3A_657 = arith.constant 0 : i32
      %gather3A_658 = arith.constant 0 : i32
      %gather3A_659 = arith.constant 0 : i32
      %gather3A_660 = tpu.memref_slice %arg11[%gather3A_657, %gather3A_658, %gather3A_659] : memref<3x128x16xf32, #tpu.memory_space<vmem>> -> memref<1x128x16xf32, #tpu.memory_space<vmem>>
      %gather3A_661 = tpu.memref_squeeze %gather3A_660 : memref<1x128x16xf32, #tpu.memory_space<vmem>> -> memref<128x16xf32, #tpu.memory_space<vmem>>
      %gather3A_662 = tpu.vector_load_idx %gather3A_661[%broadcast_in_dim3A_650, %iota3A] : memref<128x16xf32, #tpu.memory_space<vmem>>[vector<16xi32>, vector<16xi32>], vector<16xf32>,
      %mul3A_663 = arith.mulf %gather3A_662, %gather3A_656 : vector<16xf32>
      %scatter3A_664 = arith.constant 0 : i32
      %scatter3A_665 = arith.constant 0 : i32
      %scatter3A_666 = arith.constant 0 : i32
      %scatter3A_667 = tpu.memref_slice %arg11[%scatter3A_664, %scatter3A_665, %scatter3A_666] : memref<3x128x16xf32, #tpu.memory_space<vmem>> -> memref<1x128x16xf32, #tpu.memory_space<vmem>>
      %scatter3A_668 = tpu.memref_squeeze %scatter3A_667 : memref<1x128x16xf32, #tpu.memory_space<vmem>> -> memref<128x16xf32, #tpu.memory_space<vmem>>
      tpu.vector_store_idx %scatter3A_668[%broadcast_in_dim3A_650, %iota3A], %mul3A_663 : memref<128x16xf32, #tpu.memory_space<vmem>>[vector<16xi32>, vector<16xi32>], vector<16xf32>,
    }
    %scan3A_236 = arith.constant 8 : i32
    %dma_start3A_237 = arith.constant 0 : i32
    %dma_start3A_238 = arith.constant 0 : i32
    %dma_start3A_239 = arith.constant 0 : i32
    %dma_start3A_240 = arith.constant 0 : i32
    %dma_start3A_241 = tpu.memref_slice %arg11[%dma_start3A_237, %dma_start3A_239, %dma_start3A_240] : memref<3x128x16xf32, #tpu.memory_space<vmem>> -> memref<1x128x16xf32, #tpu.memory_space<vmem>>
    %dma_start3A_242 = tpu.memref_squeeze %dma_start3A_241 : memref<1x128x16xf32, #tpu.memory_space<vmem>> -> memref<128x16xf32, #tpu.memory_space<vmem>>
    %dma_start3A_243 = arith.constant 0 : i32
    %dma_start3A_244 = tpu.memref_slice %arg9[%dma_start3A_238, %dma_start3A_243] : memref<3x128xi32, #tpu.memory_space<vmem>> -> memref<1x128xi32, #tpu.memory_space<vmem>>
    %dma_start3A_245 = tpu.memref_squeeze %dma_start3A_244 : memref<1x128xi32, #tpu.memory_space<vmem>> -> memref<128xi32, #tpu.memory_space<vmem>>
    %dma_start3A_246 = arith.constant 0 : i32
    %dma_start3A_247 = arith.constant 0 : i32
    %dma_start3A_248 = tpu.memref_slice %arg7[%dma_start3A_246, %dma_start3A_247] : memref<100352x16xf32, #tpu.memory_space<vmem_shared>> -> memref<100352x16xf32, #tpu.memory_space<vmem_shared>>
    tpu.enqueue_indirect_dma source(%dma_start3A_242 : memref<128x16xf32, #tpu.memory_space<vmem>>) target(%dma_start3A_248 : memref<100352x16xf32, #tpu.memory_space<vmem_shared>>) offsets(%dma_start3A_245 : memref<128xi32, #tpu.memory_space<vmem>>) semaphore(%arg22 : memref<!tpu.dma_semaphore, #tpu.memory_space<semaphore_mem>>) {add = true}
    %dma_wait3A_249 = arith.constant 1 : i32
    %dma_wait3A_250 = arith.constant 1 : i32
    %dma_wait3A_251 = arith.constant 0 : i32
    %dma_wait3A_252 = arith.constant 0 : i32
    %dma_wait3A_253 = tpu.memref_slice %arg11[%dma_wait3A_250, %dma_wait3A_251, %dma_wait3A_252] : memref<3x128x16xf32, #tpu.memory_space<vmem>> -> memref<1x128x16xf32, #tpu.memory_space<vmem>>
    %dma_wait3A_254 = tpu.memref_squeeze %dma_wait3A_253 : memref<1x128x16xf32, #tpu.memory_space<vmem>> -> memref<128x16xf32, #tpu.memory_space<vmem>>
    %dma_wait3A_255 = arith.constant 0 : i32
    %dma_wait3A_256 = tpu.memref_slice %arg8[%dma_wait3A_249, %dma_wait3A_255] : memref<3x128xi32, #tpu.memory_space<vmem>> -> memref<1x128xi32, #tpu.memory_space<vmem>>
    %dma_wait3A_257 = tpu.memref_squeeze %dma_wait3A_256 : memref<1x128xi32, #tpu.memory_space<vmem>> -> memref<128xi32, #tpu.memory_space<vmem>>
    %dma_wait3A_258 = arith.constant 0 : i32
    %dma_wait3A_259 = arith.constant 0 : i32
    %dma_wait3A_260 = tpu.memref_slice %arg2[%arg0, %dma_wait3A_258, %dma_wait3A_259] : memref<2x100000x16xf32, #tpu.memory_space<hbm>> -> memref<1x100000x16xf32, #tpu.memory_space<hbm>>
    %dma_wait3A_261 = tpu.memref_squeeze %dma_wait3A_260 : memref<1x100000x16xf32, #tpu.memory_space<hbm>> -> memref<100000x16xf32, #tpu.memory_space<hbm>>
    %dma_wait3A_262 = arith.constant 0 : i32
    %dma_wait3A_263 = arith.constant 0 : i32
    %dma_wait3A_264 = tpu.memref_slice %dma_wait3A_261[%dma_wait3A_262, %dma_wait3A_263] : memref<100000x16xf32, #tpu.memory_space<hbm>> -> memref<100000x16xf32, #tpu.memory_space<hbm>>
    tpu.wait_indirect_dma semaphore(%arg20 : memref<!tpu.dma_semaphore, #tpu.memory_space<semaphore_mem>>) src(%dma_wait3A_264 : memref<100000x16xf32, #tpu.memory_space<hbm>>) dst(%dma_wait3A_254 : memref<128x16xf32, #tpu.memory_space<vmem>>)
    %scan3A_265 = arith.constant 0 : i32
    %scan3A_266 = arith.constant 8 : i32
    %scan3A_267 = arith.addi %scan3A_265, %scan3A_266 : i32
    %scan3A_268 = arith.constant 1 : i32
    scf.for %scan3A_331 = %scan3A_265 to %scan3A_267 step %scan3A_268  : i32 {
      %mul3A_332 = arith.constant 16 : i32
      %mul3A_333 = arith.muli %scan3A_331, %mul3A_332 : i32
      %add3A_334 = arith.constant 0 : i32
      %add3A_335 = arith.addi %add3A_334, %mul3A_333 : i32
      %add3A_336 = arith.constant 0 : i32
      %add3A_337 = arith.addi %add3A_335, %add3A_336 : i32
      %broadcast_in_dim3A = vector.broadcast %add3A_337 : i32 to vector<16xi32>
      %gather3A = arith.constant 1 : i32
      %gather3A_338 = arith.constant 0 : i32
      %gather3A_339 = arith.constant 0 : i32
      %gather3A_340 = tpu.memref_slice %arg10[%gather3A, %gather3A_338, %gather3A_339] : memref<3x128x19xf32, #tpu.memory_space<vmem>> -> memref<1x128x19xf32, #tpu.memory_space<vmem>>
      %gather3A_341 = tpu.memref_squeeze %gather3A_340 : memref<1x128x19xf32, #tpu.memory_space<vmem>> -> memref<128x19xf32, #tpu.memory_space<vmem>>
      %gather3A_342 = tpu.vector_load_idx %gather3A_341[%broadcast_in_dim3A, %min3A_5] : memref<128x19xf32, #tpu.memory_space<vmem>>[vector<16xi32>, vector<16xi32>], vector<16xf32>,
      %gather3A_343 = arith.constant 1 : i32
      %gather3A_344 = arith.constant 0 : i32
      %gather3A_345 = arith.constant 0 : i32
      %gather3A_346 = tpu.memref_slice %arg11[%gather3A_343, %gather3A_344, %gather3A_345] : memref<3x128x16xf32, #tpu.memory_space<vmem>> -> memref<1x128x16xf32, #tpu.memory_space<vmem>>
      %gather3A_347 = tpu.memref_squeeze %gather3A_346 : memref<1x128x16xf32, #tpu.memory_space<vmem>> -> memref<128x16xf32, #tpu.memory_space<vmem>>
      %gather3A_348 = tpu.vector_load_idx %gather3A_347[%broadcast_in_dim3A, %iota3A] : memref<128x16xf32, #tpu.memory_space<vmem>>[vector<16xi32>, vector<16xi32>], vector<16xf32>,
      %mul3A_349 = arith.mulf %gather3A_348, %gather3A_342 : vector<16xf32>
      %scatter3A = arith.constant 1 : i32
      %scatter3A_350 = arith.constant 0 : i32
      %scatter3A_351 = arith.constant 0 : i32
      %scatter3A_352 = tpu.memref_slice %arg11[%scatter3A, %scatter3A_350, %scatter3A_351] : memref<3x128x16xf32, #tpu.memory_space<vmem>> -> memref<1x128x16xf32, #tpu.memory_space<vmem>>
      %scatter3A_353 = tpu.memref_squeeze %scatter3A_352 : memref<1x128x16xf32, #tpu.memory_space<vmem>> -> memref<128x16xf32, #tpu.memory_space<vmem>>
      tpu.vector_store_idx %scatter3A_353[%broadcast_in_dim3A, %iota3A], %mul3A_349 : memref<128x16xf32, #tpu.memory_space<vmem>>[vector<16xi32>, vector<16xi32>], vector<16xf32>,
      %add3A_354 = arith.constant 1 : i32
      %add3A_355 = arith.addi %add3A_335, %add3A_354 : i32
      %broadcast_in_dim3A_356 = vector.broadcast %add3A_355 : i32 to vector<16xi32>
      %gather3A_357 = arith.constant 1 : i32
      %gather3A_358 = arith.constant 0 : i32
      %gather3A_359 = arith.constant 0 : i32
      %gather3A_360 = tpu.memref_slice %arg10[%gather3A_357, %gather3A_358, %gather3A_359] : memref<3x128x19xf32, #tpu.memory_space<vmem>> -> memref<1x128x19xf32, #tpu.memory_space<vmem>>
      %gather3A_361 = tpu.memref_squeeze %gather3A_360 : memref<1x128x19xf32, #tpu.memory_space<vmem>> -> memref<128x19xf32, #tpu.memory_space<vmem>>
      %gather3A_362 = tpu.vector_load_idx %gather3A_361[%broadcast_in_dim3A_356, %min3A_5] : memref<128x19xf32, #tpu.memory_space<vmem>>[vector<16xi32>, vector<16xi32>], vector<16xf32>,
      %gather3A_363 = arith.constant 1 : i32
      %gather3A_364 = arith.constant 0 : i32
      %gather3A_365 = arith.constant 0 : i32
      %gather3A_366 = tpu.memref_slice %arg11[%gather3A_363, %gather3A_364, %gather3A_365] : memref<3x128x16xf32, #tpu.memory_space<vmem>> -> memref<1x128x16xf32, #tpu.memory_space<vmem>>
      %gather3A_367 = tpu.memref_squeeze %gather3A_366 : memref<1x128x16xf32, #tpu.memory_space<vmem>> -> memref<128x16xf32, #tpu.memory_space<vmem>>
      %gather3A_368 = tpu.vector_load_idx %gather3A_367[%broadcast_in_dim3A_356, %iota3A] : memref<128x16xf32, #tpu.memory_space<vmem>>[vector<16xi32>, vector<16xi32>], vector<16xf32>,
      %mul3A_369 = arith.mulf %gather3A_368, %gather3A_362 : vector<16xf32>
      %scatter3A_370 = arith.constant 1 : i32
      %scatter3A_371 = arith.constant 0 : i32
      %scatter3A_372 = arith.constant 0 : i32
      %scatter3A_373 = tpu.memref_slice %arg11[%scatter3A_370, %scatter3A_371, %scatter3A_372] : memref<3x128x16xf32, #tpu.memory_space<vmem>> -> memref<1x128x16xf32, #tpu.memory_space<vmem>>
      %scatter3A_374 = tpu.memref_squeeze %scatter3A_373 : memref<1x128x16xf32, #tpu.memory_space<vmem>> -> memref<128x16xf32, #tpu.memory_space<vmem>>
      tpu.vector_store_idx %scatter3A_374[%broadcast_in_dim3A_356, %iota3A], %mul3A_369 : memref<128x16xf32, #tpu.memory_space<vmem>>[vector<16xi32>, vector<16xi32>], vector<16xf32>,
      %add3A_375 = arith.constant 2 : i32
      %add3A_376 = arith.addi %add3A_335, %add3A_375 : i32
      %broadcast_in_dim3A_377 = vector.broadcast %add3A_376 : i32 to vector<16xi32>
      %gather3A_378 = arith.constant 1 : i32
      %gather3A_379 = arith.constant 0 : i32
      %gather3A_380 = arith.constant 0 : i32
      %gather3A_381 = tpu.memref_slice %arg10[%gather3A_378, %gather3A_379, %gather3A_380] : memref<3x128x19xf32, #tpu.memory_space<vmem>> -> memref<1x128x19xf32, #tpu.memory_space<vmem>>
      %gather3A_382 = tpu.memref_squeeze %gather3A_381 : memref<1x128x19xf32, #tpu.memory_space<vmem>> -> memref<128x19xf32, #tpu.memory_space<vmem>>
      %gather3A_383 = tpu.vector_load_idx %gather3A_382[%broadcast_in_dim3A_377, %min3A_5] : memref<128x19xf32, #tpu.memory_space<vmem>>[vector<16xi32>, vector<16xi32>], vector<16xf32>,
      %gather3A_384 = arith.constant 1 : i32
      %gather3A_385 = arith.constant 0 : i32
      %gather3A_386 = arith.constant 0 : i32
      %gather3A_387 = tpu.memref_slice %arg11[%gather3A_384, %gather3A_385, %gather3A_386] : memref<3x128x16xf32, #tpu.memory_space<vmem>> -> memref<1x128x16xf32, #tpu.memory_space<vmem>>
      %gather3A_388 = tpu.memref_squeeze %gather3A_387 : memref<1x128x16xf32, #tpu.memory_space<vmem>> -> memref<128x16xf32, #tpu.memory_space<vmem>>
      %gather3A_389 = tpu.vector_load_idx %gather3A_388[%broadcast_in_dim3A_377, %iota3A] : memref<128x16xf32, #tpu.memory_space<vmem>>[vector<16xi32>, vector<16xi32>], vector<16xf32>,
      %mul3A_390 = arith.mulf %gather3A_389, %gather3A_383 : vector<16xf32>
      %scatter3A_391 = arith.constant 1 : i32
      %scatter3A_392 = arith.constant 0 : i32
      %scatter3A_393 = arith.constant 0 : i32
      %scatter3A_394 = tpu.memref_slice %arg11[%scatter3A_391, %scatter3A_392, %scatter3A_393] : memref<3x128x16xf32, #tpu.memory_space<vmem>> -> memref<1x128x16xf32, #tpu.memory_space<vmem>>
      %scatter3A_395 = tpu.memref_squeeze %scatter3A_394 : memref<1x128x16xf32, #tpu.memory_space<vmem>> -> memref<128x16xf32, #tpu.memory_space<vmem>>
      tpu.vector_store_idx %scatter3A_395[%broadcast_in_dim3A_377, %iota3A], %mul3A_390 : memref<128x16xf32, #tpu.memory_space<vmem>>[vector<16xi32>, vector<16xi32>], vector<16xf32>,
      %add3A_396 = arith.constant 3 : i32
      %add3A_397 = arith.addi %add3A_335, %add3A_396 : i32
      %broadcast_in_dim3A_398 = vector.broadcast %add3A_397 : i32 to vector<16xi32>
      %gather3A_399 = arith.constant 1 : i32
      %gather3A_400 = arith.constant 0 : i32
      %gather3A_401 = arith.constant 0 : i32
      %gather3A_402 = tpu.memref_slice %arg10[%gather3A_399, %gather3A_400, %gather3A_401] : memref<3x128x19xf32, #tpu.memory_space<vmem>> -> memref<1x128x19xf32, #tpu.memory_space<vmem>>
      %gather3A_403 = tpu.memref_squeeze %gather3A_402 : memref<1x128x19xf32, #tpu.memory_space<vmem>> -> memref<128x19xf32, #tpu.memory_space<vmem>>
      %gather3A_404 = tpu.vector_load_idx %gather3A_403[%broadcast_in_dim3A_398, %min3A_5] : memref<128x19xf32, #tpu.memory_space<vmem>>[vector<16xi32>, vector<16xi32>], vector<16xf32>,
      %gather3A_405 = arith.constant 1 : i32
      %gather3A_406 = arith.constant 0 : i32
      %gather3A_407 = arith.constant 0 : i32
      %gather3A_408 = tpu.memref_slice %arg11[%gather3A_405, %gather3A_406, %gather3A_407] : memref<3x128x16xf32, #tpu.memory_space<vmem>> -> memref<1x128x16xf32, #tpu.memory_space<vmem>>
      %gather3A_409 = tpu.memref_squeeze %gather3A_408 : memref<1x128x16xf32, #tpu.memory_space<vmem>> -> memref<128x16xf32, #tpu.memory_space<vmem>>
      %gather3A_410 = tpu.vector_load_idx %gather3A_409[%broadcast_in_dim3A_398, %iota3A] : memref<128x16xf32, #tpu.memory_space<vmem>>[vector<16xi32>, vector<16xi32>], vector<16xf32>,
      %mul3A_411 = arith.mulf %gather3A_410, %gather3A_404 : vector<16xf32>
      %scatter3A_412 = arith.constant 1 : i32
      %scatter3A_413 = arith.constant 0 : i32
      %scatter3A_414 = arith.constant 0 : i32
      %scatter3A_415 = tpu.memref_slice %arg11[%scatter3A_412, %scatter3A_413, %scatter3A_414] : memref<3x128x16xf32, #tpu.memory_space<vmem>> -> memref<1x128x16xf32, #tpu.memory_space<vmem>>
      %scatter3A_416 = tpu.memref_squeeze %scatter3A_415 : memref<1x128x16xf32, #tpu.memory_space<vmem>> -> memref<128x16xf32, #tpu.memory_space<vmem>>
      tpu.vector_store_idx %scatter3A_416[%broadcast_in_dim3A_398, %iota3A], %mul3A_411 : memref<128x16xf32, #tpu.memory_space<vmem>>[vector<16xi32>, vector<16xi32>], vector<16xf32>,
      %add3A_417 = arith.constant 4 : i32
      %add3A_418 = arith.addi %add3A_335, %add3A_417 : i32
      %broadcast_in_dim3A_419 = vector.broadcast %add3A_418 : i32 to vector<16xi32>
      %gather3A_420 = arith.constant 1 : i32
      %gather3A_421 = arith.constant 0 : i32
      %gather3A_422 = arith.constant 0 : i32
      %gather3A_423 = tpu.memref_slice %arg10[%gather3A_420, %gather3A_421, %gather3A_422] : memref<3x128x19xf32, #tpu.memory_space<vmem>> -> memref<1x128x19xf32, #tpu.memory_space<vmem>>
      %gather3A_424 = tpu.memref_squeeze %gather3A_423 : memref<1x128x19xf32, #tpu.memory_space<vmem>> -> memref<128x19xf32, #tpu.memory_space<vmem>>
      %gather3A_425 = tpu.vector_load_idx %gather3A_424[%broadcast_in_dim3A_419, %min3A_5] : memref<128x19xf32, #tpu.memory_space<vmem>>[vector<16xi32>, vector<16xi32>], vector<16xf32>,
      %gather3A_426 = arith.constant 1 : i32
      %gather3A_427 = arith.constant 0 : i32
      %gather3A_428 = arith.constant 0 : i32
      %gather3A_429 = tpu.memref_slice %arg11[%gather3A_426, %gather3A_427, %gather3A_428] : memref<3x128x16xf32, #tpu.memory_space<vmem>> -> memref<1x128x16xf32, #tpu.memory_space<vmem>>
      %gather3A_430 = tpu.memref_squeeze %gather3A_429 : memref<1x128x16xf32, #tpu.memory_space<vmem>> -> memref<128x16xf32, #tpu.memory_space<vmem>>
      %gather3A_431 = tpu.vector_load_idx %gather3A_430[%broadcast_in_dim3A_419, %iota3A] : memref<128x16xf32, #tpu.memory_space<vmem>>[vector<16xi32>, vector<16xi32>], vector<16xf32>,
      %mul3A_432 = arith.mulf %gather3A_431, %gather3A_425 : vector<16xf32>
      %scatter3A_433 = arith.constant 1 : i32
      %scatter3A_434 = arith.constant 0 : i32
      %scatter3A_435 = arith.constant 0 : i32
      %scatter3A_436 = tpu.memref_slice %arg11[%scatter3A_433, %scatter3A_434, %scatter3A_435] : memref<3x128x16xf32, #tpu.memory_space<vmem>> -> memref<1x128x16xf32, #tpu.memory_space<vmem>>
      %scatter3A_437 = tpu.memref_squeeze %scatter3A_436 : memref<1x128x16xf32, #tpu.memory_space<vmem>> -> memref<128x16xf32, #tpu.memory_space<vmem>>
      tpu.vector_store_idx %scatter3A_437[%broadcast_in_dim3A_419, %iota3A], %mul3A_432 : memref<128x16xf32, #tpu.memory_space<vmem>>[vector<16xi32>, vector<16xi32>], vector<16xf32>,
      %add3A_438 = arith.constant 5 : i32
      %add3A_439 = arith.addi %add3A_335, %add3A_438 : i32
      %broadcast_in_dim3A_440 = vector.broadcast %add3A_439 : i32 to vector<16xi32>
      %gather3A_441 = arith.constant 1 : i32
      %gather3A_442 = arith.constant 0 : i32
      %gather3A_443 = arith.constant 0 : i32
      %gather3A_444 = tpu.memref_slice %arg10[%gather3A_441, %gather3A_442, %gather3A_443] : memref<3x128x19xf32, #tpu.memory_space<vmem>> -> memref<1x128x19xf32, #tpu.memory_space<vmem>>
      %gather3A_445 = tpu.memref_squeeze %gather3A_444 : memref<1x128x19xf32, #tpu.memory_space<vmem>> -> memref<128x19xf32, #tpu.memory_space<vmem>>
      %gather3A_446 = tpu.vector_load_idx %gather3A_445[%broadcast_in_dim3A_440, %min3A_5] : memref<128x19xf32, #tpu.memory_space<vmem>>[vector<16xi32>, vector<16xi32>], vector<16xf32>,
      %gather3A_447 = arith.constant 1 : i32
      %gather3A_448 = arith.constant 0 : i32
      %gather3A_449 = arith.constant 0 : i32
      %gather3A_450 = tpu.memref_slice %arg11[%gather3A_447, %gather3A_448, %gather3A_449] : memref<3x128x16xf32, #tpu.memory_space<vmem>> -> memref<1x128x16xf32, #tpu.memory_space<vmem>>
      %gather3A_451 = tpu.memref_squeeze %gather3A_450 : memref<1x128x16xf32, #tpu.memory_space<vmem>> -> memref<128x16xf32, #tpu.memory_space<vmem>>
      %gather3A_452 = tpu.vector_load_idx %gather3A_451[%broadcast_in_dim3A_440, %iota3A] : memref<128x16xf32, #tpu.memory_space<vmem>>[vector<16xi32>, vector<16xi32>], vector<16xf32>,
      %mul3A_453 = arith.mulf %gather3A_452, %gather3A_446 : vector<16xf32>
      %scatter3A_454 = arith.constant 1 : i32
      %scatter3A_455 = arith.constant 0 : i32
      %scatter3A_456 = arith.constant 0 : i32
      %scatter3A_457 = tpu.memref_slice %arg11[%scatter3A_454, %scatter3A_455, %scatter3A_456] : memref<3x128x16xf32, #tpu.memory_space<vmem>> -> memref<1x128x16xf32, #tpu.memory_space<vmem>>
      %scatter3A_458 = tpu.memref_squeeze %scatter3A_457 : memref<1x128x16xf32, #tpu.memory_space<vmem>> -> memref<128x16xf32, #tpu.memory_space<vmem>>
      tpu.vector_store_idx %scatter3A_458[%broadcast_in_dim3A_440, %iota3A], %mul3A_453 : memref<128x16xf32, #tpu.memory_space<vmem>>[vector<16xi32>, vector<16xi32>], vector<16xf32>,
      %add3A_459 = arith.constant 6 : i32
      %add3A_460 = arith.addi %add3A_335, %add3A_459 : i32
      %broadcast_in_dim3A_461 = vector.broadcast %add3A_460 : i32 to vector<16xi32>
      %gather3A_462 = arith.constant 1 : i32
      %gather3A_463 = arith.constant 0 : i32
      %gather3A_464 = arith.constant 0 : i32
      %gather3A_465 = tpu.memref_slice %arg10[%gather3A_462, %gather3A_463, %gather3A_464] : memref<3x128x19xf32, #tpu.memory_space<vmem>> -> memref<1x128x19xf32, #tpu.memory_space<vmem>>
      %gather3A_466 = tpu.memref_squeeze %gather3A_465 : memref<1x128x19xf32, #tpu.memory_space<vmem>> -> memref<128x19xf32, #tpu.memory_space<vmem>>
      %gather3A_467 = tpu.vector_load_idx %gather3A_466[%broadcast_in_dim3A_461, %min3A_5] : memref<128x19xf32, #tpu.memory_space<vmem>>[vector<16xi32>, vector<16xi32>], vector<16xf32>,
      %gather3A_468 = arith.constant 1 : i32
      %gather3A_469 = arith.constant 0 : i32
      %gather3A_470 = arith.constant 0 : i32
      %gather3A_471 = tpu.memref_slice %arg11[%gather3A_468, %gather3A_469, %gather3A_470] : memref<3x128x16xf32, #tpu.memory_space<vmem>> -> memref<1x128x16xf32, #tpu.memory_space<vmem>>
      %gather3A_472 = tpu.memref_squeeze %gather3A_471 : memref<1x128x16xf32, #tpu.memory_space<vmem>> -> memref<128x16xf32, #tpu.memory_space<vmem>>
      %gather3A_473 = tpu.vector_load_idx %gather3A_472[%broadcast_in_dim3A_461, %iota3A] : memref<128x16xf32, #tpu.memory_space<vmem>>[vector<16xi32>, vector<16xi32>], vector<16xf32>,
      %mul3A_474 = arith.mulf %gather3A_473, %gather3A_467 : vector<16xf32>
      %scatter3A_475 = arith.constant 1 : i32
      %scatter3A_476 = arith.constant 0 : i32
      %scatter3A_477 = arith.constant 0 : i32
      %scatter3A_478 = tpu.memref_slice %arg11[%scatter3A_475, %scatter3A_476, %scatter3A_477] : memref<3x128x16xf32, #tpu.memory_space<vmem>> -> memref<1x128x16xf32, #tpu.memory_space<vmem>>
      %scatter3A_479 = tpu.memref_squeeze %scatter3A_478 : memref<1x128x16xf32, #tpu.memory_space<vmem>> -> memref<128x16xf32, #tpu.memory_space<vmem>>
      tpu.vector_store_idx %scatter3A_479[%broadcast_in_dim3A_461, %iota3A], %mul3A_474 : memref<128x16xf32, #tpu.memory_space<vmem>>[vector<16xi32>, vector<16xi32>], vector<16xf32>,
      %add3A_480 = arith.constant 7 : i32
      %add3A_481 = arith.addi %add3A_335, %add3A_480 : i32
      %broadcast_in_dim3A_482 = vector.broadcast %add3A_481 : i32 to vector<16xi32>
      %gather3A_483 = arith.constant 1 : i32
      %gather3A_484 = arith.constant 0 : i32
      %gather3A_485 = arith.constant 0 : i32
      %gather3A_486 = tpu.memref_slice %arg10[%gather3A_483, %gather3A_484, %gather3A_485] : memref<3x128x19xf32, #tpu.memory_space<vmem>> -> memref<1x128x19xf32, #tpu.memory_space<vmem>>
      %gather3A_487 = tpu.memref_squeeze %gather3A_486 : memref<1x128x19xf32, #tpu.memory_space<vmem>> -> memref<128x19xf32, #tpu.memory_space<vmem>>
      %gather3A_488 = tpu.vector_load_idx %gather3A_487[%broadcast_in_dim3A_482, %min3A_5] : memref<128x19xf32, #tpu.memory_space<vmem>>[vector<16xi32>, vector<16xi32>], vector<16xf32>,
      %gather3A_489 = arith.constant 1 : i32
      %gather3A_490 = arith.constant 0 : i32
      %gather3A_491 = arith.constant 0 : i32
      %gather3A_492 = tpu.memref_slice %arg11[%gather3A_489, %gather3A_490, %gather3A_491] : memref<3x128x16xf32, #tpu.memory_space<vmem>> -> memref<1x128x16xf32, #tpu.memory_space<vmem>>
      %gather3A_493 = tpu.memref_squeeze %gather3A_492 : memref<1x128x16xf32, #tpu.memory_space<vmem>> -> memref<128x16xf32, #tpu.memory_space<vmem>>
      %gather3A_494 = tpu.vector_load_idx %gather3A_493[%broadcast_in_dim3A_482, %iota3A] : memref<128x16xf32, #tpu.memory_space<vmem>>[vector<16xi32>, vector<16xi32>], vector<16xf32>,
      %mul3A_495 = arith.mulf %gather3A_494, %gather3A_488 : vector<16xf32>
      %scatter3A_496 = arith.constant 1 : i32
      %scatter3A_497 = arith.constant 0 : i32
      %scatter3A_498 = arith.constant 0 : i32
      %scatter3A_499 = tpu.memref_slice %arg11[%scatter3A_496, %scatter3A_497, %scatter3A_498] : memref<3x128x16xf32, #tpu.memory_space<vmem>> -> memref<1x128x16xf32, #tpu.memory_space<vmem>>
      %scatter3A_500 = tpu.memref_squeeze %scatter3A_499 : memref<1x128x16xf32, #tpu.memory_space<vmem>> -> memref<128x16xf32, #tpu.memory_space<vmem>>
      tpu.vector_store_idx %scatter3A_500[%broadcast_in_dim3A_482, %iota3A], %mul3A_495 : memref<128x16xf32, #tpu.memory_space<vmem>>[vector<16xi32>, vector<16xi32>], vector<16xf32>,
      %add3A_501 = arith.constant 8 : i32
      %add3A_502 = arith.addi %add3A_335, %add3A_501 : i32
      %broadcast_in_dim3A_503 = vector.broadcast %add3A_502 : i32 to vector<16xi32>
      %gather3A_504 = arith.constant 1 : i32
      %gather3A_505 = arith.constant 0 : i32
      %gather3A_506 = arith.constant 0 : i32
      %gather3A_507 = tpu.memref_slice %arg10[%gather3A_504, %gather3A_505, %gather3A_506] : memref<3x128x19xf32, #tpu.memory_space<vmem>> -> memref<1x128x19xf32, #tpu.memory_space<vmem>>
      %gather3A_508 = tpu.memref_squeeze %gather3A_507 : memref<1x128x19xf32, #tpu.memory_space<vmem>> -> memref<128x19xf32, #tpu.memory_space<vmem>>
      %gather3A_509 = tpu.vector_load_idx %gather3A_508[%broadcast_in_dim3A_503, %min3A_5] : memref<128x19xf32, #tpu.memory_space<vmem>>[vector<16xi32>, vector<16xi32>], vector<16xf32>,
      %gather3A_510 = arith.constant 1 : i32
      %gather3A_511 = arith.constant 0 : i32
      %gather3A_512 = arith.constant 0 : i32
      %gather3A_513 = tpu.memref_slice %arg11[%gather3A_510, %gather3A_511, %gather3A_512] : memref<3x128x16xf32, #tpu.memory_space<vmem>> -> memref<1x128x16xf32, #tpu.memory_space<vmem>>
      %gather3A_514 = tpu.memref_squeeze %gather3A_513 : memref<1x128x16xf32, #tpu.memory_space<vmem>> -> memref<128x16xf32, #tpu.memory_space<vmem>>
      %gather3A_515 = tpu.vector_load_idx %gather3A_514[%broadcast_in_dim3A_503, %iota3A] : memref<128x16xf32, #tpu.memory_space<vmem>>[vector<16xi32>, vector<16xi32>], vector<16xf32>,
      %mul3A_516 = arith.mulf %gather3A_515, %gather3A_509 : vector<16xf32>
      %scatter3A_517 = arith.constant 1 : i32
      %scatter3A_518 = arith.constant 0 : i32
      %scatter3A_519 = arith.constant 0 : i32
      %scatter3A_520 = tpu.memref_slice %arg11[%scatter3A_517, %scatter3A_518, %scatter3A_519] : memref<3x128x16xf32, #tpu.memory_space<vmem>> -> memref<1x128x16xf32, #tpu.memory_space<vmem>>
      %scatter3A_521 = tpu.memref_squeeze %scatter3A_520 : memref<1x128x16xf32, #tpu.memory_space<vmem>> -> memref<128x16xf32, #tpu.memory_space<vmem>>
      tpu.vector_store_idx %scatter3A_521[%broadcast_in_dim3A_503, %iota3A], %mul3A_516 : memref<128x16xf32, #tpu.memory_space<vmem>>[vector<16xi32>, vector<16xi32>], vector<16xf32>,
      %add3A_522 = arith.constant 9 : i32
      %add3A_523 = arith.addi %add3A_335, %add3A_522 : i32
      %broadcast_in_dim3A_524 = vector.broadcast %add3A_523 : i32 to vector<16xi32>
      %gather3A_525 = arith.constant 1 : i32
      %gather3A_526 = arith.constant 0 : i32
      %gather3A_527 = arith.constant 0 : i32
      %gather3A_528 = tpu.memref_slice %arg10[%gather3A_525, %gather3A_526, %gather3A_527] : memref<3x128x19xf32, #tpu.memory_space<vmem>> -> memref<1x128x19xf32, #tpu.memory_space<vmem>>
      %gather3A_529 = tpu.memref_squeeze %gather3A_528 : memref<1x128x19xf32, #tpu.memory_space<vmem>> -> memref<128x19xf32, #tpu.memory_space<vmem>>
      %gather3A_530 = tpu.vector_load_idx %gather3A_529[%broadcast_in_dim3A_524, %min3A_5] : memref<128x19xf32, #tpu.memory_space<vmem>>[vector<16xi32>, vector<16xi32>], vector<16xf32>,
      %gather3A_531 = arith.constant 1 : i32
      %gather3A_532 = arith.constant 0 : i32
      %gather3A_533 = arith.constant 0 : i32
      %gather3A_534 = tpu.memref_slice %arg11[%gather3A_531, %gather3A_532, %gather3A_533] : memref<3x128x16xf32, #tpu.memory_space<vmem>> -> memref<1x128x16xf32, #tpu.memory_space<vmem>>
      %gather3A_535 = tpu.memref_squeeze %gather3A_534 : memref<1x128x16xf32, #tpu.memory_space<vmem>> -> memref<128x16xf32, #tpu.memory_space<vmem>>
      %gather3A_536 = tpu.vector_load_idx %gather3A_535[%broadcast_in_dim3A_524, %iota3A] : memref<128x16xf32, #tpu.memory_space<vmem>>[vector<16xi32>, vector<16xi32>], vector<16xf32>,
      %mul3A_537 = arith.mulf %gather3A_536, %gather3A_530 : vector<16xf32>
      %scatter3A_538 = arith.constant 1 : i32
      %scatter3A_539 = arith.constant 0 : i32
      %scatter3A_540 = arith.constant 0 : i32
      %scatter3A_541 = tpu.memref_slice %arg11[%scatter3A_538, %scatter3A_539, %scatter3A_540] : memref<3x128x16xf32, #tpu.memory_space<vmem>> -> memref<1x128x16xf32, #tpu.memory_space<vmem>>
      %scatter3A_542 = tpu.memref_squeeze %scatter3A_541 : memref<1x128x16xf32, #tpu.memory_space<vmem>> -> memref<128x16xf32, #tpu.memory_space<vmem>>
      tpu.vector_store_idx %scatter3A_542[%broadcast_in_dim3A_524, %iota3A], %mul3A_537 : memref<128x16xf32, #tpu.memory_space<vmem>>[vector<16xi32>, vector<16xi32>], vector<16xf32>,
      %add3A_543 = arith.constant 10 : i32
      %add3A_544 = arith.addi %add3A_335, %add3A_543 : i32
      %broadcast_in_dim3A_545 = vector.broadcast %add3A_544 : i32 to vector<16xi32>
      %gather3A_546 = arith.constant 1 : i32
      %gather3A_547 = arith.constant 0 : i32
      %gather3A_548 = arith.constant 0 : i32
      %gather3A_549 = tpu.memref_slice %arg10[%gather3A_546, %gather3A_547, %gather3A_548] : memref<3x128x19xf32, #tpu.memory_space<vmem>> -> memref<1x128x19xf32, #tpu.memory_space<vmem>>
      %gather3A_550 = tpu.memref_squeeze %gather3A_549 : memref<1x128x19xf32, #tpu.memory_space<vmem>> -> memref<128x19xf32, #tpu.memory_space<vmem>>
      %gather3A_551 = tpu.vector_load_idx %gather3A_550[%broadcast_in_dim3A_545, %min3A_5] : memref<128x19xf32, #tpu.memory_space<vmem>>[vector<16xi32>, vector<16xi32>], vector<16xf32>,
      %gather3A_552 = arith.constant 1 : i32
      %gather3A_553 = arith.constant 0 : i32
      %gather3A_554 = arith.constant 0 : i32
      %gather3A_555 = tpu.memref_slice %arg11[%gather3A_552, %gather3A_553, %gather3A_554] : memref<3x128x16xf32, #tpu.memory_space<vmem>> -> memref<1x128x16xf32, #tpu.memory_space<vmem>>
      %gather3A_556 = tpu.memref_squeeze %gather3A_555 : memref<1x128x16xf32, #tpu.memory_space<vmem>> -> memref<128x16xf32, #tpu.memory_space<vmem>>
      %gather3A_557 = tpu.vector_load_idx %gather3A_556[%broadcast_in_dim3A_545, %iota3A] : memref<128x16xf32, #tpu.memory_space<vmem>>[vector<16xi32>, vector<16xi32>], vector<16xf32>,
      %mul3A_558 = arith.mulf %gather3A_557, %gather3A_551 : vector<16xf32>
      %scatter3A_559 = arith.constant 1 : i32
      %scatter3A_560 = arith.constant 0 : i32
      %scatter3A_561 = arith.constant 0 : i32
      %scatter3A_562 = tpu.memref_slice %arg11[%scatter3A_559, %scatter3A_560, %scatter3A_561] : memref<3x128x16xf32, #tpu.memory_space<vmem>> -> memref<1x128x16xf32, #tpu.memory_space<vmem>>
      %scatter3A_563 = tpu.memref_squeeze %scatter3A_562 : memref<1x128x16xf32, #tpu.memory_space<vmem>> -> memref<128x16xf32, #tpu.memory_space<vmem>>
      tpu.vector_store_idx %scatter3A_563[%broadcast_in_dim3A_545, %iota3A], %mul3A_558 : memref<128x16xf32, #tpu.memory_space<vmem>>[vector<16xi32>, vector<16xi32>], vector<16xf32>,
      %add3A_564 = arith.constant 11 : i32
      %add3A_565 = arith.addi %add3A_335, %add3A_564 : i32
      %broadcast_in_dim3A_566 = vector.broadcast %add3A_565 : i32 to vector<16xi32>
      %gather3A_567 = arith.constant 1 : i32
      %gather3A_568 = arith.constant 0 : i32
      %gather3A_569 = arith.constant 0 : i32
      %gather3A_570 = tpu.memref_slice %arg10[%gather3A_567, %gather3A_568, %gather3A_569] : memref<3x128x19xf32, #tpu.memory_space<vmem>> -> memref<1x128x19xf32, #tpu.memory_space<vmem>>
      %gather3A_571 = tpu.memref_squeeze %gather3A_570 : memref<1x128x19xf32, #tpu.memory_space<vmem>> -> memref<128x19xf32, #tpu.memory_space<vmem>>
      %gather3A_572 = tpu.vector_load_idx %gather3A_571[%broadcast_in_dim3A_566, %min3A_5] : memref<128x19xf32, #tpu.memory_space<vmem>>[vector<16xi32>, vector<16xi32>], vector<16xf32>,
      %gather3A_573 = arith.constant 1 : i32
      %gather3A_574 = arith.constant 0 : i32
      %gather3A_575 = arith.constant 0 : i32
      %gather3A_576 = tpu.memref_slice %arg11[%gather3A_573, %gather3A_574, %gather3A_575] : memref<3x128x16xf32, #tpu.memory_space<vmem>> -> memref<1x128x16xf32, #tpu.memory_space<vmem>>
      %gather3A_577 = tpu.memref_squeeze %gather3A_576 : memref<1x128x16xf32, #tpu.memory_space<vmem>> -> memref<128x16xf32, #tpu.memory_space<vmem>>
      %gather3A_578 = tpu.vector_load_idx %gather3A_577[%broadcast_in_dim3A_566, %iota3A] : memref<128x16xf32, #tpu.memory_space<vmem>>[vector<16xi32>, vector<16xi32>], vector<16xf32>,
      %mul3A_579 = arith.mulf %gather3A_578, %gather3A_572 : vector<16xf32>
      %scatter3A_580 = arith.constant 1 : i32
      %scatter3A_581 = arith.constant 0 : i32
      %scatter3A_582 = arith.constant 0 : i32
      %scatter3A_583 = tpu.memref_slice %arg11[%scatter3A_580, %scatter3A_581, %scatter3A_582] : memref<3x128x16xf32, #tpu.memory_space<vmem>> -> memref<1x128x16xf32, #tpu.memory_space<vmem>>
      %scatter3A_584 = tpu.memref_squeeze %scatter3A_583 : memref<1x128x16xf32, #tpu.memory_space<vmem>> -> memref<128x16xf32, #tpu.memory_space<vmem>>
      tpu.vector_store_idx %scatter3A_584[%broadcast_in_dim3A_566, %iota3A], %mul3A_579 : memref<128x16xf32, #tpu.memory_space<vmem>>[vector<16xi32>, vector<16xi32>], vector<16xf32>,
      %add3A_585 = arith.constant 12 : i32
      %add3A_586 = arith.addi %add3A_335, %add3A_585 : i32
      %broadcast_in_dim3A_587 = vector.broadcast %add3A_586 : i32 to vector<16xi32>
      %gather3A_588 = arith.constant 1 : i32
      %gather3A_589 = arith.constant 0 : i32
      %gather3A_590 = arith.constant 0 : i32
      %gather3A_591 = tpu.memref_slice %arg10[%gather3A_588, %gather3A_589, %gather3A_590] : memref<3x128x19xf32, #tpu.memory_space<vmem>> -> memref<1x128x19xf32, #tpu.memory_space<vmem>>
      %gather3A_592 = tpu.memref_squeeze %gather3A_591 : memref<1x128x19xf32, #tpu.memory_space<vmem>> -> memref<128x19xf32, #tpu.memory_space<vmem>>
      %gather3A_593 = tpu.vector_load_idx %gather3A_592[%broadcast_in_dim3A_587, %min3A_5] : memref<128x19xf32, #tpu.memory_space<vmem>>[vector<16xi32>, vector<16xi32>], vector<16xf32>,
      %gather3A_594 = arith.constant 1 : i32
      %gather3A_595 = arith.constant 0 : i32
      %gather3A_596 = arith.constant 0 : i32
      %gather3A_597 = tpu.memref_slice %arg11[%gather3A_594, %gather3A_595, %gather3A_596] : memref<3x128x16xf32, #tpu.memory_space<vmem>> -> memref<1x128x16xf32, #tpu.memory_space<vmem>>
      %gather3A_598 = tpu.memref_squeeze %gather3A_597 : memref<1x128x16xf32, #tpu.memory_space<vmem>> -> memref<128x16xf32, #tpu.memory_space<vmem>>
      %gather3A_599 = tpu.vector_load_idx %gather3A_598[%broadcast_in_dim3A_587, %iota3A] : memref<128x16xf32, #tpu.memory_space<vmem>>[vector<16xi32>, vector<16xi32>], vector<16xf32>,
      %mul3A_600 = arith.mulf %gather3A_599, %gather3A_593 : vector<16xf32>
      %scatter3A_601 = arith.constant 1 : i32
      %scatter3A_602 = arith.constant 0 : i32
      %scatter3A_603 = arith.constant 0 : i32
      %scatter3A_604 = tpu.memref_slice %arg11[%scatter3A_601, %scatter3A_602, %scatter3A_603] : memref<3x128x16xf32, #tpu.memory_space<vmem>> -> memref<1x128x16xf32, #tpu.memory_space<vmem>>
      %scatter3A_605 = tpu.memref_squeeze %scatter3A_604 : memref<1x128x16xf32, #tpu.memory_space<vmem>> -> memref<128x16xf32, #tpu.memory_space<vmem>>
      tpu.vector_store_idx %scatter3A_605[%broadcast_in_dim3A_587, %iota3A], %mul3A_600 : memref<128x16xf32, #tpu.memory_space<vmem>>[vector<16xi32>, vector<16xi32>], vector<16xf32>,
      %add3A_606 = arith.constant 13 : i32
      %add3A_607 = arith.addi %add3A_335, %add3A_606 : i32
      %broadcast_in_dim3A_608 = vector.broadcast %add3A_607 : i32 to vector<16xi32>
      %gather3A_609 = arith.constant 1 : i32
      %gather3A_610 = arith.constant 0 : i32
      %gather3A_611 = arith.constant 0 : i32
      %gather3A_612 = tpu.memref_slice %arg10[%gather3A_609, %gather3A_610, %gather3A_611] : memref<3x128x19xf32, #tpu.memory_space<vmem>> -> memref<1x128x19xf32, #tpu.memory_space<vmem>>
      %gather3A_613 = tpu.memref_squeeze %gather3A_612 : memref<1x128x19xf32, #tpu.memory_space<vmem>> -> memref<128x19xf32, #tpu.memory_space<vmem>>
      %gather3A_614 = tpu.vector_load_idx %gather3A_613[%broadcast_in_dim3A_608, %min3A_5] : memref<128x19xf32, #tpu.memory_space<vmem>>[vector<16xi32>, vector<16xi32>], vector<16xf32>,
      %gather3A_615 = arith.constant 1 : i32
      %gather3A_616 = arith.constant 0 : i32
      %gather3A_617 = arith.constant 0 : i32
      %gather3A_618 = tpu.memref_slice %arg11[%gather3A_615, %gather3A_616, %gather3A_617] : memref<3x128x16xf32, #tpu.memory_space<vmem>> -> memref<1x128x16xf32, #tpu.memory_space<vmem>>
      %gather3A_619 = tpu.memref_squeeze %gather3A_618 : memref<1x128x16xf32, #tpu.memory_space<vmem>> -> memref<128x16xf32, #tpu.memory_space<vmem>>
      %gather3A_620 = tpu.vector_load_idx %gather3A_619[%broadcast_in_dim3A_608, %iota3A] : memref<128x16xf32, #tpu.memory_space<vmem>>[vector<16xi32>, vector<16xi32>], vector<16xf32>,
      %mul3A_621 = arith.mulf %gather3A_620, %gather3A_614 : vector<16xf32>
      %scatter3A_622 = arith.constant 1 : i32
      %scatter3A_623 = arith.constant 0 : i32
      %scatter3A_624 = arith.constant 0 : i32
      %scatter3A_625 = tpu.memref_slice %arg11[%scatter3A_622, %scatter3A_623, %scatter3A_624] : memref<3x128x16xf32, #tpu.memory_space<vmem>> -> memref<1x128x16xf32, #tpu.memory_space<vmem>>
      %scatter3A_626 = tpu.memref_squeeze %scatter3A_625 : memref<1x128x16xf32, #tpu.memory_space<vmem>> -> memref<128x16xf32, #tpu.memory_space<vmem>>
      tpu.vector_store_idx %scatter3A_626[%broadcast_in_dim3A_608, %iota3A], %mul3A_621 : memref<128x16xf32, #tpu.memory_space<vmem>>[vector<16xi32>, vector<16xi32>], vector<16xf32>,
      %add3A_627 = arith.constant 14 : i32
      %add3A_628 = arith.addi %add3A_335, %add3A_627 : i32
      %broadcast_in_dim3A_629 = vector.broadcast %add3A_628 : i32 to vector<16xi32>
      %gather3A_630 = arith.constant 1 : i32
      %gather3A_631 = arith.constant 0 : i32
      %gather3A_632 = arith.constant 0 : i32
      %gather3A_633 = tpu.memref_slice %arg10[%gather3A_630, %gather3A_631, %gather3A_632] : memref<3x128x19xf32, #tpu.memory_space<vmem>> -> memref<1x128x19xf32, #tpu.memory_space<vmem>>
      %gather3A_634 = tpu.memref_squeeze %gather3A_633 : memref<1x128x19xf32, #tpu.memory_space<vmem>> -> memref<128x19xf32, #tpu.memory_space<vmem>>
      %gather3A_635 = tpu.vector_load_idx %gather3A_634[%broadcast_in_dim3A_629, %min3A_5] : memref<128x19xf32, #tpu.memory_space<vmem>>[vector<16xi32>, vector<16xi32>], vector<16xf32>,
      %gather3A_636 = arith.constant 1 : i32
      %gather3A_637 = arith.constant 0 : i32
      %gather3A_638 = arith.constant 0 : i32
      %gather3A_639 = tpu.memref_slice %arg11[%gather3A_636, %gather3A_637, %gather3A_638] : memref<3x128x16xf32, #tpu.memory_space<vmem>> -> memref<1x128x16xf32, #tpu.memory_space<vmem>>
      %gather3A_640 = tpu.memref_squeeze %gather3A_639 : memref<1x128x16xf32, #tpu.memory_space<vmem>> -> memref<128x16xf32, #tpu.memory_space<vmem>>
      %gather3A_641 = tpu.vector_load_idx %gather3A_640[%broadcast_in_dim3A_629, %iota3A] : memref<128x16xf32, #tpu.memory_space<vmem>>[vector<16xi32>, vector<16xi32>], vector<16xf32>,
      %mul3A_642 = arith.mulf %gather3A_641, %gather3A_635 : vector<16xf32>
      %scatter3A_643 = arith.constant 1 : i32
      %scatter3A_644 = arith.constant 0 : i32
      %scatter3A_645 = arith.constant 0 : i32
      %scatter3A_646 = tpu.memref_slice %arg11[%scatter3A_643, %scatter3A_644, %scatter3A_645] : memref<3x128x16xf32, #tpu.memory_space<vmem>> -> memref<1x128x16xf32, #tpu.memory_space<vmem>>
      %scatter3A_647 = tpu.memref_squeeze %scatter3A_646 : memref<1x128x16xf32, #tpu.memory_space<vmem>> -> memref<128x16xf32, #tpu.memory_space<vmem>>
      tpu.vector_store_idx %scatter3A_647[%broadcast_in_dim3A_629, %iota3A], %mul3A_642 : memref<128x16xf32, #tpu.memory_space<vmem>>[vector<16xi32>, vector<16xi32>], vector<16xf32>,
      %add3A_648 = arith.constant 15 : i32
      %add3A_649 = arith.addi %add3A_335, %add3A_648 : i32
      %broadcast_in_dim3A_650 = vector.broadcast %add3A_649 : i32 to vector<16xi32>
      %gather3A_651 = arith.constant 1 : i32
      %gather3A_652 = arith.constant 0 : i32
      %gather3A_653 = arith.constant 0 : i32
      %gather3A_654 = tpu.memref_slice %arg10[%gather3A_651, %gather3A_652, %gather3A_653] : memref<3x128x19xf32, #tpu.memory_space<vmem>> -> memref<1x128x19xf32, #tpu.memory_space<vmem>>
      %gather3A_655 = tpu.memref_squeeze %gather3A_654 : memref<1x128x19xf32, #tpu.memory_space<vmem>> -> memref<128x19xf32, #tpu.memory_space<vmem>>
      %gather3A_656 = tpu.vector_load_idx %gather3A_655[%broadcast_in_dim3A_650, %min3A_5] : memref<128x19xf32, #tpu.memory_space<vmem>>[vector<16xi32>, vector<16xi32>], vector<16xf32>,
      %gather3A_657 = arith.constant 1 : i32
      %gather3A_658 = arith.constant 0 : i32
      %gather3A_659 = arith.constant 0 : i32
      %gather3A_660 = tpu.memref_slice %arg11[%gather3A_657, %gather3A_658, %gather3A_659] : memref<3x128x16xf32, #tpu.memory_space<vmem>> -> memref<1x128x16xf32, #tpu.memory_space<vmem>>
      %gather3A_661 = tpu.memref_squeeze %gather3A_660 : memref<1x128x16xf32, #tpu.memory_space<vmem>> -> memref<128x16xf32, #tpu.memory_space<vmem>>
      %gather3A_662 = tpu.vector_load_idx %gather3A_661[%broadcast_in_dim3A_650, %iota3A] : memref<128x16xf32, #tpu.memory_space<vmem>>[vector<16xi32>, vector<16xi32>], vector<16xf32>,
      %mul3A_663 = arith.mulf %gather3A_662, %gather3A_656 : vector<16xf32>
      %scatter3A_664 = arith.constant 1 : i32
      %scatter3A_665 = arith.constant 0 : i32
      %scatter3A_666 = arith.constant 0 : i32
      %scatter3A_667 = tpu.memref_slice %arg11[%scatter3A_664, %scatter3A_665, %scatter3A_666] : memref<3x128x16xf32, #tpu.memory_space<vmem>> -> memref<1x128x16xf32, #tpu.memory_space<vmem>>
      %scatter3A_668 = tpu.memref_squeeze %scatter3A_667 : memref<1x128x16xf32, #tpu.memory_space<vmem>> -> memref<128x16xf32, #tpu.memory_space<vmem>>
      tpu.vector_store_idx %scatter3A_668[%broadcast_in_dim3A_650, %iota3A], %mul3A_663 : memref<128x16xf32, #tpu.memory_space<vmem>>[vector<16xi32>, vector<16xi32>], vector<16xf32>,
    }
    %scan3A_269 = arith.constant 8 : i32
    %dma_start3A_270 = arith.constant 1 : i32
    %dma_start3A_271 = arith.constant 1 : i32
    %dma_start3A_272 = arith.constant 0 : i32
    %dma_start3A_273 = arith.constant 0 : i32
    %dma_start3A_274 = tpu.memref_slice %arg11[%dma_start3A_270, %dma_start3A_272, %dma_start3A_273] : memref<3x128x16xf32, #tpu.memory_space<vmem>> -> memref<1x128x16xf32, #tpu.memory_space<vmem>>
    %dma_start3A_275 = tpu.memref_squeeze %dma_start3A_274 : memref<1x128x16xf32, #tpu.memory_space<vmem>> -> memref<128x16xf32, #tpu.memory_space<vmem>>
    %dma_start3A_276 = arith.constant 0 : i32
    %dma_start3A_277 = tpu.memref_slice %arg9[%dma_start3A_271, %dma_start3A_276] : memref<3x128xi32, #tpu.memory_space<vmem>> -> memref<1x128xi32, #tpu.memory_space<vmem>>
    %dma_start3A_278 = tpu.memref_squeeze %dma_start3A_277 : memref<1x128xi32, #tpu.memory_space<vmem>> -> memref<128xi32, #tpu.memory_space<vmem>>
    %dma_start3A_279 = arith.constant 0 : i32
    %dma_start3A_280 = arith.constant 0 : i32
    %dma_start3A_281 = tpu.memref_slice %arg7[%dma_start3A_279, %dma_start3A_280] : memref<100352x16xf32, #tpu.memory_space<vmem_shared>> -> memref<100352x16xf32, #tpu.memory_space<vmem_shared>>
    tpu.enqueue_indirect_dma source(%dma_start3A_275 : memref<128x16xf32, #tpu.memory_space<vmem>>) target(%dma_start3A_281 : memref<100352x16xf32, #tpu.memory_space<vmem_shared>>) offsets(%dma_start3A_278 : memref<128xi32, #tpu.memory_space<vmem>>) semaphore(%arg23 : memref<!tpu.dma_semaphore, #tpu.memory_space<semaphore_mem>>) {add = true}
    %add3A_282 = arith.constant 199936 : i32
    %add3A_283 = arith.addi %mul3A_0, %add3A_282 : i32
    %run_scoped3A = arith.constant 0 : i32
    "tpu.region"() ({
      %run_scoped3A_331 = tpu.sem_alloc : memref<!tpu.dma_semaphore, #tpu.memory_space<semaphore_mem>>
      %dma_start3A_332 = tpu.memref_slice %arg3[%run_scoped3A, %add3A_283] : memref<2x3200000xi32, #tpu.memory_space<hbm>> -> memref<1x64xi32, #tpu.memory_space<hbm>>
      %dma_start3A_333 = tpu.memref_squeeze %dma_start3A_332 : memref<1x64xi32, #tpu.memory_space<hbm>> -> memref<64xi32, #tpu.memory_space<hbm>>
      %dma_start3A_334 = tpu.memref_slice %arg3[%run_scoped3A, %add3A_283] : memref<2x3200000xi32, #tpu.memory_space<hbm>> -> memref<1x64xi32, #tpu.memory_space<hbm>>
      %dma_start3A_335 = tpu.memref_squeeze %dma_start3A_334 : memref<1x64xi32, #tpu.memory_space<hbm>> -> memref<64xi32, #tpu.memory_space<hbm>>
      tpu.enqueue_dma source(%dma_start3A_335 : memref<64xi32, #tpu.memory_space<hbm>>) target(%arg12 : memref<64xi32, #tpu.memory_space<vmem>>) target_semaphore(%run_scoped3A_331 : memref<!tpu.dma_semaphore, #tpu.memory_space<semaphore_mem>>)
      %dma_wait3A_336 = tpu.memref_slice %arg3[%run_scoped3A, %add3A_283] : memref<2x3200000xi32, #tpu.memory_space<hbm>> -> memref<1x64xi32, #tpu.memory_space<hbm>>
      %dma_wait3A_337 = tpu.memref_squeeze %dma_wait3A_336 : memref<1x64xi32, #tpu.memory_space<hbm>> -> memref<64xi32, #tpu.memory_space<hbm>>
      %dma_wait3A_338 = tpu.memref_slice %arg3[%run_scoped3A, %add3A_283] : memref<2x3200000xi32, #tpu.memory_space<hbm>> -> memref<1x64xi32, #tpu.memory_space<hbm>>
      %dma_wait3A_339 = tpu.memref_squeeze %dma_wait3A_338 : memref<1x64xi32, #tpu.memory_space<hbm>> -> memref<64xi32, #tpu.memory_space<hbm>>
      tpu.wait_dma2 semaphore(%run_scoped3A_331 : memref<!tpu.dma_semaphore, #tpu.memory_space<semaphore_mem>>) src(%dma_wait3A_339 : memref<64xi32, #tpu.memory_space<hbm>>) dst(%arg12 : memref<64xi32, #tpu.memory_space<vmem>>)
      tpu.yield
    }) : () -> ()
    %dma_start3A_284 = arith.constant 0 : i32
    %dma_start3A_285 = arith.constant 0 : i32
    %dma_start3A_286 = tpu.memref_slice %arg2[%arg0, %dma_start3A_284, %dma_start3A_285] : memref<2x100000x16xf32, #tpu.memory_space<hbm>> -> memref<1x100000x16xf32, #tpu.memory_space<hbm>>
    %dma_start3A_287 = tpu.memref_squeeze %dma_start3A_286 : memref<1x100000x16xf32, #tpu.memory_space<hbm>> -> memref<100000x16xf32, #tpu.memory_space<hbm>>
    %dma_start3A_288 = arith.constant 0 : i32
    %dma_start3A_289 = arith.constant 0 : i32
    %dma_start3A_290 = tpu.memref_slice %dma_start3A_287[%dma_start3A_288, %dma_start3A_289] : memref<100000x16xf32, #tpu.memory_space<hbm>> -> memref<100000x16xf32, #tpu.memory_space<hbm>>
    tpu.enqueue_indirect_dma source(%dma_start3A_290 : memref<100000x16xf32, #tpu.memory_space<hbm>>) target(%arg15 : memref<64x16xf32, #tpu.memory_space<vmem>>) offsets(%arg12 : memref<64xi32, #tpu.memory_space<vmem>>) semaphore(%arg25 : memref<!tpu.dma_semaphore, #tpu.memory_space<semaphore_mem>>)
    %dma_wait3A_291 = arith.constant 0 : i32
    %dma_wait3A_292 = arith.constant 0 : i32
    %dma_wait3A_293 = tpu.memref_slice %arg2[%arg0, %dma_wait3A_291, %dma_wait3A_292] : memref<2x100000x16xf32, #tpu.memory_space<hbm>> -> memref<1x100000x16xf32, #tpu.memory_space<hbm>>
    %dma_wait3A_294 = tpu.memref_squeeze %dma_wait3A_293 : memref<1x100000x16xf32, #tpu.memory_space<hbm>> -> memref<100000x16xf32, #tpu.memory_space<hbm>>
    %dma_wait3A_295 = arith.constant 0 : i32
    %dma_wait3A_296 = arith.constant 0 : i32
    %dma_wait3A_297 = tpu.memref_slice %dma_wait3A_294[%dma_wait3A_295, %dma_wait3A_296] : memref<100000x16xf32, #tpu.memory_space<hbm>> -> memref<100000x16xf32, #tpu.memory_space<hbm>>
    tpu.wait_indirect_dma semaphore(%arg25 : memref<!tpu.dma_semaphore, #tpu.memory_space<semaphore_mem>>) src(%dma_wait3A_297 : memref<100000x16xf32, #tpu.memory_space<hbm>>) dst(%arg15 : memref<64x16xf32, #tpu.memory_space<vmem>>)
    "tpu.region"() ({
      %run_scoped3A_331 = tpu.sem_alloc : memref<!tpu.dma_semaphore, #tpu.memory_space<semaphore_mem>>
      %dma_start3A_332 = arith.constant 0 : i32
      %dma_start3A_333 = tpu.memref_slice %arg4[%add3A_283, %dma_start3A_332] : memref<3200000x19xf32, #tpu.memory_space<hbm>> -> memref<64x19xf32, #tpu.memory_space<hbm>>
      %dma_start3A_334 = arith.constant 0 : i32
      %dma_start3A_335 = tpu.memref_slice %arg4[%add3A_283, %dma_start3A_334] : memref<3200000x19xf32, #tpu.memory_space<hbm>> -> memref<64x19xf32, #tpu.memory_space<hbm>>
      tpu.enqueue_dma source(%dma_start3A_335 : memref<64x19xf32, #tpu.memory_space<hbm>>) target(%arg14 : memref<64x19xf32, #tpu.memory_space<vmem>>) target_semaphore(%run_scoped3A_331 : memref<!tpu.dma_semaphore, #tpu.memory_space<semaphore_mem>>)
      %dma_wait3A_336 = arith.constant 0 : i32
      %dma_wait3A_337 = tpu.memref_slice %arg4[%add3A_283, %dma_wait3A_336] : memref<3200000x19xf32, #tpu.memory_space<hbm>> -> memref<64x19xf32, #tpu.memory_space<hbm>>
      %dma_wait3A_338 = arith.constant 0 : i32
      %dma_wait3A_339 = tpu.memref_slice %arg4[%add3A_283, %dma_wait3A_338] : memref<3200000x19xf32, #tpu.memory_space<hbm>> -> memref<64x19xf32, #tpu.memory_space<hbm>>
      tpu.wait_dma2 semaphore(%run_scoped3A_331 : memref<!tpu.dma_semaphore, #tpu.memory_space<semaphore_mem>>) src(%dma_wait3A_339 : memref<64x19xf32, #tpu.memory_space<hbm>>) dst(%arg14 : memref<64x19xf32, #tpu.memory_space<vmem>>)
      tpu.yield
    }) : () -> ()
    %run_scoped3A_298 = arith.constant 1 : i32
    %run_scoped3A_299 = arith.constant 0 : i32
    "tpu.region"() ({
      %run_scoped3A_331 = tpu.sem_alloc : memref<!tpu.dma_semaphore, #tpu.memory_space<semaphore_mem>>
      %dma_start3A_332 = arith.constant 0 : i32
      %dma_start3A_333 = tpu.memref_slice %arg13[%run_scoped3A_299, %dma_start3A_332] : memref<1x64xi32, #tpu.memory_space<vmem>> -> memref<1x64xi32, #tpu.memory_space<vmem>>
      %dma_start3A_334 = tpu.memref_squeeze %dma_start3A_333 : memref<1x64xi32, #tpu.memory_space<vmem>> -> memref<64xi32, #tpu.memory_space<vmem>>
      %dma_start3A_335 = tpu.memref_slice %arg3[%run_scoped3A_298, %add3A_283] : memref<2x3200000xi32, #tpu.memory_space<hbm>> -> memref<1x64xi32, #tpu.memory_space<hbm>>
      %dma_start3A_336 = tpu.memref_squeeze %dma_start3A_335 : memref<1x64xi32, #tpu.memory_space<hbm>> -> memref<64xi32, #tpu.memory_space<hbm>>
      %dma_start3A_337 = arith.constant 0 : i32
      %dma_start3A_338 = tpu.memref_slice %arg13[%run_scoped3A_299, %dma_start3A_337] : memref<1x64xi32, #tpu.memory_space<vmem>> -> memref<1x64xi32, #tpu.memory_space<vmem>>
      %dma_start3A_339 = tpu.memref_squeeze %dma_start3A_338 : memref<1x64xi32, #tpu.memory_space<vmem>> -> memref<64xi32, #tpu.memory_space<vmem>>
      %dma_start3A_340 = tpu.memref_slice %arg3[%run_scoped3A_298, %add3A_283] : memref<2x3200000xi32, #tpu.memory_space<hbm>> -> memref<1x64xi32, #tpu.memory_space<hbm>>
      %dma_start3A_341 = tpu.memref_squeeze %dma_start3A_340 : memref<1x64xi32, #tpu.memory_space<hbm>> -> memref<64xi32, #tpu.memory_space<hbm>>
      tpu.enqueue_dma source(%dma_start3A_341 : memref<64xi32, #tpu.memory_space<hbm>>) target(%dma_start3A_339 : memref<64xi32, #tpu.memory_space<vmem>>) target_semaphore(%run_scoped3A_331 : memref<!tpu.dma_semaphore, #tpu.memory_space<semaphore_mem>>)
      %dma_wait3A_342 = arith.constant 0 : i32
      %dma_wait3A_343 = tpu.memref_slice %arg13[%run_scoped3A_299, %dma_wait3A_342] : memref<1x64xi32, #tpu.memory_space<vmem>> -> memref<1x64xi32, #tpu.memory_space<vmem>>
      %dma_wait3A_344 = tpu.memref_squeeze %dma_wait3A_343 : memref<1x64xi32, #tpu.memory_space<vmem>> -> memref<64xi32, #tpu.memory_space<vmem>>
      %dma_wait3A_345 = tpu.memref_slice %arg3[%run_scoped3A_298, %add3A_283] : memref<2x3200000xi32, #tpu.memory_space<hbm>> -> memref<1x64xi32, #tpu.memory_space<hbm>>
      %dma_wait3A_346 = tpu.memref_squeeze %dma_wait3A_345 : memref<1x64xi32, #tpu.memory_space<hbm>> -> memref<64xi32, #tpu.memory_space<hbm>>
      %dma_wait3A_347 = arith.constant 0 : i32
      %dma_wait3A_348 = tpu.memref_slice %arg13[%run_scoped3A_299, %dma_wait3A_347] : memref<1x64xi32, #tpu.memory_space<vmem>> -> memref<1x64xi32, #tpu.memory_space<vmem>>
      %dma_wait3A_349 = tpu.memref_squeeze %dma_wait3A_348 : memref<1x64xi32, #tpu.memory_space<vmem>> -> memref<64xi32, #tpu.memory_space<vmem>>
      %dma_wait3A_350 = tpu.memref_slice %arg3[%run_scoped3A_298, %add3A_283] : memref<2x3200000xi32, #tpu.memory_space<hbm>> -> memref<1x64xi32, #tpu.memory_space<hbm>>
      %dma_wait3A_351 = tpu.memref_squeeze %dma_wait3A_350 : memref<1x64xi32, #tpu.memory_space<hbm>> -> memref<64xi32, #tpu.memory_space<hbm>>
      tpu.wait_dma2 semaphore(%run_scoped3A_331 : memref<!tpu.dma_semaphore, #tpu.memory_space<semaphore_mem>>) src(%dma_wait3A_351 : memref<64xi32, #tpu.memory_space<hbm>>) dst(%dma_wait3A_349 : memref<64xi32, #tpu.memory_space<vmem>>)
      tpu.yield
    }) : () -> ()
    %scan3A_300 = arith.constant 0 : i32
    %scan3A_301 = arith.constant 8 : i32
    %scan3A_302 = arith.addi %scan3A_300, %scan3A_301 : i32
    %scan3A_303 = arith.constant 1 : i32
    scf.for %scan3A_331 = %scan3A_300 to %scan3A_302 step %scan3A_303  : i32 {
      %mul3A_332 = arith.constant 8 : i32
      %mul3A_333 = arith.muli %scan3A_331, %mul3A_332 : i32
      %add3A_334 = arith.constant 0 : i32
      %add3A_335 = arith.addi %add3A_334, %mul3A_333 : i32
      %add3A_336 = arith.constant 0 : i32
      %add3A_337 = arith.addi %add3A_335, %add3A_336 : i32
      %broadcast_in_dim3A = vector.broadcast %add3A_337 : i32 to vector<16xi32>
      %gather3A = tpu.vector_load_idx %arg14[%broadcast_in_dim3A, %min3A_5] : memref<64x19xf32, #tpu.memory_space<vmem>>[vector<16xi32>, vector<16xi32>], vector<16xf32>,
      %gather3A_338 = tpu.vector_load_idx %arg15[%broadcast_in_dim3A, %iota3A] : memref<64x16xf32, #tpu.memory_space<vmem>>[vector<16xi32>, vector<16xi32>], vector<16xf32>,
      %mul3A_339 = arith.mulf %gather3A_338, %gather3A : vector<16xf32>
      tpu.vector_store_idx %arg15[%broadcast_in_dim3A, %iota3A], %mul3A_339 : memref<64x16xf32, #tpu.memory_space<vmem>>[vector<16xi32>, vector<16xi32>], vector<16xf32>,
      %add3A_340 = arith.constant 1 : i32
      %add3A_341 = arith.addi %add3A_335, %add3A_340 : i32
      %broadcast_in_dim3A_342 = vector.broadcast %add3A_341 : i32 to vector<16xi32>
      %gather3A_343 = tpu.vector_load_idx %arg14[%broadcast_in_dim3A_342, %min3A_5] : memref<64x19xf32, #tpu.memory_space<vmem>>[vector<16xi32>, vector<16xi32>], vector<16xf32>,
      %gather3A_344 = tpu.vector_load_idx %arg15[%broadcast_in_dim3A_342, %iota3A] : memref<64x16xf32, #tpu.memory_space<vmem>>[vector<16xi32>, vector<16xi32>], vector<16xf32>,
      %mul3A_345 = arith.mulf %gather3A_344, %gather3A_343 : vector<16xf32>
      tpu.vector_store_idx %arg15[%broadcast_in_dim3A_342, %iota3A], %mul3A_345 : memref<64x16xf32, #tpu.memory_space<vmem>>[vector<16xi32>, vector<16xi32>], vector<16xf32>,
      %add3A_346 = arith.constant 2 : i32
      %add3A_347 = arith.addi %add3A_335, %add3A_346 : i32
      %broadcast_in_dim3A_348 = vector.broadcast %add3A_347 : i32 to vector<16xi32>
      %gather3A_349 = tpu.vector_load_idx %arg14[%broadcast_in_dim3A_348, %min3A_5] : memref<64x19xf32, #tpu.memory_space<vmem>>[vector<16xi32>, vector<16xi32>], vector<16xf32>,
      %gather3A_350 = tpu.vector_load_idx %arg15[%broadcast_in_dim3A_348, %iota3A] : memref<64x16xf32, #tpu.memory_space<vmem>>[vector<16xi32>, vector<16xi32>], vector<16xf32>,
      %mul3A_351 = arith.mulf %gather3A_350, %gather3A_349 : vector<16xf32>
      tpu.vector_store_idx %arg15[%broadcast_in_dim3A_348, %iota3A], %mul3A_351 : memref<64x16xf32, #tpu.memory_space<vmem>>[vector<16xi32>, vector<16xi32>], vector<16xf32>,
      %add3A_352 = arith.constant 3 : i32
      %add3A_353 = arith.addi %add3A_335, %add3A_352 : i32
      %broadcast_in_dim3A_354 = vector.broadcast %add3A_353 : i32 to vector<16xi32>
      %gather3A_355 = tpu.vector_load_idx %arg14[%broadcast_in_dim3A_354, %min3A_5] : memref<64x19xf32, #tpu.memory_space<vmem>>[vector<16xi32>, vector<16xi32>], vector<16xf32>,
      %gather3A_356 = tpu.vector_load_idx %arg15[%broadcast_in_dim3A_354, %iota3A] : memref<64x16xf32, #tpu.memory_space<vmem>>[vector<16xi32>, vector<16xi32>], vector<16xf32>,
      %mul3A_357 = arith.mulf %gather3A_356, %gather3A_355 : vector<16xf32>
      tpu.vector_store_idx %arg15[%broadcast_in_dim3A_354, %iota3A], %mul3A_357 : memref<64x16xf32, #tpu.memory_space<vmem>>[vector<16xi32>, vector<16xi32>], vector<16xf32>,
      %add3A_358 = arith.constant 4 : i32
      %add3A_359 = arith.addi %add3A_335, %add3A_358 : i32
      %broadcast_in_dim3A_360 = vector.broadcast %add3A_359 : i32 to vector<16xi32>
      %gather3A_361 = tpu.vector_load_idx %arg14[%broadcast_in_dim3A_360, %min3A_5] : memref<64x19xf32, #tpu.memory_space<vmem>>[vector<16xi32>, vector<16xi32>], vector<16xf32>,
      %gather3A_362 = tpu.vector_load_idx %arg15[%broadcast_in_dim3A_360, %iota3A] : memref<64x16xf32, #tpu.memory_space<vmem>>[vector<16xi32>, vector<16xi32>], vector<16xf32>,
      %mul3A_363 = arith.mulf %gather3A_362, %gather3A_361 : vector<16xf32>
      tpu.vector_store_idx %arg15[%broadcast_in_dim3A_360, %iota3A], %mul3A_363 : memref<64x16xf32, #tpu.memory_space<vmem>>[vector<16xi32>, vector<16xi32>], vector<16xf32>,
      %add3A_364 = arith.constant 5 : i32
      %add3A_365 = arith.addi %add3A_335, %add3A_364 : i32
      %broadcast_in_dim3A_366 = vector.broadcast %add3A_365 : i32 to vector<16xi32>
      %gather3A_367 = tpu.vector_load_idx %arg14[%broadcast_in_dim3A_366, %min3A_5] : memref<64x19xf32, #tpu.memory_space<vmem>>[vector<16xi32>, vector<16xi32>], vector<16xf32>,
      %gather3A_368 = tpu.vector_load_idx %arg15[%broadcast_in_dim3A_366, %iota3A] : memref<64x16xf32, #tpu.memory_space<vmem>>[vector<16xi32>, vector<16xi32>], vector<16xf32>,
      %mul3A_369 = arith.mulf %gather3A_368, %gather3A_367 : vector<16xf32>
      tpu.vector_store_idx %arg15[%broadcast_in_dim3A_366, %iota3A], %mul3A_369 : memref<64x16xf32, #tpu.memory_space<vmem>>[vector<16xi32>, vector<16xi32>], vector<16xf32>,
      %add3A_370 = arith.constant 6 : i32
      %add3A_371 = arith.addi %add3A_335, %add3A_370 : i32
      %broadcast_in_dim3A_372 = vector.broadcast %add3A_371 : i32 to vector<16xi32>
      %gather3A_373 = tpu.vector_load_idx %arg14[%broadcast_in_dim3A_372, %min3A_5] : memref<64x19xf32, #tpu.memory_space<vmem>>[vector<16xi32>, vector<16xi32>], vector<16xf32>,
      %gather3A_374 = tpu.vector_load_idx %arg15[%broadcast_in_dim3A_372, %iota3A] : memref<64x16xf32, #tpu.memory_space<vmem>>[vector<16xi32>, vector<16xi32>], vector<16xf32>,
      %mul3A_375 = arith.mulf %gather3A_374, %gather3A_373 : vector<16xf32>
      tpu.vector_store_idx %arg15[%broadcast_in_dim3A_372, %iota3A], %mul3A_375 : memref<64x16xf32, #tpu.memory_space<vmem>>[vector<16xi32>, vector<16xi32>], vector<16xf32>,
      %add3A_376 = arith.constant 7 : i32
      %add3A_377 = arith.addi %add3A_335, %add3A_376 : i32
      %broadcast_in_dim3A_378 = vector.broadcast %add3A_377 : i32 to vector<16xi32>
      %gather3A_379 = tpu.vector_load_idx %arg14[%broadcast_in_dim3A_378, %min3A_5] : memref<64x19xf32, #tpu.memory_space<vmem>>[vector<16xi32>, vector<16xi32>], vector<16xf32>,
      %gather3A_380 = tpu.vector_load_idx %arg15[%broadcast_in_dim3A_378, %iota3A] : memref<64x16xf32, #tpu.memory_space<vmem>>[vector<16xi32>, vector<16xi32>], vector<16xf32>,
      %mul3A_381 = arith.mulf %gather3A_380, %gather3A_379 : vector<16xf32>
      tpu.vector_store_idx %arg15[%broadcast_in_dim3A_378, %iota3A], %mul3A_381 : memref<64x16xf32, #tpu.memory_space<vmem>>[vector<16xi32>, vector<16xi32>], vector<16xf32>,
    }
    %scan3A_304 = arith.constant 8 : i32
    %run_scoped3A_305 = arith.constant 0 : i32
    "tpu.region"() ({
      %run_scoped3A_331 = tpu.sem_alloc : memref<!tpu.dma_semaphore, #tpu.memory_space<semaphore_mem>>
      %dma_start3A_332 = arith.constant 0 : i32
      %dma_start3A_333 = tpu.memref_slice %arg13[%run_scoped3A_305, %dma_start3A_332] : memref<1x64xi32, #tpu.memory_space<vmem>> -> memref<1x64xi32, #tpu.memory_space<vmem>>
      %dma_start3A_334 = tpu.memref_squeeze %dma_start3A_333 : memref<1x64xi32, #tpu.memory_space<vmem>> -> memref<64xi32, #tpu.memory_space<vmem>>
      %dma_start3A_335 = arith.constant 0 : i32
      %dma_start3A_336 = arith.constant 0 : i32
      %dma_start3A_337 = tpu.memref_slice %arg7[%dma_start3A_335, %dma_start3A_336] : memref<100352x16xf32, #tpu.memory_space<vmem_shared>> -> memref<100352x16xf32, #tpu.memory_space<vmem_shared>>
      tpu.enqueue_indirect_dma source(%arg15 : memref<64x16xf32, #tpu.memory_space<vmem>>) target(%dma_start3A_337 : memref<100352x16xf32, #tpu.memory_space<vmem_shared>>) offsets(%dma_start3A_334 : memref<64xi32, #tpu.memory_space<vmem>>) semaphore(%run_scoped3A_331 : memref<!tpu.dma_semaphore, #tpu.memory_space<semaphore_mem>>) {add = true}
      %dma_wait3A_338 = arith.constant 0 : i32
      %dma_wait3A_339 = tpu.memref_slice %arg13[%run_scoped3A_305, %dma_wait3A_338] : memref<1x64xi32, #tpu.memory_space<vmem>> -> memref<1x64xi32, #tpu.memory_space<vmem>>
      %dma_wait3A_340 = tpu.memref_squeeze %dma_wait3A_339 : memref<1x64xi32, #tpu.memory_space<vmem>> -> memref<64xi32, #tpu.memory_space<vmem>>
      %dma_wait3A_341 = arith.constant 0 : i32
      %dma_wait3A_342 = arith.constant 0 : i32
      %dma_wait3A_343 = tpu.memref_slice %arg7[%dma_wait3A_341, %dma_wait3A_342] : memref<100352x16xf32, #tpu.memory_space<vmem_shared>> -> memref<100352x16xf32, #tpu.memory_space<vmem_shared>>
      tpu.wait_indirect_dma semaphore(%run_scoped3A_331 : memref<!tpu.dma_semaphore, #tpu.memory_space<semaphore_mem>>) src(%arg15 : memref<64x16xf32, #tpu.memory_space<vmem>>) dst(%dma_wait3A_343 : memref<100352x16xf32, #tpu.memory_space<vmem_shared>>)
      tpu.yield
    }) : () -> ()
    %dma_wait3A_306 = arith.constant 0 : i32
    %dma_wait3A_307 = arith.constant 0 : i32
    %dma_wait3A_308 = arith.constant 0 : i32
    %dma_wait3A_309 = arith.constant 0 : i32
    %dma_wait3A_310 = tpu.memref_slice %arg11[%dma_wait3A_306, %dma_wait3A_308, %dma_wait3A_309] : memref<3x128x16xf32, #tpu.memory_space<vmem>> -> memref<1x128x16xf32, #tpu.memory_space<vmem>>
    %dma_wait3A_311 = tpu.memref_squeeze %dma_wait3A_310 : memref<1x128x16xf32, #tpu.memory_space<vmem>> -> memref<128x16xf32, #tpu.memory_space<vmem>>
    %dma_wait3A_312 = arith.constant 0 : i32
    %dma_wait3A_313 = tpu.memref_slice %arg9[%dma_wait3A_307, %dma_wait3A_312] : memref<3x128xi32, #tpu.memory_space<vmem>> -> memref<1x128xi32, #tpu.memory_space<vmem>>
    %dma_wait3A_314 = tpu.memref_squeeze %dma_wait3A_313 : memref<1x128xi32, #tpu.memory_space<vmem>> -> memref<128xi32, #tpu.memory_space<vmem>>
    %dma_wait3A_315 = arith.constant 0 : i32
    %dma_wait3A_316 = arith.constant 0 : i32
    %dma_wait3A_317 = tpu.memref_slice %arg7[%dma_wait3A_315, %dma_wait3A_316] : memref<100352x16xf32, #tpu.memory_space<vmem_shared>> -> memref<100352x16xf32, #tpu.memory_space<vmem_shared>>
    tpu.wait_indirect_dma semaphore(%arg22 : memref<!tpu.dma_semaphore, #tpu.memory_space<semaphore_mem>>) src(%dma_wait3A_311 : memref<128x16xf32, #tpu.memory_space<vmem>>) dst(%dma_wait3A_317 : memref<100352x16xf32, #tpu.memory_space<vmem_shared>>)
    %dma_wait3A_318 = arith.constant 1 : i32
    %dma_wait3A_319 = arith.constant 1 : i32
    %dma_wait3A_320 = arith.constant 0 : i32
    %dma_wait3A_321 = arith.constant 0 : i32
    %dma_wait3A_322 = tpu.memref_slice %arg11[%dma_wait3A_318, %dma_wait3A_320, %dma_wait3A_321] : memref<3x128x16xf32, #tpu.memory_space<vmem>> -> memref<1x128x16xf32, #tpu.memory_space<vmem>>
    %dma_wait3A_323 = tpu.memref_squeeze %dma_wait3A_322 : memref<1x128x16xf32, #tpu.memory_space<vmem>> -> memref<128x16xf32, #tpu.memory_space<vmem>>
    %dma_wait3A_324 = arith.constant 0 : i32
    %dma_wait3A_325 = tpu.memref_slice %arg9[%dma_wait3A_319, %dma_wait3A_324] : memref<3x128xi32, #tpu.memory_space<vmem>> -> memref<1x128xi32, #tpu.memory_space<vmem>>
    %dma_wait3A_326 = tpu.memref_squeeze %dma_wait3A_325 : memref<1x128xi32, #tpu.memory_space<vmem>> -> memref<128xi32, #tpu.memory_space<vmem>>
    %dma_wait3A_327 = arith.constant 0 : i32
    %dma_wait3A_328 = arith.constant 0 : i32
    %dma_wait3A_329 = tpu.memref_slice %arg7[%dma_wait3A_327, %dma_wait3A_328] : memref<100352x16xf32, #tpu.memory_space<vmem_shared>> -> memref<100352x16xf32, #tpu.memory_space<vmem_shared>>
    tpu.wait_indirect_dma semaphore(%arg23 : memref<!tpu.dma_semaphore, #tpu.memory_space<semaphore_mem>>) src(%dma_wait3A_323 : memref<128x16xf32, #tpu.memory_space<vmem>>) dst(%dma_wait3A_329 : memref<100352x16xf32, #tpu.memory_space<vmem_shared>>)
    %barrier3A_330 = arith.constant 0 : index
    tpu.barrier barrier_id(%barrier3A_330)
    "tpu.region"() ({
      %run_scoped3A_331 = tpu.sem_alloc : memref<!tpu.dma_semaphore, #tpu.memory_space<semaphore_mem>>
      %dma_start3A_332 = arith.constant 0 : i32
      %dma_start3A_333 = tpu.memref_slice %arg6[%arg0, %mul3A_7, %dma_start3A_332] : memref<2x100352x16xf32, #tpu.memory_space<hbm>> -> memref<1x6272x16xf32, #tpu.memory_space<hbm>>
      %dma_start3A_334 = tpu.memref_squeeze %dma_start3A_333 : memref<1x6272x16xf32, #tpu.memory_space<hbm>> -> memref<6272x16xf32, #tpu.memory_space<hbm>>
      %dma_start3A_335 = arith.constant 0 : i32
      %dma_start3A_336 = tpu.memref_slice %arg7[%mul3A_7, %dma_start3A_335] : memref<100352x16xf32, #tpu.memory_space<vmem_shared>> -> memref<6272x16xf32, #tpu.memory_space<vmem_shared>>
      tpu.enqueue_dma source(%dma_start3A_336 : memref<6272x16xf32, #tpu.memory_space<vmem_shared>>) target(%dma_start3A_334 : memref<6272x16xf32, #tpu.memory_space<hbm>>) target_semaphore(%run_scoped3A_331 : memref<!tpu.dma_semaphore, #tpu.memory_space<semaphore_mem>>)
      %dma_wait3A_337 = arith.constant 0 : i32
      %dma_wait3A_338 = tpu.memref_slice %arg6[%arg0, %mul3A_7, %dma_wait3A_337] : memref<2x100352x16xf32, #tpu.memory_space<hbm>> -> memref<1x6272x16xf32, #tpu.memory_space<hbm>>
      %dma_wait3A_339 = tpu.memref_squeeze %dma_wait3A_338 : memref<1x6272x16xf32, #tpu.memory_space<hbm>> -> memref<6272x16xf32, #tpu.memory_space<hbm>>
      %dma_wait3A_340 = arith.constant 0 : i32
      %dma_wait3A_341 = tpu.memref_slice %arg7[%mul3A_7, %dma_wait3A_340] : memref<100352x16xf32, #tpu.memory_space<vmem_shared>> -> memref<6272x16xf32, #tpu.memory_space<vmem_shared>>
      tpu.wait_dma2 semaphore(%run_scoped3A_331 : memref<!tpu.dma_semaphore, #tpu.memory_space<semaphore_mem>>) src(%dma_wait3A_341 : memref<6272x16xf32, #tpu.memory_space<vmem_shared>>) dst(%dma_wait3A_339 : memref<6272x16xf32, #tpu.memory_space<hbm>>)
      tpu.yield
    }) : () -> ()
    return
  }
}

module attributes {stable_mosaic.version = 14 : i64} {
  func.func @_tc_split_body(%arg0: i32, %arg1: memref<1000x19xf32, #tpu.memory_space<vmem>>, %arg2: memref<2x1000x16xf32, #tpu.memory_space<vmem>>) attributes {dimension_semantics = [#tpu.dimension_semantics<arbitrary>], iteration_bounds = array<i64: 100>, scalar_prefetch = 0 : i64, scratch_operands = 0 : i64, tpu.core_type = #tpu.core_type<tc>, window_params = [{transform_indices = @transform_0, window_bounds = array<i64: 1000, 19>}, {transform_indices = @transform_1, window_bounds = array<i64: 2, 1000, 16>}]} {
    %get3A = arith.constant 0 : index
    %get3A_0 = arith.constant 0 : index
    %get3A_1 = vector.load %arg1[%get3A, %get3A_0] : memref<1000x19xf32, #tpu.memory_space<vmem>>, vector<1000x19xf32>
    %slice3A = vector.extract_strided_slice %get3A_1 {offsets = [0, 0], sizes = [1000, 16], strides = [1, 1]} : vector<1000x19xf32> to vector<1000x16xf32>
    %swap3A = arith.constant 0 : index
    %swap3A_2 = arith.constant 0 : index
    %swap3A_3 = arith.constant 0 : index
    %swap3A_4 = vector.load %arg2[%swap3A, %swap3A_2, %swap3A_3] : memref<2x1000x16xf32, #tpu.memory_space<vmem>>, vector<1x1000x16xf32>
    %swap3A_5 = vector.shape_cast %swap3A_4 : vector<1x1000x16xf32> to vector<1000x16xf32>
    %swap3A_6 = vector.shape_cast %slice3A : vector<1000x16xf32> to vector<1x1000x16xf32>
    tpu.vector_store %arg2[%swap3A, %swap3A_2, %swap3A_3], %swap3A_6 {strides = array<i32>} : memref<2x1000x16xf32, #tpu.memory_space<vmem>>, vector<1x1000x16xf32>,
    %slice3A_7 = vector.extract_strided_slice %get3A_1 {offsets = [0, 16], sizes = [1000, 3], strides = [1, 1]} : vector<1000x19xf32> to vector<1000x3xf32>
    %broadcast_in_dim3A = arith.constant 0.000000e+00 : f32
    %broadcast_in_dim3A_8 = vector.broadcast %broadcast_in_dim3A : f32 to vector<1000x13xf32>
    %concatenate3A = tpu.concatenate %slice3A_7, %broadcast_in_dim3A_8 in 1 : vector<1000x3xf32>, vector<1000x13xf32> -> vector<1000x16xf32>
    %swap3A_9 = arith.constant 1 : index
    %swap3A_10 = arith.constant 0 : index
    %swap3A_11 = arith.constant 0 : index
    %swap3A_12 = vector.load %arg2[%swap3A_9, %swap3A_10, %swap3A_11] : memref<2x1000x16xf32, #tpu.memory_space<vmem>>, vector<1x1000x16xf32>
    %swap3A_13 = vector.shape_cast %swap3A_12 : vector<1x1000x16xf32> to vector<1000x16xf32>
    %swap3A_14 = vector.shape_cast %concatenate3A : vector<1000x16xf32> to vector<1x1000x16xf32>
    tpu.vector_store %arg2[%swap3A_9, %swap3A_10, %swap3A_11], %swap3A_14 {strides = array<i32>} : memref<2x1000x16xf32, #tpu.memory_space<vmem>>, vector<1x1000x16xf32>,
    return
  }
  func.func @transform_0(%arg0: i32) -> (i32, i32) {
    %c0_i32 = arith.constant 0 : i32
    %c0_i32_0 = arith.constant 0 : i32
    return %arg0, %c0_i32 : i32, i32
  }
  func.func @transform_1(%arg0: i32) -> (i32, i32, i32) {
    %c0_i32 = arith.constant 0 : i32
    %c0_i32_0 = arith.constant 0 : i32
    %c0_i32_1 = arith.constant 0 : i32
    return %c0_i32, %arg0, %c0_i32_0 : i32, i32, i32
  }
}

module attributes {stable_mosaic.version = 14 : i64} {
  func.func @_tc_theta_body(%arg0: i32, %arg1: memref<3200x1xf32, #tpu.memory_space<vmem>>, %arg2: memref<1x9xf32, #tpu.memory_space<vmem>>, %arg3: memref<1x9xf32, #tpu.memory_space<vmem>>, %arg4: memref<9x19xf32, #tpu.memory_space<vmem>>, %arg5: memref<1x19xf32, #tpu.memory_space<vmem>>, %arg6: memref<3200x19xf32, #tpu.memory_space<vmem>>) attributes {dimension_semantics = [#tpu.dimension_semantics<arbitrary>], iteration_bounds = array<i64: 1000>, scalar_prefetch = 0 : i64, scratch_operands = 0 : i64, tpu.core_type = #tpu.core_type<tc>, window_params = [{transform_indices = @transform_0, window_bounds = array<i64: 3200, 1>}, {pipeline_mode = #tpu.pipeline_mode<synchronous>, transform_indices = @transform_1, window_bounds = array<i64: 1, 9>}, {pipeline_mode = #tpu.pipeline_mode<synchronous>, transform_indices = @transform_2, window_bounds = array<i64: 1, 9>}, {pipeline_mode = #tpu.pipeline_mode<synchronous>, transform_indices = @transform_3, window_bounds = array<i64: 9, 19>}, {pipeline_mode = #tpu.pipeline_mode<synchronous>, transform_indices = @transform_4, window_bounds = array<i64: 1, 19>}, {transform_indices = @transform_5, window_bounds = array<i64: 3200, 19>}]} {
    %get3A = arith.constant 0 : index
    %get3A_0 = arith.constant 0 : index
    %get3A_1 = vector.load %arg1[%get3A, %get3A_0] : memref<3200x1xf32, #tpu.memory_space<vmem>>, vector<3200x1xf32>
    %get3A_2 = arith.constant 0 : index
    %get3A_3 = arith.constant 0 : index
    %get3A_4 = vector.load %arg2[%get3A_2, %get3A_3] : memref<1x9xf32, #tpu.memory_space<vmem>>, vector<1x9xf32>
    %mul3A = vector.broadcast %get3A_1 : vector<3200x1xf32> to vector<3200x9xf32>
    %mul3A_5 = vector.broadcast %get3A_4 : vector<1x9xf32> to vector<3200x9xf32>
    %mul3A_6 = arith.mulf %mul3A, %mul3A_5 : vector<3200x9xf32>
    %get3A_7 = arith.constant 0 : index
    %get3A_8 = arith.constant 0 : index
    %get3A_9 = vector.load %arg3[%get3A_7, %get3A_8] : memref<1x9xf32, #tpu.memory_space<vmem>>, vector<1x9xf32>
    %add3A = vector.broadcast %get3A_9 : vector<1x9xf32> to vector<3200x9xf32>
    %add3A_10 = arith.addf %mul3A_6, %add3A : vector<3200x9xf32>
    %abs3A = math.absf %add3A_10 : vector<3200x9xf32>
    %add3A_11 = arith.constant 1.000000e+00 : f32
    %add3A_12 = vector.broadcast %add3A_11 : f32 to vector<3200x9xf32>
    %add3A_13 = arith.addf %add3A_12, %abs3A : vector<3200x9xf32>
    %div3A = arith.divf %add3A_10, %add3A_13 : vector<3200x9xf32>
    %get3A_14 = arith.constant 0 : index
    %get3A_15 = arith.constant 0 : index
    %get3A_16 = vector.load %arg4[%get3A_14, %get3A_15] : memref<9x19xf32, #tpu.memory_space<vmem>>, vector<9x19xf32>
    %dot_general3A = arith.constant dense<0.000000e+00> : vector<3200x19xf32>
    %dot_general3A_17 = tpu.matmul %div3A, %get3A_16, %dot_general3A {dimension_numbers = #tpu.dot_dimension_numbers<[1], [0], [0], [1], [0, 0, 1, 1], [], []>, transpose_lhs_hint = false} : vector<3200x9xf32>, vector<9x19xf32>, vector<3200x19xf32> -> vector<3200x19xf32>
    %get3A_18 = arith.constant 0 : index
    %get3A_19 = arith.constant 0 : index
    %get3A_20 = vector.load %arg5[%get3A_18, %get3A_19] : memref<1x19xf32, #tpu.memory_space<vmem>>, vector<1x19xf32>
    %add3A_21 = vector.broadcast %get3A_20 : vector<1x19xf32> to vector<3200x19xf32>
    %add3A_22 = arith.addf %dot_general3A_17, %add3A_21 : vector<3200x19xf32>
    %abs3A_23 = math.absf %add3A_22 : vector<3200x19xf32>
    %add3A_24 = arith.constant 1.000000e+00 : f32
    %add3A_25 = vector.broadcast %add3A_24 : f32 to vector<3200x19xf32>
    %add3A_26 = arith.addf %add3A_25, %abs3A_23 : vector<3200x19xf32>
    %div3A_27 = arith.divf %add3A_22, %add3A_26 : vector<3200x19xf32>
    %swap3A = arith.constant 0 : index
    %swap3A_28 = arith.constant 0 : index
    %swap3A_29 = vector.load %arg6[%swap3A, %swap3A_28] : memref<3200x19xf32, #tpu.memory_space<vmem>>, vector<3200x19xf32>
    tpu.vector_store %arg6[%swap3A, %swap3A_28], %div3A_27 {strides = array<i32>} : memref<3200x19xf32, #tpu.memory_space<vmem>>, vector<3200x19xf32>,
    return
  }
  func.func @transform_0(%arg0: i32) -> (i32, i32) {
    %c0_i32 = arith.constant 0 : i32
    %c0_i32_0 = arith.constant 0 : i32
    return %arg0, %c0_i32 : i32, i32
  }
  func.func @transform_1(%arg0: i32) -> (i32, i32) {
    %c0_i32 = arith.constant 0 : i32
    %c0_i32_0 = arith.constant 0 : i32
    %c0_i32_1 = arith.constant 0 : i32
    return %c0_i32, %c0_i32_0 : i32, i32
  }
  func.func @transform_2(%arg0: i32) -> (i32, i32) {
    %c0_i32 = arith.constant 0 : i32
    %c0_i32_0 = arith.constant 0 : i32
    %c0_i32_1 = arith.constant 0 : i32
    return %c0_i32, %c0_i32_0 : i32, i32
  }
  func.func @transform_3(%arg0: i32) -> (i32, i32) {
    %c0_i32 = arith.constant 0 : i32
    %c0_i32_0 = arith.constant 0 : i32
    %c0_i32_1 = arith.constant 0 : i32
    return %c0_i32, %c0_i32_0 : i32, i32
  }
  func.func @transform_4(%arg0: i32) -> (i32, i32) {
    %c0_i32 = arith.constant 0 : i32
    %c0_i32_0 = arith.constant 0 : i32
    %c0_i32_1 = arith.constant 0 : i32
    return %c0_i32, %c0_i32_0 : i32, i32
  }
  func.func @transform_5(%arg0: i32) -> (i32, i32) {
    %c0_i32 = arith.constant 0 : i32
    %c0_i32_0 = arith.constant 0 : i32
    return %arg0, %c0_i32 : i32, i32
  }
}

module attributes {stable_mosaic.version = 14 : i64} {
  func.func @_tc_body(%arg0: i32, %arg1: memref<2x1000x16xf32, #tpu.memory_space<vmem>>, %arg2: memref<1000x19xf32, #tpu.memory_space<vmem>>, %arg3: memref<19x19xf32, #tpu.memory_space<vmem>>, %arg4: memref<1x19xf32, #tpu.memory_space<vmem>>, %arg5: memref<19x19xf32, #tpu.memory_space<vmem>>, %arg6: memref<19x19xf32, #tpu.memory_space<vmem>>, %arg7: memref<1x19xf32, #tpu.memory_space<vmem>>, %arg8: memref<19x64xf32, #tpu.memory_space<vmem>>, %arg9: memref<1x64xf32, #tpu.memory_space<vmem>>, %arg10: memref<19x64xf32, #tpu.memory_space<vmem>>, %arg11: memref<1x64xf32, #tpu.memory_space<vmem>>, %arg12: memref<1000x64xf32, #tpu.memory_space<vmem>>) attributes {dimension_semantics = [#tpu.dimension_semantics<arbitrary>], iteration_bounds = array<i64: 100>, scalar_prefetch = 0 : i64, scratch_operands = 0 : i64, tpu.core_type = #tpu.core_type<tc>, window_params = [{transform_indices = @transform_0, window_bounds = array<i64: 2, 1000, 16>}, {transform_indices = @transform_1, window_bounds = array<i64: 1000, 19>}, {pipeline_mode = #tpu.pipeline_mode<synchronous>, transform_indices = @transform_2, window_bounds = array<i64: 19, 19>}, {pipeline_mode = #tpu.pipeline_mode<synchronous>, transform_indices = @transform_3, window_bounds = array<i64: 1, 19>}, {pipeline_mode = #tpu.pipeline_mode<synchronous>, transform_indices = @transform_4, window_bounds = array<i64: 19, 19>}, {pipeline_mode = #tpu.pipeline_mode<synchronous>, transform_indices = @transform_5, window_bounds = array<i64: 19, 19>}, {pipeline_mode = #tpu.pipeline_mode<synchronous>, transform_indices = @transform_6, window_bounds = array<i64: 1, 19>}, {pipeline_mode = #tpu.pipeline_mode<synchronous>, transform_indices = @transform_7, window_bounds = array<i64: 19, 64>}, {pipeline_mode = #tpu.pipeline_mode<synchronous>, transform_indices = @transform_8, window_bounds = array<i64: 1, 64>}, {pipeline_mode = #tpu.pipeline_mode<synchronous>, transform_indices = @transform_9, window_bounds = array<i64: 19, 64>}, {pipeline_mode = #tpu.pipeline_mode<synchronous>, transform_indices = @transform_10, window_bounds = array<i64: 1, 64>}, {transform_indices = @transform_11, window_bounds = array<i64: 1000, 64>}]} {
    %get3A = arith.constant 0 : index
    %get3A_0 = arith.constant 0 : index
    %get3A_1 = vector.load %arg2[%get3A, %get3A_0] : memref<1000x19xf32, #tpu.memory_space<vmem>>, vector<1000x19xf32>
    %get3A_2 = arith.constant 0 : index
    %get3A_3 = arith.constant 0 : index
    %get3A_4 = arith.constant 0 : index
    %get3A_5 = vector.load %arg1[%get3A_2, %get3A_3, %get3A_4] : memref<2x1000x16xf32, #tpu.memory_space<vmem>>, vector<1x1000x16xf32>
    %get3A_6 = vector.shape_cast %get3A_5 : vector<1x1000x16xf32> to vector<1000x16xf32>
    %get3A_7 = arith.constant 1 : index
    %get3A_8 = arith.constant 0 : index
    %get3A_9 = arith.constant 0 : index
    %get3A_10 = vector.load %arg1[%get3A_7, %get3A_8, %get3A_9] : memref<2x1000x16xf32, #tpu.memory_space<vmem>>, vector<1x1000x3xf32>
    %get3A_11 = vector.shape_cast %get3A_10 : vector<1x1000x3xf32> to vector<1000x3xf32>
    %concatenate3A = tpu.concatenate %get3A_6, %get3A_11 in 1 : vector<1000x16xf32>, vector<1000x3xf32> -> vector<1000x19xf32>
    %get3A_12 = arith.constant 0 : index
    %get3A_13 = arith.constant 0 : index
    %get3A_14 = vector.load %arg3[%get3A_12, %get3A_13] : memref<19x19xf32, #tpu.memory_space<vmem>>, vector<19x19xf32>
    %dot_general3A = arith.constant dense<0.000000e+00> : vector<1000x19xf32>
    %dot_general3A_15 = tpu.matmul %get3A_1, %get3A_14, %dot_general3A {dimension_numbers = #tpu.dot_dimension_numbers<[1], [0], [0], [1], [0, 0, 1, 1], [], []>, transpose_lhs_hint = false} : vector<1000x19xf32>, vector<19x19xf32>, vector<1000x19xf32> -> vector<1000x19xf32>
    %add3A = arith.addf %concatenate3A, %dot_general3A_15 : vector<1000x19xf32>
    %get3A_16 = arith.constant 0 : index
    %get3A_17 = arith.constant 0 : index
    %get3A_18 = vector.load %arg4[%get3A_16, %get3A_17] : memref<1x19xf32, #tpu.memory_space<vmem>>, vector<1x19xf32>
    %add3A_19 = vector.broadcast %get3A_18 : vector<1x19xf32> to vector<1000x19xf32>
    %add3A_20 = arith.addf %add3A, %add3A_19 : vector<1000x19xf32>
    %get3A_21 = arith.constant 0 : index
    %get3A_22 = arith.constant 0 : index
    %get3A_23 = vector.load %arg5[%get3A_21, %get3A_22] : memref<19x19xf32, #tpu.memory_space<vmem>>, vector<19x19xf32>
    %dot_general3A_24 = arith.constant dense<0.000000e+00> : vector<1000x19xf32>
    %dot_general3A_25 = tpu.matmul %add3A_20, %get3A_23, %dot_general3A_24 {dimension_numbers = #tpu.dot_dimension_numbers<[1], [0], [0], [1], [0, 0, 1, 1], [], []>, transpose_lhs_hint = false} : vector<1000x19xf32>, vector<19x19xf32>, vector<1000x19xf32> -> vector<1000x19xf32>
    %get3A_26 = arith.constant 0 : index
    %get3A_27 = arith.constant 0 : index
    %get3A_28 = vector.load %arg6[%get3A_26, %get3A_27] : memref<19x19xf32, #tpu.memory_space<vmem>>, vector<19x19xf32>
    %dot_general3A_29 = arith.constant dense<0.000000e+00> : vector<1000x19xf32>
    %dot_general3A_30 = tpu.matmul %get3A_1, %get3A_28, %dot_general3A_29 {dimension_numbers = #tpu.dot_dimension_numbers<[1], [0], [0], [1], [0, 0, 1, 1], [], []>, transpose_lhs_hint = false} : vector<1000x19xf32>, vector<19x19xf32>, vector<1000x19xf32> -> vector<1000x19xf32>
    %add3A_31 = arith.addf %dot_general3A_25, %dot_general3A_30 : vector<1000x19xf32>
    %get3A_32 = arith.constant 0 : index
    %get3A_33 = arith.constant 0 : index
    %get3A_34 = vector.load %arg7[%get3A_32, %get3A_33] : memref<1x19xf32, #tpu.memory_space<vmem>>, vector<1x19xf32>
    %add3A_35 = vector.broadcast %get3A_34 : vector<1x19xf32> to vector<1000x19xf32>
    %add3A_36 = arith.addf %add3A_31, %add3A_35 : vector<1000x19xf32>
    %abs3A = math.absf %add3A_36 : vector<1000x19xf32>
    %add3A_37 = arith.constant 1.000000e+00 : f32
    %add3A_38 = vector.broadcast %add3A_37 : f32 to vector<1000x19xf32>
    %add3A_39 = arith.addf %add3A_38, %abs3A : vector<1000x19xf32>
    %div3A = arith.divf %add3A_36, %add3A_39 : vector<1000x19xf32>
    %get3A_40 = arith.constant 0 : index
    %get3A_41 = arith.constant 0 : index
    %get3A_42 = vector.load %arg8[%get3A_40, %get3A_41] : memref<19x64xf32, #tpu.memory_space<vmem>>, vector<19x64xf32>
    %dot_general3A_43 = arith.constant dense<0.000000e+00> : vector<1000x64xf32>
    %dot_general3A_44 = tpu.matmul %div3A, %get3A_42, %dot_general3A_43 {dimension_numbers = #tpu.dot_dimension_numbers<[1], [0], [0], [1], [0, 0, 1, 1], [], []>, transpose_lhs_hint = false} : vector<1000x19xf32>, vector<19x64xf32>, vector<1000x64xf32> -> vector<1000x64xf32>
    %get3A_45 = arith.constant 0 : index
    %get3A_46 = arith.constant 0 : index
    %get3A_47 = vector.load %arg9[%get3A_45, %get3A_46] : memref<1x64xf32, #tpu.memory_space<vmem>>, vector<1x64xf32>
    %add3A_48 = vector.broadcast %get3A_47 : vector<1x64xf32> to vector<1000x64xf32>
    %add3A_49 = arith.addf %dot_general3A_44, %add3A_48 : vector<1000x64xf32>
    %abs3A_50 = math.absf %add3A_49 : vector<1000x64xf32>
    %add3A_51 = arith.constant 1.000000e+00 : f32
    %add3A_52 = vector.broadcast %add3A_51 : f32 to vector<1000x64xf32>
    %add3A_53 = arith.addf %add3A_52, %abs3A_50 : vector<1000x64xf32>
    %div3A_54 = arith.divf %add3A_49, %add3A_53 : vector<1000x64xf32>
    %get3A_55 = arith.constant 0 : index
    %get3A_56 = arith.constant 0 : index
    %get3A_57 = vector.load %arg10[%get3A_55, %get3A_56] : memref<19x64xf32, #tpu.memory_space<vmem>>, vector<19x64xf32>
    %dot_general3A_58 = arith.constant dense<0.000000e+00> : vector<1000x64xf32>
    %dot_general3A_59 = tpu.matmul %get3A_1, %get3A_57, %dot_general3A_58 {dimension_numbers = #tpu.dot_dimension_numbers<[1], [0], [0], [1], [0, 0, 1, 1], [], []>, transpose_lhs_hint = false} : vector<1000x19xf32>, vector<19x64xf32>, vector<1000x64xf32> -> vector<1000x64xf32>
    %get3A_60 = arith.constant 0 : index
    %get3A_61 = arith.constant 0 : index
    %get3A_62 = vector.load %arg11[%get3A_60, %get3A_61] : memref<1x64xf32, #tpu.memory_space<vmem>>, vector<1x64xf32>
    %add3A_63 = vector.broadcast %get3A_62 : vector<1x64xf32> to vector<1000x64xf32>
    %add3A_64 = arith.addf %dot_general3A_59, %add3A_63 : vector<1000x64xf32>
    %abs3A_65 = math.absf %add3A_64 : vector<1000x64xf32>
    %add3A_66 = arith.constant 1.000000e+00 : f32
    %add3A_67 = vector.broadcast %add3A_66 : f32 to vector<1000x64xf32>
    %add3A_68 = arith.addf %add3A_67, %abs3A_65 : vector<1000x64xf32>
    %div3A_69 = arith.divf %add3A_64, %add3A_68 : vector<1000x64xf32>
    %reduce_max3A = arith.constant dense<0xFF800000> : vector<1000xf32>
    %reduce_max3A_70 = vector.multi_reduction <maximumf>, %div3A_54, %reduce_max3A [1] : vector<1000x64xf32> to vector<1000xf32>
    %max3A = arith.constant 0xFF800000 : f32
    %max3A_71 = vector.broadcast %max3A : f32 to vector<1000xf32>
    %max3A_72 = arith.maximumf %max3A_71, %reduce_max3A_70 : vector<1000xf32>
    %broadcast_in_dim3A = vector.shape_cast %max3A_72 : vector<1000xf32> to vector<1000x1xf32>
    %sub3A = vector.broadcast %broadcast_in_dim3A : vector<1000x1xf32> to vector<1000x64xf32>
    %sub3A_73 = arith.subf %div3A_54, %sub3A : vector<1000x64xf32>
    %exp3A = math.exp %sub3A_73 : vector<1000x64xf32>
    %reduce_sum3A = arith.constant dense<0.000000e+00> : vector<1000xf32>
    %reduce_sum3A_74 = vector.multi_reduction <add>, %exp3A, %reduce_sum3A [1] : vector<1000x64xf32> to vector<1000xf32>
    %broadcast_in_dim3A_75 = vector.shape_cast %reduce_sum3A_74 : vector<1000xf32> to vector<1000x1xf32>
    %div3A_76 = vector.broadcast %broadcast_in_dim3A_75 : vector<1000x1xf32> to vector<1000x64xf32>
    %div3A_77 = arith.divf %exp3A, %div3A_76 : vector<1000x64xf32>
    %mul3A = arith.mulf %div3A_77, %div3A_69 : vector<1000x64xf32>
    %swap3A = arith.constant 0 : index
    %swap3A_78 = arith.constant 0 : index
    %swap3A_79 = vector.load %arg12[%swap3A, %swap3A_78] : memref<1000x64xf32, #tpu.memory_space<vmem>>, vector<1000x64xf32>
    tpu.vector_store %arg12[%swap3A, %swap3A_78], %mul3A {strides = array<i32>} : memref<1000x64xf32, #tpu.memory_space<vmem>>, vector<1000x64xf32>,
    return
  }
  func.func @transform_0(%arg0: i32) -> (i32, i32, i32) {
    %c0_i32 = arith.constant 0 : i32
    %c0_i32_0 = arith.constant 0 : i32
    %c0_i32_1 = arith.constant 0 : i32
    return %c0_i32, %arg0, %c0_i32_0 : i32, i32, i32
  }
  func.func @transform_1(%arg0: i32) -> (i32, i32) {
    %c0_i32 = arith.constant 0 : i32
    %c0_i32_0 = arith.constant 0 : i32
    return %arg0, %c0_i32 : i32, i32
  }
  func.func @transform_2(%arg0: i32) -> (i32, i32) {
    %c0_i32 = arith.constant 0 : i32
    %c0_i32_0 = arith.constant 0 : i32
    %c0_i32_1 = arith.constant 0 : i32
    return %c0_i32, %c0_i32_0 : i32, i32
  }
  func.func @transform_3(%arg0: i32) -> (i32, i32) {
    %c0_i32 = arith.constant 0 : i32
    %c0_i32_0 = arith.constant 0 : i32
    %c0_i32_1 = arith.constant 0 : i32
    return %c0_i32, %c0_i32_0 : i32, i32
  }
  func.func @transform_4(%arg0: i32) -> (i32, i32) {
    %c0_i32 = arith.constant 0 : i32
    %c0_i32_0 = arith.constant 0 : i32
    %c0_i32_1 = arith.constant 0 : i32
    return %c0_i32, %c0_i32_0 : i32, i32
  }
  func.func @transform_5(%arg0: i32) -> (i32, i32) {
    %c0_i32 = arith.constant 0 : i32
    %c0_i32_0 = arith.constant 0 : i32
    %c0_i32_1 = arith.constant 0 : i32
    return %c0_i32, %c0_i32_0 : i32, i32
  }
  func.func @transform_6(%arg0: i32) -> (i32, i32) {
    %c0_i32 = arith.constant 0 : i32
    %c0_i32_0 = arith.constant 0 : i32
    %c0_i32_1 = arith.constant 0 : i32
    return %c0_i32, %c0_i32_0 : i32, i32
  }
  func.func @transform_7(%arg0: i32) -> (i32, i32) {
    %c0_i32 = arith.constant 0 : i32
    %c0_i32_0 = arith.constant 0 : i32
    %c0_i32_1 = arith.constant 0 : i32
    return %c0_i32, %c0_i32_0 : i32, i32
  }
  func.func @transform_8(%arg0: i32) -> (i32, i32) {
    %c0_i32 = arith.constant 0 : i32
    %c0_i32_0 = arith.constant 0 : i32
    %c0_i32_1 = arith.constant 0 : i32
    return %c0_i32, %c0_i32_0 : i32, i32
  }
  func.func @transform_9(%arg0: i32) -> (i32, i32) {
    %c0_i32 = arith.constant 0 : i32
    %c0_i32_0 = arith.constant 0 : i32
    %c0_i32_1 = arith.constant 0 : i32
    return %c0_i32, %c0_i32_0 : i32, i32
  }
  func.func @transform_10(%arg0: i32) -> (i32, i32) {
    %c0_i32 = arith.constant 0 : i32
    %c0_i32_0 = arith.constant 0 : i32
    %c0_i32_1 = arith.constant 0 : i32
    return %c0_i32, %c0_i32_0 : i32, i32
  }
  func.func @transform_11(%arg0: i32) -> (i32, i32) {
    %c0_i32 = arith.constant 0 : i32
    %c0_i32_0 = arith.constant 0 : i32
    return %arg0, %c0_i32 : i32, i32
  }
}

</mosaic_0001>

<sc_bundles>
// kernel: kernel.6.cloned.1.call-start
scs
__scs_entry_jumppad:
0x0: {  	(pc) =	sbr.rel $0x88, $3  }
0x1: {  	(tag) =	ssettag $0x0;
	lr =	simm.s32 $0x1  }
0x2: {  	[smem:$0x3F92] =	sst lr;
	_ =	strace $0xD0000000  }
0x3: {  	_ = 	snop  }
0x4: {  	_ = 	snop  }
0x5: {  	_ = 	snop  }
0x6: {  	_ = 	snop  }
0x7: {  	_ = 	snop  }
__scs_overlays_trampoline_lowered:
0x8: {  	[smem:$0x3FA1] =	sst s0  }
0x9: {  	[smem:$0x3FA2] =	sst s1  }
0xa: {  	[smem:$0x3FA3] =	sst s2  }
0xb: {  	[smem:$0x3FA4] =	sst s3  }
0xc: {  	[smem:$0x3FA5] =	sst s4  }
0xd: {  	[smem:$0x3FA6] =	sst s5  }
0xe: {  	[smem:$0x3FA7] =	sst s6  }
0xf: {  	[smem:$0x3FA8] =	sst s7  }
0x10: {  	[smem:$0x3FA9] =	sst s8  }
0x11: {  	[smem:$0x3FAA] =	sst s9;
	s0 =	simm.s32 @!p0 $0x0  }
0x12: {  	s1 =	sld [smem:$0x3F90];
	s0 =	simm.s32 @p0 $0x1  }
0x13: {  	[smem:$0x3FAB] =	sst s0;
	s0 =	simm.s32 @!p1 $0x0  }
0x14: {  	s2 =	sld [smem:$0x3F8F];
	s0 =	simm.s32 @p1 $0x1  }
0x15: {  	[smem:$0x3FAC] =	sst s0;
	s0 =	simm.s32 @!p2 $0x0  }
0x16: {  	s3 =	sld [smem:$0x3FDB];
	s0 =	simm.s32 @p2 $0x1  }
0x17: {  	s4 =	simm.s32 $0x1BF5;
	[smem:$0x3FAE] =	sst s0  }
0x18: {  	s0 =	sld [smem:$0x3F91];
	_ =	swait.ge [sflag:s4], $0x0  }
0x19: {  	s7 =	sld [smem:$0x3F92]  }
0x1a: {  	s8 =	sadd.s32 $0xFFFFE003, lr  }
0x1b: {  	s9 =	sadd.s32 $0xFFFFFEF7, lr;
	s5 =	simm.s32 $0xFFFFFFFF;
	p2 =	slt.u32 s8, $0xFFFFF086  }
0x1c: {  	p1 =	slt.u32 s9, $0xF7A;
	s5 =	simm.s32 @!p2 $0x0  }
0x1d: {  	s5 =	simm.s32 @p1 $0x1;
	p0 =	seq.s32 s7, s2  }
0x1e: {  	s7 =	smul.u32 @!p0 $0xF7A, s2;
	p2 =	seq.s32 @!p0 s5, $0x0  }
0x1f: {  	s9 =	smul.u32 $0xF7A, s1;
	s8 =	simm.s32 @!p0 $0x1BF5;
	p2 =	por !p2, p0  }
0x20: {  	[sflag:s8] =	ssyncset.s32 @!p0 $0xFFFFF086;
	s6 =	sadd.s32 @!p0 s3, s7;
	s7 =	simm.s32 @!p0 $0x108  }
0x21: {  	s3 =	sadd.s32 s3, s9;
	s6 =	sadd.s32 @!p0 $0x88, s6;
	s7 =	simm.s32 @p2 $0x1082  }
0x22: {  	[simem:s7], [sflag:s8] =	dma.local @!p0 [hbm:s6], $0xF7A  }
0x23: {  	s9 =	sor.u32 $0xD0000000, s2;
	s6 =	simm.s32 $0x108;
	_ =	swait.ge @!p0 [sflag:s8], $0x0  }
0x24: {  	s3 =	sadd.s32 $0x88, s3;
	s6 =	simm.s32 @!p1 $0x1082;
	[sflag:s4] =	ssyncset.s32 $0xFFFFF086  }
0x25: {  	[simem:s6], [sflag:s4] =	dma.local [hbm:s3], $0xF7A  }
0x26: {  	[smem:$0x3F92] =	sst s1;
	(tag) =	ssettag s2;
	_ =	strace s9  }
0x27: {  	s1 =	sld [smem:$0x3FA2]  }
0x28: {  	s2 =	sld [smem:$0x3FA3]  }
0x29: {  	s4 =	sld [smem:$0x3FA5]  }
0x2a: {  	p0 =	seq.s32 s5, $0x0;
	s5 =	sld [smem:$0x3FA6]  }
0x2b: {  	s6 =	sld [smem:$0x3FA7]  }
0x2c: {  	s7 =	sld [smem:$0x3FA8]  }
0x2d: {  	s3 =	simm.s32 $0x108;
	s8 =	sld [smem:$0x3FA9]  }
0x2e: {  	s3 =	simm.s32 @!p0 $0x1082;
	s9 =	sld [smem:$0x3FAA]  }
0x2f: {  	lr =	sadd.s32 s0, s3;
	s0 =	sld [smem:$0x3FA1]  }
0x30: {  	s3 =	sld [smem:$0x3FA4]  }
0x31: {  	[smem:$0x3FAD] =	sst s10  }
0x32: {  	s10 =	sld [smem:$0x3FAB];
	_ =	sdelay $0x3  }
0x33: {  	p0 =	seq.s32 s10, $0x1;
	s10 =	sld [smem:$0x3FAD];
	_ =	sdelay $0x3  }
0x34: {  	[smem:$0x3FAD] =	sst s10  }
0x35: {  	s10 =	sld [smem:$0x3FAC];
	_ =	sdelay $0x3  }
0x36: {  	p1 =	seq.s32 s10, $0x1;
	s10 =	sld [smem:$0x3FAD];
	_ =	sdelay $0x3  }
0x37: {  	[smem:$0x3FAD] =	sst s10  }
0x38: {  	s10 =	sld [smem:$0x3FAE]  }
0x39: {  	_ = 	snop;
	(pc) =	sbr.ind lr, $3  }
0x3a: {  	_ = 	snop  }
0x3b: {  	_ = 	snop  }
0x3c: {  	p2 =	seq.s32 s10, $0x1;
	s10 =	sld [smem:$0x3FAD]  }
0x3d: {  	_ =	shalt  }
0x3e: {  	_ =	shalt  }
0x3f: {  	_ =	shalt  }
0x40: {  	_ =	shalt  }
0x41: {  	_ =	shalt  }
0x42: {  	_ =	shalt  }
0x43: {  	_ =	shalt  }
0x44: {  	_ =	shalt  }
0x45: {  	_ =	shalt  }
0x46: {  	_ =	shalt  }
0x47: {  	_ =	shalt  }
0x48: {  	_ =	shalt  }
0x49: {  	_ =	shalt  }
0x4a: {  	_ =	shalt  }
0x4b: {  	_ =	shalt  }
0x4c: {  	_ =	shalt  }
0x4d: {  	_ =	shalt  }
0x4e: {  	_ =	shalt  }
0x4f: {  	_ =	shalt  }
0x50: {  	_ =	shalt  }
0x51: {  	_ =	shalt  }
0x52: {  	_ =	shalt  }
0x53: {  	_ =	shalt  }
0x54: {  	_ =	shalt  }
0x55: {  	_ =	shalt  }
0x56: {  	_ =	shalt  }
0x57: {  	_ =	shalt  }
0x58: {  	_ =	shalt  }
0x59: {  	_ =	shalt  }
0x5a: {  	_ =	shalt  }
0x5b: {  	_ =	shalt  }
0x5c: {  	_ =	shalt  }
0x5d: {  	_ =	shalt  }
0x5e: {  	_ =	shalt  }
0x5f: {  	_ =	shalt  }
0x60: {  	_ =	shalt  }
0x61: {  	_ =	shalt  }
0x62: {  	_ =	shalt  }
0x63: {  	_ =	shalt  }
0x64: {  	_ =	shalt  }
0x65: {  	_ =	shalt  }
0x66: {  	_ =	shalt  }
0x67: {  	_ =	shalt  }
0x68: {  	_ =	shalt  }
0x69: {  	_ =	shalt  }
0x6a: {  	_ =	shalt  }
0x6b: {  	_ =	shalt  }
0x6c: {  	_ =	shalt  }
0x6d: {  	_ =	shalt  }
0x6e: {  	_ =	shalt  }
0x6f: {  	_ =	shalt  }
0x70: {  	_ =	shalt  }
0x71: {  	_ =	shalt  }
0x72: {  	_ =	shalt  }
0x73: {  	_ =	shalt  }
0x74: {  	_ =	shalt  }
0x75: {  	_ =	shalt  }
0x76: {  	_ =	shalt  }
0x77: {  	_ =	shalt  }
0x78: {  	_ =	shalt  }
0x79: {  	_ =	shalt  }
0x7a: {  	_ =	shalt  }
0x7b: {  	_ =	shalt  }
0x7c: {  	_ =	shalt  }
0x7d: {  	_ =	shalt  }
0x7e: {  	_ =	shalt  }
0x7f: {  	_ =	shalt  }
0x80: {  	_ =	shalt  }
0x81: {  	_ =	shalt  }
0x82: {  	_ =	shalt  }
0x83: {  	_ =	shalt  }
0x84: {  	_ =	shalt  }
0x85: {  	_ =	shalt  }
0x86: {  	_ =	shalt  }
0x87: {  	_ =	shalt  }
.Lfunc_end0:
.L_simem_size_0:
called_computation_lowered:
.L_overlay_start_0:
0x88: {  	s2 =	sld [smem:$0x3FD9]  }
0x89: {  	s3 =	sld [smem:$0x3FFE];
	_ =	sdelay $0x1  }
0x8a: {  	s1 =	srdreg.scid  }
0x8b: {  	s0 =	sand.u32 $0x1, s1  }
0x8c: {  	s17 =	sshll.u32 s0, $0xA;
	s2 =	sadd.s32 s3, s2  }
0x8d: {  	s2 =	sadd.s32 s2, s17  }
0x8e: {  	[smem:$0x3FB9] =	sst s2  }
0x8f: {  	_ = 	snop  }
0x90: {  	s2 =	sld [smem:$0x3FD0];
	(tm) =	ssettm $0x1  }
0x91: {  	s18 =	sld [smem:$0x3FFB];
	_ =	sdelay $0x3  }
0x92: {  	_ =	strace s18  }
0x93: {  	s3 =	sld [smem:$0x3FFC];
	_ =	sdelay $0x3  }
0x94: {  	_ =	strace s3  }
0x95: {  	s3 =	sld [smem:$0x3FFD];
	_ =	sdelay $0x3  }
0x96: {  	_ =	strace s3  }
0x97: {  	_ =	strace $0x8FFFFFFF  }
0x98: {  	s19 =	sld [smem:$0x3FDB];
	_ =	sdelay $0x1  }
0x99: {  	s4 =	simm.s32 $_scs_section_size  }
0x9a: {  	s5 =	simm.s32 $_size__tile_overlayer_lowered;
	s6 =	simm.s32 $_tile_overlayer_lowered  }
0x9b: {  	s22 =	simm.s32 $0x1BFF;
	s21 =	sshll.u32 s6, $0x1;
	s3 =	sadd.s32 s4, s19  }
0x9c: {  	s7 =	simm.s32 $0x0;
	s20 =	sshll.u32 s5, $0x1;
	s5 =	sadd.s32 s21, s3  }
0x9d: {  	[timem:s7], [sflag:s22] =	dma.local [hbm:s5], s20  }
0x9e: {  	_ =	swait.ge [sflag:s22], s20  }
0x9f: {  	s4 =	ssub.s32 $0x0, s20;
	[sflag:s22] =	ssyncset.done $0x0  }
0xa0: {  	[sflag:s22] =	ssyncadd.s32 s4;
	_ =	sdelay $0x1  }
0xa1: {  	s23 =	simm.s32 $0x1B8B  }
0xa2: {  	_ =	swait.ge [sflag:s23], $0x1  }
0xa3: {  	[sflag:s23] =	ssyncset.done $0x0  }
0xa4: {  	s25 =	simm.s32 $0x1B8E;
	s24 =	sld [smem:$0x3FFE];
	[sflag:s23] =	ssyncadd.s32 $0xFFFFFFFF  }
0xa5: {  	s26 =	simm.s32 $execute0_lowered;
	[smem:$0x3FD2] =	sst s25  }
0xa6: {  	s5 =	sshll.u32 s26, $0x1;
	_ =	strace $0x80000046;
	[dreg:$0x1] =	wrdreg $0xFFFFFFFF  }
0xa7: {  	s28 =	simm.s32 $_size_execute0_lowered;
	s3 =	sadd.s32 s3, s5;
	[dreg:$0x0] =	wrdreg $0x0  }
0xa8: {  	s5 =	sshll.u32 s28, $0x1;
	[dreg:$0x2] =	wrdreg s3  }
0xa9: {  	[dreg:$0x3] =	wrdreg s5  }
0xaa: {  	[dreg:$0x4] =	wrdreg $0xC0  }
0xab: {  	_ =	task [dreg:s7], $0x5FFFF  }
0xac: {  	[dreg:$0x1] =	wrdreg $0xFFFFFFFF  }
0xad: {  	[dreg:$0x0] =	wrdreg $0x60  }
0xae: {  	[dreg:$0x2] =	wrdreg s24  }
0xaf: {  	[dreg:$0x3] =	wrdreg s2  }
0xb0: {  	[dreg:$0x4] =	wrdreg $0x0  }
0xb1: {  	[dreg:$0x5] =	wrdreg $0x9  }
0xb2: {  	_ =	task.clear_ibuf [dreg:s7], $0x6FFFF;
	_ =	strace $0x90000046  }
0xb3: {  	s29 =	simm.s32 $0x9;
	_ =	strace $0x80000048  }
0xb4: {  	_ =	swait.ge [sflag:s29], $0x1  }
0xb5: {  	[sflag:s29] =	ssyncadd.s32 $0xFFFFFFFF  }
0xb6: {  	_ =	strace $0x90000048  }
0xb7: {  	_ =	sfence  }
0xb8: {  	s30 =	sld [smem:$0x0];
	_ =	sdelay $0x2  }
0xb9: {  	s31 =	sshll.u32 s1, $0xD;
	s1 =	sshrl.u32 s1, $0x2  }
0xba: {  	s3 =	sand.u32 $0x4000, s31;
	s1 =	sadd.s32 s1, s30  }
0xbb: {  	s0 =	sor.u32 s3, s0;
	s1 =	sshll.u32 s1, $0x11  }
0xbc: {  	s0 =	sor.u32 s1, s0  }
0xbd: {  	s0 =	sadd.s32 $0x8F2B, s0  }
0xbe: {  	[sflag:s0] =	ssyncadd.remote.s32 $0x1  }
0xbf: {  	_ =	sfence.sel $0xFFFF  }
0xc0: {  	[dreg:$0x0] =	wrdreg $0xFFFFFFFF;
	(pc) =	sbr.abs _section_cstart, $3  }
0xc1: {  	[dreg:$0x1] =	wrdreg $0xFFFFFFFF  }
0xc2: {  	_ =	task.clear_ibuf [dreg:s7], $0x2FFFF;
	_ =	strace $0x9FFFFFFF  }
0xc3: {  	(tm) =	ssettm $0x7FFFFFFF  }
tec
execute0_lowered:
.L_overlay_start_1:
0x0: {  	(tag) =	ssettag $0x1  }
0x1: {  	s0 =	rddreg [dreg:$0x0]  }
0x2: {  	s1 =	srdreg.scid;
	s2 =	rddreg [dreg:$0x1]  }
0x3: {  	s11 =	stileid.u32;
	s3 =	rddreg [dreg:$0x2]  }
0x4: {  	s4 =	simm.s32 $0x0;
	s29 =	simm.s32 $0x18980;
	s6 =	smul.u32 $0x18800, s11  }
0x5: {  	s30 =	simm.s32 $0x19700;
	s31 =	simm.s32 $0x18A00;
	s28 =	smul.u32 $0x30D40, s11  }
0x6: {  	s1 =	sand.u32 $0x1, s1;
	[smem:$0x7FF] =	sst s4;
	s16 =	smul.u32 $0x927C0, s11  }
0x7: {  	s10 =	sadd.s32 $0x189A00, s0;
	s13 =	sshll.u32 s11, $0x6;
	s5 =	smul.u32 $0x30D40, s1  }
0x8: {  	s7 =	smul.u32 $0x188000, s1;
	_ =	strace $0x80000047;
	s9 =	ssub.s32 $0x2, s1  }
0x9: {  	[dreg:$0x4] =	wrdreg s10;
	s12 =	sshll.u32 s1, $0x4;
	s15 =	sor.u32 $0x1C0B, s13  }
0xa: {  	s26 =	sshrl.u32 s9, $0x1;
	s1 =	sadd.s32 s6, s3;
	s14 =	sshrl.u32 s28, $0x3  }
0xb: {  	s17 =	sadd.s32 $0x80, s28;
	s21 =	sadd.s32 $0x100, s28;
	s22 =	sadd.s32 $0x180, s28  }
0xc: {  	s23 =	sadd.s32 $0x200, s28;
	[dreg:$0x5] =	wrdreg s15;
	s8 =	sadd.s32 s5, s0  }
0xd: {  	s7 =	sadd.s32 s6, s7;
	s5 =	sadd.s32 $0x35CCA00, s0;
	[dreg:$0xc] =	wrdreg s21  }
0xe: {  	s13 =	sadd.s32 s2, s14;
	s18 =	sshrl.u32 s17, $0x3;
	[dreg:$0xd] =	wrdreg s22  }
0xf: {  	s11 =	smul.u32 $0x3, s17;
	[dreg:$0xe] =	wrdreg s23;
	s21 =	simm.s32 $0x7  }
0x10: {  	s22 =	simm.s32 $0x1BF00;
	s23 =	simm.s32 $0x1CD80;
	s17 =	simm.s32 $0x0  }
0x11: {  	s7 =	sshrl.u32 s7, $0x3;
	s10 =	sadd.s32 s5, s16;
	s14 =	sadd.s32 $0x61A80, s13  }
0x12: {  	s6 =	sadd.s32 s2, s18;
	s20 =	sadd.s32 $0x61A90, s13;
	[dreg:$0x6] =	wrdreg s13  }
0x13: {  	s24 =	sadd.s32 $0x61A0, s13;
	s16 =	sshrl.u32 s1, $0x3;
	[dreg:$0x8] =	wrdreg s14  }
0x14: {  	s18 =	simm.s32 $0xB;
	s1 =	simm.s32 $0x1;
	[dreg:$0x9] =	wrdreg s6  }
0x15: {  	s0 =	sadd.s32 s7, s0;
	s7 =	ssub.s32 s9, s26;
	[dreg:$0xb] =	wrdreg s20  }
0x16: {  	s19 =	sadd.s32 s5, s11;
	s14 =	sadd.s32 $0x496E00, s8;
	[dreg:$0xf] =	wrdreg s24  }
0x17: {  	[dreg:$0x7] =	wrdreg s10;
	s25 =	sadd.s32 $0x92700, s10;
	s26 =	sadd.s32 $0x67C20, s13  }
0x18: {  	s6 =	simm.s32 $0x1AF00;
	s10 =	simm.s32 $0x2;
	[dreg:$0x14] =	wrdreg s16  }
0x19: {  	s11 =	simm.s32 $0x1B700;
	s13 =	simm.s32 $0x1A300;
	[dreg:$0xa] =	wrdreg s19  }
0x1a: {  	s20 =	simm.s32 $0x3;
	s9 =	simm.s32 $0x5;
	[dreg:$0x10] =	wrdreg s25  }
0x1b: {  	s8 =	simm.s32 $0x8;
	s24 =	simm.s32 $0x1C780;
	[dreg:$0x11] =	wrdreg s26  }
0x1c: {  	v0 =	vlaneseq.u32;
	s0 =	sadd.s32 $0x18CC00, s0;
	s28 =	smax.u32 s7, $0x1;
	s25 =	simm.s32 $0x18800  }
0x1d: {  	v1 =	vor.u32 s12, v0;
	s26 =	simm.s32 $0x18B00;
	s19 =	simm.s32 $0x4;
	[dreg:$0x12] =	wrdreg s0  }
0x1e: {  	v1 =	vmin.u32 v1, $0x12;
	s7 =	simm.s32 $0x6;
	[dreg:$0x13] =	wrdreg s28;
	s0 =	simm.s32 $0x80  }
.LBB2_1:
0x1f: {  	[dreg:$0x15] =	wrdreg s17  }
0x20: {  	s12 =	rddreg [dreg:$0x4]  }
0x21: {  	[spmem:s16], [sflag:s15] =	dma.local [hbm:s12], $0x3100  }
0x22: {  	_ =	swait.ge [sflag:s18], $0x3100  }
0x23: {  	[sflag:s18] =	ssyncset.done $0x0  }
0x24: {  	[sflag:s18] =	ssyncadd.s32 $0xFFFFCF00  }
0x25: {  	[bflag:$0x0] =	sbarrier.arrive $0xFFFF  }
0x26: {  	s17 =	rddreg [dreg:$0x6]  }
0x27: {  	[tilespmem:s25], [sflag:$0x1] =	stream.linear.gather [hbm4b:s17+s4], $0x80, $0x38;
	[tilespmem:$0x1D180] =	vst v63  }
0x28: {  	s18 =	rddreg [dreg:$0x7]  }
0x29: {  	[tilespmem:s26], [sflag:$0x1] =	stream.linear.gather [hbm4b:s18+s4], $0xC00, $0x38;
	[tilespmem:$0x1D180] =	vst v63  }
0x2a: {  	s15 =	rddreg [dreg:$0x8]  }
0x2b: {  	[tilespmem:s29], [sflag:$0x1] =	stream.linear.gather [hbm4b:s15+s4], $0x80, $0x38;
	[tilespmem:$0x1D180] =	vst v63  }
0x2c: {  	s16 =	rddreg [dreg:$0x9];
	s17 =	simm.s32 $0x18880  }
0x2d: {  	[tilespmem:s17], [sflag:$0x2] =	stream.linear.gather [hbm4b:s16+s4], $0x80, $0x38;
	[tilespmem:$0x1D180] =	vst v63  }
0x2e: {  	s18 =	rddreg [dreg:$0xa]  }
0x2f: {  	[tilespmem:s30], [sflag:$0x2] =	stream.linear.gather [hbm4b:s18+s4], $0xC00, $0x38;
	[tilespmem:$0x1D180] =	vst v63  }
0x30: {  	s29 =	rddreg [dreg:$0xb]  }
0x31: {  	[tilespmem:s31], [sflag:$0x2] =	stream.linear.gather [hbm4b:s29+s4], $0x80, $0x38;
	[tilespmem:$0x1D180] =	vst v63  }
0x32: {  	_ =	swait.ge [sflag:s1], $0x80  }
0x33: {  	[sflag:s1] =	ssyncset.done $0x0  }
0x34: {  	[sflag:s1] =	ssyncadd.s32 $0xFFFFFF80  }
0x35: {  	_ =	swait.ge [sflag:s1], $0xC00  }
0x36: {  	[sflag:s1] =	ssyncset.done $0x0  }
0x37: {  	[sflag:s1] =	ssyncadd.s32 $0xFFFFF400  }
0x38: {  	_ =	swait.ge [sflag:s1], $0x80  }
0x39: {  	[sflag:s1] =	ssyncset.done $0x0  }
0x3a: {  	s28 =	simm.s32 $0x18A80;
	s15 =	simm.s32 $0x0;
	[sflag:s1] =	ssyncadd.s32 $0xFFFFFF80  }
0x3b: {  	[tilespmem:s6], [sflag:$0x4] =	stream.indirect.gather [hbm4b:s14+s0], $0x10, s25, s0, $0xb8;
	[tilespmem:$0x1D180] =	vst v63  }
.LBB2_2:
0x3c: {  	_ =	swait.ge [sflag:s10], $0x80  }
0x3d: {  	[sflag:s10] =	ssyncset.done $0x0  }
0x3e: {  	[sflag:s10] =	ssyncadd.s32 $0xFFFFFF80  }
0x3f: {  	_ =	swait.ge [sflag:s10], $0xC00  }
0x40: {  	[sflag:s10] =	ssyncset.done $0x0  }
0x41: {  	[sflag:s10] =	ssyncadd.s32 $0xFFFFF400  }
0x42: {  	_ =	swait.ge [sflag:s10], $0x80  }
0x43: {  	p0 =	seq.s32 s15, $0x0;
	[sflag:s10] =	ssyncset.done $0x0  }
0x44: {  	s12 =	simm.s32 @!p0 $0x9;
	[sflag:s10] =	ssyncadd.s32 $0xFFFFFF80  }
0x45: {  	s16 =	smul.u32 $0x180, s15;
	_ =	swait.ge @!p0 [sflag:s12], $0x800  }
0x46: {  	[sflag:s12] =	ssyncset.done @!p0 $0x0;
	s25 =	rddreg [dreg:$0xc]  }
0x47: {  	s18 =	simm.s32 $0x18880;
	[sflag:s12] =	ssyncadd.s32 @!p0 $0xFFFFF800;
	s12 =	sadd.s32 s16, s25  }
0x48: {  	[tilespmem:s11], [sflag:$0x5] =	stream.indirect.gather [hbm4b:s14+s0], $0x10, s18, s0, $0xb8;
	[tilespmem:$0x1D180] =	vst v63  }
0x49: {  	s25 =	simm.s32 $0x18900;
	s17 =	sshrl.u32 s12, $0x3  }
0x4a: {  	s12 =	smul.u32 $0x3, s12;
	s18 =	simm.s32 $0x0;
	s17 =	sadd.s32 s2, s17  }
0x4b: {  	v2 =	vmov s18;
	[tilespmem:s25], [sflag:$0x3] =	stream.linear.gather [hbm4b:s17+s4], $0x80, $0x38;
	[tilespmem:$0x1D180] =	vst v63  }
0x4c: {  	s12 =	sadd.s32 s5, s12;
	v3 =	vmul.u32 $0x18, v2  }
0x4d: {  	[tilespmem:s13], [sflag:$0x3] =	stream.linear.gather [hbm4b:s12+s4], $0xC00, $0x38;
	[tilespmem:$0x1D180] =	vst v63  }
0x4e: {  	s29 =	sadd.s32 $0x61A80, s17;
	v2 =	vshll.u32 v2, $0x4;
	v3 =	vor.u32 v1, v3  }
0x4f: {  	v2 =	vor.u32 v0, v2;
	[tilespmem:s28], [sflag:$0x3] =	stream.linear.gather [hbm4b:s29+s4], $0x80, $0x38;
	[tilespmem:$0x1D180] =	vst v63  }
0x50: {  	_ =	swait.ge [sflag:s19], $0x800  }
0x51: {  	[sflag:s19] =	ssyncset.done $0x0  }
0x52: {  	[sflag:s19] =	ssyncadd.s32 $0xFFFFF800  }
0x53: {  	s17 =	simm.s32 $0x1;
	v3 =	vld.idx.msk [tilespmem:v3+s26+$0x0], $0xffff  }
0x54: {  	v5 =	vmov s17;
	v4 =	vld.idx.msk [tilespmem:v2+s6+$0x0], $0xffff  }
0x55: {  	v6 =	vmul.u32 $0x18, v5;
	_ =	sdelay $0x1  }
0x56: {  	v5 =	vshll.u32 v5, $0x4;
	v6 =	vadd.s32 v1, v6  }
0x57: {  	v5 =	vor.u32 v0, v5  }
0x58: {  	v3 =	vmul.f32 v4, v3;
	_ =	sdelay $0x1  }
0x59: {  	[tilespmem:v2+s6+$0x0] =	vst.idx.msk $0xffff, v3  }
0x5a: {  	s18 =	simm.s32 $0x2;
	v2 =	vld.idx.msk [tilespmem:v6+s26+$0x0], $0xffff  }
0x5b: {  	v4 =	vmov s18;
	v3 =	vld.idx.msk [tilespmem:v5+s6+$0x0], $0xffff  }
0x5c: {  	v6 =	vmul.u32 $0x18, v4;
	_ =	sdelay $0x1  }
0x5d: {  	v4 =	vshll.u32 v4, $0x4;
	v6 =	vadd.s32 v1, v6  }
0x5e: {  	v4 =	vor.u32 v0, v4  }
0x5f: {  	v2 =	vmul.f32 v3, v2;
	_ =	sdelay $0x1  }
0x60: {  	[tilespmem:v5+s6+$0x0] =	vst.idx.msk $0xffff, v2  }
0x61: {  	s25 =	simm.s32 $0x3;
	v2 =	vld.idx.msk [tilespmem:v6+s26+$0x0], $0xffff  }
0x62: {  	v5 =	vmov s25;
	v3 =	vld.idx.msk [tilespmem:v4+s6+$0x0], $0xffff  }
0x63: {  	v6 =	vmul.u32 $0x18, v5;
	_ =	sdelay $0x1  }
0x64: {  	v5 =	vshll.u32 v5, $0x4;
	v6 =	vadd.s32 v1, v6  }
0x65: {  	v5 =	vor.u32 v0, v5  }
0x66: {  	v2 =	vmul.f32 v3, v2;
	_ =	sdelay $0x1  }
0x67: {  	[tilespmem:v4+s6+$0x0] =	vst.idx.msk $0xffff, v2  }
0x68: {  	s28 =	simm.s32 $0x4;
	v2 =	vld.idx.msk [tilespmem:v6+s26+$0x0], $0xffff  }
0x69: {  	v4 =	vmov s28;
	v3 =	vld.idx.msk [tilespmem:v5+s6+$0x0], $0xffff  }
0x6a: {  	v6 =	vmul.u32 $0x18, v4;
	_ =	sdelay $0x1  }
0x6b: {  	v4 =	vshll.u32 v4, $0x4;
	v6 =	vor.u32 v1, v6  }
0x6c: {  	v4 =	vor.u32 v0, v4  }
0x6d: {  	v2 =	vmul.f32 v3, v2;
	_ =	sdelay $0x1  }
0x6e: {  	[tilespmem:v5+s6+$0x0] =	vst.idx.msk $0xffff, v2  }
0x6f: {  	s29 =	simm.s32 $0x5;
	v2 =	vld.idx.msk [tilespmem:v6+s26+$0x0], $0xffff  }
0x70: {  	v5 =	vmov s29;
	v3 =	vld.idx.msk [tilespmem:v4+s6+$0x0], $0xffff  }
0x71: {  	v6 =	vmul.u32 $0x18, v5;
	_ =	sdelay $0x1  }
0x72: {  	v5 =	vshll.u32 v5, $0x4;
	v6 =	vadd.s32 v1, v6  }
0x73: {  	v5 =	vor.u32 v0, v5  }
0x74: {  	v2 =	vmul.f32 v3, v2;
	_ =	sdelay $0x1  }
0x75: {  	[tilespmem:v4+s6+$0x0] =	vst.idx.msk $0xffff, v2  }
0x76: {  	s17 =	simm.s32 $0x6;
	v2 =	vld.idx.msk [tilespmem:v6+s26+$0x0], $0xffff  }
0x77: {  	v4 =	vmov s17;
	v3 =	vld.idx.msk [tilespmem:v5+s6+$0x0], $0xffff  }
0x78: {  	v6 =	vmul.u32 $0x18, v4;
	_ =	sdelay $0x1  }
0x79: {  	v4 =	vshll.u32 v4, $0x4;
	v6 =	vadd.s32 v1, v6  }
0x7a: {  	v4 =	vor.u32 v0, v4  }
0x7b: {  	v2 =	vmul.f32 v3, v2;
	_ =	sdelay $0x1  }
0x7c: {  	[tilespmem:v5+s6+$0x0] =	vst.idx.msk $0xffff, v2  }
0x7d: {  	s18 =	simm.s32 $0x7;
	v2 =	vld.idx.msk [tilespmem:v6+s26+$0x0], $0xffff  }
0x7e: {  	v5 =	vmov s18;
	v3 =	vld.idx.msk [tilespmem:v4+s6+$0x0], $0xffff  }
0x7f: {  	v6 =	vmul.u32 $0x18, v5;
	_ =	sdelay $0x1  }
0x80: {  	v5 =	vshll.u32 v5, $0x4;
	v6 =	vadd.s32 v1, v6  }
0x81: {  	v5 =	vor.u32 v0, v5  }
0x82: {  	v2 =	vmul.f32 v3, v2;
	_ =	sdelay $0x1  }
0x83: {  	[tilespmem:v4+s6+$0x0] =	vst.idx.msk $0xffff, v2  }
0x84: {  	s25 =	simm.s32 $0x8;
	v2 =	vld.idx.msk [tilespmem:v6+s26+$0x0], $0xffff  }
0x85: {  	v4 =	vmov s25;
	v3 =	vld.idx.msk [tilespmem:v5+s6+$0x0], $0xffff  }
0x86: {  	v6 =	vmul.u32 $0x18, v4;
	_ =	sdelay $0x1  }
0x87: {  	v4 =	vshll.u32 v4, $0x4;
	v6 =	vor.u32 v1, v6  }
0x88: {  	v4 =	vor.u32 v0, v4  }
0x89: {  	v2 =	vmul.f32 v3, v2;
	_ =	sdelay $0x1  }
0x8a: {  	[tilespmem:v5+s6+$0x0] =	vst.idx.msk $0xffff, v2  }
0x8b: {  	s28 =	simm.s32 $0x9;
	v2 =	vld.idx.msk [tilespmem:v6+s26+$0x0], $0xffff  }
0x8c: {  	v5 =	vmov s28;
	v3 =	vld.idx.msk [tilespmem:v4+s6+$0x0], $0xffff  }
0x8d: {  	v6 =	vmul.u32 $0x18, v5;
	_ =	sdelay $0x1  }
0x8e: {  	v5 =	vshll.u32 v5, $0x4;
	v6 =	vadd.s32 v1, v6  }
0x8f: {  	v5 =	vor.u32 v0, v5  }
0x90: {  	v2 =	vmul.f32 v3, v2;
	_ =	sdelay $0x1  }
0x91: {  	[tilespmem:v4+s6+$0x0] =	vst.idx.msk $0xffff, v2  }
0x92: {  	s29 =	simm.s32 $0xA;
	v2 =	vld.idx.msk [tilespmem:v6+s26+$0x0], $0xffff  }
0x93: {  	v4 =	vmov s29;
	v3 =	vld.idx.msk [tilespmem:v5+s6+$0x0], $0xffff  }
0x94: {  	v6 =	vmul.u32 $0x18, v4;
	_ =	sdelay $0x1  }
0x95: {  	v4 =	vshll.u32 v4, $0x4;
	v6 =	vadd.s32 v1, v6  }
0x96: {  	v4 =	vor.u32 v0, v4  }
0x97: {  	v2 =	vmul.f32 v3, v2;
	_ =	sdelay $0x1  }
0x98: {  	[tilespmem:v5+s6+$0x0] =	vst.idx.msk $0xffff, v2  }
0x99: {  	s17 =	simm.s32 $0xB;
	v2 =	vld.idx.msk [tilespmem:v6+s26+$0x0], $0xffff  }
0x9a: {  	v5 =	vmov s17;
	v3 =	vld.idx.msk [tilespmem:v4+s6+$0x0], $0xffff  }
0x9b: {  	v6 =	vmul.u32 $0x18, v5;
	_ =	sdelay $0x1  }
0x9c: {  	v5 =	vshll.u32 v5, $0x4;
	v6 =	vadd.s32 v1, v6  }
0x9d: {  	v5 =	vor.u32 v0, v5  }
0x9e: {  	v2 =	vmul.f32 v3, v2;
	_ =	sdelay $0x1  }
0x9f: {  	[tilespmem:v4+s6+$0x0] =	vst.idx.msk $0xffff, v2  }
0xa0: {  	s18 =	simm.s32 $0xC;
	v2 =	vld.idx.msk [tilespmem:v6+s26+$0x0], $0xffff  }
0xa1: {  	v4 =	vmov s18;
	v3 =	vld.idx.msk [tilespmem:v5+s6+$0x0], $0xffff  }
0xa2: {  	v6 =	vmul.u32 $0x18, v4;
	_ =	sdelay $0x1  }
0xa3: {  	v4 =	vshll.u32 v4, $0x4;
	v6 =	vor.u32 v1, v6  }
0xa4: {  	v4 =	vor.u32 v0, v4  }
0xa5: {  	v2 =	vmul.f32 v3, v2;
	_ =	sdelay $0x1  }
0xa6: {  	[tilespmem:v5+s6+$0x0] =	vst.idx.msk $0xffff, v2  }
0xa7: {  	s25 =	simm.s32 $0xD;
	v2 =	vld.idx.msk [tilespmem:v6+s26+$0x0], $0xffff  }
0xa8: {  	v5 =	vmov s25;
	v3 =	vld.idx.msk [tilespmem:v4+s6+$0x0], $0xffff  }
0xa9: {  	v6 =	vmul.u32 $0x18, v5;
	_ =	sdelay $0x1  }
0xaa: {  	v5 =	vshll.u32 v5, $0x4;
	v6 =	vadd.s32 v1, v6  }
0xab: {  	v5 =	vor.u32 v0, v5  }
0xac: {  	v2 =	vmul.f32 v3, v2;
	_ =	sdelay $0x1  }
0xad: {  	[tilespmem:v4+s6+$0x0] =	vst.idx.msk $0xffff, v2  }
0xae: {  	s28 =	simm.s32 $0xE;
	v3 =	vld.idx.msk [tilespmem:v6+s26+$0x0], $0xffff  }
0xaf: {  	v2 =	vmov s28;
	v4 =	vld.idx.msk [tilespmem:v5+s6+$0x0], $0xffff  }
0xb0: {  	v6 =	vmul.u32 $0x18, v2;
	_ =	sdelay $0x1  }
0xb1: {  	v2 =	vshll.u32 v2, $0x4;
	v6 =	vadd.s32 v1, v6  }
0xb2: {  	v2 =	vor.u32 v0, v2  }
0xb3: {  	v3 =	vmul.f32 v4, v3;
	_ =	sdelay $0x1  }
0xb4: {  	[tilespmem:v5+s6+$0x0] =	vst.idx.msk $0xffff, v3  }
0xb5: {  	s29 =	simm.s32 $0xF;
	v3 =	vld.idx.msk [tilespmem:v6+s26+$0x0], $0xffff  }
0xb6: {  	s17 =	simm.s32 $0x1F;
	v5 =	vmov s29;
	v4 =	vld.idx.msk [tilespmem:v2+s6+$0x0], $0xffff  }
.LBB2_3:
0xb7: {  	p0 =	sne.s32 s17, $0x7F;
	v6 =	vmul.u32 $0x18, v5;
	s12 =	smov.u32 s17;
	s17 =	sadd.s32 $0x10, s17  }
0xb8: {  	v5 =	vshll.u32 v5, $0x4  }
0xb9: {  	v5 =	vor.u32 v0, v5;
	v6 =	vadd.s32 v1, v6;
	_ =	sdelay $0x1  }
0xba: {  	v3 =	vmul.f32 v4, v3;
	_ =	sdelay $0x1  }
0xbb: {  	[tilespmem:v2+s6+$0x0] =	vst.idx.msk $0xffff, v3  }
0xbc: {  	v2 =	vld.idx.msk [tilespmem:v6+s26+$0x0], $0xffff  }
0xbd: {  	s18 =	sadd.s32 $0xFFFFFFF1, s12;
	v3 =	vld.idx.msk [tilespmem:v5+s6+$0x0], $0xffff  }
0xbe: {  	v4 =	vmov s18  }
0xbf: {  	v6 =	vmul.u32 $0x18, v4;
	v4 =	vshll.u32 v4, $0x4;
	_ =	sdelay $0x1  }
0xc0: {  	v4 =	vor.u32 v0, v4;
	v6 =	vor.u32 v1, v6;
	_ =	sdelay $0x1  }
0xc1: {  	v2 =	vmul.f32 v3, v2;
	_ =	sdelay $0x1  }
0xc2: {  	[tilespmem:v5+s6+$0x0] =	vst.idx.msk $0xffff, v2  }
0xc3: {  	v2 =	vld.idx.msk [tilespmem:v6+s26+$0x0], $0xffff  }
0xc4: {  	s18 =	sadd.s32 $0xFFFFFFF2, s12;
	v3 =	vld.idx.msk [tilespmem:v4+s6+$0x0], $0xffff  }
0xc5: {  	v5 =	vmov s18  }
0xc6: {  	v6 =	vmul.u32 $0x18, v5;
	v5 =	vshll.u32 v5, $0x4;
	_ =	sdelay $0x1  }
0xc7: {  	v6 =	vadd.s32 v1, v6  }
0xc8: {  	v5 =	vor.u32 v0, v5  }
0xc9: {  	v2 =	vmul.f32 v3, v2;
	_ =	sdelay $0x1  }
0xca: {  	[tilespmem:v4+s6+$0x0] =	vst.idx.msk $0xffff, v2  }
0xcb: {  	v2 =	vld.idx.msk [tilespmem:v6+s26+$0x0], $0xffff  }
0xcc: {  	s18 =	sadd.s32 $0xFFFFFFF3, s12;
	v3 =	vld.idx.msk [tilespmem:v5+s6+$0x0], $0xffff  }
0xcd: {  	v4 =	vmov s18  }
0xce: {  	v6 =	vmul.u32 $0x18, v4;
	v4 =	vshll.u32 v4, $0x4;
	_ =	sdelay $0x1  }
0xcf: {  	v6 =	vadd.s32 v1, v6  }
0xd0: {  	v4 =	vor.u32 v0, v4  }
0xd1: {  	v2 =	vmul.f32 v3, v2;
	_ =	sdelay $0x1  }
0xd2: {  	[tilespmem:v5+s6+$0x0] =	vst.idx.msk $0xffff, v2  }
0xd3: {  	v2 =	vld.idx.msk [tilespmem:v6+s26+$0x0], $0xffff  }
0xd4: {  	s18 =	sadd.s32 $0xFFFFFFF4, s12;
	v3 =	vld.idx.msk [tilespmem:v4+s6+$0x0], $0xffff  }
0xd5: {  	v5 =	vmov s18  }
0xd6: {  	v6 =	vmul.u32 $0x18, v5;
	v5 =	vshll.u32 v5, $0x4;
	_ =	sdelay $0x1  }
0xd7: {  	v6 =	vadd.s32 v1, v6  }
0xd8: {  	v5 =	vor.u32 v0, v5  }
0xd9: {  	v2 =	vmul.f32 v3, v2;
	_ =	sdelay $0x1  }
0xda: {  	[tilespmem:v4+s6+$0x0] =	vst.idx.msk $0xffff, v2  }
0xdb: {  	v2 =	vld.idx.msk [tilespmem:v6+s26+$0x0], $0xffff  }
0xdc: {  	s18 =	sadd.s32 $0xFFFFFFF5, s12;
	v3 =	vld.idx.msk [tilespmem:v5+s6+$0x0], $0xffff  }
0xdd: {  	v4 =	vmov s18  }
0xde: {  	v6 =	vmul.u32 $0x18, v4;
	v4 =	vshll.u32 v4, $0x4;
	_ =	sdelay $0x1  }
0xdf: {  	v6 =	vor.u32 v1, v6  }
0xe0: {  	v4 =	vor.u32 v0, v4  }
0xe1: {  	v2 =	vmul.f32 v3, v2;
	_ =	sdelay $0x1  }
0xe2: {  	[tilespmem:v5+s6+$0x0] =	vst.idx.msk $0xffff, v2  }
0xe3: {  	v2 =	vld.idx.msk [tilespmem:v6+s26+$0x0], $0xffff  }
0xe4: {  	s18 =	sadd.s32 $0xFFFFFFF6, s12;
	v3 =	vld.idx.msk [tilespmem:v4+s6+$0x0], $0xffff  }
0xe5: {  	v5 =	vmov s18  }
0xe6: {  	v6 =	vmul.u32 $0x18, v5;
	v5 =	vshll.u32 v5, $0x4;
	_ =	sdelay $0x1  }
0xe7: {  	v6 =	vadd.s32 v1, v6  }
0xe8: {  	v5 =	vor.u32 v0, v5  }
0xe9: {  	v2 =	vmul.f32 v3, v2;
	_ =	sdelay $0x1  }
0xea: {  	[tilespmem:v4+s6+$0x0] =	vst.idx.msk $0xffff, v2  }
0xeb: {  	v2 =	vld.idx.msk [tilespmem:v6+s26+$0x0], $0xffff  }
0xec: {  	s18 =	sadd.s32 $0xFFFFFFF7, s12;
	v3 =	vld.idx.msk [tilespmem:v5+s6+$0x0], $0xffff  }
0xed: {  	v4 =	vmov s18  }
0xee: {  	v6 =	vmul.u32 $0x18, v4;
	v4 =	vshll.u32 v4, $0x4;
	_ =	sdelay $0x1  }
0xef: {  	v6 =	vadd.s32 v1, v6  }
0xf0: {  	v4 =	vor.u32 v0, v4  }
0xf1: {  	v2 =	vmul.f32 v3, v2;
	_ =	sdelay $0x1  }
0xf2: {  	[tilespmem:v5+s6+$0x0] =	vst.idx.msk $0xffff, v2  }
0xf3: {  	v2 =	vld.idx.msk [tilespmem:v6+s26+$0x0], $0xffff  }
0xf4: {  	s18 =	sadd.s32 $0xFFFFFFF8, s12;
	v3 =	vld.idx.msk [tilespmem:v4+s6+$0x0], $0xffff  }
0xf5: {  	v5 =	vmov s18  }
0xf6: {  	v6 =	vmul.u32 $0x18, v5;
	v5 =	vshll.u32 v5, $0x4;
	_ =	sdelay $0x1  }
0xf7: {  	v6 =	vadd.s32 v1, v6  }
0xf8: {  	v5 =	vor.u32 v0, v5  }
0xf9: {  	v2 =	vmul.f32 v3, v2;
	_ =	sdelay $0x1  }
0xfa: {  	[tilespmem:v4+s6+$0x0] =	vst.idx.msk $0xffff, v2  }
0xfb: {  	v2 =	vld.idx.msk [tilespmem:v6+s26+$0x0], $0xffff  }
0xfc: {  	s18 =	sadd.s32 $0xFFFFFFF9, s12;
	v3 =	vld.idx.msk [tilespmem:v5+s6+$0x0], $0xffff  }
0xfd: {  	v4 =	vmov s18  }
0xfe: {  	v6 =	vmul.u32 $0x18, v4;
	v4 =	vshll.u32 v4, $0x4;
	_ =	sdelay $0x1  }
0xff: {  	v6 =	vor.u32 v1, v6  }
0x100: {  	v4 =	vor.u32 v0, v4  }
0x101: {  	v2 =	vmul.f32 v3, v2;
	_ =	sdelay $0x1  }
0x102: {  	[tilespmem:v5+s6+$0x0] =	vst.idx.msk $0xffff, v2  }
0x103: {  	v2 =	vld.idx.msk [tilespmem:v6+s26+$0x0], $0xffff  }
0x104: {  	s18 =	sadd.s32 $0xFFFFFFFA, s12;
	v3 =	vld.idx.msk [tilespmem:v4+s6+$0x0], $0xffff  }
0x105: {  	v5 =	vmov s18  }
0x106: {  	v6 =	vmul.u32 $0x18, v5;
	v5 =	vshll.u32 v5, $0x4;
	_ =	sdelay $0x1  }
0x107: {  	v6 =	vadd.s32 v1, v6  }
0x108: {  	v5 =	vor.u32 v0, v5  }
0x109: {  	v2 =	vmul.f32 v3, v2;
	_ =	sdelay $0x1  }
0x10a: {  	[tilespmem:v4+s6+$0x0] =	vst.idx.msk $0xffff, v2  }
0x10b: {  	v2 =	vld.idx.msk [tilespmem:v6+s26+$0x0], $0xffff  }
0x10c: {  	s18 =	sadd.s32 $0xFFFFFFFB, s12;
	v3 =	vld.idx.msk [tilespmem:v5+s6+$0x0], $0xffff  }
0x10d: {  	v4 =	vmov s18  }
0x10e: {  	v6 =	vmul.u32 $0x18, v4;
	v4 =	vshll.u32 v4, $0x4;
	_ =	sdelay $0x1  }
0x10f: {  	v6 =	vadd.s32 v1, v6  }
0x110: {  	v4 =	vor.u32 v0, v4  }
0x111: {  	v2 =	vmul.f32 v3, v2;
	_ =	sdelay $0x1  }
0x112: {  	[tilespmem:v5+s6+$0x0] =	vst.idx.msk $0xffff, v2  }
0x113: {  	v2 =	vld.idx.msk [tilespmem:v6+s26+$0x0], $0xffff  }
0x114: {  	s18 =	sadd.s32 $0xFFFFFFFC, s12;
	v3 =	vld.idx.msk [tilespmem:v4+s6+$0x0], $0xffff  }
0x115: {  	v5 =	vmov s18  }
0x116: {  	v6 =	vmul.u32 $0x18, v5;
	v5 =	vshll.u32 v5, $0x4;
	_ =	sdelay $0x1  }
0x117: {  	v6 =	vadd.s32 v1, v6  }
0x118: {  	v5 =	vor.u32 v0, v5  }
0x119: {  	v2 =	vmul.f32 v3, v2;
	_ =	sdelay $0x1  }
0x11a: {  	[tilespmem:v4+s6+$0x0] =	vst.idx.msk $0xffff, v2  }
0x11b: {  	v2 =	vld.idx.msk [tilespmem:v6+s26+$0x0], $0xffff  }
0x11c: {  	s18 =	sadd.s32 $0xFFFFFFFD, s12;
	v3 =	vld.idx.msk [tilespmem:v5+s6+$0x0], $0xffff  }
0x11d: {  	v4 =	vmov s18  }
0x11e: {  	v6 =	vmul.u32 $0x18, v4;
	v4 =	vshll.u32 v4, $0x4;
	_ =	sdelay $0x1  }
0x11f: {  	v6 =	vor.u32 v1, v6  }
0x120: {  	v4 =	vor.u32 v0, v4  }
0x121: {  	v2 =	vmul.f32 v3, v2;
	_ =	sdelay $0x1  }
0x122: {  	[tilespmem:v5+s6+$0x0] =	vst.idx.msk $0xffff, v2  }
0x123: {  	v2 =	vld.idx.msk [tilespmem:v6+s26+$0x0], $0xffff  }
0x124: {  	s18 =	sadd.s32 $0xFFFFFFFE, s12;
	v3 =	vld.idx.msk [tilespmem:v4+s6+$0x0], $0xffff  }
0x125: {  	v5 =	vmov s18  }
0x126: {  	v6 =	vmul.u32 $0x18, v5;
	v5 =	vshll.u32 v5, $0x4;
	_ =	sdelay $0x1  }
0x127: {  	v6 =	vadd.s32 v1, v6  }
0x128: {  	v5 =	vor.u32 v0, v5  }
0x129: {  	v2 =	vmul.f32 v3, v2;
	_ =	sdelay $0x1  }
0x12a: {  	[tilespmem:v4+s6+$0x0] =	vst.idx.msk $0xffff, v2  }
0x12b: {  	v3 =	vld.idx.msk [tilespmem:v6+s26+$0x0], $0xffff  }
0x12c: {  	s18 =	sadd.s32 $0xFFFFFFFF, s12;
	v4 =	vld.idx.msk [tilespmem:v5+s6+$0x0], $0xffff  }
0x12d: {  	v2 =	vmov s18  }
0x12e: {  	v6 =	vmul.u32 $0x18, v2;
	v2 =	vshll.u32 v2, $0x4;
	_ =	sdelay $0x1  }
0x12f: {  	v6 =	vadd.s32 v1, v6  }
0x130: {  	v2 =	vor.u32 v0, v2  }
0x131: {  	v3 =	vmul.f32 v4, v3  }
.Ltmp0:
0x132: {  	(pc) =	sbr.rel @p0 .LBB2_3-.Ltmp0, $4  }
0x133: {  	[tilespmem:v5+s6+$0x0] =	vst.idx.msk $0xffff, v3  }
0x134: {  	v3 =	vld.idx.msk [tilespmem:v6+s26+$0x0], $0xffff  }
0x135: {  	v4 =	vld.idx.msk [tilespmem:v2+s6+$0x0], $0xffff  }
0x136: {  	v5 =	vmov s12  }
0x137: {  	v6 =	vmul.u32 $0x18, v5;
	v5 =	vshll.u32 v5, $0x4  }
0x138: {  	v5 =	vor.u32 v0, v5  }
0x139: {  	v6 =	vadd.s32 v1, v6  }
0x13a: {  	v3 =	vmul.f32 v4, v3;
	_ =	sdelay $0x1  }
0x13b: {  	[tilespmem:v2+s6+$0x0] =	vst.idx.msk $0xffff, v3  }
0x13c: {  	v3 =	vld.idx.msk [tilespmem:v5+s6+$0x0], $0xffff  }
0x13d: {  	v2 =	vld.idx.msk [tilespmem:v6+s26+$0x0], $0xffff;
	_ =	sdelay $0x4  }
0x13e: {  	v2 =	vmul.f32 v3, v2;
	_ =	sdelay $0x1  }
0x13f: {  	s28 =	simm.s32 $0x18980;
	[tilespmem:v5+s6+$0x0] =	vst.idx.msk $0xffff, v2  }
0x140: {  	[spmem:s3] =	stream.indirect.scatter.add.f32 [tilespmem:s6], [sflag:$0x7], $0x10, s28, s0, $0xb8;
	[tilespmem:$0x1D180] =	vst v63  }
0x141: {  	_ =	swait.ge [sflag:s20], $0x80  }
0x142: {  	[sflag:s20] =	ssyncset.done $0x0  }
0x143: {  	[sflag:s20] =	ssyncadd.s32 $0xFFFFFF80  }
0x144: {  	_ =	swait.ge [sflag:s20], $0xC00  }
0x145: {  	[sflag:s20] =	ssyncset.done $0x0  }
0x146: {  	[sflag:s20] =	ssyncadd.s32 $0xFFFFF400  }
0x147: {  	_ =	swait.ge [sflag:s20], $0x80  }
0x148: {  	[sflag:s20] =	ssyncset.done $0x0  }
0x149: {  	[sflag:s20] =	ssyncadd.s32 $0xFFFFFF80  }
0x14a: {  	_ =	swait.ge [sflag:s21], $0x800  }
0x14b: {  	[sflag:s21] =	ssyncset.done $0x0  }
0x14c: {  	s12 =	simm.s32 $0x18900;
	s17 =	rddreg [dreg:$0xd];
	[sflag:s21] =	ssyncadd.s32 $0xFFFFF800  }
0x14d: {  	[tilespmem:s22], [sflag:$0x6] =	stream.indirect.gather [hbm4b:s14+s0], $0x10, s12, s0, $0xb8;
	[tilespmem:$0x1D180] =	vst v63  }
0x14e: {  	s12 =	sadd.s32 s16, s17  }
0x14f: {  	s18 =	simm.s32 $0x0;
	s17 =	sshrl.u32 s12, $0x3  }
0x150: {  	s25 =	simm.s32 $0x18800;
	s12 =	smul.u32 $0x3, s12;
	s17 =	sadd.s32 s2, s17  }
0x151: {  	v2 =	vmov s18;
	[tilespmem:s25], [sflag:$0x1] =	stream.linear.gather [hbm4b:s17+s4], $0x80, $0x38;
	[tilespmem:$0x1D180] =	vst v63  }
0x152: {  	v3 =	vmul.u32 $0x18, v2;
	s12 =	sadd.s32 s5, s12  }
0x153: {  	[tilespmem:s26], [sflag:$0x1] =	stream.linear.gather [hbm4b:s12+s4], $0xC00, $0x38;
	[tilespmem:$0x1D180] =	vst v63  }
0x154: {  	v2 =	vshll.u32 v2, $0x4;
	v3 =	vor.u32 v1, v3;
	s18 =	sadd.s32 $0x61A80, s17  }
0x155: {  	v2 =	vor.u32 v0, v2;
	[tilespmem:s28], [sflag:$0x1] =	stream.linear.gather [hbm4b:s18+s4], $0x80, $0x38;
	[tilespmem:$0x1D180] =	vst v63  }
0x156: {  	_ =	swait.ge [sflag:s9], $0x800  }
0x157: {  	[sflag:s9] =	ssyncset.done $0x0  }
0x158: {  	[sflag:s9] =	ssyncadd.s32 $0xFFFFF800  }
0x159: {  	s17 =	simm.s32 $0x1;
	v3 =	vld.idx.msk [tilespmem:v3+s30+$0x0], $0xffff  }
0x15a: {  	v5 =	vmov s17;
	v4 =	vld.idx.msk [tilespmem:v2+s11+$0x0], $0xffff  }
0x15b: {  	v6 =	vmul.u32 $0x18, v5;
	_ =	sdelay $0x1  }
0x15c: {  	v5 =	vshll.u32 v5, $0x4;
	v6 =	vadd.s32 v1, v6  }
0x15d: {  	v5 =	vor.u32 v0, v5  }
0x15e: {  	v3 =	vmul.f32 v4, v3;
	_ =	sdelay $0x1  }
0x15f: {  	[tilespmem:v2+s11+$0x0] =	vst.idx.msk $0xffff, v3  }
0x160: {  	s18 =	simm.s32 $0x2;
	v2 =	vld.idx.msk [tilespmem:v6+s30+$0x0], $0xffff  }
0x161: {  	v4 =	vmov s18;
	v3 =	vld.idx.msk [tilespmem:v5+s11+$0x0], $0xffff  }
0x162: {  	v6 =	vmul.u32 $0x18, v4;
	_ =	sdelay $0x1  }
0x163: {  	v4 =	vshll.u32 v4, $0x4;
	v6 =	vadd.s32 v1, v6  }
0x164: {  	v4 =	vor.u32 v0, v4  }
0x165: {  	v2 =	vmul.f32 v3, v2;
	_ =	sdelay $0x1  }
0x166: {  	[tilespmem:v5+s11+$0x0] =	vst.idx.msk $0xffff, v2  }
0x167: {  	s28 =	simm.s32 $0x3;
	v2 =	vld.idx.msk [tilespmem:v6+s30+$0x0], $0xffff  }
0x168: {  	v5 =	vmov s28;
	v3 =	vld.idx.msk [tilespmem:v4+s11+$0x0], $0xffff  }
0x169: {  	v6 =	vmul.u32 $0x18, v5;
	_ =	sdelay $0x1  }
0x16a: {  	v5 =	vshll.u32 v5, $0x4;
	v6 =	vadd.s32 v1, v6  }
0x16b: {  	v5 =	vor.u32 v0, v5  }
0x16c: {  	v2 =	vmul.f32 v3, v2;
	_ =	sdelay $0x1  }
0x16d: {  	[tilespmem:v4+s11+$0x0] =	vst.idx.msk $0xffff, v2  }
0x16e: {  	s17 =	simm.s32 $0x4;
	v2 =	vld.idx.msk [tilespmem:v6+s30+$0x0], $0xffff  }
0x16f: {  	v4 =	vmov s17;
	v3 =	vld.idx.msk [tilespmem:v5+s11+$0x0], $0xffff  }
0x170: {  	v6 =	vmul.u32 $0x18, v4;
	_ =	sdelay $0x1  }
0x171: {  	v4 =	vshll.u32 v4, $0x4;
	v6 =	vor.u32 v1, v6  }
0x172: {  	v4 =	vor.u32 v0, v4  }
0x173: {  	v2 =	vmul.f32 v3, v2;
	_ =	sdelay $0x1  }
0x174: {  	[tilespmem:v5+s11+$0x0] =	vst.idx.msk $0xffff, v2  }
0x175: {  	s18 =	simm.s32 $0x5;
	v2 =	vld.idx.msk [tilespmem:v6+s30+$0x0], $0xffff  }
0x176: {  	v5 =	vmov s18;
	v3 =	vld.idx.msk [tilespmem:v4+s11+$0x0], $0xffff  }
0x177: {  	v6 =	vmul.u32 $0x18, v5;
	_ =	sdelay $0x1  }
0x178: {  	v5 =	vshll.u32 v5, $0x4;
	v6 =	vadd.s32 v1, v6  }
0x179: {  	v5 =	vor.u32 v0, v5  }
0x17a: {  	v2 =	vmul.f32 v3, v2;
	_ =	sdelay $0x1  }
0x17b: {  	[tilespmem:v4+s11+$0x0] =	vst.idx.msk $0xffff, v2  }
0x17c: {  	s28 =	simm.s32 $0x6;
	v2 =	vld.idx.msk [tilespmem:v6+s30+$0x0], $0xffff  }
0x17d: {  	v4 =	vmov s28;
	v3 =	vld.idx.msk [tilespmem:v5+s11+$0x0], $0xffff  }
0x17e: {  	v6 =	vmul.u32 $0x18, v4;
	_ =	sdelay $0x1  }
0x17f: {  	v4 =	vshll.u32 v4, $0x4;
	v6 =	vadd.s32 v1, v6  }
0x180: {  	v4 =	vor.u32 v0, v4  }
0x181: {  	v2 =	vmul.f32 v3, v2;
	_ =	sdelay $0x1  }
0x182: {  	[tilespmem:v5+s11+$0x0] =	vst.idx.msk $0xffff, v2  }
0x183: {  	s17 =	simm.s32 $0x7;
	v2 =	vld.idx.msk [tilespmem:v6+s30+$0x0], $0xffff  }
0x184: {  	v5 =	vmov s17;
	v3 =	vld.idx.msk [tilespmem:v4+s11+$0x0], $0xffff  }
0x185: {  	v6 =	vmul.u32 $0x18, v5;
	_ =	sdelay $0x1  }
0x186: {  	v5 =	vshll.u32 v5, $0x4;
	v6 =	vadd.s32 v1, v6  }
0x187: {  	v5 =	vor.u32 v0, v5  }
0x188: {  	v2 =	vmul.f32 v3, v2;
	_ =	sdelay $0x1  }
0x189: {  	[tilespmem:v4+s11+$0x0] =	vst.idx.msk $0xffff, v2  }
0x18a: {  	s18 =	simm.s32 $0x8;
	v2 =	vld.idx.msk [tilespmem:v6+s30+$0x0], $0xffff  }
0x18b: {  	v4 =	vmov s18;
	v3 =	vld.idx.msk [tilespmem:v5+s11+$0x0], $0xffff  }
0x18c: {  	v6 =	vmul.u32 $0x18, v4;
	_ =	sdelay $0x1  }
0x18d: {  	v4 =	vshll.u32 v4, $0x4;
	v6 =	vor.u32 v1, v6  }
0x18e: {  	v4 =	vor.u32 v0, v4  }
0x18f: {  	v2 =	vmul.f32 v3, v2;
	_ =	sdelay $0x1  }
0x190: {  	[tilespmem:v5+s11+$0x0] =	vst.idx.msk $0xffff, v2  }
0x191: {  	s28 =	simm.s32 $0x9;
	v2 =	vld.idx.msk [tilespmem:v6+s30+$0x0], $0xffff  }
0x192: {  	v5 =	vmov s28;
	v3 =	vld.idx.msk [tilespmem:v4+s11+$0x0], $0xffff  }
0x193: {  	v6 =	vmul.u32 $0x18, v5;
	_ =	sdelay $0x1  }
0x194: {  	v5 =	vshll.u32 v5, $0x4;
	v6 =	vadd.s32 v1, v6  }
0x195: {  	v5 =	vor.u32 v0, v5  }
0x196: {  	v2 =	vmul.f32 v3, v2;
	_ =	sdelay $0x1  }
0x197: {  	[tilespmem:v4+s11+$0x0] =	vst.idx.msk $0xffff, v2  }
0x198: {  	s17 =	simm.s32 $0xA;
	v2 =	vld.idx.msk [tilespmem:v6+s30+$0x0], $0xffff  }
0x199: {  	v4 =	vmov s17;
	v3 =	vld.idx.msk [tilespmem:v5+s11+$0x0], $0xffff  }
0x19a: {  	v6 =	vmul.u32 $0x18, v4;
	_ =	sdelay $0x1  }
0x19b: {  	v4 =	vshll.u32 v4, $0x4;
	v6 =	vadd.s32 v1, v6  }
0x19c: {  	v4 =	vor.u32 v0, v4  }
0x19d: {  	v2 =	vmul.f32 v3, v2;
	_ =	sdelay $0x1  }
0x19e: {  	[tilespmem:v5+s11+$0x0] =	vst.idx.msk $0xffff, v2  }
0x19f: {  	s18 =	simm.s32 $0xB;
	v2 =	vld.idx.msk [tilespmem:v6+s30+$0x0], $0xffff  }
0x1a0: {  	v5 =	vmov s18;
	v3 =	vld.idx.msk [tilespmem:v4+s11+$0x0], $0xffff  }
0x1a1: {  	v6 =	vmul.u32 $0x18, v5;
	_ =	sdelay $0x1  }
0x1a2: {  	v5 =	vshll.u32 v5, $0x4;
	v6 =	vadd.s32 v1, v6  }
0x1a3: {  	v5 =	vor.u32 v0, v5  }
0x1a4: {  	v2 =	vmul.f32 v3, v2;
	_ =	sdelay $0x1  }
0x1a5: {  	[tilespmem:v4+s11+$0x0] =	vst.idx.msk $0xffff, v2  }
0x1a6: {  	s28 =	simm.s32 $0xC;
	v2 =	vld.idx.msk [tilespmem:v6+s30+$0x0], $0xffff  }
0x1a7: {  	v4 =	vmov s28;
	v3 =	vld.idx.msk [tilespmem:v5+s11+$0x0], $0xffff  }
0x1a8: {  	v6 =	vmul.u32 $0x18, v4;
	_ =	sdelay $0x1  }
0x1a9: {  	v4 =	vshll.u32 v4, $0x4;
	v6 =	vor.u32 v1, v6  }
0x1aa: {  	v4 =	vor.u32 v0, v4  }
0x1ab: {  	v2 =	vmul.f32 v3, v2;
	_ =	sdelay $0x1  }
0x1ac: {  	[tilespmem:v5+s11+$0x0] =	vst.idx.msk $0xffff, v2  }
0x1ad: {  	s17 =	simm.s32 $0xD;
	v2 =	vld.idx.msk [tilespmem:v6+s30+$0x0], $0xffff  }
0x1ae: {  	v5 =	vmov s17;
	v3 =	vld.idx.msk [tilespmem:v4+s11+$0x0], $0xffff  }
0x1af: {  	v6 =	vmul.u32 $0x18, v5;
	_ =	sdelay $0x1  }
0x1b0: {  	v5 =	vshll.u32 v5, $0x4;
	v6 =	vadd.s32 v1, v6  }
0x1b1: {  	v5 =	vor.u32 v0, v5  }
0x1b2: {  	v2 =	vmul.f32 v3, v2;
	_ =	sdelay $0x1  }
0x1b3: {  	[tilespmem:v4+s11+$0x0] =	vst.idx.msk $0xffff, v2  }
0x1b4: {  	s18 =	simm.s32 $0xE;
	v3 =	vld.idx.msk [tilespmem:v6+s30+$0x0], $0xffff  }
0x1b5: {  	v2 =	vmov s18;
	v4 =	vld.idx.msk [tilespmem:v5+s11+$0x0], $0xffff  }
0x1b6: {  	v6 =	vmul.u32 $0x18, v2;
	_ =	sdelay $0x1  }
0x1b7: {  	v2 =	vshll.u32 v2, $0x4;
	v6 =	vadd.s32 v1, v6  }
0x1b8: {  	v2 =	vor.u32 v0, v2  }
0x1b9: {  	v3 =	vmul.f32 v4, v3;
	_ =	sdelay $0x1  }
0x1ba: {  	[tilespmem:v5+s11+$0x0] =	vst.idx.msk $0xffff, v3  }
0x1bb: {  	s28 =	simm.s32 $0xF;
	v3 =	vld.idx.msk [tilespmem:v6+s30+$0x0], $0xffff  }
0x1bc: {  	s29 =	simm.s32 $0x18980;
	s17 =	simm.s32 $0x1F;
	v5 =	vmov s28;
	v4 =	vld.idx.msk [tilespmem:v2+s11+$0x0], $0xffff  }
.LBB2_5:
0x1bd: {  	p0 =	sne.s32 s17, $0x7F;
	v6 =	vmul.u32 $0x18, v5;
	s12 =	smov.u32 s17;
	s17 =	sadd.s32 $0x10, s17  }
0x1be: {  	v5 =	vshll.u32 v5, $0x4  }
0x1bf: {  	v5 =	vor.u32 v0, v5;
	v6 =	vadd.s32 v1, v6;
	_ =	sdelay $0x1  }
0x1c0: {  	v3 =	vmul.f32 v4, v3;
	_ =	sdelay $0x1  }
0x1c1: {  	[tilespmem:v2+s11+$0x0] =	vst.idx.msk $0xffff, v3  }
0x1c2: {  	v2 =	vld.idx.msk [tilespmem:v6+s30+$0x0], $0xffff  }
0x1c3: {  	s18 =	sadd.s32 $0xFFFFFFF1, s12;
	v3 =	vld.idx.msk [tilespmem:v5+s11+$0x0], $0xffff  }
0x1c4: {  	v4 =	vmov s18  }
0x1c5: {  	v6 =	vmul.u32 $0x18, v4;
	v4 =	vshll.u32 v4, $0x4;
	_ =	sdelay $0x1  }
0x1c6: {  	v4 =	vor.u32 v0, v4;
	v6 =	vor.u32 v1, v6;
	_ =	sdelay $0x1  }
0x1c7: {  	v2 =	vmul.f32 v3, v2;
	_ =	sdelay $0x1  }
0x1c8: {  	[tilespmem:v5+s11+$0x0] =	vst.idx.msk $0xffff, v2  }
0x1c9: {  	v2 =	vld.idx.msk [tilespmem:v6+s30+$0x0], $0xffff  }
0x1ca: {  	s18 =	sadd.s32 $0xFFFFFFF2, s12;
	v3 =	vld.idx.msk [tilespmem:v4+s11+$0x0], $0xffff  }
0x1cb: {  	v5 =	vmov s18  }
0x1cc: {  	v6 =	vmul.u32 $0x18, v5;
	v5 =	vshll.u32 v5, $0x4;
	_ =	sdelay $0x1  }
0x1cd: {  	v6 =	vadd.s32 v1, v6  }
0x1ce: {  	v5 =	vor.u32 v0, v5  }
0x1cf: {  	v2 =	vmul.f32 v3, v2;
	_ =	sdelay $0x1  }
0x1d0: {  	[tilespmem:v4+s11+$0x0] =	vst.idx.msk $0xffff, v2  }
0x1d1: {  	v2 =	vld.idx.msk [tilespmem:v6+s30+$0x0], $0xffff  }
0x1d2: {  	s18 =	sadd.s32 $0xFFFFFFF3, s12;
	v3 =	vld.idx.msk [tilespmem:v5+s11+$0x0], $0xffff  }
0x1d3: {  	v4 =	vmov s18  }
0x1d4: {  	v6 =	vmul.u32 $0x18, v4;
	v4 =	vshll.u32 v4, $0x4;
	_ =	sdelay $0x1  }
0x1d5: {  	v6 =	vadd.s32 v1, v6  }
0x1d6: {  	v4 =	vor.u32 v0, v4  }
0x1d7: {  	v2 =	vmul.f32 v3, v2;
	_ =	sdelay $0x1  }
0x1d8: {  	[tilespmem:v5+s11+$0x0] =	vst.idx.msk $0xffff, v2  }
0x1d9: {  	v2 =	vld.idx.msk [tilespmem:v6+s30+$0x0], $0xffff  }
0x1da: {  	s18 =	sadd.s32 $0xFFFFFFF4, s12;
	v3 =	vld.idx.msk [tilespmem:v4+s11+$0x0], $0xffff  }
0x1db: {  	v5 =	vmov s18  }
0x1dc: {  	v6 =	vmul.u32 $0x18, v5;
	v5 =	vshll.u32 v5, $0x4;
	_ =	sdelay $0x1  }
0x1dd: {  	v6 =	vadd.s32 v1, v6  }
0x1de: {  	v5 =	vor.u32 v0, v5  }
0x1df: {  	v2 =	vmul.f32 v3, v2;
	_ =	sdelay $0x1  }
0x1e0: {  	[tilespmem:v4+s11+$0x0] =	vst.idx.msk $0xffff, v2  }
0x1e1: {  	v2 =	vld.idx.msk [tilespmem:v6+s30+$0x0], $0xffff  }
0x1e2: {  	s18 =	sadd.s32 $0xFFFFFFF5, s12;
	v3 =	vld.idx.msk [tilespmem:v5+s11+$0x0], $0xffff  }
0x1e3: {  	v4 =	vmov s18  }
0x1e4: {  	v6 =	vmul.u32 $0x18, v4;
	v4 =	vshll.u32 v4, $0x4;
	_ =	sdelay $0x1  }
0x1e5: {  	v6 =	vor.u32 v1, v6  }
0x1e6: {  	v4 =	vor.u32 v0, v4  }
0x1e7: {  	v2 =	vmul.f32 v3, v2;
	_ =	sdelay $0x1  }
0x1e8: {  	[tilespmem:v5+s11+$0x0] =	vst.idx.msk $0xffff, v2  }
0x1e9: {  	v2 =	vld.idx.msk [tilespmem:v6+s30+$0x0], $0xffff  }
0x1ea: {  	s18 =	sadd.s32 $0xFFFFFFF6, s12;
	v3 =	vld.idx.msk [tilespmem:v4+s11+$0x0], $0xffff  }
0x1eb: {  	v5 =	vmov s18  }
0x1ec: {  	v6 =	vmul.u32 $0x18, v5;
	v5 =	vshll.u32 v5, $0x4;
	_ =	sdelay $0x1  }
0x1ed: {  	v6 =	vadd.s32 v1, v6  }
0x1ee: {  	v5 =	vor.u32 v0, v5  }
0x1ef: {  	v2 =	vmul.f32 v3, v2;
	_ =	sdelay $0x1  }
0x1f0: {  	[tilespmem:v4+s11+$0x0] =	vst.idx.msk $0xffff, v2  }
0x1f1: {  	v2 =	vld.idx.msk [tilespmem:v6+s30+$0x0], $0xffff  }
0x1f2: {  	s18 =	sadd.s32 $0xFFFFFFF7, s12;
	v3 =	vld.idx.msk [tilespmem:v5+s11+$0x0], $0xffff  }
0x1f3: {  	v4 =	vmov s18  }
0x1f4: {  	v6 =	vmul.u32 $0x18, v4;
	v4 =	vshll.u32 v4, $0x4;
	_ =	sdelay $0x1  }
0x1f5: {  	v6 =	vadd.s32 v1, v6  }
0x1f6: {  	v4 =	vor.u32 v0, v4  }
0x1f7: {  	v2 =	vmul.f32 v3, v2;
	_ =	sdelay $0x1  }
0x1f8: {  	[tilespmem:v5+s11+$0x0] =	vst.idx.msk $0xffff, v2  }
0x1f9: {  	v2 =	vld.idx.msk [tilespmem:v6+s30+$0x0], $0xffff  }
0x1fa: {  	s18 =	sadd.s32 $0xFFFFFFF8, s12;
	v3 =	vld.idx.msk [tilespmem:v4+s11+$0x0], $0xffff  }
0x1fb: {  	v5 =	vmov s18  }
0x1fc: {  	v6 =	vmul.u32 $0x18, v5;
	v5 =	vshll.u32 v5, $0x4;
	_ =	sdelay $0x1  }
0x1fd: {  	v6 =	vadd.s32 v1, v6  }
0x1fe: {  	v5 =	vor.u32 v0, v5  }
0x1ff: {  	v2 =	vmul.f32 v3, v2;
	_ =	sdelay $0x1  }
0x200: {  	[tilespmem:v4+s11+$0x0] =	vst.idx.msk $0xffff, v2  }
0x201: {  	v2 =	vld.idx.msk [tilespmem:v6+s30+$0x0], $0xffff  }
0x202: {  	s18 =	sadd.s32 $0xFFFFFFF9, s12;
	v3 =	vld.idx.msk [tilespmem:v5+s11+$0x0], $0xffff  }
0x203: {  	v4 =	vmov s18  }
0x204: {  	v6 =	vmul.u32 $0x18, v4;
	v4 =	vshll.u32 v4, $0x4;
	_ =	sdelay $0x1  }
0x205: {  	v6 =	vor.u32 v1, v6  }
0x206: {  	v4 =	vor.u32 v0, v4  }
0x207: {  	v2 =	vmul.f32 v3, v2;
	_ =	sdelay $0x1  }
0x208: {  	[tilespmem:v5+s11+$0x0] =	vst.idx.msk $0xffff, v2  }
0x209: {  	v2 =	vld.idx.msk [tilespmem:v6+s30+$0x0], $0xffff  }
0x20a: {  	s18 =	sadd.s32 $0xFFFFFFFA, s12;
	v3 =	vld.idx.msk [tilespmem:v4+s11+$0x0], $0xffff  }
0x20b: {  	v5 =	vmov s18  }
0x20c: {  	v6 =	vmul.u32 $0x18, v5;
	v5 =	vshll.u32 v5, $0x4;
	_ =	sdelay $0x1  }
0x20d: {  	v6 =	vadd.s32 v1, v6  }
0x20e: {  	v5 =	vor.u32 v0, v5  }
0x20f: {  	v2 =	vmul.f32 v3, v2;
	_ =	sdelay $0x1  }
0x210: {  	[tilespmem:v4+s11+$0x0] =	vst.idx.msk $0xffff, v2  }
0x211: {  	v2 =	vld.idx.msk [tilespmem:v6+s30+$0x0], $0xffff  }
0x212: {  	s18 =	sadd.s32 $0xFFFFFFFB, s12;
	v3 =	vld.idx.msk [tilespmem:v5+s11+$0x0], $0xffff  }
0x213: {  	v4 =	vmov s18  }
0x214: {  	v6 =	vmul.u32 $0x18, v4;
	v4 =	vshll.u32 v4, $0x4;
	_ =	sdelay $0x1  }
0x215: {  	v6 =	vadd.s32 v1, v6  }
0x216: {  	v4 =	vor.u32 v0, v4  }
0x217: {  	v2 =	vmul.f32 v3, v2;
	_ =	sdelay $0x1  }
0x218: {  	[tilespmem:v5+s11+$0x0] =	vst.idx.msk $0xffff, v2  }
0x219: {  	v2 =	vld.idx.msk [tilespmem:v6+s30+$0x0], $0xffff  }
0x21a: {  	s18 =	sadd.s32 $0xFFFFFFFC, s12;
	v3 =	vld.idx.msk [tilespmem:v4+s11+$0x0], $0xffff  }
0x21b: {  	v5 =	vmov s18  }
0x21c: {  	v6 =	vmul.u32 $0x18, v5;
	v5 =	vshll.u32 v5, $0x4;
	_ =	sdelay $0x1  }
0x21d: {  	v6 =	vadd.s32 v1, v6  }
0x21e: {  	v5 =	vor.u32 v0, v5  }
0x21f: {  	v2 =	vmul.f32 v3, v2;
	_ =	sdelay $0x1  }
0x220: {  	[tilespmem:v4+s11+$0x0] =	vst.idx.msk $0xffff, v2  }
0x221: {  	v2 =	vld.idx.msk [tilespmem:v6+s30+$0x0], $0xffff  }
0x222: {  	s18 =	sadd.s32 $0xFFFFFFFD, s12;
	v3 =	vld.idx.msk [tilespmem:v5+s11+$0x0], $0xffff  }
0x223: {  	v4 =	vmov s18  }
0x224: {  	v6 =	vmul.u32 $0x18, v4;
	v4 =	vshll.u32 v4, $0x4;
	_ =	sdelay $0x1  }
0x225: {  	v6 =	vor.u32 v1, v6  }
0x226: {  	v4 =	vor.u32 v0, v4  }
0x227: {  	v2 =	vmul.f32 v3, v2;
	_ =	sdelay $0x1  }
0x228: {  	[tilespmem:v5+s11+$0x0] =	vst.idx.msk $0xffff, v2  }
0x229: {  	v2 =	vld.idx.msk [tilespmem:v6+s30+$0x0], $0xffff  }
0x22a: {  	s18 =	sadd.s32 $0xFFFFFFFE, s12;
	v3 =	vld.idx.msk [tilespmem:v4+s11+$0x0], $0xffff  }
0x22b: {  	v5 =	vmov s18  }
0x22c: {  	v6 =	vmul.u32 $0x18, v5;
	v5 =	vshll.u32 v5, $0x4;
	_ =	sdelay $0x1  }
0x22d: {  	v6 =	vadd.s32 v1, v6  }
0x22e: {  	v5 =	vor.u32 v0, v5  }
0x22f: {  	v2 =	vmul.f32 v3, v2;
	_ =	sdelay $0x1  }
0x230: {  	[tilespmem:v4+s11+$0x0] =	vst.idx.msk $0xffff, v2  }
0x231: {  	v3 =	vld.idx.msk [tilespmem:v6+s30+$0x0], $0xffff  }
0x232: {  	s18 =	sadd.s32 $0xFFFFFFFF, s12;
	v4 =	vld.idx.msk [tilespmem:v5+s11+$0x0], $0xffff  }
0x233: {  	v2 =	vmov s18  }
0x234: {  	v6 =	vmul.u32 $0x18, v2;
	v2 =	vshll.u32 v2, $0x4;
	_ =	sdelay $0x1  }
0x235: {  	v6 =	vadd.s32 v1, v6  }
0x236: {  	v2 =	vor.u32 v0, v2  }
0x237: {  	v3 =	vmul.f32 v4, v3  }
.Ltmp1:
0x238: {  	(pc) =	sbr.rel @p0 .LBB2_5-.Ltmp1, $4  }
0x239: {  	[tilespmem:v5+s11+$0x0] =	vst.idx.msk $0xffff, v3  }
0x23a: {  	v3 =	vld.idx.msk [tilespmem:v6+s30+$0x0], $0xffff  }
0x23b: {  	v4 =	vld.idx.msk [tilespmem:v2+s11+$0x0], $0xffff  }
0x23c: {  	v5 =	vmov s12  }
0x23d: {  	v6 =	vmul.u32 $0x18, v5;
	v5 =	vshll.u32 v5, $0x4  }
0x23e: {  	v5 =	vor.u32 v0, v5  }
0x23f: {  	v6 =	vadd.s32 v1, v6  }
0x240: {  	v3 =	vmul.f32 v4, v3;
	_ =	sdelay $0x1  }
0x241: {  	[tilespmem:v2+s11+$0x0] =	vst.idx.msk $0xffff, v3  }
0x242: {  	v3 =	vld.idx.msk [tilespmem:v5+s11+$0x0], $0xffff  }
0x243: {  	v2 =	vld.idx.msk [tilespmem:v6+s30+$0x0], $0xffff;
	_ =	sdelay $0x4  }
0x244: {  	v2 =	vmul.f32 v3, v2;
	_ =	sdelay $0x1  }
0x245: {  	[tilespmem:v5+s11+$0x0] =	vst.idx.msk $0xffff, v2  }
0x246: {  	[spmem:s3] =	stream.indirect.scatter.add.f32 [tilespmem:s11], [sflag:$0x8], $0x10, s31, s0, $0xb8;
	[tilespmem:$0x1D180] =	vst v63  }
0x247: {  	_ =	swait.ge [sflag:s1], $0x80  }
0x248: {  	[sflag:s1] =	ssyncset.done $0x0  }
0x249: {  	[sflag:s1] =	ssyncadd.s32 $0xFFFFFF80  }
0x24a: {  	_ =	swait.ge [sflag:s1], $0xC00  }
0x24b: {  	[sflag:s1] =	ssyncset.done $0x0  }
0x24c: {  	[sflag:s1] =	ssyncadd.s32 $0xFFFFF400  }
0x24d: {  	_ =	swait.ge [sflag:s1], $0x80  }
0x24e: {  	[sflag:s1] =	ssyncset.done $0x0  }
0x24f: {  	[sflag:s1] =	ssyncadd.s32 $0xFFFFFF80  }
0x250: {  	_ =	swait.ge [sflag:s8], $0x800  }
0x251: {  	[sflag:s8] =	ssyncset.done $0x0;
	s12 =	rddreg [dreg:$0xe]  }
0x252: {  	[sflag:s8] =	ssyncadd.s32 $0xFFFFF800;
	s12 =	sadd.s32 s16, s12  }
0x253: {  	[tilespmem:s6], [sflag:$0x4] =	stream.indirect.gather [hbm4b:s14+s0], $0x10, s25, s0, $0xb8;
	[tilespmem:$0x1D180] =	vst v63  }
0x254: {  	s17 =	simm.s32 $0x0;
	s16 =	sshrl.u32 s12, $0x3  }
0x255: {  	s18 =	simm.s32 $0x18880;
	s12 =	smul.u32 $0x3, s12;
	s16 =	sadd.s32 s2, s16  }
0x256: {  	v2 =	vmov s17;
	[tilespmem:s18], [sflag:$0x2] =	stream.linear.gather [hbm4b:s16+s4], $0x80, $0x38;
	[tilespmem:$0x1D180] =	vst v63  }
0x257: {  	v3 =	vmul.u32 $0x18, v2;
	s12 =	sadd.s32 s5, s12  }
0x258: {  	[tilespmem:s30], [sflag:$0x2] =	stream.linear.gather [hbm4b:s12+s4], $0xC00, $0x38;
	[tilespmem:$0x1D180] =	vst v63  }
0x259: {  	v2 =	vshll.u32 v2, $0x4;
	v3 =	vor.u32 v1, v3;
	s16 =	sadd.s32 $0x61A80, s16  }
0x25a: {  	v2 =	vor.u32 v0, v2;
	[tilespmem:s31], [sflag:$0x2] =	stream.linear.gather [hbm4b:s16+s4], $0x80, $0x38;
	[tilespmem:$0x1D180] =	vst v63  }
0x25b: {  	_ =	swait.ge [sflag:s7], $0x800  }
0x25c: {  	[sflag:s7] =	ssyncset.done $0x0  }
0x25d: {  	[sflag:s7] =	ssyncadd.s32 $0xFFFFF800  }
0x25e: {  	s17 =	simm.s32 $0x1;
	v3 =	vld.idx.msk [tilespmem:v3+s13+$0x0], $0xffff  }
0x25f: {  	v5 =	vmov s17;
	v4 =	vld.idx.msk [tilespmem:v2+s22+$0x0], $0xffff  }
0x260: {  	v6 =	vmul.u32 $0x18, v5;
	_ =	sdelay $0x1  }
0x261: {  	v5 =	vshll.u32 v5, $0x4;
	v6 =	vadd.s32 v1, v6  }
0x262: {  	v5 =	vor.u32 v0, v5  }
0x263: {  	v3 =	vmul.f32 v4, v3;
	_ =	sdelay $0x1  }
0x264: {  	[tilespmem:v2+s22+$0x0] =	vst.idx.msk $0xffff, v3  }
0x265: {  	s18 =	simm.s32 $0x2;
	v2 =	vld.idx.msk [tilespmem:v6+s13+$0x0], $0xffff  }
0x266: {  	v4 =	vmov s18;
	v3 =	vld.idx.msk [tilespmem:v5+s22+$0x0], $0xffff  }
0x267: {  	v6 =	vmul.u32 $0x18, v4;
	_ =	sdelay $0x1  }
0x268: {  	v4 =	vshll.u32 v4, $0x4;
	v6 =	vadd.s32 v1, v6  }
0x269: {  	v4 =	vor.u32 v0, v4  }
0x26a: {  	v2 =	vmul.f32 v3, v2;
	_ =	sdelay $0x1  }
0x26b: {  	[tilespmem:v5+s22+$0x0] =	vst.idx.msk $0xffff, v2  }
0x26c: {  	s28 =	simm.s32 $0x3;
	v2 =	vld.idx.msk [tilespmem:v6+s13+$0x0], $0xffff  }
0x26d: {  	v5 =	vmov s28;
	v3 =	vld.idx.msk [tilespmem:v4+s22+$0x0], $0xffff  }
0x26e: {  	v6 =	vmul.u32 $0x18, v5;
	_ =	sdelay $0x1  }
0x26f: {  	v5 =	vshll.u32 v5, $0x4;
	v6 =	vadd.s32 v1, v6  }
0x270: {  	v5 =	vor.u32 v0, v5  }
0x271: {  	v2 =	vmul.f32 v3, v2;
	_ =	sdelay $0x1  }
0x272: {  	[tilespmem:v4+s22+$0x0] =	vst.idx.msk $0xffff, v2  }
0x273: {  	s16 =	simm.s32 $0x4;
	v2 =	vld.idx.msk [tilespmem:v6+s13+$0x0], $0xffff  }
0x274: {  	v4 =	vmov s16;
	v3 =	vld.idx.msk [tilespmem:v5+s22+$0x0], $0xffff  }
0x275: {  	v6 =	vmul.u32 $0x18, v4;
	_ =	sdelay $0x1  }
0x276: {  	v4 =	vshll.u32 v4, $0x4;
	v6 =	vor.u32 v1, v6  }
0x277: {  	v4 =	vor.u32 v0, v4  }
0x278: {  	v2 =	vmul.f32 v3, v2;
	_ =	sdelay $0x1  }
0x279: {  	[tilespmem:v5+s22+$0x0] =	vst.idx.msk $0xffff, v2  }
0x27a: {  	s17 =	simm.s32 $0x5;
	v2 =	vld.idx.msk [tilespmem:v6+s13+$0x0], $0xffff  }
0x27b: {  	v5 =	vmov s17;
	v3 =	vld.idx.msk [tilespmem:v4+s22+$0x0], $0xffff  }
0x27c: {  	v6 =	vmul.u32 $0x18, v5;
	_ =	sdelay $0x1  }
0x27d: {  	v5 =	vshll.u32 v5, $0x4;
	v6 =	vadd.s32 v1, v6  }
0x27e: {  	v5 =	vor.u32 v0, v5  }
0x27f: {  	v2 =	vmul.f32 v3, v2;
	_ =	sdelay $0x1  }
0x280: {  	[tilespmem:v4+s22+$0x0] =	vst.idx.msk $0xffff, v2  }
0x281: {  	s18 =	simm.s32 $0x6;
	v2 =	vld.idx.msk [tilespmem:v6+s13+$0x0], $0xffff  }
0x282: {  	v4 =	vmov s18;
	v3 =	vld.idx.msk [tilespmem:v5+s22+$0x0], $0xffff  }
0x283: {  	v6 =	vmul.u32 $0x18, v4;
	_ =	sdelay $0x1  }
0x284: {  	v4 =	vshll.u32 v4, $0x4;
	v6 =	vadd.s32 v1, v6  }
0x285: {  	v4 =	vor.u32 v0, v4  }
0x286: {  	v2 =	vmul.f32 v3, v2;
	_ =	sdelay $0x1  }
0x287: {  	[tilespmem:v5+s22+$0x0] =	vst.idx.msk $0xffff, v2  }
0x288: {  	s28 =	simm.s32 $0x7;
	v2 =	vld.idx.msk [tilespmem:v6+s13+$0x0], $0xffff  }
0x289: {  	v5 =	vmov s28;
	v3 =	vld.idx.msk [tilespmem:v4+s22+$0x0], $0xffff  }
0x28a: {  	v6 =	vmul.u32 $0x18, v5;
	_ =	sdelay $0x1  }
0x28b: {  	v5 =	vshll.u32 v5, $0x4;
	v6 =	vadd.s32 v1, v6  }
0x28c: {  	v5 =	vor.u32 v0, v5  }
0x28d: {  	v2 =	vmul.f32 v3, v2;
	_ =	sdelay $0x1  }
0x28e: {  	[tilespmem:v4+s22+$0x0] =	vst.idx.msk $0xffff, v2  }
0x28f: {  	s16 =	simm.s32 $0x8;
	v2 =	vld.idx.msk [tilespmem:v6+s13+$0x0], $0xffff  }
0x290: {  	v4 =	vmov s16;
	v3 =	vld.idx.msk [tilespmem:v5+s22+$0x0], $0xffff  }
0x291: {  	v6 =	vmul.u32 $0x18, v4;
	_ =	sdelay $0x1  }
0x292: {  	v4 =	vshll.u32 v4, $0x4;
	v6 =	vor.u32 v1, v6  }
0x293: {  	v4 =	vor.u32 v0, v4  }
0x294: {  	v2 =	vmul.f32 v3, v2;
	_ =	sdelay $0x1  }
0x295: {  	[tilespmem:v5+s22+$0x0] =	vst.idx.msk $0xffff, v2  }
0x296: {  	s17 =	simm.s32 $0x9;
	v2 =	vld.idx.msk [tilespmem:v6+s13+$0x0], $0xffff  }
0x297: {  	v5 =	vmov s17;
	v3 =	vld.idx.msk [tilespmem:v4+s22+$0x0], $0xffff  }
0x298: {  	v6 =	vmul.u32 $0x18, v5;
	_ =	sdelay $0x1  }
0x299: {  	v5 =	vshll.u32 v5, $0x4;
	v6 =	vadd.s32 v1, v6  }
0x29a: {  	v5 =	vor.u32 v0, v5  }
0x29b: {  	v2 =	vmul.f32 v3, v2;
	_ =	sdelay $0x1  }
0x29c: {  	[tilespmem:v4+s22+$0x0] =	vst.idx.msk $0xffff, v2  }
0x29d: {  	s18 =	simm.s32 $0xA;
	v2 =	vld.idx.msk [tilespmem:v6+s13+$0x0], $0xffff  }
0x29e: {  	v4 =	vmov s18;
	v3 =	vld.idx.msk [tilespmem:v5+s22+$0x0], $0xffff  }
0x29f: {  	v6 =	vmul.u32 $0x18, v4;
	_ =	sdelay $0x1  }
0x2a0: {  	v4 =	vshll.u32 v4, $0x4;
	v6 =	vadd.s32 v1, v6  }
0x2a1: {  	v4 =	vor.u32 v0, v4  }
0x2a2: {  	v2 =	vmul.f32 v3, v2;
	_ =	sdelay $0x1  }
0x2a3: {  	[tilespmem:v5+s22+$0x0] =	vst.idx.msk $0xffff, v2  }
0x2a4: {  	s28 =	simm.s32 $0xB;
	v2 =	vld.idx.msk [tilespmem:v6+s13+$0x0], $0xffff  }
0x2a5: {  	v5 =	vmov s28;
	v3 =	vld.idx.msk [tilespmem:v4+s22+$0x0], $0xffff  }
0x2a6: {  	v6 =	vmul.u32 $0x18, v5;
	_ =	sdelay $0x1  }
0x2a7: {  	v5 =	vshll.u32 v5, $0x4;
	v6 =	vadd.s32 v1, v6  }
0x2a8: {  	v5 =	vor.u32 v0, v5  }
0x2a9: {  	v2 =	vmul.f32 v3, v2;
	_ =	sdelay $0x1  }
0x2aa: {  	[tilespmem:v4+s22+$0x0] =	vst.idx.msk $0xffff, v2  }
0x2ab: {  	s16 =	simm.s32 $0xC;
	v2 =	vld.idx.msk [tilespmem:v6+s13+$0x0], $0xffff  }
0x2ac: {  	v4 =	vmov s16;
	v3 =	vld.idx.msk [tilespmem:v5+s22+$0x0], $0xffff  }
0x2ad: {  	v6 =	vmul.u32 $0x18, v4;
	_ =	sdelay $0x1  }
0x2ae: {  	v4 =	vshll.u32 v4, $0x4;
	v6 =	vor.u32 v1, v6  }
0x2af: {  	v4 =	vor.u32 v0, v4  }
0x2b0: {  	v2 =	vmul.f32 v3, v2;
	_ =	sdelay $0x1  }
0x2b1: {  	[tilespmem:v5+s22+$0x0] =	vst.idx.msk $0xffff, v2  }
0x2b2: {  	s17 =	simm.s32 $0xD;
	v2 =	vld.idx.msk [tilespmem:v6+s13+$0x0], $0xffff  }
0x2b3: {  	v5 =	vmov s17;
	v3 =	vld.idx.msk [tilespmem:v4+s22+$0x0], $0xffff  }
0x2b4: {  	v6 =	vmul.u32 $0x18, v5;
	_ =	sdelay $0x1  }
0x2b5: {  	v5 =	vshll.u32 v5, $0x4;
	v6 =	vadd.s32 v1, v6  }
0x2b6: {  	v5 =	vor.u32 v0, v5  }
0x2b7: {  	v2 =	vmul.f32 v3, v2;
	_ =	sdelay $0x1  }
0x2b8: {  	[tilespmem:v4+s22+$0x0] =	vst.idx.msk $0xffff, v2  }
0x2b9: {  	s18 =	simm.s32 $0xE;
	v3 =	vld.idx.msk [tilespmem:v6+s13+$0x0], $0xffff  }
0x2ba: {  	v2 =	vmov s18;
	v4 =	vld.idx.msk [tilespmem:v5+s22+$0x0], $0xffff  }
0x2bb: {  	v6 =	vmul.u32 $0x18, v2;
	_ =	sdelay $0x1  }
0x2bc: {  	v2 =	vshll.u32 v2, $0x4;
	v6 =	vadd.s32 v1, v6  }
0x2bd: {  	v2 =	vor.u32 v0, v2  }
0x2be: {  	v3 =	vmul.f32 v4, v3;
	_ =	sdelay $0x1  }
0x2bf: {  	[tilespmem:v5+s22+$0x0] =	vst.idx.msk $0xffff, v3  }
0x2c0: {  	s28 =	simm.s32 $0xF;
	v3 =	vld.idx.msk [tilespmem:v6+s13+$0x0], $0xffff  }
0x2c1: {  	s16 =	simm.s32 $0x1F;
	s18 =	simm.s32 $0x18A80;
	v5 =	vmov s28;
	v4 =	vld.idx.msk [tilespmem:v2+s22+$0x0], $0xffff  }
.LBB2_7:
0x2c2: {  	p0 =	sne.s32 s16, $0x7F;
	v6 =	vmul.u32 $0x18, v5;
	s12 =	smov.u32 s16;
	s16 =	sadd.s32 $0x10, s16  }
0x2c3: {  	v5 =	vshll.u32 v5, $0x4  }
0x2c4: {  	v5 =	vor.u32 v0, v5;
	v6 =	vadd.s32 v1, v6;
	_ =	sdelay $0x1  }
0x2c5: {  	v3 =	vmul.f32 v4, v3;
	_ =	sdelay $0x1  }
0x2c6: {  	[tilespmem:v2+s22+$0x0] =	vst.idx.msk $0xffff, v3  }
0x2c7: {  	v2 =	vld.idx.msk [tilespmem:v6+s13+$0x0], $0xffff  }
0x2c8: {  	s17 =	sadd.s32 $0xFFFFFFF1, s12;
	v3 =	vld.idx.msk [tilespmem:v5+s22+$0x0], $0xffff  }
0x2c9: {  	v4 =	vmov s17  }
0x2ca: {  	v6 =	vmul.u32 $0x18, v4;
	v4 =	vshll.u32 v4, $0x4;
	_ =	sdelay $0x1  }
0x2cb: {  	v4 =	vor.u32 v0, v4;
	v6 =	vor.u32 v1, v6;
	_ =	sdelay $0x1  }
0x2cc: {  	v2 =	vmul.f32 v3, v2;
	_ =	sdelay $0x1  }
0x2cd: {  	[tilespmem:v5+s22+$0x0] =	vst.idx.msk $0xffff, v2  }
0x2ce: {  	v2 =	vld.idx.msk [tilespmem:v6+s13+$0x0], $0xffff  }
0x2cf: {  	s17 =	sadd.s32 $0xFFFFFFF2, s12;
	v3 =	vld.idx.msk [tilespmem:v4+s22+$0x0], $0xffff  }
0x2d0: {  	v5 =	vmov s17  }
0x2d1: {  	v6 =	vmul.u32 $0x18, v5;
	v5 =	vshll.u32 v5, $0x4;
	_ =	sdelay $0x1  }
0x2d2: {  	v6 =	vadd.s32 v1, v6  }
0x2d3: {  	v5 =	vor.u32 v0, v5  }
0x2d4: {  	v2 =	vmul.f32 v3, v2;
	_ =	sdelay $0x1  }
0x2d5: {  	[tilespmem:v4+s22+$0x0] =	vst.idx.msk $0xffff, v2  }
0x2d6: {  	v2 =	vld.idx.msk [tilespmem:v6+s13+$0x0], $0xffff  }
0x2d7: {  	s17 =	sadd.s32 $0xFFFFFFF3, s12;
	v3 =	vld.idx.msk [tilespmem:v5+s22+$0x0], $0xffff  }
0x2d8: {  	v4 =	vmov s17  }
0x2d9: {  	v6 =	vmul.u32 $0x18, v4;
	v4 =	vshll.u32 v4, $0x4;
	_ =	sdelay $0x1  }
0x2da: {  	v6 =	vadd.s32 v1, v6  }
0x2db: {  	v4 =	vor.u32 v0, v4  }
0x2dc: {  	v2 =	vmul.f32 v3, v2;
	_ =	sdelay $0x1  }
0x2dd: {  	[tilespmem:v5+s22+$0x0] =	vst.idx.msk $0xffff, v2  }
0x2de: {  	v2 =	vld.idx.msk [tilespmem:v6+s13+$0x0], $0xffff  }
0x2df: {  	s17 =	sadd.s32 $0xFFFFFFF4, s12;
	v3 =	vld.idx.msk [tilespmem:v4+s22+$0x0], $0xffff  }
0x2e0: {  	v5 =	vmov s17  }
0x2e1: {  	v6 =	vmul.u32 $0x18, v5;
	v5 =	vshll.u32 v5, $0x4;
	_ =	sdelay $0x1  }
0x2e2: {  	v6 =	vadd.s32 v1, v6  }
0x2e3: {  	v5 =	vor.u32 v0, v5  }
0x2e4: {  	v2 =	vmul.f32 v3, v2;
	_ =	sdelay $0x1  }
0x2e5: {  	[tilespmem:v4+s22+$0x0] =	vst.idx.msk $0xffff, v2  }
0x2e6: {  	v2 =	vld.idx.msk [tilespmem:v6+s13+$0x0], $0xffff  }
0x2e7: {  	s17 =	sadd.s32 $0xFFFFFFF5, s12;
	v3 =	vld.idx.msk [tilespmem:v5+s22+$0x0], $0xffff  }
0x2e8: {  	v4 =	vmov s17  }
0x2e9: {  	v6 =	vmul.u32 $0x18, v4;
	v4 =	vshll.u32 v4, $0x4;
	_ =	sdelay $0x1  }
0x2ea: {  	v6 =	vor.u32 v1, v6  }
0x2eb: {  	v4 =	vor.u32 v0, v4  }
0x2ec: {  	v2 =	vmul.f32 v3, v2;
	_ =	sdelay $0x1  }
0x2ed: {  	[tilespmem:v5+s22+$0x0] =	vst.idx.msk $0xffff, v2  }
0x2ee: {  	v2 =	vld.idx.msk [tilespmem:v6+s13+$0x0], $0xffff  }
0x2ef: {  	s17 =	sadd.s32 $0xFFFFFFF6, s12;
	v3 =	vld.idx.msk [tilespmem:v4+s22+$0x0], $0xffff  }
0x2f0: {  	v5 =	vmov s17  }
0x2f1: {  	v6 =	vmul.u32 $0x18, v5;
	v5 =	vshll.u32 v5, $0x4;
	_ =	sdelay $0x1  }
0x2f2: {  	v6 =	vadd.s32 v1, v6  }
0x2f3: {  	v5 =	vor.u32 v0, v5  }
0x2f4: {  	v2 =	vmul.f32 v3, v2;
	_ =	sdelay $0x1  }
0x2f5: {  	[tilespmem:v4+s22+$0x0] =	vst.idx.msk $0xffff, v2  }
0x2f6: {  	v2 =	vld.idx.msk [tilespmem:v6+s13+$0x0], $0xffff  }
0x2f7: {  	s17 =	sadd.s32 $0xFFFFFFF7, s12;
	v3 =	vld.idx.msk [tilespmem:v5+s22+$0x0], $0xffff  }
0x2f8: {  	v4 =	vmov s17  }
0x2f9: {  	v6 =	vmul.u32 $0x18, v4;
	v4 =	vshll.u32 v4, $0x4;
	_ =	sdelay $0x1  }
0x2fa: {  	v6 =	vadd.s32 v1, v6  }
0x2fb: {  	v4 =	vor.u32 v0, v4  }
0x2fc: {  	v2 =	vmul.f32 v3, v2;
	_ =	sdelay $0x1  }
0x2fd: {  	[tilespmem:v5+s22+$0x0] =	vst.idx.msk $0xffff, v2  }
0x2fe: {  	v2 =	vld.idx.msk [tilespmem:v6+s13+$0x0], $0xffff  }
0x2ff: {  	s17 =	sadd.s32 $0xFFFFFFF8, s12;
	v3 =	vld.idx.msk [tilespmem:v4+s22+$0x0], $0xffff  }
0x300: {  	v5 =	vmov s17  }
0x301: {  	v6 =	vmul.u32 $0x18, v5;
	v5 =	vshll.u32 v5, $0x4;
	_ =	sdelay $0x1  }
0x302: {  	v6 =	vadd.s32 v1, v6  }
0x303: {  	v5 =	vor.u32 v0, v5  }
0x304: {  	v2 =	vmul.f32 v3, v2;
	_ =	sdelay $0x1  }
0x305: {  	[tilespmem:v4+s22+$0x0] =	vst.idx.msk $0xffff, v2  }
0x306: {  	v2 =	vld.idx.msk [tilespmem:v6+s13+$0x0], $0xffff  }
0x307: {  	s17 =	sadd.s32 $0xFFFFFFF9, s12;
	v3 =	vld.idx.msk [tilespmem:v5+s22+$0x0], $0xffff  }
0x308: {  	v4 =	vmov s17  }
0x309: {  	v6 =	vmul.u32 $0x18, v4;
	v4 =	vshll.u32 v4, $0x4;
	_ =	sdelay $0x1  }
0x30a: {  	v6 =	vor.u32 v1, v6  }
0x30b: {  	v4 =	vor.u32 v0, v4  }
0x30c: {  	v2 =	vmul.f32 v3, v2;
	_ =	sdelay $0x1  }
0x30d: {  	[tilespmem:v5+s22+$0x0] =	vst.idx.msk $0xffff, v2  }
0x30e: {  	v2 =	vld.idx.msk [tilespmem:v6+s13+$0x0], $0xffff  }
0x30f: {  	s17 =	sadd.s32 $0xFFFFFFFA, s12;
	v3 =	vld.idx.msk [tilespmem:v4+s22+$0x0], $0xffff  }
0x310: {  	v5 =	vmov s17  }
0x311: {  	v6 =	vmul.u32 $0x18, v5;
	v5 =	vshll.u32 v5, $0x4;
	_ =	sdelay $0x1  }
0x312: {  	v6 =	vadd.s32 v1, v6  }
0x313: {  	v5 =	vor.u32 v0, v5  }
0x314: {  	v2 =	vmul.f32 v3, v2;
	_ =	sdelay $0x1  }
0x315: {  	[tilespmem:v4+s22+$0x0] =	vst.idx.msk $0xffff, v2  }
0x316: {  	v2 =	vld.idx.msk [tilespmem:v6+s13+$0x0], $0xffff  }
0x317: {  	s17 =	sadd.s32 $0xFFFFFFFB, s12;
	v3 =	vld.idx.msk [tilespmem:v5+s22+$0x0], $0xffff  }
0x318: {  	v4 =	vmov s17  }
0x319: {  	v6 =	vmul.u32 $0x18, v4;
	v4 =	vshll.u32 v4, $0x4;
	_ =	sdelay $0x1  }
0x31a: {  	v6 =	vadd.s32 v1, v6  }
0x31b: {  	v4 =	vor.u32 v0, v4  }
0x31c: {  	v2 =	vmul.f32 v3, v2;
	_ =	sdelay $0x1  }
0x31d: {  	[tilespmem:v5+s22+$0x0] =	vst.idx.msk $0xffff, v2  }
0x31e: {  	v2 =	vld.idx.msk [tilespmem:v6+s13+$0x0], $0xffff  }
0x31f: {  	s17 =	sadd.s32 $0xFFFFFFFC, s12;
	v3 =	vld.idx.msk [tilespmem:v4+s22+$0x0], $0xffff  }
0x320: {  	v5 =	vmov s17  }
0x321: {  	v6 =	vmul.u32 $0x18, v5;
	v5 =	vshll.u32 v5, $0x4;
	_ =	sdelay $0x1  }
0x322: {  	v6 =	vadd.s32 v1, v6  }
0x323: {  	v5 =	vor.u32 v0, v5  }
0x324: {  	v2 =	vmul.f32 v3, v2;
	_ =	sdelay $0x1  }
0x325: {  	[tilespmem:v4+s22+$0x0] =	vst.idx.msk $0xffff, v2  }
0x326: {  	v2 =	vld.idx.msk [tilespmem:v6+s13+$0x0], $0xffff  }
0x327: {  	s17 =	sadd.s32 $0xFFFFFFFD, s12;
	v3 =	vld.idx.msk [tilespmem:v5+s22+$0x0], $0xffff  }
0x328: {  	v4 =	vmov s17  }
0x329: {  	v6 =	vmul.u32 $0x18, v4;
	v4 =	vshll.u32 v4, $0x4;
	_ =	sdelay $0x1  }
0x32a: {  	v6 =	vor.u32 v1, v6  }
0x32b: {  	v4 =	vor.u32 v0, v4  }
0x32c: {  	v2 =	vmul.f32 v3, v2;
	_ =	sdelay $0x1  }
0x32d: {  	[tilespmem:v5+s22+$0x0] =	vst.idx.msk $0xffff, v2  }
0x32e: {  	v2 =	vld.idx.msk [tilespmem:v6+s13+$0x0], $0xffff  }
0x32f: {  	s17 =	sadd.s32 $0xFFFFFFFE, s12;
	v3 =	vld.idx.msk [tilespmem:v4+s22+$0x0], $0xffff  }
0x330: {  	v5 =	vmov s17  }
0x331: {  	v6 =	vmul.u32 $0x18, v5;
	v5 =	vshll.u32 v5, $0x4;
	_ =	sdelay $0x1  }
0x332: {  	v6 =	vadd.s32 v1, v6  }
0x333: {  	v5 =	vor.u32 v0, v5  }
0x334: {  	v2 =	vmul.f32 v3, v2;
	_ =	sdelay $0x1  }
0x335: {  	[tilespmem:v4+s22+$0x0] =	vst.idx.msk $0xffff, v2  }
0x336: {  	v3 =	vld.idx.msk [tilespmem:v6+s13+$0x0], $0xffff  }
0x337: {  	s17 =	sadd.s32 $0xFFFFFFFF, s12;
	v4 =	vld.idx.msk [tilespmem:v5+s22+$0x0], $0xffff  }
0x338: {  	v2 =	vmov s17  }
0x339: {  	v6 =	vmul.u32 $0x18, v2;
	v2 =	vshll.u32 v2, $0x4;
	_ =	sdelay $0x1  }
0x33a: {  	v6 =	vadd.s32 v1, v6  }
0x33b: {  	v2 =	vor.u32 v0, v2  }
0x33c: {  	v3 =	vmul.f32 v4, v3  }
.Ltmp2:
0x33d: {  	(pc) =	sbr.rel @p0 .LBB2_7-.Ltmp2, $4  }
0x33e: {  	[tilespmem:v5+s22+$0x0] =	vst.idx.msk $0xffff, v3  }
0x33f: {  	v3 =	vld.idx.msk [tilespmem:v6+s13+$0x0], $0xffff  }
0x340: {  	v4 =	vld.idx.msk [tilespmem:v2+s22+$0x0], $0xffff  }
0x341: {  	v5 =	vmov s12  }
0x342: {  	v6 =	vmul.u32 $0x18, v5;
	v63 =	vshll.u32 v5, $0x4  }
0x343: {  	v5 =	vor.u32 v0, v63  }
0x344: {  	v6 =	vadd.s32 v1, v6  }
0x345: {  	v3 =	vmul.f32 v4, v3;
	_ =	sdelay $0x1  }
0x346: {  	[tilespmem:v2+s22+$0x0] =	vst.idx.msk $0xffff, v3  }
0x347: {  	v3 =	vld.idx.msk [tilespmem:v5+s22+$0x0], $0xffff  }
0x348: {  	v2 =	vld.idx.msk [tilespmem:v6+s13+$0x0], $0xffff;
	_ =	sdelay $0x1  }
0x349: {  	s15 =	sadd.s32 $0x1, s15  }
0x34a: {  	p0 =	sne.s32 s15, $0x208  }
.Ltmp3:
0x34b: {  	_ = 	snop;
	(pc) =	sbr.rel @p0 .LBB2_2-.Ltmp3, $3  }
0x34c: {  	v2 =	vmul.f32 v3, v2;
	_ =	sdelay $0x1  }
0x34d: {  	s28 =	simm.s32 $0x18A80;
	[tilespmem:v5+s22+$0x0] =	vst.idx.msk $0xffff, v2  }
0x34e: {  	[spmem:s3] =	stream.indirect.scatter.add.f32 [tilespmem:s22], [sflag:$0x9], $0x10, s18, s0, $0xb8;
	[tilespmem:$0x1D180] =	vst v63  }
0x34f: {  	_ =	swait.ge [sflag:s10], $0x80  }
0x350: {  	[sflag:s10] =	ssyncset.done $0x0  }
0x351: {  	[sflag:s10] =	ssyncadd.s32 $0xFFFFFF80  }
0x352: {  	_ =	swait.ge [sflag:s10], $0xC00  }
0x353: {  	[sflag:s10] =	ssyncset.done $0x0  }
0x354: {  	[sflag:s10] =	ssyncadd.s32 $0xFFFFF400  }
0x355: {  	_ =	swait.ge [sflag:s10], $0x80  }
0x356: {  	s12 =	simm.s32 $0x0;
	[sflag:s10] =	ssyncset.done $0x0  }
0x357: {  	s18 =	simm.s32 $0x9;
	v2 =	vmov s12;
	[sflag:s10] =	ssyncadd.s32 $0xFFFFFF80  }
0x358: {  	v3 =	vmul.u32 $0x18, v2;
	_ =	swait.ge [sflag:s18], $0x800  }
0x359: {  	[sflag:s18] =	ssyncset.done $0x0  }
0x35a: {  	s28 =	simm.s32 $0x18880;
	v2 =	vshll.u32 v2, $0x4;
	v3 =	vor.u32 v1, v3;
	[sflag:s18] =	ssyncadd.s32 $0xFFFFF800  }
0x35b: {  	v2 =	vor.u32 v0, v2;
	[tilespmem:s11], [sflag:$0x5] =	stream.indirect.gather [hbm4b:s14+s0], $0x10, s28, s0, $0xb8;
	[tilespmem:$0x1D180] =	vst v63  }
0x35c: {  	_ =	swait.ge [sflag:s19], $0x800  }
0x35d: {  	[sflag:s19] =	ssyncset.done $0x0  }
0x35e: {  	[sflag:s19] =	ssyncadd.s32 $0xFFFFF800  }
0x35f: {  	s15 =	simm.s32 $0x1;
	v3 =	vld.idx.msk [tilespmem:v3+s26+$0x0], $0xffff  }
0x360: {  	v5 =	vmov s15;
	v4 =	vld.idx.msk [tilespmem:v2+s6+$0x0], $0xffff  }
0x361: {  	v6 =	vmul.u32 $0x18, v5;
	_ =	sdelay $0x1  }
0x362: {  	v5 =	vshll.u32 v5, $0x4;
	v6 =	vadd.s32 v1, v6  }
0x363: {  	v5 =	vor.u32 v0, v5  }
0x364: {  	v3 =	vmul.f32 v4, v3;
	_ =	sdelay $0x1  }
0x365: {  	[tilespmem:v2+s6+$0x0] =	vst.idx.msk $0xffff, v3  }
0x366: {  	s16 =	simm.s32 $0x2;
	v2 =	vld.idx.msk [tilespmem:v6+s26+$0x0], $0xffff  }
0x367: {  	v4 =	vmov s16;
	v3 =	vld.idx.msk [tilespmem:v5+s6+$0x0], $0xffff  }
0x368: {  	v6 =	vmul.u32 $0x18, v4;
	_ =	sdelay $0x1  }
0x369: {  	v4 =	vshll.u32 v4, $0x4;
	v6 =	vadd.s32 v1, v6  }
0x36a: {  	v4 =	vor.u32 v0, v4  }
0x36b: {  	v2 =	vmul.f32 v3, v2;
	_ =	sdelay $0x1  }
0x36c: {  	[tilespmem:v5+s6+$0x0] =	vst.idx.msk $0xffff, v2  }
0x36d: {  	s17 =	simm.s32 $0x3;
	v2 =	vld.idx.msk [tilespmem:v6+s26+$0x0], $0xffff  }
0x36e: {  	v5 =	vmov s17;
	v3 =	vld.idx.msk [tilespmem:v4+s6+$0x0], $0xffff  }
0x36f: {  	v6 =	vmul.u32 $0x18, v5;
	_ =	sdelay $0x1  }
0x370: {  	v5 =	vshll.u32 v5, $0x4;
	v6 =	vadd.s32 v1, v6  }
0x371: {  	v5 =	vor.u32 v0, v5  }
0x372: {  	v2 =	vmul.f32 v3, v2;
	_ =	sdelay $0x1  }
0x373: {  	[tilespmem:v4+s6+$0x0] =	vst.idx.msk $0xffff, v2  }
0x374: {  	s18 =	simm.s32 $0x4;
	v2 =	vld.idx.msk [tilespmem:v6+s26+$0x0], $0xffff  }
0x375: {  	v4 =	vmov s18;
	v3 =	vld.idx.msk [tilespmem:v5+s6+$0x0], $0xffff  }
0x376: {  	v6 =	vmul.u32 $0x18, v4;
	_ =	sdelay $0x1  }
0x377: {  	v4 =	vshll.u32 v4, $0x4;
	v6 =	vor.u32 v1, v6  }
0x378: {  	v4 =	vor.u32 v0, v4  }
0x379: {  	v2 =	vmul.f32 v3, v2;
	_ =	sdelay $0x1  }
0x37a: {  	[tilespmem:v5+s6+$0x0] =	vst.idx.msk $0xffff, v2  }
0x37b: {  	s28 =	simm.s32 $0x5;
	v2 =	vld.idx.msk [tilespmem:v6+s26+$0x0], $0xffff  }
0x37c: {  	v5 =	vmov s28;
	v3 =	vld.idx.msk [tilespmem:v4+s6+$0x0], $0xffff  }
0x37d: {  	v6 =	vmul.u32 $0x18, v5;
	_ =	sdelay $0x1  }
0x37e: {  	v5 =	vshll.u32 v5, $0x4;
	v6 =	vadd.s32 v1, v6  }
0x37f: {  	v5 =	vor.u32 v0, v5  }
0x380: {  	v2 =	vmul.f32 v3, v2;
	_ =	sdelay $0x1  }
0x381: {  	[tilespmem:v4+s6+$0x0] =	vst.idx.msk $0xffff, v2  }
0x382: {  	s15 =	simm.s32 $0x6;
	v2 =	vld.idx.msk [tilespmem:v6+s26+$0x0], $0xffff  }
0x383: {  	v4 =	vmov s15;
	v3 =	vld.idx.msk [tilespmem:v5+s6+$0x0], $0xffff  }
0x384: {  	v6 =	vmul.u32 $0x18, v4;
	_ =	sdelay $0x1  }
0x385: {  	v4 =	vshll.u32 v4, $0x4;
	v6 =	vadd.s32 v1, v6  }
0x386: {  	v4 =	vor.u32 v0, v4  }
0x387: {  	v2 =	vmul.f32 v3, v2;
	_ =	sdelay $0x1  }
0x388: {  	[tilespmem:v5+s6+$0x0] =	vst.idx.msk $0xffff, v2  }
0x389: {  	s16 =	simm.s32 $0x7;
	v2 =	vld.idx.msk [tilespmem:v6+s26+$0x0], $0xffff  }
0x38a: {  	v5 =	vmov s16;
	v3 =	vld.idx.msk [tilespmem:v4+s6+$0x0], $0xffff  }
0x38b: {  	v6 =	vmul.u32 $0x18, v5;
	_ =	sdelay $0x1  }
0x38c: {  	v5 =	vshll.u32 v5, $0x4;
	v6 =	vadd.s32 v1, v6  }
0x38d: {  	v5 =	vor.u32 v0, v5  }
0x38e: {  	v2 =	vmul.f32 v3, v2;
	_ =	sdelay $0x1  }
0x38f: {  	[tilespmem:v4+s6+$0x0] =	vst.idx.msk $0xffff, v2  }
0x390: {  	s17 =	simm.s32 $0x8;
	v2 =	vld.idx.msk [tilespmem:v6+s26+$0x0], $0xffff  }
0x391: {  	v4 =	vmov s17;
	v3 =	vld.idx.msk [tilespmem:v5+s6+$0x0], $0xffff  }
0x392: {  	v6 =	vmul.u32 $0x18, v4;
	_ =	sdelay $0x1  }
0x393: {  	v4 =	vshll.u32 v4, $0x4;
	v6 =	vor.u32 v1, v6  }
0x394: {  	v4 =	vor.u32 v0, v4  }
0x395: {  	v2 =	vmul.f32 v3, v2;
	_ =	sdelay $0x1  }
0x396: {  	[tilespmem:v5+s6+$0x0] =	vst.idx.msk $0xffff, v2  }
0x397: {  	s18 =	simm.s32 $0x9;
	v2 =	vld.idx.msk [tilespmem:v6+s26+$0x0], $0xffff  }
0x398: {  	v5 =	vmov s18;
	v3 =	vld.idx.msk [tilespmem:v4+s6+$0x0], $0xffff  }
0x399: {  	v6 =	vmul.u32 $0x18, v5;
	_ =	sdelay $0x1  }
0x39a: {  	v5 =	vshll.u32 v5, $0x4;
	v6 =	vadd.s32 v1, v6  }
0x39b: {  	v5 =	vor.u32 v0, v5  }
0x39c: {  	v2 =	vmul.f32 v3, v2;
	_ =	sdelay $0x1  }
0x39d: {  	[tilespmem:v4+s6+$0x0] =	vst.idx.msk $0xffff, v2  }
0x39e: {  	s28 =	simm.s32 $0xA;
	v2 =	vld.idx.msk [tilespmem:v6+s26+$0x0], $0xffff  }
0x39f: {  	v4 =	vmov s28;
	v3 =	vld.idx.msk [tilespmem:v5+s6+$0x0], $0xffff  }
0x3a0: {  	v6 =	vmul.u32 $0x18, v4;
	_ =	sdelay $0x1  }
0x3a1: {  	v4 =	vshll.u32 v4, $0x4;
	v6 =	vadd.s32 v1, v6  }
0x3a2: {  	v4 =	vor.u32 v0, v4  }
0x3a3: {  	v2 =	vmul.f32 v3, v2;
	_ =	sdelay $0x1  }
0x3a4: {  	[tilespmem:v5+s6+$0x0] =	vst.idx.msk $0xffff, v2  }
0x3a5: {  	s15 =	simm.s32 $0xB;
	v2 =	vld.idx.msk [tilespmem:v6+s26+$0x0], $0xffff  }
0x3a6: {  	v5 =	vmov s15;
	v3 =	vld.idx.msk [tilespmem:v4+s6+$0x0], $0xffff  }
0x3a7: {  	v6 =	vmul.u32 $0x18, v5;
	_ =	sdelay $0x1  }
0x3a8: {  	v5 =	vshll.u32 v5, $0x4;
	v6 =	vadd.s32 v1, v6  }
0x3a9: {  	v5 =	vor.u32 v0, v5  }
0x3aa: {  	v2 =	vmul.f32 v3, v2;
	_ =	sdelay $0x1  }
0x3ab: {  	[tilespmem:v4+s6+$0x0] =	vst.idx.msk $0xffff, v2  }
0x3ac: {  	s16 =	simm.s32 $0xC;
	v2 =	vld.idx.msk [tilespmem:v6+s26+$0x0], $0xffff  }
0x3ad: {  	v4 =	vmov s16;
	v3 =	vld.idx.msk [tilespmem:v5+s6+$0x0], $0xffff  }
0x3ae: {  	v6 =	vmul.u32 $0x18, v4;
	_ =	sdelay $0x1  }
0x3af: {  	v4 =	vshll.u32 v4, $0x4;
	v6 =	vor.u32 v1, v6  }
0x3b0: {  	v4 =	vor.u32 v0, v4  }
0x3b1: {  	v2 =	vmul.f32 v3, v2;
	_ =	sdelay $0x1  }
0x3b2: {  	[tilespmem:v5+s6+$0x0] =	vst.idx.msk $0xffff, v2  }
0x3b3: {  	s17 =	simm.s32 $0xD;
	v2 =	vld.idx.msk [tilespmem:v6+s26+$0x0], $0xffff  }
0x3b4: {  	v5 =	vmov s17;
	v3 =	vld.idx.msk [tilespmem:v4+s6+$0x0], $0xffff  }
0x3b5: {  	v6 =	vmul.u32 $0x18, v5;
	_ =	sdelay $0x1  }
0x3b6: {  	v5 =	vshll.u32 v5, $0x4;
	v6 =	vadd.s32 v1, v6  }
0x3b7: {  	v5 =	vor.u32 v0, v5  }
0x3b8: {  	v2 =	vmul.f32 v3, v2;
	_ =	sdelay $0x1  }
0x3b9: {  	[tilespmem:v4+s6+$0x0] =	vst.idx.msk $0xffff, v2  }
0x3ba: {  	s18 =	simm.s32 $0xE;
	v3 =	vld.idx.msk [tilespmem:v6+s26+$0x0], $0xffff  }
0x3bb: {  	v2 =	vmov s18;
	v4 =	vld.idx.msk [tilespmem:v5+s6+$0x0], $0xffff  }
0x3bc: {  	v6 =	vmul.u32 $0x18, v2;
	_ =	sdelay $0x1  }
0x3bd: {  	v2 =	vshll.u32 v2, $0x4;
	v6 =	vadd.s32 v1, v6  }
0x3be: {  	v2 =	vor.u32 v0, v2  }
0x3bf: {  	v3 =	vmul.f32 v4, v3;
	_ =	sdelay $0x1  }
0x3c0: {  	[tilespmem:v5+s6+$0x0] =	vst.idx.msk $0xffff, v3  }
0x3c1: {  	s28 =	simm.s32 $0xF;
	v3 =	vld.idx.msk [tilespmem:v6+s26+$0x0], $0xffff  }
0x3c2: {  	s15 =	simm.s32 $0x1F;
	v5 =	vmov s28;
	v4 =	vld.idx.msk [tilespmem:v2+s6+$0x0], $0xffff  }
.LBB2_10:
0x3c3: {  	p0 =	sne.s32 s15, $0x7F;
	v6 =	vmul.u32 $0x18, v5;
	s12 =	smov.u32 s15;
	s15 =	sadd.s32 $0x10, s15  }
0x3c4: {  	v5 =	vshll.u32 v5, $0x4  }
0x3c5: {  	v5 =	vor.u32 v0, v5;
	v6 =	vadd.s32 v1, v6;
	_ =	sdelay $0x1  }
0x3c6: {  	v3 =	vmul.f32 v4, v3;
	_ =	sdelay $0x1  }
0x3c7: {  	[tilespmem:v2+s6+$0x0] =	vst.idx.msk $0xffff, v3  }
0x3c8: {  	v2 =	vld.idx.msk [tilespmem:v6+s26+$0x0], $0xffff  }
0x3c9: {  	s16 =	sadd.s32 $0xFFFFFFF1, s12;
	v3 =	vld.idx.msk [tilespmem:v5+s6+$0x0], $0xffff  }
0x3ca: {  	v4 =	vmov s16  }
0x3cb: {  	v6 =	vmul.u32 $0x18, v4;
	v4 =	vshll.u32 v4, $0x4;
	_ =	sdelay $0x1  }
0x3cc: {  	v4 =	vor.u32 v0, v4;
	v6 =	vor.u32 v1, v6;
	_ =	sdelay $0x1  }
0x3cd: {  	v2 =	vmul.f32 v3, v2;
	_ =	sdelay $0x1  }
0x3ce: {  	[tilespmem:v5+s6+$0x0] =	vst.idx.msk $0xffff, v2  }
0x3cf: {  	v2 =	vld.idx.msk [tilespmem:v6+s26+$0x0], $0xffff  }
0x3d0: {  	s16 =	sadd.s32 $0xFFFFFFF2, s12;
	v3 =	vld.idx.msk [tilespmem:v4+s6+$0x0], $0xffff  }
0x3d1: {  	v5 =	vmov s16  }
0x3d2: {  	v6 =	vmul.u32 $0x18, v5;
	v5 =	vshll.u32 v5, $0x4;
	_ =	sdelay $0x1  }
0x3d3: {  	v6 =	vadd.s32 v1, v6  }
0x3d4: {  	v5 =	vor.u32 v0, v5  }
0x3d5: {  	v2 =	vmul.f32 v3, v2;
	_ =	sdelay $0x1  }
0x3d6: {  	[tilespmem:v4+s6+$0x0] =	vst.idx.msk $0xffff, v2  }
0x3d7: {  	v2 =	vld.idx.msk [tilespmem:v6+s26+$0x0], $0xffff  }
0x3d8: {  	s16 =	sadd.s32 $0xFFFFFFF3, s12;
	v3 =	vld.idx.msk [tilespmem:v5+s6+$0x0], $0xffff  }
0x3d9: {  	v4 =	vmov s16  }
0x3da: {  	v6 =	vmul.u32 $0x18, v4;
	v4 =	vshll.u32 v4, $0x4;
	_ =	sdelay $0x1  }
0x3db: {  	v6 =	vadd.s32 v1, v6  }
0x3dc: {  	v4 =	vor.u32 v0, v4  }
0x3dd: {  	v2 =	vmul.f32 v3, v2;
	_ =	sdelay $0x1  }
0x3de: {  	[tilespmem:v5+s6+$0x0] =	vst.idx.msk $0xffff, v2  }
0x3df: {  	v2 =	vld.idx.msk [tilespmem:v6+s26+$0x0], $0xffff  }
0x3e0: {  	s16 =	sadd.s32 $0xFFFFFFF4, s12;
	v3 =	vld.idx.msk [tilespmem:v4+s6+$0x0], $0xffff  }
0x3e1: {  	v5 =	vmov s16  }
0x3e2: {  	v6 =	vmul.u32 $0x18, v5;
	v5 =	vshll.u32 v5, $0x4;
	_ =	sdelay $0x1  }
0x3e3: {  	v6 =	vadd.s32 v1, v6  }
0x3e4: {  	v5 =	vor.u32 v0, v5  }
0x3e5: {  	v2 =	vmul.f32 v3, v2;
	_ =	sdelay $0x1  }
0x3e6: {  	[tilespmem:v4+s6+$0x0] =	vst.idx.msk $0xffff, v2  }
0x3e7: {  	v2 =	vld.idx.msk [tilespmem:v6+s26+$0x0], $0xffff  }
0x3e8: {  	s16 =	sadd.s32 $0xFFFFFFF5, s12;
	v3 =	vld.idx.msk [tilespmem:v5+s6+$0x0], $0xffff  }
0x3e9: {  	v4 =	vmov s16  }
0x3ea: {  	v6 =	vmul.u32 $0x18, v4;
	v4 =	vshll.u32 v4, $0x4;
	_ =	sdelay $0x1  }
0x3eb: {  	v6 =	vor.u32 v1, v6  }
0x3ec: {  	v4 =	vor.u32 v0, v4  }
0x3ed: {  	v2 =	vmul.f32 v3, v2;
	_ =	sdelay $0x1  }
0x3ee: {  	[tilespmem:v5+s6+$0x0] =	vst.idx.msk $0xffff, v2  }
0x3ef: {  	v2 =	vld.idx.msk [tilespmem:v6+s26+$0x0], $0xffff  }
0x3f0: {  	s16 =	sadd.s32 $0xFFFFFFF6, s12;
	v3 =	vld.idx.msk [tilespmem:v4+s6+$0x0], $0xffff  }
0x3f1: {  	v5 =	vmov s16  }
0x3f2: {  	v6 =	vmul.u32 $0x18, v5;
	v5 =	vshll.u32 v5, $0x4;
	_ =	sdelay $0x1  }
0x3f3: {  	v6 =	vadd.s32 v1, v6  }
0x3f4: {  	v5 =	vor.u32 v0, v5  }
0x3f5: {  	v2 =	vmul.f32 v3, v2;
	_ =	sdelay $0x1  }
0x3f6: {  	[tilespmem:v4+s6+$0x0] =	vst.idx.msk $0xffff, v2  }
0x3f7: {  	v2 =	vld.idx.msk [tilespmem:v6+s26+$0x0], $0xffff  }
0x3f8: {  	s16 =	sadd.s32 $0xFFFFFFF7, s12;
	v3 =	vld.idx.msk [tilespmem:v5+s6+$0x0], $0xffff  }
0x3f9: {  	v4 =	vmov s16  }
0x3fa: {  	v6 =	vmul.u32 $0x18, v4;
	v4 =	vshll.u32 v4, $0x4;
	_ =	sdelay $0x1  }
0x3fb: {  	v6 =	vadd.s32 v1, v6  }
0x3fc: {  	v4 =	vor.u32 v0, v4  }
0x3fd: {  	v2 =	vmul.f32 v3, v2;
	_ =	sdelay $0x1  }
0x3fe: {  	[tilespmem:v5+s6+$0x0] =	vst.idx.msk $0xffff, v2  }
0x3ff: {  	v2 =	vld.idx.msk [tilespmem:v6+s26+$0x0], $0xffff  }
0x400: {  	s16 =	sadd.s32 $0xFFFFFFF8, s12;
	v3 =	vld.idx.msk [tilespmem:v4+s6+$0x0], $0xffff  }
0x401: {  	v5 =	vmov s16  }
0x402: {  	v6 =	vmul.u32 $0x18, v5;
	v5 =	vshll.u32 v5, $0x4;
	_ =	sdelay $0x1  }
0x403: {  	v6 =	vadd.s32 v1, v6  }
0x404: {  	v5 =	vor.u32 v0, v5  }
0x405: {  	v2 =	vmul.f32 v3, v2;
	_ =	sdelay $0x1  }
0x406: {  	[tilespmem:v4+s6+$0x0] =	vst.idx.msk $0xffff, v2  }
0x407: {  	v2 =	vld.idx.msk [tilespmem:v6+s26+$0x0], $0xffff  }
0x408: {  	s16 =	sadd.s32 $0xFFFFFFF9, s12;
	v3 =	vld.idx.msk [tilespmem:v5+s6+$0x0], $0xffff  }
0x409: {  	v4 =	vmov s16  }
0x40a: {  	v6 =	vmul.u32 $0x18, v4;
	v4 =	vshll.u32 v4, $0x4;
	_ =	sdelay $0x1  }
0x40b: {  	v6 =	vor.u32 v1, v6  }
0x40c: {  	v4 =	vor.u32 v0, v4  }
0x40d: {  	v2 =	vmul.f32 v3, v2;
	_ =	sdelay $0x1  }
0x40e: {  	[tilespmem:v5+s6+$0x0] =	vst.idx.msk $0xffff, v2  }
0x40f: {  	v2 =	vld.idx.msk [tilespmem:v6+s26+$0x0], $0xffff  }
0x410: {  	s16 =	sadd.s32 $0xFFFFFFFA, s12;
	v3 =	vld.idx.msk [tilespmem:v4+s6+$0x0], $0xffff  }
0x411: {  	v5 =	vmov s16  }
0x412: {  	v6 =	vmul.u32 $0x18, v5;
	v5 =	vshll.u32 v5, $0x4;
	_ =	sdelay $0x1  }
0x413: {  	v6 =	vadd.s32 v1, v6  }
0x414: {  	v5 =	vor.u32 v0, v5  }
0x415: {  	v2 =	vmul.f32 v3, v2;
	_ =	sdelay $0x1  }
0x416: {  	[tilespmem:v4+s6+$0x0] =	vst.idx.msk $0xffff, v2  }
0x417: {  	v2 =	vld.idx.msk [tilespmem:v6+s26+$0x0], $0xffff  }
0x418: {  	s16 =	sadd.s32 $0xFFFFFFFB, s12;
	v3 =	vld.idx.msk [tilespmem:v5+s6+$0x0], $0xffff  }
0x419: {  	v4 =	vmov s16  }
0x41a: {  	v6 =	vmul.u32 $0x18, v4;
	v4 =	vshll.u32 v4, $0x4;
	_ =	sdelay $0x1  }
0x41b: {  	v6 =	vadd.s32 v1, v6  }
0x41c: {  	v4 =	vor.u32 v0, v4  }
0x41d: {  	v2 =	vmul.f32 v3, v2;
	_ =	sdelay $0x1  }
0x41e: {  	[tilespmem:v5+s6+$0x0] =	vst.idx.msk $0xffff, v2  }
0x41f: {  	v2 =	vld.idx.msk [tilespmem:v6+s26+$0x0], $0xffff  }
0x420: {  	s16 =	sadd.s32 $0xFFFFFFFC, s12;
	v3 =	vld.idx.msk [tilespmem:v4+s6+$0x0], $0xffff  }
0x421: {  	v5 =	vmov s16  }
0x422: {  	v6 =	vmul.u32 $0x18, v5;
	v5 =	vshll.u32 v5, $0x4;
	_ =	sdelay $0x1  }
0x423: {  	v6 =	vadd.s32 v1, v6  }
0x424: {  	v5 =	vor.u32 v0, v5  }
0x425: {  	v2 =	vmul.f32 v3, v2;
	_ =	sdelay $0x1  }
0x426: {  	[tilespmem:v4+s6+$0x0] =	vst.idx.msk $0xffff, v2  }
0x427: {  	v2 =	vld.idx.msk [tilespmem:v6+s26+$0x0], $0xffff  }
0x428: {  	s16 =	sadd.s32 $0xFFFFFFFD, s12;
	v3 =	vld.idx.msk [tilespmem:v5+s6+$0x0], $0xffff  }
0x429: {  	v4 =	vmov s16  }
0x42a: {  	v6 =	vmul.u32 $0x18, v4;
	v4 =	vshll.u32 v4, $0x4;
	_ =	sdelay $0x1  }
0x42b: {  	v6 =	vor.u32 v1, v6  }
0x42c: {  	v4 =	vor.u32 v0, v4  }
0x42d: {  	v2 =	vmul.f32 v3, v2;
	_ =	sdelay $0x1  }
0x42e: {  	[tilespmem:v5+s6+$0x0] =	vst.idx.msk $0xffff, v2  }
0x42f: {  	v2 =	vld.idx.msk [tilespmem:v6+s26+$0x0], $0xffff  }
0x430: {  	s16 =	sadd.s32 $0xFFFFFFFE, s12;
	v3 =	vld.idx.msk [tilespmem:v4+s6+$0x0], $0xffff  }
0x431: {  	v5 =	vmov s16  }
0x432: {  	v6 =	vmul.u32 $0x18, v5;
	v5 =	vshll.u32 v5, $0x4;
	_ =	sdelay $0x1  }
0x433: {  	v6 =	vadd.s32 v1, v6  }
0x434: {  	v5 =	vor.u32 v0, v5  }
0x435: {  	v2 =	vmul.f32 v3, v2;
	_ =	sdelay $0x1  }
0x436: {  	[tilespmem:v4+s6+$0x0] =	vst.idx.msk $0xffff, v2  }
0x437: {  	v3 =	vld.idx.msk [tilespmem:v6+s26+$0x0], $0xffff  }
0x438: {  	s16 =	sadd.s32 $0xFFFFFFFF, s12;
	v4 =	vld.idx.msk [tilespmem:v5+s6+$0x0], $0xffff  }
0x439: {  	v2 =	vmov s16  }
0x43a: {  	v6 =	vmul.u32 $0x18, v2;
	v2 =	vshll.u32 v2, $0x4;
	_ =	sdelay $0x1  }
0x43b: {  	v6 =	vadd.s32 v1, v6  }
0x43c: {  	v2 =	vor.u32 v0, v2  }
0x43d: {  	v3 =	vmul.f32 v4, v3  }
.Ltmp4:
0x43e: {  	(pc) =	sbr.rel @p0 .LBB2_10-.Ltmp4, $4  }
0x43f: {  	[tilespmem:v5+s6+$0x0] =	vst.idx.msk $0xffff, v3  }
0x440: {  	v3 =	vld.idx.msk [tilespmem:v6+s26+$0x0], $0xffff  }
0x441: {  	v4 =	vld.idx.msk [tilespmem:v2+s6+$0x0], $0xffff  }
0x442: {  	v5 =	vmov s12  }
0x443: {  	v6 =	vmul.u32 $0x18, v5;
	v5 =	vshll.u32 v5, $0x4  }
0x444: {  	v5 =	vor.u32 v0, v5  }
0x445: {  	v6 =	vadd.s32 v1, v6  }
0x446: {  	v3 =	vmul.f32 v4, v3;
	_ =	sdelay $0x1  }
0x447: {  	[tilespmem:v2+s6+$0x0] =	vst.idx.msk $0xffff, v3  }
0x448: {  	v3 =	vld.idx.msk [tilespmem:v5+s6+$0x0], $0xffff  }
0x449: {  	v2 =	vld.idx.msk [tilespmem:v6+s26+$0x0], $0xffff;
	_ =	sdelay $0x2  }
0x44a: {  	s12 =	simm.s32 $0x0  }
0x44b: {  	v4 =	vmov s12  }
0x44c: {  	v2 =	vmul.f32 v3, v2;
	v3 =	vmul.u32 $0x18, v4;
	_ =	sdelay $0x1  }
0x44d: {  	[tilespmem:v5+s6+$0x0] =	vst.idx.msk $0xffff, v2;
	v2 =	vshll.u32 v4, $0x4;
	v3 =	vor.u32 v1, v3  }
0x44e: {  	[spmem:s3] =	stream.indirect.scatter.add.f32 [tilespmem:s6], [sflag:$0x7], $0x10, s29, s0, $0xb8;
	v2 =	vor.u32 v0, v2;
	[tilespmem:$0x1D180] =	vst v63  }
0x44f: {  	_ =	swait.ge [sflag:s9], $0x800  }
0x450: {  	[sflag:s9] =	ssyncset.done $0x0  }
0x451: {  	[sflag:s9] =	ssyncadd.s32 $0xFFFFF800  }
0x452: {  	s16 =	simm.s32 $0x1;
	v3 =	vld.idx.msk [tilespmem:v3+s30+$0x0], $0xffff  }
0x453: {  	v5 =	vmov s16;
	v4 =	vld.idx.msk [tilespmem:v2+s11+$0x0], $0xffff  }
0x454: {  	v6 =	vmul.u32 $0x18, v5;
	_ =	sdelay $0x1  }
0x455: {  	v5 =	vshll.u32 v5, $0x4;
	v6 =	vadd.s32 v1, v6  }
0x456: {  	v5 =	vor.u32 v0, v5  }
0x457: {  	v3 =	vmul.f32 v4, v3;
	_ =	sdelay $0x1  }
0x458: {  	[tilespmem:v2+s11+$0x0] =	vst.idx.msk $0xffff, v3  }
0x459: {  	s17 =	simm.s32 $0x2;
	v2 =	vld.idx.msk [tilespmem:v6+s30+$0x0], $0xffff  }
0x45a: {  	v4 =	vmov s17;
	v3 =	vld.idx.msk [tilespmem:v5+s11+$0x0], $0xffff  }
0x45b: {  	v6 =	vmul.u32 $0x18, v4;
	_ =	sdelay $0x1  }
0x45c: {  	v4 =	vshll.u32 v4, $0x4;
	v6 =	vadd.s32 v1, v6  }
0x45d: {  	v4 =	vor.u32 v0, v4  }
0x45e: {  	v2 =	vmul.f32 v3, v2;
	_ =	sdelay $0x1  }
0x45f: {  	[tilespmem:v5+s11+$0x0] =	vst.idx.msk $0xffff, v2  }
0x460: {  	s18 =	simm.s32 $0x3;
	v2 =	vld.idx.msk [tilespmem:v6+s30+$0x0], $0xffff  }
0x461: {  	v5 =	vmov s18;
	v3 =	vld.idx.msk [tilespmem:v4+s11+$0x0], $0xffff  }
0x462: {  	v6 =	vmul.u32 $0x18, v5;
	_ =	sdelay $0x1  }
0x463: {  	v5 =	vshll.u32 v5, $0x4;
	v6 =	vadd.s32 v1, v6  }
0x464: {  	v5 =	vor.u32 v0, v5  }
0x465: {  	v2 =	vmul.f32 v3, v2;
	_ =	sdelay $0x1  }
0x466: {  	[tilespmem:v4+s11+$0x0] =	vst.idx.msk $0xffff, v2  }
0x467: {  	s15 =	simm.s32 $0x4;
	v2 =	vld.idx.msk [tilespmem:v6+s30+$0x0], $0xffff  }
0x468: {  	v4 =	vmov s15;
	v3 =	vld.idx.msk [tilespmem:v5+s11+$0x0], $0xffff  }
0x469: {  	v6 =	vmul.u32 $0x18, v4;
	_ =	sdelay $0x1  }
0x46a: {  	v4 =	vshll.u32 v4, $0x4;
	v6 =	vor.u32 v1, v6  }
0x46b: {  	v4 =	vor.u32 v0, v4  }
0x46c: {  	v2 =	vmul.f32 v3, v2;
	_ =	sdelay $0x1  }
0x46d: {  	[tilespmem:v5+s11+$0x0] =	vst.idx.msk $0xffff, v2  }
0x46e: {  	s16 =	simm.s32 $0x5;
	v2 =	vld.idx.msk [tilespmem:v6+s30+$0x0], $0xffff  }
0x46f: {  	v5 =	vmov s16;
	v3 =	vld.idx.msk [tilespmem:v4+s11+$0x0], $0xffff  }
0x470: {  	v6 =	vmul.u32 $0x18, v5;
	_ =	sdelay $0x1  }
0x471: {  	v5 =	vshll.u32 v5, $0x4;
	v6 =	vadd.s32 v1, v6  }
0x472: {  	v5 =	vor.u32 v0, v5  }
0x473: {  	v2 =	vmul.f32 v3, v2;
	_ =	sdelay $0x1  }
0x474: {  	[tilespmem:v4+s11+$0x0] =	vst.idx.msk $0xffff, v2  }
0x475: {  	s17 =	simm.s32 $0x6;
	v2 =	vld.idx.msk [tilespmem:v6+s30+$0x0], $0xffff  }
0x476: {  	v4 =	vmov s17;
	v3 =	vld.idx.msk [tilespmem:v5+s11+$0x0], $0xffff  }
0x477: {  	v6 =	vmul.u32 $0x18, v4;
	_ =	sdelay $0x1  }
0x478: {  	v4 =	vshll.u32 v4, $0x4;
	v6 =	vadd.s32 v1, v6  }
0x479: {  	v4 =	vor.u32 v0, v4  }
0x47a: {  	v2 =	vmul.f32 v3, v2;
	_ =	sdelay $0x1  }
0x47b: {  	[tilespmem:v5+s11+$0x0] =	vst.idx.msk $0xffff, v2  }
0x47c: {  	s18 =	simm.s32 $0x7;
	v2 =	vld.idx.msk [tilespmem:v6+s30+$0x0], $0xffff  }
0x47d: {  	v5 =	vmov s18;
	v3 =	vld.idx.msk [tilespmem:v4+s11+$0x0], $0xffff  }
0x47e: {  	v6 =	vmul.u32 $0x18, v5;
	_ =	sdelay $0x1  }
0x47f: {  	v5 =	vshll.u32 v5, $0x4;
	v6 =	vadd.s32 v1, v6  }
0x480: {  	v5 =	vor.u32 v0, v5  }
0x481: {  	v2 =	vmul.f32 v3, v2;
	_ =	sdelay $0x1  }
0x482: {  	[tilespmem:v4+s11+$0x0] =	vst.idx.msk $0xffff, v2  }
0x483: {  	s15 =	simm.s32 $0x8;
	v2 =	vld.idx.msk [tilespmem:v6+s30+$0x0], $0xffff  }
0x484: {  	v4 =	vmov s15;
	v3 =	vld.idx.msk [tilespmem:v5+s11+$0x0], $0xffff  }
0x485: {  	v6 =	vmul.u32 $0x18, v4;
	_ =	sdelay $0x1  }
0x486: {  	v4 =	vshll.u32 v4, $0x4;
	v6 =	vor.u32 v1, v6  }
0x487: {  	v4 =	vor.u32 v0, v4  }
0x488: {  	v2 =	vmul.f32 v3, v2;
	_ =	sdelay $0x1  }
0x489: {  	[tilespmem:v5+s11+$0x0] =	vst.idx.msk $0xffff, v2  }
0x48a: {  	s16 =	simm.s32 $0x9;
	v2 =	vld.idx.msk [tilespmem:v6+s30+$0x0], $0xffff  }
0x48b: {  	v5 =	vmov s16;
	v3 =	vld.idx.msk [tilespmem:v4+s11+$0x0], $0xffff  }
0x48c: {  	v6 =	vmul.u32 $0x18, v5;
	_ =	sdelay $0x1  }
0x48d: {  	v5 =	vshll.u32 v5, $0x4;
	v6 =	vadd.s32 v1, v6  }
0x48e: {  	v5 =	vor.u32 v0, v5  }
0x48f: {  	v2 =	vmul.f32 v3, v2;
	_ =	sdelay $0x1  }
0x490: {  	[tilespmem:v4+s11+$0x0] =	vst.idx.msk $0xffff, v2  }
0x491: {  	s17 =	simm.s32 $0xA;
	v2 =	vld.idx.msk [tilespmem:v6+s30+$0x0], $0xffff  }
0x492: {  	v4 =	vmov s17;
	v3 =	vld.idx.msk [tilespmem:v5+s11+$0x0], $0xffff  }
0x493: {  	v6 =	vmul.u32 $0x18, v4;
	_ =	sdelay $0x1  }
0x494: {  	v4 =	vshll.u32 v4, $0x4;
	v6 =	vadd.s32 v1, v6  }
0x495: {  	v4 =	vor.u32 v0, v4  }
0x496: {  	v2 =	vmul.f32 v3, v2;
	_ =	sdelay $0x1  }
0x497: {  	[tilespmem:v5+s11+$0x0] =	vst.idx.msk $0xffff, v2  }
0x498: {  	s18 =	simm.s32 $0xB;
	v2 =	vld.idx.msk [tilespmem:v6+s30+$0x0], $0xffff  }
0x499: {  	v5 =	vmov s18;
	v3 =	vld.idx.msk [tilespmem:v4+s11+$0x0], $0xffff  }
0x49a: {  	v6 =	vmul.u32 $0x18, v5;
	_ =	sdelay $0x1  }
0x49b: {  	v5 =	vshll.u32 v5, $0x4;
	v6 =	vadd.s32 v1, v6  }
0x49c: {  	v5 =	vor.u32 v0, v5  }
0x49d: {  	v2 =	vmul.f32 v3, v2;
	_ =	sdelay $0x1  }
0x49e: {  	[tilespmem:v4+s11+$0x0] =	vst.idx.msk $0xffff, v2  }
0x49f: {  	s15 =	simm.s32 $0xC;
	v2 =	vld.idx.msk [tilespmem:v6+s30+$0x0], $0xffff  }
0x4a0: {  	v4 =	vmov s15;
	v3 =	vld.idx.msk [tilespmem:v5+s11+$0x0], $0xffff  }
0x4a1: {  	v6 =	vmul.u32 $0x18, v4;
	_ =	sdelay $0x1  }
0x4a2: {  	v4 =	vshll.u32 v4, $0x4;
	v6 =	vor.u32 v1, v6  }
0x4a3: {  	v4 =	vor.u32 v0, v4  }
0x4a4: {  	v2 =	vmul.f32 v3, v2;
	_ =	sdelay $0x1  }
0x4a5: {  	[tilespmem:v5+s11+$0x0] =	vst.idx.msk $0xffff, v2  }
0x4a6: {  	s16 =	simm.s32 $0xD;
	v2 =	vld.idx.msk [tilespmem:v6+s30+$0x0], $0xffff  }
0x4a7: {  	v5 =	vmov s16;
	v3 =	vld.idx.msk [tilespmem:v4+s11+$0x0], $0xffff  }
0x4a8: {  	v6 =	vmul.u32 $0x18, v5;
	_ =	sdelay $0x1  }
0x4a9: {  	v5 =	vshll.u32 v5, $0x4;
	v6 =	vadd.s32 v1, v6  }
0x4aa: {  	v5 =	vor.u32 v0, v5  }
0x4ab: {  	v2 =	vmul.f32 v3, v2;
	_ =	sdelay $0x1  }
0x4ac: {  	[tilespmem:v4+s11+$0x0] =	vst.idx.msk $0xffff, v2  }
0x4ad: {  	s17 =	simm.s32 $0xE;
	v3 =	vld.idx.msk [tilespmem:v6+s30+$0x0], $0xffff  }
0x4ae: {  	v2 =	vmov s17;
	v4 =	vld.idx.msk [tilespmem:v5+s11+$0x0], $0xffff  }
0x4af: {  	v6 =	vmul.u32 $0x18, v2;
	_ =	sdelay $0x1  }
0x4b0: {  	v2 =	vshll.u32 v2, $0x4;
	v6 =	vadd.s32 v1, v6  }
0x4b1: {  	v2 =	vor.u32 v0, v2  }
0x4b2: {  	v3 =	vmul.f32 v4, v3;
	_ =	sdelay $0x1  }
0x4b3: {  	[tilespmem:v5+s11+$0x0] =	vst.idx.msk $0xffff, v3  }
0x4b4: {  	s18 =	simm.s32 $0xF;
	v3 =	vld.idx.msk [tilespmem:v6+s30+$0x0], $0xffff  }
0x4b5: {  	s28 =	simm.s32 $0x40;
	s15 =	simm.s32 $0x1F;
	v5 =	vmov s18;
	s18 =	simm.s32 $0xB;
	v4 =	vld.idx.msk [tilespmem:v2+s11+$0x0], $0xffff  }
.LBB2_12:
0x4b6: {  	p0 =	sne.s32 s15, $0x7F;
	v6 =	vmul.u32 $0x18, v5;
	s12 =	smov.u32 s15;
	s15 =	sadd.s32 $0x10, s15  }
0x4b7: {  	v5 =	vshll.u32 v5, $0x4  }
0x4b8: {  	v5 =	vor.u32 v0, v5;
	v6 =	vadd.s32 v1, v6;
	_ =	sdelay $0x1  }
0x4b9: {  	v3 =	vmul.f32 v4, v3;
	_ =	sdelay $0x1  }
0x4ba: {  	[tilespmem:v2+s11+$0x0] =	vst.idx.msk $0xffff, v3  }
0x4bb: {  	v2 =	vld.idx.msk [tilespmem:v6+s30+$0x0], $0xffff  }
0x4bc: {  	s16 =	sadd.s32 $0xFFFFFFF1, s12;
	v3 =	vld.idx.msk [tilespmem:v5+s11+$0x0], $0xffff  }
0x4bd: {  	v4 =	vmov s16  }
0x4be: {  	v6 =	vmul.u32 $0x18, v4;
	v4 =	vshll.u32 v4, $0x4;
	_ =	sdelay $0x1  }
0x4bf: {  	v4 =	vor.u32 v0, v4;
	v6 =	vor.u32 v1, v6;
	_ =	sdelay $0x1  }
0x4c0: {  	v2 =	vmul.f32 v3, v2;
	_ =	sdelay $0x1  }
0x4c1: {  	[tilespmem:v5+s11+$0x0] =	vst.idx.msk $0xffff, v2  }
0x4c2: {  	v2 =	vld.idx.msk [tilespmem:v6+s30+$0x0], $0xffff  }
0x4c3: {  	s16 =	sadd.s32 $0xFFFFFFF2, s12;
	v3 =	vld.idx.msk [tilespmem:v4+s11+$0x0], $0xffff  }
0x4c4: {  	v5 =	vmov s16  }
0x4c5: {  	v6 =	vmul.u32 $0x18, v5;
	v5 =	vshll.u32 v5, $0x4;
	_ =	sdelay $0x1  }
0x4c6: {  	v6 =	vadd.s32 v1, v6  }
0x4c7: {  	v5 =	vor.u32 v0, v5  }
0x4c8: {  	v2 =	vmul.f32 v3, v2;
	_ =	sdelay $0x1  }
0x4c9: {  	[tilespmem:v4+s11+$0x0] =	vst.idx.msk $0xffff, v2  }
0x4ca: {  	v2 =	vld.idx.msk [tilespmem:v6+s30+$0x0], $0xffff  }
0x4cb: {  	s16 =	sadd.s32 $0xFFFFFFF3, s12;
	v3 =	vld.idx.msk [tilespmem:v5+s11+$0x0], $0xffff  }
0x4cc: {  	v4 =	vmov s16  }
0x4cd: {  	v6 =	vmul.u32 $0x18, v4;
	v4 =	vshll.u32 v4, $0x4;
	_ =	sdelay $0x1  }
0x4ce: {  	v6 =	vadd.s32 v1, v6  }
0x4cf: {  	v4 =	vor.u32 v0, v4  }
0x4d0: {  	v2 =	vmul.f32 v3, v2;
	_ =	sdelay $0x1  }
0x4d1: {  	[tilespmem:v5+s11+$0x0] =	vst.idx.msk $0xffff, v2  }
0x4d2: {  	v2 =	vld.idx.msk [tilespmem:v6+s30+$0x0], $0xffff  }
0x4d3: {  	s16 =	sadd.s32 $0xFFFFFFF4, s12;
	v3 =	vld.idx.msk [tilespmem:v4+s11+$0x0], $0xffff  }
0x4d4: {  	v5 =	vmov s16  }
0x4d5: {  	v6 =	vmul.u32 $0x18, v5;
	v5 =	vshll.u32 v5, $0x4;
	_ =	sdelay $0x1  }
0x4d6: {  	v6 =	vadd.s32 v1, v6  }
0x4d7: {  	v5 =	vor.u32 v0, v5  }
0x4d8: {  	v2 =	vmul.f32 v3, v2;
	_ =	sdelay $0x1  }
0x4d9: {  	[tilespmem:v4+s11+$0x0] =	vst.idx.msk $0xffff, v2  }
0x4da: {  	v2 =	vld.idx.msk [tilespmem:v6+s30+$0x0], $0xffff  }
0x4db: {  	s16 =	sadd.s32 $0xFFFFFFF5, s12;
	v3 =	vld.idx.msk [tilespmem:v5+s11+$0x0], $0xffff  }
0x4dc: {  	v4 =	vmov s16  }
0x4dd: {  	v6 =	vmul.u32 $0x18, v4;
	v4 =	vshll.u32 v4, $0x4;
	_ =	sdelay $0x1  }
0x4de: {  	v6 =	vor.u32 v1, v6  }
0x4df: {  	v4 =	vor.u32 v0, v4  }
0x4e0: {  	v2 =	vmul.f32 v3, v2;
	_ =	sdelay $0x1  }
0x4e1: {  	[tilespmem:v5+s11+$0x0] =	vst.idx.msk $0xffff, v2  }
0x4e2: {  	v2 =	vld.idx.msk [tilespmem:v6+s30+$0x0], $0xffff  }
0x4e3: {  	s16 =	sadd.s32 $0xFFFFFFF6, s12;
	v3 =	vld.idx.msk [tilespmem:v4+s11+$0x0], $0xffff  }
0x4e4: {  	v5 =	vmov s16  }
0x4e5: {  	v6 =	vmul.u32 $0x18, v5;
	v5 =	vshll.u32 v5, $0x4;
	_ =	sdelay $0x1  }
0x4e6: {  	v6 =	vadd.s32 v1, v6  }
0x4e7: {  	v5 =	vor.u32 v0, v5  }
0x4e8: {  	v2 =	vmul.f32 v3, v2;
	_ =	sdelay $0x1  }
0x4e9: {  	[tilespmem:v4+s11+$0x0] =	vst.idx.msk $0xffff, v2  }
0x4ea: {  	v2 =	vld.idx.msk [tilespmem:v6+s30+$0x0], $0xffff  }
0x4eb: {  	s16 =	sadd.s32 $0xFFFFFFF7, s12;
	v3 =	vld.idx.msk [tilespmem:v5+s11+$0x0], $0xffff  }
0x4ec: {  	v4 =	vmov s16  }
0x4ed: {  	v6 =	vmul.u32 $0x18, v4;
	v4 =	vshll.u32 v4, $0x4;
	_ =	sdelay $0x1  }
0x4ee: {  	v6 =	vadd.s32 v1, v6  }
0x4ef: {  	v4 =	vor.u32 v0, v4  }
0x4f0: {  	v2 =	vmul.f32 v3, v2;
	_ =	sdelay $0x1  }
0x4f1: {  	[tilespmem:v5+s11+$0x0] =	vst.idx.msk $0xffff, v2  }
0x4f2: {  	v2 =	vld.idx.msk [tilespmem:v6+s30+$0x0], $0xffff  }
0x4f3: {  	s16 =	sadd.s32 $0xFFFFFFF8, s12;
	v3 =	vld.idx.msk [tilespmem:v4+s11+$0x0], $0xffff  }
0x4f4: {  	v5 =	vmov s16  }
0x4f5: {  	v6 =	vmul.u32 $0x18, v5;
	v5 =	vshll.u32 v5, $0x4;
	_ =	sdelay $0x1  }
0x4f6: {  	v6 =	vadd.s32 v1, v6  }
0x4f7: {  	v5 =	vor.u32 v0, v5  }
0x4f8: {  	v2 =	vmul.f32 v3, v2;
	_ =	sdelay $0x1  }
0x4f9: {  	[tilespmem:v4+s11+$0x0] =	vst.idx.msk $0xffff, v2  }
0x4fa: {  	v2 =	vld.idx.msk [tilespmem:v6+s30+$0x0], $0xffff  }
0x4fb: {  	s16 =	sadd.s32 $0xFFFFFFF9, s12;
	v3 =	vld.idx.msk [tilespmem:v5+s11+$0x0], $0xffff  }
0x4fc: {  	v4 =	vmov s16  }
0x4fd: {  	v6 =	vmul.u32 $0x18, v4;
	v4 =	vshll.u32 v4, $0x4;
	_ =	sdelay $0x1  }
0x4fe: {  	v6 =	vor.u32 v1, v6  }
0x4ff: {  	v4 =	vor.u32 v0, v4  }
0x500: {  	v2 =	vmul.f32 v3, v2;
	_ =	sdelay $0x1  }
0x501: {  	[tilespmem:v5+s11+$0x0] =	vst.idx.msk $0xffff, v2  }
0x502: {  	v2 =	vld.idx.msk [tilespmem:v6+s30+$0x0], $0xffff  }
0x503: {  	s16 =	sadd.s32 $0xFFFFFFFA, s12;
	v3 =	vld.idx.msk [tilespmem:v4+s11+$0x0], $0xffff  }
0x504: {  	v5 =	vmov s16  }
0x505: {  	v6 =	vmul.u32 $0x18, v5;
	v5 =	vshll.u32 v5, $0x4;
	_ =	sdelay $0x1  }
0x506: {  	v6 =	vadd.s32 v1, v6  }
0x507: {  	v5 =	vor.u32 v0, v5  }
0x508: {  	v2 =	vmul.f32 v3, v2;
	_ =	sdelay $0x1  }
0x509: {  	[tilespmem:v4+s11+$0x0] =	vst.idx.msk $0xffff, v2  }
0x50a: {  	v2 =	vld.idx.msk [tilespmem:v6+s30+$0x0], $0xffff  }
0x50b: {  	s16 =	sadd.s32 $0xFFFFFFFB, s12;
	v3 =	vld.idx.msk [tilespmem:v5+s11+$0x0], $0xffff  }
0x50c: {  	v4 =	vmov s16  }
0x50d: {  	v6 =	vmul.u32 $0x18, v4;
	v4 =	vshll.u32 v4, $0x4;
	_ =	sdelay $0x1  }
0x50e: {  	v6 =	vadd.s32 v1, v6  }
0x50f: {  	v4 =	vor.u32 v0, v4  }
0x510: {  	v2 =	vmul.f32 v3, v2;
	_ =	sdelay $0x1  }
0x511: {  	[tilespmem:v5+s11+$0x0] =	vst.idx.msk $0xffff, v2  }
0x512: {  	v2 =	vld.idx.msk [tilespmem:v6+s30+$0x0], $0xffff  }
0x513: {  	s16 =	sadd.s32 $0xFFFFFFFC, s12;
	v3 =	vld.idx.msk [tilespmem:v4+s11+$0x0], $0xffff  }
0x514: {  	v5 =	vmov s16  }
0x515: {  	v6 =	vmul.u32 $0x18, v5;
	v5 =	vshll.u32 v5, $0x4;
	_ =	sdelay $0x1  }
0x516: {  	v6 =	vadd.s32 v1, v6  }
0x517: {  	v5 =	vor.u32 v0, v5  }
0x518: {  	v2 =	vmul.f32 v3, v2;
	_ =	sdelay $0x1  }
0x519: {  	[tilespmem:v4+s11+$0x0] =	vst.idx.msk $0xffff, v2  }
0x51a: {  	v2 =	vld.idx.msk [tilespmem:v6+s30+$0x0], $0xffff  }
0x51b: {  	s16 =	sadd.s32 $0xFFFFFFFD, s12;
	v3 =	vld.idx.msk [tilespmem:v5+s11+$0x0], $0xffff  }
0x51c: {  	v4 =	vmov s16  }
0x51d: {  	v6 =	vmul.u32 $0x18, v4;
	v4 =	vshll.u32 v4, $0x4;
	_ =	sdelay $0x1  }
0x51e: {  	v6 =	vor.u32 v1, v6  }
0x51f: {  	v4 =	vor.u32 v0, v4  }
0x520: {  	v2 =	vmul.f32 v3, v2;
	_ =	sdelay $0x1  }
0x521: {  	[tilespmem:v5+s11+$0x0] =	vst.idx.msk $0xffff, v2  }
0x522: {  	v2 =	vld.idx.msk [tilespmem:v6+s30+$0x0], $0xffff  }
0x523: {  	s16 =	sadd.s32 $0xFFFFFFFE, s12;
	v3 =	vld.idx.msk [tilespmem:v4+s11+$0x0], $0xffff  }
0x524: {  	v5 =	vmov s16  }
0x525: {  	v6 =	vmul.u32 $0x18, v5;
	v5 =	vshll.u32 v5, $0x4;
	_ =	sdelay $0x1  }
0x526: {  	v6 =	vadd.s32 v1, v6  }
0x527: {  	v5 =	vor.u32 v0, v5  }
0x528: {  	v2 =	vmul.f32 v3, v2;
	_ =	sdelay $0x1  }
0x529: {  	[tilespmem:v4+s11+$0x0] =	vst.idx.msk $0xffff, v2  }
0x52a: {  	v3 =	vld.idx.msk [tilespmem:v6+s30+$0x0], $0xffff  }
0x52b: {  	s16 =	sadd.s32 $0xFFFFFFFF, s12;
	v4 =	vld.idx.msk [tilespmem:v5+s11+$0x0], $0xffff  }
0x52c: {  	v2 =	vmov s16  }
0x52d: {  	v6 =	vmul.u32 $0x18, v2;
	v2 =	vshll.u32 v2, $0x4;
	_ =	sdelay $0x1  }
0x52e: {  	v6 =	vadd.s32 v1, v6  }
0x52f: {  	v2 =	vor.u32 v0, v2  }
0x530: {  	v3 =	vmul.f32 v4, v3  }
.Ltmp5:
0x531: {  	(pc) =	sbr.rel @p0 .LBB2_12-.Ltmp5, $4  }
0x532: {  	[tilespmem:v5+s11+$0x0] =	vst.idx.msk $0xffff, v3  }
0x533: {  	v3 =	vld.idx.msk [tilespmem:v6+s30+$0x0], $0xffff  }
0x534: {  	v4 =	vld.idx.msk [tilespmem:v2+s11+$0x0], $0xffff  }
0x535: {  	v5 =	vmov s12  }
0x536: {  	v6 =	vmul.u32 $0x18, v5;
	v5 =	vshll.u32 v5, $0x4  }
0x537: {  	v5 =	vor.u32 v0, v5  }
0x538: {  	v6 =	vadd.s32 v1, v6  }
0x539: {  	v3 =	vmul.f32 v4, v3;
	_ =	sdelay $0x1  }
0x53a: {  	[tilespmem:v2+s11+$0x0] =	vst.idx.msk $0xffff, v3  }
0x53b: {  	v3 =	vld.idx.msk [tilespmem:v5+s11+$0x0], $0xffff  }
0x53c: {  	v2 =	vld.idx.msk [tilespmem:v6+s30+$0x0], $0xffff;
	_ =	sdelay $0x4  }
0x53d: {  	v2 =	vmul.f32 v3, v2;
	_ =	sdelay $0x1  }
0x53e: {  	[tilespmem:v5+s11+$0x0] =	vst.idx.msk $0xffff, v2  }
0x53f: {  	[spmem:s3] =	stream.indirect.scatter.add.f32 [tilespmem:s11], [sflag:$0x8], $0x10, s31, s0, $0xb8;
	[tilespmem:$0x1D180] =	vst v63  }
0x540: {  	s12 =	rddreg [dreg:$0xf];
	s15 =	simm.s32 $0x1C700  }
0x541: {  	[tilespmem:s15], [sflag:$0xB] =	stream.linear.gather [hbm4b:s12+s4], $0x40, $0x38;
	[tilespmem:$0x1D180] =	vst v63  }
0x542: {  	_ =	swait.ge [sflag:s18], $0x40  }
0x543: {  	[sflag:s18] =	ssyncset.done $0x0  }
0x544: {  	[sflag:s18] =	ssyncadd.s32 $0xFFFFFFC0  }
0x545: {  	[tilespmem:s23], [sflag:$0xA] =	stream.indirect.gather [hbm4b:s14+s28], $0x10, s15, s28, $0xb8;
	[tilespmem:$0x1D180] =	vst v63  }
0x546: {  	s15 =	simm.s32 $0xA  }
0x547: {  	_ =	swait.ge [sflag:s15], $0x400  }
0x548: {  	[sflag:s15] =	ssyncset.done $0x0  }
0x549: {  	s16 =	simm.s32 $0x0;
	s17 =	rddreg [dreg:$0x10];
	[sflag:s15] =	ssyncadd.s32 $0xFFFFFC00  }
0x54a: {  	v2 =	vmov s16;
	[tilespmem:s24], [sflag:$0xB] =	stream.linear.gather [hbm4b:s17+s4], $0x600, $0x38;
	[tilespmem:$0x1D180] =	vst v63  }
0x54b: {  	v3 =	vmul.u32 $0x18, v2;
	_ =	swait.ge [sflag:s18], $0x600  }
0x54c: {  	[sflag:s18] =	ssyncset.done $0x0  }
0x54d: {  	s16 =	simm.s32 $0x1C740;
	v2 =	vshll.u32 v2, $0x4;
	v3 =	vor.u32 v1, v3;
	s15 =	rddreg [dreg:$0x11];
	[sflag:s18] =	ssyncadd.s32 $0xFFFFFA00  }
0x54e: {  	v2 =	vor.u32 v0, v2;
	[tilespmem:s16], [sflag:$0xB] =	stream.linear.gather [hbm4b:s15+s4], $0x40, $0x38;
	[tilespmem:$0x1D180] =	vst v63  }
0x54f: {  	_ =	swait.ge [sflag:s18], $0x40  }
0x550: {  	[sflag:s18] =	ssyncset.done $0x0  }
0x551: {  	[sflag:s18] =	ssyncadd.s32 $0xFFFFFFC0  }
0x552: {  	s17 =	simm.s32 $0x1;
	v3 =	vld.idx.msk [tilespmem:v3+s24+$0x0], $0xffff  }
0x553: {  	v5 =	vmov s17;
	v4 =	vld.idx.msk [tilespmem:v2+s23+$0x0], $0xffff  }
0x554: {  	v57 =	vmul.u32 $0x18, v5;
	_ =	sdelay $0x1  }
0x555: {  	v5 =	vshll.u32 v5, $0x4;
	v6 =	vadd.s32 v1, v57  }
0x556: {  	v5 =	vor.u32 v0, v5  }
0x557: {  	v3 =	vmul.f32 v4, v3;
	_ =	sdelay $0x1  }
0x558: {  	[tilespmem:v2+s23+$0x0] =	vst.idx.msk $0xffff, v3  }
0x559: {  	s15 =	simm.s32 $0x2;
	v2 =	vld.idx.msk [tilespmem:v6+s24+$0x0], $0xffff  }
0x55a: {  	v4 =	vmov s15;
	v3 =	vld.idx.msk [tilespmem:v5+s23+$0x0], $0xffff  }
0x55b: {  	v58 =	vmul.u32 $0x18, v4;
	_ =	sdelay $0x1  }
0x55c: {  	v4 =	vshll.u32 v4, $0x4;
	v6 =	vadd.s32 v1, v58  }
0x55d: {  	v4 =	vor.u32 v0, v4  }
0x55e: {  	v2 =	vmul.f32 v3, v2;
	_ =	sdelay $0x1  }
0x55f: {  	[tilespmem:v5+s23+$0x0] =	vst.idx.msk $0xffff, v2  }
0x560: {  	s16 =	simm.s32 $0x3;
	v2 =	vld.idx.msk [tilespmem:v6+s24+$0x0], $0xffff  }
0x561: {  	v5 =	vmov s16;
	v3 =	vld.idx.msk [tilespmem:v4+s23+$0x0], $0xffff  }
0x562: {  	v59 =	vmul.u32 $0x18, v5;
	_ =	sdelay $0x1  }
0x563: {  	v5 =	vshll.u32 v5, $0x4;
	v6 =	vadd.s32 v1, v59  }
0x564: {  	v5 =	vor.u32 v0, v5  }
0x565: {  	v2 =	vmul.f32 v3, v2;
	_ =	sdelay $0x1  }
0x566: {  	[tilespmem:v4+s23+$0x0] =	vst.idx.msk $0xffff, v2  }
0x567: {  	s17 =	simm.s32 $0x4;
	v2 =	vld.idx.msk [tilespmem:v6+s24+$0x0], $0xffff  }
0x568: {  	v4 =	vmov s17;
	v3 =	vld.idx.msk [tilespmem:v5+s23+$0x0], $0xffff  }
0x569: {  	v60 =	vmul.u32 $0x18, v4;
	_ =	sdelay $0x1  }
0x56a: {  	v4 =	vshll.u32 v4, $0x4;
	v6 =	vor.u32 v1, v60  }
0x56b: {  	v4 =	vor.u32 v0, v4  }
0x56c: {  	v2 =	vmul.f32 v3, v2;
	_ =	sdelay $0x1  }
0x56d: {  	[tilespmem:v5+s23+$0x0] =	vst.idx.msk $0xffff, v2  }
0x56e: {  	s15 =	simm.s32 $0x5;
	v2 =	vld.idx.msk [tilespmem:v6+s24+$0x0], $0xffff  }
0x56f: {  	v5 =	vmov s15;
	v3 =	vld.idx.msk [tilespmem:v4+s23+$0x0], $0xffff  }
0x570: {  	v61 =	vmul.u32 $0x18, v5;
	_ =	sdelay $0x1  }
0x571: {  	v5 =	vshll.u32 v5, $0x4;
	v6 =	vadd.s32 v1, v61  }
0x572: {  	v5 =	vor.u32 v0, v5  }
0x573: {  	v2 =	vmul.f32 v3, v2;
	_ =	sdelay $0x1  }
0x574: {  	[tilespmem:v4+s23+$0x0] =	vst.idx.msk $0xffff, v2  }
0x575: {  	s16 =	simm.s32 $0x6;
	v2 =	vld.idx.msk [tilespmem:v6+s24+$0x0], $0xffff  }
0x576: {  	v4 =	vmov s16;
	v3 =	vld.idx.msk [tilespmem:v5+s23+$0x0], $0xffff  }
0x577: {  	v62 =	vmul.u32 $0x18, v4;
	_ =	sdelay $0x1  }
0x578: {  	v4 =	vshll.u32 v4, $0x4;
	v6 =	vadd.s32 v1, v62  }
0x579: {  	v4 =	vor.u32 v0, v4  }
0x57a: {  	v2 =	vmul.f32 v3, v2;
	_ =	sdelay $0x1  }
0x57b: {  	[tilespmem:v5+s23+$0x0] =	vst.idx.msk $0xffff, v2  }
0x57c: {  	v2 =	vld.idx.msk [tilespmem:v6+s24+$0x0], $0xffff  }
0x57d: {  	v3 =	vld.idx.msk [tilespmem:v4+s23+$0x0], $0xffff  }
0x57e: {  	s17 =	simm.s32 $0x7  }
0x57f: {  	v5 =	vmov s17  }
0x580: {  	v63 =	vmul.u32 $0x18, v5;
	_ =	sdelay $0x1  }
0x581: {  	v6 =	vadd.s32 v1, v63;
	v2 =	vmul.f32 v3, v2  }
0x582: {  	v3 =	vshll.u32 v5, $0x4  }
0x583: {  	[tilespmem:v4+s23+$0x0] =	vst.idx.msk $0xffff, v2;
	v2 =	vor.u32 v0, v3;
	_ =	sdelay $0x2  }
0x584: {  	s12 =	simm.s32 $0xF;
	s15 =	simm.s32 $0x17;
	v3 =	vld.idx.msk [tilespmem:v6+s24+$0x0], $0xffff  }
.LBB2_14:
0x585: {  	p0 =	sne.s32 s15, $0x3F  }
0x586: {  	s17 =	sadd.s32 $0xFFFFFFF9, s12;
	v4 =	vld.idx.msk [tilespmem:v2+s23+$0x0], $0xffff;
	s16 =	smov.u32 s15;
	s15 =	sadd.s32 $0x8, s15  }
0x587: {  	v5 =	vmov s17  }
0x588: {  	v6 =	vmul.u32 $0x18, v5;
	v5 =	vshll.u32 v5, $0x4;
	_ =	sdelay $0x1  }
0x589: {  	v5 =	vor.u32 v0, v5;
	v6 =	vor.u32 v1, v6;
	_ =	sdelay $0x1  }
0x58a: {  	v3 =	vmul.f32 v4, v3;
	_ =	sdelay $0x1  }
0x58b: {  	[tilespmem:v2+s23+$0x0] =	vst.idx.msk $0xffff, v3  }
0x58c: {  	v2 =	vld.idx.msk [tilespmem:v6+s24+$0x0], $0xffff  }
0x58d: {  	s17 =	sadd.s32 $0xFFFFFFFA, s12;
	v3 =	vld.idx.msk [tilespmem:v5+s23+$0x0], $0xffff  }
0x58e: {  	v4 =	vmov s17  }
0x58f: {  	v6 =	vmul.u32 $0x18, v4;
	v4 =	vshll.u32 v4, $0x4;
	_ =	sdelay $0x1  }
0x590: {  	v6 =	vadd.s32 v1, v6  }
0x591: {  	v4 =	vor.u32 v0, v4  }
0x592: {  	v2 =	vmul.f32 v3, v2;
	_ =	sdelay $0x1  }
0x593: {  	[tilespmem:v5+s23+$0x0] =	vst.idx.msk $0xffff, v2  }
0x594: {  	v2 =	vld.idx.msk [tilespmem:v6+s24+$0x0], $0xffff  }
0x595: {  	s17 =	sadd.s32 $0xFFFFFFFB, s12;
	v3 =	vld.idx.msk [tilespmem:v4+s23+$0x0], $0xffff  }
0x596: {  	v5 =	vmov s17  }
0x597: {  	v6 =	vmul.u32 $0x18, v5;
	v5 =	vshll.u32 v5, $0x4;
	_ =	sdelay $0x1  }
0x598: {  	v6 =	vadd.s32 v1, v6  }
0x599: {  	v5 =	vor.u32 v0, v5  }
0x59a: {  	v2 =	vmul.f32 v3, v2;
	_ =	sdelay $0x1  }
0x59b: {  	[tilespmem:v4+s23+$0x0] =	vst.idx.msk $0xffff, v2  }
0x59c: {  	v2 =	vld.idx.msk [tilespmem:v6+s24+$0x0], $0xffff  }
0x59d: {  	s17 =	sadd.s32 $0xFFFFFFFC, s12;
	v3 =	vld.idx.msk [tilespmem:v5+s23+$0x0], $0xffff  }
0x59e: {  	v4 =	vmov s17  }
0x59f: {  	v6 =	vmul.u32 $0x18, v4;
	v4 =	vshll.u32 v4, $0x4;
	_ =	sdelay $0x1  }
0x5a0: {  	v6 =	vadd.s32 v1, v6  }
0x5a1: {  	v4 =	vor.u32 v0, v4  }
0x5a2: {  	v2 =	vmul.f32 v3, v2;
	_ =	sdelay $0x1  }
0x5a3: {  	[tilespmem:v5+s23+$0x0] =	vst.idx.msk $0xffff, v2  }
0x5a4: {  	v2 =	vld.idx.msk [tilespmem:v6+s24+$0x0], $0xffff  }
0x5a5: {  	s17 =	sadd.s32 $0xFFFFFFFD, s12;
	v3 =	vld.idx.msk [tilespmem:v4+s23+$0x0], $0xffff  }
0x5a6: {  	v5 =	vmov s17  }
0x5a7: {  	v6 =	vmul.u32 $0x18, v5;
	v5 =	vshll.u32 v5, $0x4;
	_ =	sdelay $0x1  }
0x5a8: {  	v6 =	vor.u32 v1, v6  }
0x5a9: {  	v5 =	vor.u32 v0, v5  }
0x5aa: {  	v2 =	vmul.f32 v3, v2;
	_ =	sdelay $0x1  }
0x5ab: {  	[tilespmem:v4+s23+$0x0] =	vst.idx.msk $0xffff, v2  }
0x5ac: {  	v2 =	vld.idx.msk [tilespmem:v6+s24+$0x0], $0xffff  }
0x5ad: {  	s17 =	sadd.s32 $0xFFFFFFFE, s12;
	v3 =	vld.idx.msk [tilespmem:v5+s23+$0x0], $0xffff  }
0x5ae: {  	v4 =	vmov s17  }
0x5af: {  	v6 =	vmul.u32 $0x18, v4;
	v4 =	vshll.u32 v4, $0x4;
	_ =	sdelay $0x1  }
0x5b0: {  	v6 =	vadd.s32 v1, v6  }
0x5b1: {  	v4 =	vor.u32 v0, v4  }
0x5b2: {  	v2 =	vmul.f32 v3, v2;
	_ =	sdelay $0x1  }
0x5b3: {  	[tilespmem:v5+s23+$0x0] =	vst.idx.msk $0xffff, v2  }
0x5b4: {  	v2 =	vld.idx.msk [tilespmem:v6+s24+$0x0], $0xffff  }
0x5b5: {  	s17 =	sadd.s32 $0xFFFFFFFF, s12;
	v3 =	vld.idx.msk [tilespmem:v4+s23+$0x0], $0xffff  }
0x5b6: {  	v5 =	vmov s17  }
0x5b7: {  	v6 =	vmul.u32 $0x18, v5;
	v5 =	vshll.u32 v5, $0x4;
	_ =	sdelay $0x1  }
0x5b8: {  	v6 =	vadd.s32 v1, v6  }
0x5b9: {  	v5 =	vor.u32 v0, v5  }
0x5ba: {  	v2 =	vmul.f32 v3, v2;
	_ =	sdelay $0x1  }
0x5bb: {  	[tilespmem:v4+s23+$0x0] =	vst.idx.msk $0xffff, v2  }
0x5bc: {  	v3 =	vld.idx.msk [tilespmem:v6+s24+$0x0], $0xffff  }
0x5bd: {  	v4 =	vld.idx.msk [tilespmem:v5+s23+$0x0], $0xffff  }
0x5be: {  	v2 =	vmov s12;
	s12 =	smov.u32 s16  }
0x5bf: {  	v6 =	vmul.u32 $0x18, v2;
	v2 =	vshll.u32 v2, $0x4;
	_ =	sdelay $0x1  }
0x5c0: {  	v2 =	vor.u32 v0, v2;
	v6 =	vadd.s32 v1, v6  }
.Ltmp6:
0x5c1: {  	(pc) =	sbr.rel @p0 .LBB2_14-.Ltmp6, $3  }
0x5c2: {  	v3 =	vmul.f32 v4, v3;
	_ =	sdelay $0x1  }
0x5c3: {  	[tilespmem:v5+s23+$0x0] =	vst.idx.msk $0xffff, v3  }
0x5c4: {  	v3 =	vld.idx.msk [tilespmem:v6+s24+$0x0], $0xffff  }
0x5c5: {  	_ =	sdelay $0x3  }
0x5c6: {  	s15 =	sadd.s32 $0xFFFFFFF9, s12;
	v4 =	vld.idx.msk [tilespmem:v2+s23+$0x0], $0xffff  }
0x5c7: {  	v5 =	vmov s15  }
0x5c8: {  	v6 =	vmul.u32 $0x18, v5;
	v5 =	vshll.u32 v5, $0x4  }
0x5c9: {  	v5 =	vor.u32 v0, v5  }
0x5ca: {  	v6 =	vor.u32 v1, v6  }
0x5cb: {  	v3 =	vmul.f32 v4, v3;
	_ =	sdelay $0x1  }
0x5cc: {  	[tilespmem:v2+s23+$0x0] =	vst.idx.msk $0xffff, v3  }
0x5cd: {  	s16 =	sadd.s32 $0xFFFFFFFA, s12;
	v3 =	vld.idx.msk [tilespmem:v5+s23+$0x0], $0xffff  }
0x5ce: {  	v50 =	vmov s16;
	v2 =	vld.idx.msk [tilespmem:v6+s24+$0x0], $0xffff  }
0x5cf: {  	v51 =	vmul.u32 $0x18, v50;
	_ =	sdelay $0x1  }
0x5d0: {  	v4 =	vshll.u32 v50, $0x4;
	v6 =	vadd.s32 v1, v51  }
0x5d1: {  	v4 =	vor.u32 v0, v4  }
0x5d2: {  	v2 =	vmul.f32 v3, v2;
	_ =	sdelay $0x1  }
0x5d3: {  	[tilespmem:v5+s23+$0x0] =	vst.idx.msk $0xffff, v2  }
0x5d4: {  	s17 =	sadd.s32 $0xFFFFFFFB, s12;
	v2 =	vld.idx.msk [tilespmem:v6+s24+$0x0], $0xffff  }
0x5d5: {  	v52 =	vmov s17;
	v3 =	vld.idx.msk [tilespmem:v4+s23+$0x0], $0xffff  }
0x5d6: {  	v53 =	vmul.u32 $0x18, v52;
	_ =	sdelay $0x1  }
0x5d7: {  	v5 =	vshll.u32 v52, $0x4;
	v6 =	vadd.s32 v1, v53  }
0x5d8: {  	v5 =	vor.u32 v0, v5  }
0x5d9: {  	v2 =	vmul.f32 v3, v2;
	_ =	sdelay $0x1  }
0x5da: {  	[tilespmem:v4+s23+$0x0] =	vst.idx.msk $0xffff, v2  }
0x5db: {  	s16 =	sadd.s32 $0xFFFFFFFC, s12;
	v2 =	vld.idx.msk [tilespmem:v6+s24+$0x0], $0xffff  }
0x5dc: {  	v54 =	vmov s16;
	v3 =	vld.idx.msk [tilespmem:v5+s23+$0x0], $0xffff  }
0x5dd: {  	v55 =	vmul.u32 $0x18, v54;
	_ =	sdelay $0x1  }
0x5de: {  	v4 =	vshll.u32 v54, $0x4;
	v6 =	vadd.s32 v1, v55  }
0x5df: {  	v4 =	vor.u32 v0, v4  }
0x5e0: {  	v2 =	vmul.f32 v3, v2;
	_ =	sdelay $0x1  }
0x5e1: {  	[tilespmem:v5+s23+$0x0] =	vst.idx.msk $0xffff, v2  }
0x5e2: {  	s17 =	sadd.s32 $0xFFFFFFFD, s12;
	v2 =	vld.idx.msk [tilespmem:v6+s24+$0x0], $0xffff  }
0x5e3: {  	v56 =	vmov s17;
	v3 =	vld.idx.msk [tilespmem:v4+s23+$0x0], $0xffff  }
0x5e4: {  	v57 =	vmul.u32 $0x18, v56;
	_ =	sdelay $0x1  }
0x5e5: {  	v5 =	vshll.u32 v56, $0x4;
	v6 =	vor.u32 v1, v57  }
0x5e6: {  	v5 =	vor.u32 v0, v5  }
0x5e7: {  	v2 =	vmul.f32 v3, v2;
	_ =	sdelay $0x1  }
0x5e8: {  	[tilespmem:v4+s23+$0x0] =	vst.idx.msk $0xffff, v2  }
0x5e9: {  	s16 =	sadd.s32 $0xFFFFFFFE, s12;
	v2 =	vld.idx.msk [tilespmem:v6+s24+$0x0], $0xffff  }
0x5ea: {  	v58 =	vmov s16;
	v3 =	vld.idx.msk [tilespmem:v5+s23+$0x0], $0xffff  }
0x5eb: {  	v59 =	vmul.u32 $0x18, v58;
	_ =	sdelay $0x1  }
0x5ec: {  	v4 =	vshll.u32 v58, $0x4;
	v6 =	vadd.s32 v1, v59  }
0x5ed: {  	v4 =	vor.u32 v0, v4  }
0x5ee: {  	v2 =	vmul.f32 v3, v2;
	_ =	sdelay $0x1  }
0x5ef: {  	[tilespmem:v5+s23+$0x0] =	vst.idx.msk $0xffff, v2  }
0x5f0: {  	s17 =	sadd.s32 $0xFFFFFFFF, s12;
	v2 =	vld.idx.msk [tilespmem:v6+s24+$0x0], $0xffff  }
0x5f1: {  	v60 =	vmov s17;
	v3 =	vld.idx.msk [tilespmem:v4+s23+$0x0], $0xffff  }
0x5f2: {  	v61 =	vmul.u32 $0x18, v60;
	_ =	sdelay $0x1  }
0x5f3: {  	v5 =	vshll.u32 v60, $0x4;
	v6 =	vadd.s32 v1, v61  }
0x5f4: {  	v5 =	vor.u32 v0, v5  }
0x5f5: {  	v2 =	vmul.f32 v3, v2;
	_ =	sdelay $0x1  }
0x5f6: {  	[tilespmem:v4+s23+$0x0] =	vst.idx.msk $0xffff, v2  }
0x5f7: {  	v2 =	vld.idx.msk [tilespmem:v6+s24+$0x0], $0xffff  }
0x5f8: {  	v62 =	vmov s12;
	v3 =	vld.idx.msk [tilespmem:v5+s23+$0x0], $0xffff  }
0x5f9: {  	v63 =	vmul.u32 $0x18, v62;
	_ =	sdelay $0x1  }
0x5fa: {  	v4 =	vshll.u32 v62, $0x4;
	v6 =	vadd.s32 v1, v63  }
0x5fb: {  	v4 =	vor.u32 v0, v4  }
0x5fc: {  	v2 =	vmul.f32 v3, v2;
	_ =	sdelay $0x1  }
0x5fd: {  	[tilespmem:v5+s23+$0x0] =	vst.idx.msk $0xffff, v2  }
0x5fe: {  	v2 =	vld.idx.msk [tilespmem:v6+s24+$0x0], $0xffff  }
0x5ff: {  	v3 =	vld.idx.msk [tilespmem:v4+s23+$0x0], $0xffff;
	_ =	sdelay $0x4  }
0x600: {  	v2 =	vmul.f32 v3, v2;
	_ =	sdelay $0x1  }
0x601: {  	s16 =	simm.s32 $0x1C740;
	[tilespmem:v4+s23+$0x0] =	vst.idx.msk $0xffff, v2  }
0x602: {  	[spmem:s3] =	stream.indirect.scatter.add.f32 [tilespmem:s23], [sflag:$0xB], $0x10, s16, s28, $0xb8;
	[tilespmem:$0x1D180] =	vst v63  }
0x603: {  	_ =	swait.ge [sflag:s18], $0x400  }
0x604: {  	[sflag:s18] =	ssyncset.done $0x0  }
0x605: {  	[sflag:s18] =	ssyncadd.s32 $0xFFFFFC00  }
0x606: {  	_ =	swait.ge [sflag:s21], $0x800  }
0x607: {  	[sflag:s21] =	ssyncset.done $0x0  }
0x608: {  	[sflag:s21] =	ssyncadd.s32 $0xFFFFF800  }
0x609: {  	_ =	swait.ge [sflag:s8], $0x800  }
0x60a: {  	[sflag:s8] =	ssyncset.done $0x0  }
0x60b: {  	[sflag:s8] =	ssyncadd.s32 $0xFFFFF800  }
0x60c: {  	[bflag:$0x0] =	sbarrier.arrive $0xFFFF  }
0x60d: {  	s15 =	rddreg [dreg:$0x5]  }
0x60e: {  	s17 =	rddreg [dreg:$0x12]  }
0x60f: {  	s16 =	rddreg [dreg:$0x14]  }
0x610: {  	[hbm:s17], [sflag:s15] =	dma.local [spmem:s16], $0x3100  }
0x611: {  	_ =	swait.ge [sflag:s18], $0x3100  }
0x612: {  	s17 =	rddreg [dreg:$0x15]  }
0x613: {  	s28 =	rddreg [dreg:$0x13];
	s17 =	sadd.s32 $0x1, s17  }
0x614: {  	p0 =	sne.s32 s17, s28  }
.Ltmp7:
0x615: {  	_ = 	snop;
	(pc) =	sbr.rel @p0 .LBB2_1-.Ltmp7, $3  }
0x616: {  	_ =	sdelay $0x1  }
0x617: {  	[sflag:s18] =	ssyncset.done $0x0  }
0x618: {  	[sflag:s18] =	ssyncadd.s32 $0xFFFFCF00  }
0x619: {  	_ =	sfence.sel $0x180000  }
0x61a: {  	[bflag:$0x0] =	sbarrier.arrive $0xFFFF  }
0x61b: {  	_ =	strace $0x90000047  }
0x61c: {  	s0 =	stileid.u32;
	[bflag:$0x2] =	sbarrier.arrive $0xFFFF  }
0x61d: {  	p0 =	sne.s32 s0, $0x0;
	s0 =	rddreg [dreg:$0x3]  }
0x61e: {  	s0 =	sadd.s32 @!p0 $0x100000, s0  }
0x61f: {  	[sflag:s0] =	ssyncadd.tile.s32 @!p0 $0x1;
	_ =	shalt  }
.Lfunc_end2:
_tile_overlayer_lowered:
.L_overlay_start_2:
0x620: {  	(tag) =	ssettag $0x2  }
0x621: {  	s0 =	rddreg [dreg:$0x0];
	s2 =	stileid.u32  }
0x622: {  	s1 =	rddreg [dreg:$0x1];
	p0 =	sne.s32 s2, $0x0  }
0x623: {  	s3 =	rddreg [dreg:$0x2];
	[bflag:$0x3] =	sbarrier.arrive $0xFFFF;
	s2 =	simm.s32 @!p0 $0x1C0B  }
0x624: {  	[timem:s3], [sflag:s2] =	dma.local @!p0 [hbm:s0], s1  }
0x625: {  	s0 =	simm.s32 @!p0 $0xB  }
0x626: {  	_ =	swait.ge @!p0 [sflag:s0], s1  }
0x627: {  	s1 =	ssub.s32 @!p0 $0x0, s1;
	[sflag:s0] =	ssyncset.done @!p0 $0x0  }
0x628: {  	[sflag:s0] =	ssyncadd.s32 @!p0 s1  }
0x629: {  	[bflag:$0x3] =	sbarrier.arrive $0xFFFF  }
0x62a: {  	_ =	shalt  }

</sc_bundles>
